<compile_context>
chip_gen: v7x
topology: tpu7x:2x2x1
jax: 0.10.2.dev20260603
libtpu: 0.0.44.dev20260713+nightly
codegen_flags: <defaults>
</compile_context>

<pallas_src>
import functools

import jax
import jax.numpy as jnp
from jax import lax
from jax.experimental import pallas as pl
from jax.experimental.pallas import tpu as pltpu
from jax.experimental.pallas import tpu_sc as plsc

_N = 10000
_E = 320000
_F = 128
_K = 5

_NC = 2
_NS = 16
_NW = _NC * _NS
_EPT = _E // _NW
_CH = 80
_NCHUNK = _EPT // _CH
_NPAD = 10240
_DW = 32

_mesh = plsc.VectorSubcoreMesh(core_axis_name="c", subcore_axis_name="s")


@functools.partial(
    pl.kernel,
    out_type=jax.ShapeDtypeStruct((_NC, _NPAD, _F), jnp.float32),
    mesh=_mesh,
    scratch_types=(
        [pltpu.VMEM((_CH,), jnp.int32) for _ in range(3)]
        + [pltpu.VMEM((_CH, _F), jnp.float32)]
        + [pltpu.VMEM_SHARED((_NPAD, _F), jnp.float32)]
        + [pltpu.SemaphoreType.DMA for _ in range(6)]
    ),
)
def _deg_kernel(dst_hbm, out_hbm, dch0, dch1, dch2, ones_v, acc_sp,
                sd0, sd1, sd2, sc0, sc1, sc2):
    cid = lax.axis_index("c")
    sid = lax.axis_index("s")
    wid = cid * _NS + sid
    rows = _NPAD // _NS
    ebase = wid * _EPT
    last = _NCHUNK - 1
    dch = [dch0, dch1, dch2]
    sd = [sd0, sd1, sd2]
    sc = [sc0, sc1, sc2]

    zeros16 = jnp.zeros((16,), jnp.float32)
    ones16 = jnp.ones((16,), jnp.float32)

    def zero_body(i, _):
        ones_v[i >> 3, pl.ds((i & 7) * 16, 16)] = zeros16
        return 0

    lax.fori_loop(0, _CH * (_F // 16), zero_body, 0)
    for t in range(rows // _CH):
        pltpu.sync_copy(ones_v, acc_sp.at[pl.ds(sid * rows + t * _CH, _CH)])

    def ones_body(i, _):
        ones_v[i >> 3, pl.ds((i & 7) * 16, 16)] = ones16
        return 0

    lax.fori_loop(0, _CH * (_F // 16), ones_body, 0)
    plsc.subcore_barrier()

    def didx(j, x):
        return pltpu.make_async_copy(
            dst_hbm.at[pl.ds(ebase + j * _CH, _CH)], dch[x], sd[x])

    def scat_start(x):
        pltpu.async_copy(ones_v, acc_sp.at[dch[x]], sc[x], add=True)

    def scat_wait(x):
        pltpu.make_async_copy(ones_v, acc_sp.at[dch[x]], sc[x]).wait()

    for x in range(3):
        didx(x, x).start()

    def body(t, _):
        j3 = 3 * t
        for x in range(3):
            didx(j3 + x, x).wait()
            scat_start(x)
        for x in range(3):
            scat_wait(x)
            didx(jnp.minimum(j3 + 3 + x, last), x).start()
        return 0

    nbody = (_NCHUNK - 2) // 3
    lax.fori_loop(0, nbody, body, 0)
    didx(last - 1, 0).wait()
    scat_start(0)
    didx(last, 1).wait()
    scat_start(1)
    didx(last, 2).wait()
    scat_wait(0)
    scat_wait(1)
    plsc.subcore_barrier()

    for t in range(rows // _CH):
        base = sid * rows + t * _CH
        pltpu.sync_copy(acc_sp.at[pl.ds(base, _CH)], out_hbm.at[cid, pl.ds(base, _CH)])


@functools.partial(
    pl.kernel,
    out_type=jax.ShapeDtypeStruct((_NC, _NPAD, _F), jnp.float32),
    mesh=_mesh,
    scratch_types=(
        [pltpu.VMEM((_CH,), jnp.int32) for _ in range(3)]
        + [pltpu.VMEM((_CH,), jnp.int32) for _ in range(3)]
        + [pltpu.VMEM((_CH, _F), jnp.float32) for _ in range(3)]
        + [pltpu.VMEM_SHARED((_NPAD, _F), jnp.float32)]
        + [pltpu.SemaphoreType.DMA for _ in range(12)]
    ),
)
def _prop_kernel(g_hbm, src_hbm, dst_hbm, out_hbm,
                 sch0, sch1, sch2, dch0, dch1, dch2, rw0, rw1, rw2, acc_sp,
                 ss0, ss1, ss2, sd0, sd1, sd2, sg0, sg1, sg2, sc0, sc1, sc2):
    cid = lax.axis_index("c")
    sid = lax.axis_index("s")
    wid = cid * _NS + sid
    rows = _NPAD // _NS
    ebase = wid * _EPT
    last = _NCHUNK - 1

    sch = [sch0, sch1, sch2]
    dch = [dch0, dch1, dch2]
    rw = [rw0, rw1, rw2]
    ss = [ss0, ss1, ss2]
    sd = [sd0, sd1, sd2]
    sg = [sg0, sg1, sg2]
    sc = [sc0, sc1, sc2]

    zeros16 = jnp.zeros((16,), jnp.float32)

    def zero_body(i, _):
        rw0[i >> 3, pl.ds((i & 7) * 16, 16)] = zeros16
        return 0

    lax.fori_loop(0, _CH * (_F // 16), zero_body, 0)
    for t in range(rows // _CH):
        pltpu.sync_copy(rw0, acc_sp.at[pl.ds(sid * rows + t * _CH, _CH)])
    plsc.subcore_barrier()

    def sidx(j, x):
        return pltpu.make_async_copy(
            src_hbm.at[pl.ds(ebase + j * _CH, _CH)], sch[x], ss[x])

    def didx(j, x):
        return pltpu.make_async_copy(
            dst_hbm.at[pl.ds(ebase + j * _CH, _CH)], dch[x], sd[x])

    def gath(x):
        return pltpu.make_async_copy(g_hbm.at[sch[x]], rw[x], sg[x])

    def scat_start(x):
        pltpu.async_copy(rw[x], acc_sp.at[dch[x]], sc[x], add=True)

    def scat_wait(x):
        pltpu.make_async_copy(rw[x], acc_sp.at[dch[x]], sc[x]).wait()

    for x in range(3):
        sidx(x, x).start()
        didx(x, x).start()
    for x in range(3):
        sidx(x, x).wait()
        gath(x).start()

    def body(t, _):
        j3 = 3 * t
        for x in range(3):
            gath(x).wait()
            sidx(jnp.minimum(j3 + 3 + x, last), x).start()
            didx(j3 + x, x).wait()
            scat_start(x)
        for x in range(3):
            scat_wait(x)
            didx(jnp.minimum(j3 + 3 + x, last), x).start()
            sidx(jnp.minimum(j3 + 3 + x, last), x).wait()
            gath(x).start()
        return 0

    nbody = (_NCHUNK - 2) // 3
    lax.fori_loop(0, nbody, body, 0)
    gath(0).wait()
    didx(last - 1, 0).wait()
    scat_start(0)
    gath(1).wait()
    didx(last, 1).wait()
    scat_start(1)
    gath(2).wait()
    didx(last, 2).wait()
    scat_wait(0)
    scat_wait(1)

    plsc.subcore_barrier()
    for t in range(rows // _CH):
        base = sid * rows + t * _CH
        pltpu.sync_copy(acc_sp.at[pl.ds(base, _CH)], out_hbm.at[cid, pl.ds(base, _CH)])


def _prop(g, src_f, dst_f):
    return _prop_kernel(g, src_f, dst_f)


def _dinv_scale_call(degp, xpad):
    def body(p_ref, x_ref, d1_ref, d2_ref, g0_ref):
        deg = p_ref[0] + p_ref[1]
        d = jnp.where(deg > 0, lax.rsqrt(jnp.maximum(deg, 1.0)), 0.0)
        d1_ref[...] = d
        d2_ref[...] = d * d
        g0_ref[...] = x_ref[...] * d

    return pl.pallas_call(
        body,
        grid=(_NPAD // 2048,),
        in_specs=[
            pl.BlockSpec((_NC, 2048, _F), lambda i: (0, i, 0)),
            pl.BlockSpec((2048, _F), lambda i: (i, 0)),
        ],
        out_specs=(
            pl.BlockSpec((2048, _F), lambda i: (i, 0)),
            pl.BlockSpec((2048, _F), lambda i: (i, 0)),
            pl.BlockSpec((2048, _F), lambda i: (i, 0)),
        ),
        out_shape=(
            jax.ShapeDtypeStruct((_NPAD, _F), jnp.float32),
            jax.ShapeDtypeStruct((_NPAD, _F), jnp.float32),
            jax.ShapeDtypeStruct((_NPAD, _F), jnp.float32),
        ),
    )(degp, xpad)


_BN = 2000


def _gstep_call(s, d2, g_prev, first):
    def body(s_ref, d2_ref, gp_ref, g_ref):
        ssum = s_ref[0] + s_ref[1]
        if first:
            g_ref[...] = -d2_ref[...] * ssum
        else:
            g_ref[...] = -2.0 * d2_ref[...] * ssum - gp_ref[...]

    return pl.pallas_call(
        body,
        grid=(_N // _BN,),
        in_specs=[
            pl.BlockSpec((_NC, _BN, _F), lambda i: (0, i, 0)),
            pl.BlockSpec((_BN, 1), lambda i: (i, 0)),
            pl.BlockSpec((_BN, _F), lambda i: (i, 0)),
        ],
        out_specs=pl.BlockSpec((_BN, _F), lambda i: (i, 0)),
        out_shape=jax.ShapeDtypeStruct((_N, _F), jnp.float32),
    )(s, d2, g_prev)


def _txstep_call(s, d1, tx_prev, first):
    def body(s_ref, d1_ref, tp_ref, tx_ref):
        ssum = s_ref[0] + s_ref[1]
        if first:
            tx_ref[...] = -d1_ref[...] * ssum
        else:
            tx_ref[...] = -2.0 * d1_ref[...] * ssum - tp_ref[...]

    return pl.pallas_call(
        body,
        grid=(_N // _BN,),
        in_specs=[
            pl.BlockSpec((_NC, _BN, _F), lambda i: (0, i, 0)),
            pl.BlockSpec((_BN, 1), lambda i: (i, 0)),
            pl.BlockSpec((_BN, _F), lambda i: (i, 0)),
        ],
        out_specs=pl.BlockSpec((_BN, _F), lambda i: (i, 0)),
        out_shape=jax.ShapeDtypeStruct((_N, _F), jnp.float32),
    )(s, d1, tx_prev)


_BM = 1000


def _matmul_call(x, tx1, tx2, tx3, s3, d1, W, b):
    def body(x_ref, t1_ref, t2_ref, t3_ref, s3_ref, d_ref, w_ref, b_ref, o_ref):
        tx4 = -2.0 * d_ref[...] * (s3_ref[0] + s3_ref[1]) - t2_ref[...]
        acc = jnp.dot(x_ref[...], w_ref[0], preferred_element_type=jnp.float32)
        acc += jnp.dot(t1_ref[...], w_ref[1], preferred_element_type=jnp.float32)
        acc += jnp.dot(t2_ref[...], w_ref[2], preferred_element_type=jnp.float32)
        acc += jnp.dot(t3_ref[...], w_ref[3], preferred_element_type=jnp.float32)
        acc += jnp.dot(tx4, w_ref[4], preferred_element_type=jnp.float32)
        o_ref[...] = acc + b_ref[...]

    return pl.pallas_call(
        body,
        grid=(_N // _BM,),
        in_specs=[
            pl.BlockSpec((_BM, _F), lambda i: (i, 0)),
            pl.BlockSpec((_BM, _F), lambda i: (i, 0)),
            pl.BlockSpec((_BM, _F), lambda i: (i, 0)),
            pl.BlockSpec((_BM, _F), lambda i: (i, 0)),
            pl.BlockSpec((_NC, _BM, _F), lambda i: (0, i, 0)),
            pl.BlockSpec((_BM, 1), lambda i: (i, 0)),
            pl.BlockSpec((_K, _F, _F), lambda i: (0, 0, 0)),
            pl.BlockSpec((1, _F), lambda i: (0, 0)),
        ],
        out_specs=pl.BlockSpec((_BM, _F), lambda i: (i, 0)),
        out_shape=jax.ShapeDtypeStruct((_N, _F), jnp.float32),
    )(x, tx1, tx2, tx3, s3, d1, W, b)


def kernel(x, adj, W, b):
    assert x.shape == (_N, _F) and adj.shape == (2, _E) and W.shape[0] == _K
    adj = adj.astype(jnp.int32)
    src_f = adj[0]
    dst_f = adj[1]
    xpad = jnp.pad(x, ((0, _NPAD - _N), (0, 0)))

    degp = _deg_kernel(dst_f)
    d1f, d2f, g0p = _dinv_scale_call(degp, xpad)
    d1 = d1f[:_N, 0:1]
    d2 = d2f[:_N, 0:1]

    s0 = _prop(g0p, src_f, dst_f)
    g1 = _gstep_call(s0, d2, x, first=True)
    tx1 = _txstep_call(s0, d1, x, first=True)
    s1 = _prop(g1, src_f, dst_f)
    g2 = _gstep_call(s1, d2, g0p[:_N], first=False)
    tx2 = _txstep_call(s1, d1, x, first=False)
    s2 = _prop(g2, src_f, dst_f)
    g3 = _gstep_call(s2, d2, g1, first=False)
    tx3 = _txstep_call(s2, d1, tx1, first=False)
    s3 = _prop(g3, src_f, dst_f)
    out = _matmul_call(x, tx1, tx2, tx3, s3, d1, W, b.reshape(1, _F))
    return out

# --- scband reference (transcript-rebuilt; emitter-appended) ---
"""Pipeline reference for scband-gcn-gru-38130719653995 (READ-ONLY COPY).

The authoritative reference and input builder live on the scoring server;
editing this copy changes nothing except your own understanding.
"""

import jax, jax.numpy as jnp
import numpy as np

N = 10000
E = 320000
F_IN = 128
F_OUT = 128
K = 5


def setup_inputs(seed: int = 0) -> dict:
    key = jax.random.key(seed)
    k1, k2, k3, k4 = jax.random.split(key, 4)
    x = jax.random.normal(k1, (N, F_IN), dtype=jnp.float32)
    adj = jax.random.randint(k2, (2, E), 0, N)  # edge_index [2, E], values < N
    # ChebConv learned params: K weight matrices + bias
    W = jax.random.normal(k3, (K, F_IN, F_OUT), dtype=jnp.float32) * 0.05
    b = jnp.zeros((F_OUT,), dtype=jnp.float32)
    return {"x": x, "adj": adj, "W": W, "b": b}


def reference(x, adj, W, b):
    # ChebConv with K=5, normalize=True, lambda_max=2:
    # scaled Laplacian L_hat = L - I = -D^{-1/2} A D^{-1/2}
    src = adj[0]
    dst = adj[1]
    n = x.shape[0]
    ones = jnp.ones(src.shape[0], dtype=x.dtype)
    deg = jnp.zeros((n,), dtype=x.dtype).at[dst].add(ones)
    deg_inv_sqrt = jnp.where(deg > 0, 1.0 / jnp.sqrt(jnp.maximum(deg, 1.0)), 0.0)
    norm = -(deg_inv_sqrt[src] * deg_inv_sqrt[dst])  # [E]

    def prop(h):
        # L_hat @ h via gather + scatter-add
        msg = norm[:, None] * h[src]
        return jnp.zeros_like(h).at[dst].add(msg)

    Tx0 = x
    out = Tx0 @ W[0]
    Tx1 = prop(Tx0)
    out = out + Tx1 @ W[1]
    for k in range(2, K):
        Tx2 = 2.0 * prop(Tx1) - Tx0
        out = out + Tx2 @ W[k]
        Tx0, Tx1 = Tx1, Tx2
    out = out + b
    # F.dropout with training=False is the identity (eval mode)
    return out

if __name__ == "__main__":
    import jax
    _d = setup_inputs()
    print(jax.jit(kernel)(*tuple(_d.values())))

</pallas_src>

<mosaic_0001>
#map = affine_map<(d0, d1) -> (0, 0)>
#map1 = affine_map<(d0, d1) -> (0)>
#map2 = affine_map<(d0, d1) -> (0, 0, 0)>
module attributes {stable_mosaic.version = 14 : i64} {
  func.func @_prop_kernel(%arg0: i32, %arg1: i32, %arg2: memref<10240x128xf32, #tpu.memory_space<hbm>>, %arg3: memref<320000xi32, #tpu.memory_space<hbm>>, %arg4: memref<320000xi32, #tpu.memory_space<hbm>>, %arg5: memref<2x10240x128xf32, #tpu.memory_space<hbm>>, %arg6: memref<80xi32, #tpu.memory_space<vmem>>, %arg7: memref<80xi32, #tpu.memory_space<vmem>>, %arg8: memref<80xi32, #tpu.memory_space<vmem>>, %arg9: memref<80xi32, #tpu.memory_space<vmem>>, %arg10: memref<80xi32, #tpu.memory_space<vmem>>, %arg11: memref<80xi32, #tpu.memory_space<vmem>>, %arg12: memref<80x128xf32, #tpu.memory_space<vmem>>, %arg13: memref<80x128xf32, #tpu.memory_space<vmem>>, %arg14: memref<80x128xf32, #tpu.memory_space<vmem>>, %arg15: memref<10240x128xf32, #tpu.memory_space<vmem_shared>>, %arg16: memref<!tpu.dma_semaphore, #tpu.memory_space<semaphore_mem>>, %arg17: memref<!tpu.dma_semaphore, #tpu.memory_space<semaphore_mem>>, %arg18: memref<!tpu.dma_semaphore, #tpu.memory_space<semaphore_mem>>, %arg19: memref<!tpu.dma_semaphore, #tpu.memory_space<semaphore_mem>>, %arg20: memref<!tpu.dma_semaphore, #tpu.memory_space<semaphore_mem>>, %arg21: memref<!tpu.dma_semaphore, #tpu.memory_space<semaphore_mem>>, %arg22: memref<!tpu.dma_semaphore, #tpu.memory_space<semaphore_mem>>, %arg23: memref<!tpu.dma_semaphore, #tpu.memory_space<semaphore_mem>>, %arg24: memref<!tpu.dma_semaphore, #tpu.memory_space<semaphore_mem>>, %arg25: memref<!tpu.dma_semaphore, #tpu.memory_space<semaphore_mem>>, %arg26: memref<!tpu.dma_semaphore, #tpu.memory_space<semaphore_mem>>, %arg27: memref<!tpu.dma_semaphore, #tpu.memory_space<semaphore_mem>>) attributes {dimension_semantics = [#tpu.dimension_semantics<core_parallel>, #tpu.dimension_semantics<subcore_parallel>], iteration_bounds = array<i64: 2, 16>, scalar_prefetch = 0 : i64, scratch_operands = 22 : i64, tpu.core_type = #tpu.core_type<sc_vector_subcore>, window_params = [{transform_indices = #map}, {transform_indices = #map1}, {transform_indices = #map1}, {transform_indices = #map2}]} {
    %mul3A = arith.constant 16 : i32
    %mul3A_0 = arith.muli %arg0, %mul3A : i32
    %add3A = arith.addi %mul3A_0, %arg1 : i32
    %mul3A_1 = arith.constant 10000 : i32
    %mul3A_2 = arith.muli %add3A, %mul3A_1 : i32
    %broadcast_in_dim3A = arith.constant 0.000000e+00 : f32
    %broadcast_in_dim3A_3 = vector.broadcast %broadcast_in_dim3A : f32 to vector<16xf32>
    %scan3A = arith.constant 0 : i32
    %scan3A_4 = arith.constant 0 : i32
    %scan3A_5 = arith.constant 640 : i32
    %scan3A_6 = arith.addi %scan3A_4, %scan3A_5 : i32
    %scan3A_7 = arith.constant 1 : i32
    %scan3A_8 = scf.for %scan3A_158 = %scan3A_4 to %scan3A_6 step %scan3A_7 iter_args(%scan3A_159 = %scan3A) -> (i32)  : i32 {
      %shift_right_arithmetic3A = arith.constant 3 : i32
      %shift_right_arithmetic3A_160 = arith.shrsi %scan3A_158, %shift_right_arithmetic3A : i32
      %and3A = arith.constant 7 : i32
      %and3A_161 = arith.andi %scan3A_158, %and3A : i32
      %mul3A_162 = arith.constant 16 : i32
      %mul3A_163 = arith.muli %and3A_161, %mul3A_162 : i32
      %swap3A = arith.index_cast %shift_right_arithmetic3A_160 : i32 to index
      %swap3A_164 = arith.index_cast %mul3A_163 : i32 to index
      %swap3A_165 = tpu.vector_load %arg12[%swap3A, %swap3A_164] {strides = array<i32>} : memref<80x128xf32, #tpu.memory_space<vmem>>, vector<1x16xf32>,
      %swap3A_166 = vector.shape_cast %swap3A_165 : vector<1x16xf32> to vector<16xf32>
      %swap3A_167 = vector.shape_cast %broadcast_in_dim3A_3 : vector<16xf32> to vector<1x16xf32>
      tpu.vector_store %arg12[%swap3A, %swap3A_164], %swap3A_167 {strides = array<i32>} : memref<80x128xf32, #tpu.memory_space<vmem>>, vector<1x16xf32>,
      %scan3A_168 = arith.constant 0 : i32
      scf.yield %scan3A_168 : i32
    }
    %scan3A_9 = arith.constant 640 : i32
    %mul3A_10 = arith.constant 640 : i32
    %mul3A_11 = arith.muli %arg1, %mul3A_10 : i32
    %add3A_12 = arith.constant 0 : i32
    %add3A_13 = arith.addi %mul3A_11, %add3A_12 : i32
    "tpu.region"() ({
      %run_scoped3A = tpu.sem_alloc : memref<!tpu.dma_semaphore, #tpu.memory_space<semaphore_mem>>
      %dma_start3A_158 = arith.constant 0 : i32
      %dma_start3A_159 = tpu.memref_slice %arg15[%add3A_13, %dma_start3A_158] : memref<10240x128xf32, #tpu.memory_space<vmem_shared>> -> memref<80x128xf32, #tpu.memory_space<vmem_shared>>
      %dma_start3A_160 = arith.constant 0 : i32
      %dma_start3A_161 = tpu.memref_slice %arg15[%add3A_13, %dma_start3A_160] : memref<10240x128xf32, #tpu.memory_space<vmem_shared>> -> memref<80x128xf32, #tpu.memory_space<vmem_shared>>
      tpu.enqueue_dma source(%arg12 : memref<80x128xf32, #tpu.memory_space<vmem>>) target(%dma_start3A_161 : memref<80x128xf32, #tpu.memory_space<vmem_shared>>) target_semaphore(%run_scoped3A : memref<!tpu.dma_semaphore, #tpu.memory_space<semaphore_mem>>)
      %dma_wait3A_162 = arith.constant 0 : i32
      %dma_wait3A_163 = tpu.memref_slice %arg15[%add3A_13, %dma_wait3A_162] : memref<10240x128xf32, #tpu.memory_space<vmem_shared>> -> memref<80x128xf32, #tpu.memory_space<vmem_shared>>
      %dma_wait3A_164 = arith.constant 0 : i32
      %dma_wait3A_165 = tpu.memref_slice %arg15[%add3A_13, %dma_wait3A_164] : memref<10240x128xf32, #tpu.memory_space<vmem_shared>> -> memref<80x128xf32, #tpu.memory_space<vmem_shared>>
      tpu.wait_dma2 semaphore(%run_scoped3A : memref<!tpu.dma_semaphore, #tpu.memory_space<semaphore_mem>>) src(%arg12 : memref<80x128xf32, #tpu.memory_space<vmem>>) dst(%dma_wait3A_165 : memref<80x128xf32, #tpu.memory_space<vmem_shared>>)
      tpu.yield
    }) : () -> ()
    %mul3A_14 = arith.constant 640 : i32
    %mul3A_15 = arith.muli %arg1, %mul3A_14 : i32
    %add3A_16 = arith.constant 80 : i32
    %add3A_17 = arith.addi %mul3A_15, %add3A_16 : i32
    "tpu.region"() ({
      %run_scoped3A = tpu.sem_alloc : memref<!tpu.dma_semaphore, #tpu.memory_space<semaphore_mem>>
      %dma_start3A_158 = arith.constant 0 : i32
      %dma_start3A_159 = tpu.memref_slice %arg15[%add3A_17, %dma_start3A_158] : memref<10240x128xf32, #tpu.memory_space<vmem_shared>> -> memref<80x128xf32, #tpu.memory_space<vmem_shared>>
      %dma_start3A_160 = arith.constant 0 : i32
      %dma_start3A_161 = tpu.memref_slice %arg15[%add3A_17, %dma_start3A_160] : memref<10240x128xf32, #tpu.memory_space<vmem_shared>> -> memref<80x128xf32, #tpu.memory_space<vmem_shared>>
      tpu.enqueue_dma source(%arg12 : memref<80x128xf32, #tpu.memory_space<vmem>>) target(%dma_start3A_161 : memref<80x128xf32, #tpu.memory_space<vmem_shared>>) target_semaphore(%run_scoped3A : memref<!tpu.dma_semaphore, #tpu.memory_space<semaphore_mem>>)
      %dma_wait3A_162 = arith.constant 0 : i32
      %dma_wait3A_163 = tpu.memref_slice %arg15[%add3A_17, %dma_wait3A_162] : memref<10240x128xf32, #tpu.memory_space<vmem_shared>> -> memref<80x128xf32, #tpu.memory_space<vmem_shared>>
      %dma_wait3A_164 = arith.constant 0 : i32
      %dma_wait3A_165 = tpu.memref_slice %arg15[%add3A_17, %dma_wait3A_164] : memref<10240x128xf32, #tpu.memory_space<vmem_shared>> -> memref<80x128xf32, #tpu.memory_space<vmem_shared>>
      tpu.wait_dma2 semaphore(%run_scoped3A : memref<!tpu.dma_semaphore, #tpu.memory_space<semaphore_mem>>) src(%arg12 : memref<80x128xf32, #tpu.memory_space<vmem>>) dst(%dma_wait3A_165 : memref<80x128xf32, #tpu.memory_space<vmem_shared>>)
      tpu.yield
    }) : () -> ()
    %mul3A_18 = arith.constant 640 : i32
    %mul3A_19 = arith.muli %arg1, %mul3A_18 : i32
    %add3A_20 = arith.constant 160 : i32
    %add3A_21 = arith.addi %mul3A_19, %add3A_20 : i32
    "tpu.region"() ({
      %run_scoped3A = tpu.sem_alloc : memref<!tpu.dma_semaphore, #tpu.memory_space<semaphore_mem>>
      %dma_start3A_158 = arith.constant 0 : i32
      %dma_start3A_159 = tpu.memref_slice %arg15[%add3A_21, %dma_start3A_158] : memref<10240x128xf32, #tpu.memory_space<vmem_shared>> -> memref<80x128xf32, #tpu.memory_space<vmem_shared>>
      %dma_start3A_160 = arith.constant 0 : i32
      %dma_start3A_161 = tpu.memref_slice %arg15[%add3A_21, %dma_start3A_160] : memref<10240x128xf32, #tpu.memory_space<vmem_shared>> -> memref<80x128xf32, #tpu.memory_space<vmem_shared>>
      tpu.enqueue_dma source(%arg12 : memref<80x128xf32, #tpu.memory_space<vmem>>) target(%dma_start3A_161 : memref<80x128xf32, #tpu.memory_space<vmem_shared>>) target_semaphore(%run_scoped3A : memref<!tpu.dma_semaphore, #tpu.memory_space<semaphore_mem>>)
      %dma_wait3A_162 = arith.constant 0 : i32
      %dma_wait3A_163 = tpu.memref_slice %arg15[%add3A_21, %dma_wait3A_162] : memref<10240x128xf32, #tpu.memory_space<vmem_shared>> -> memref<80x128xf32, #tpu.memory_space<vmem_shared>>
      %dma_wait3A_164 = arith.constant 0 : i32
      %dma_wait3A_165 = tpu.memref_slice %arg15[%add3A_21, %dma_wait3A_164] : memref<10240x128xf32, #tpu.memory_space<vmem_shared>> -> memref<80x128xf32, #tpu.memory_space<vmem_shared>>
      tpu.wait_dma2 semaphore(%run_scoped3A : memref<!tpu.dma_semaphore, #tpu.memory_space<semaphore_mem>>) src(%arg12 : memref<80x128xf32, #tpu.memory_space<vmem>>) dst(%dma_wait3A_165 : memref<80x128xf32, #tpu.memory_space<vmem_shared>>)
      tpu.yield
    }) : () -> ()
    %mul3A_22 = arith.constant 640 : i32
    %mul3A_23 = arith.muli %arg1, %mul3A_22 : i32
    %add3A_24 = arith.constant 240 : i32
    %add3A_25 = arith.addi %mul3A_23, %add3A_24 : i32
    "tpu.region"() ({
      %run_scoped3A = tpu.sem_alloc : memref<!tpu.dma_semaphore, #tpu.memory_space<semaphore_mem>>
      %dma_start3A_158 = arith.constant 0 : i32
      %dma_start3A_159 = tpu.memref_slice %arg15[%add3A_25, %dma_start3A_158] : memref<10240x128xf32, #tpu.memory_space<vmem_shared>> -> memref<80x128xf32, #tpu.memory_space<vmem_shared>>
      %dma_start3A_160 = arith.constant 0 : i32
      %dma_start3A_161 = tpu.memref_slice %arg15[%add3A_25, %dma_start3A_160] : memref<10240x128xf32, #tpu.memory_space<vmem_shared>> -> memref<80x128xf32, #tpu.memory_space<vmem_shared>>
      tpu.enqueue_dma source(%arg12 : memref<80x128xf32, #tpu.memory_space<vmem>>) target(%dma_start3A_161 : memref<80x128xf32, #tpu.memory_space<vmem_shared>>) target_semaphore(%run_scoped3A : memref<!tpu.dma_semaphore, #tpu.memory_space<semaphore_mem>>)
      %dma_wait3A_162 = arith.constant 0 : i32
      %dma_wait3A_163 = tpu.memref_slice %arg15[%add3A_25, %dma_wait3A_162] : memref<10240x128xf32, #tpu.memory_space<vmem_shared>> -> memref<80x128xf32, #tpu.memory_space<vmem_shared>>
      %dma_wait3A_164 = arith.constant 0 : i32
      %dma_wait3A_165 = tpu.memref_slice %arg15[%add3A_25, %dma_wait3A_164] : memref<10240x128xf32, #tpu.memory_space<vmem_shared>> -> memref<80x128xf32, #tpu.memory_space<vmem_shared>>
      tpu.wait_dma2 semaphore(%run_scoped3A : memref<!tpu.dma_semaphore, #tpu.memory_space<semaphore_mem>>) src(%arg12 : memref<80x128xf32, #tpu.memory_space<vmem>>) dst(%dma_wait3A_165 : memref<80x128xf32, #tpu.memory_space<vmem_shared>>)
      tpu.yield
    }) : () -> ()
    %mul3A_26 = arith.constant 640 : i32
    %mul3A_27 = arith.muli %arg1, %mul3A_26 : i32
    %add3A_28 = arith.constant 320 : i32
    %add3A_29 = arith.addi %mul3A_27, %add3A_28 : i32
    "tpu.region"() ({
      %run_scoped3A = tpu.sem_alloc : memref<!tpu.dma_semaphore, #tpu.memory_space<semaphore_mem>>
      %dma_start3A_158 = arith.constant 0 : i32
      %dma_start3A_159 = tpu.memref_slice %arg15[%add3A_29, %dma_start3A_158] : memref<10240x128xf32, #tpu.memory_space<vmem_shared>> -> memref<80x128xf32, #tpu.memory_space<vmem_shared>>
      %dma_start3A_160 = arith.constant 0 : i32
      %dma_start3A_161 = tpu.memref_slice %arg15[%add3A_29, %dma_start3A_160] : memref<10240x128xf32, #tpu.memory_space<vmem_shared>> -> memref<80x128xf32, #tpu.memory_space<vmem_shared>>
      tpu.enqueue_dma source(%arg12 : memref<80x128xf32, #tpu.memory_space<vmem>>) target(%dma_start3A_161 : memref<80x128xf32, #tpu.memory_space<vmem_shared>>) target_semaphore(%run_scoped3A : memref<!tpu.dma_semaphore, #tpu.memory_space<semaphore_mem>>)
      %dma_wait3A_162 = arith.constant 0 : i32
      %dma_wait3A_163 = tpu.memref_slice %arg15[%add3A_29, %dma_wait3A_162] : memref<10240x128xf32, #tpu.memory_space<vmem_shared>> -> memref<80x128xf32, #tpu.memory_space<vmem_shared>>
      %dma_wait3A_164 = arith.constant 0 : i32
      %dma_wait3A_165 = tpu.memref_slice %arg15[%add3A_29, %dma_wait3A_164] : memref<10240x128xf32, #tpu.memory_space<vmem_shared>> -> memref<80x128xf32, #tpu.memory_space<vmem_shared>>
      tpu.wait_dma2 semaphore(%run_scoped3A : memref<!tpu.dma_semaphore, #tpu.memory_space<semaphore_mem>>) src(%arg12 : memref<80x128xf32, #tpu.memory_space<vmem>>) dst(%dma_wait3A_165 : memref<80x128xf32, #tpu.memory_space<vmem_shared>>)
      tpu.yield
    }) : () -> ()
    %mul3A_30 = arith.constant 640 : i32
    %mul3A_31 = arith.muli %arg1, %mul3A_30 : i32
    %add3A_32 = arith.constant 400 : i32
    %add3A_33 = arith.addi %mul3A_31, %add3A_32 : i32
    "tpu.region"() ({
      %run_scoped3A = tpu.sem_alloc : memref<!tpu.dma_semaphore, #tpu.memory_space<semaphore_mem>>
      %dma_start3A_158 = arith.constant 0 : i32
      %dma_start3A_159 = tpu.memref_slice %arg15[%add3A_33, %dma_start3A_158] : memref<10240x128xf32, #tpu.memory_space<vmem_shared>> -> memref<80x128xf32, #tpu.memory_space<vmem_shared>>
      %dma_start3A_160 = arith.constant 0 : i32
      %dma_start3A_161 = tpu.memref_slice %arg15[%add3A_33, %dma_start3A_160] : memref<10240x128xf32, #tpu.memory_space<vmem_shared>> -> memref<80x128xf32, #tpu.memory_space<vmem_shared>>
      tpu.enqueue_dma source(%arg12 : memref<80x128xf32, #tpu.memory_space<vmem>>) target(%dma_start3A_161 : memref<80x128xf32, #tpu.memory_space<vmem_shared>>) target_semaphore(%run_scoped3A : memref<!tpu.dma_semaphore, #tpu.memory_space<semaphore_mem>>)
      %dma_wait3A_162 = arith.constant 0 : i32
      %dma_wait3A_163 = tpu.memref_slice %arg15[%add3A_33, %dma_wait3A_162] : memref<10240x128xf32, #tpu.memory_space<vmem_shared>> -> memref<80x128xf32, #tpu.memory_space<vmem_shared>>
      %dma_wait3A_164 = arith.constant 0 : i32
      %dma_wait3A_165 = tpu.memref_slice %arg15[%add3A_33, %dma_wait3A_164] : memref<10240x128xf32, #tpu.memory_space<vmem_shared>> -> memref<80x128xf32, #tpu.memory_space<vmem_shared>>
      tpu.wait_dma2 semaphore(%run_scoped3A : memref<!tpu.dma_semaphore, #tpu.memory_space<semaphore_mem>>) src(%arg12 : memref<80x128xf32, #tpu.memory_space<vmem>>) dst(%dma_wait3A_165 : memref<80x128xf32, #tpu.memory_space<vmem_shared>>)
      tpu.yield
    }) : () -> ()
    %mul3A_34 = arith.constant 640 : i32
    %mul3A_35 = arith.muli %arg1, %mul3A_34 : i32
    %add3A_36 = arith.constant 480 : i32
    %add3A_37 = arith.addi %mul3A_35, %add3A_36 : i32
    "tpu.region"() ({
      %run_scoped3A = tpu.sem_alloc : memref<!tpu.dma_semaphore, #tpu.memory_space<semaphore_mem>>
      %dma_start3A_158 = arith.constant 0 : i32
      %dma_start3A_159 = tpu.memref_slice %arg15[%add3A_37, %dma_start3A_158] : memref<10240x128xf32, #tpu.memory_space<vmem_shared>> -> memref<80x128xf32, #tpu.memory_space<vmem_shared>>
      %dma_start3A_160 = arith.constant 0 : i32
      %dma_start3A_161 = tpu.memref_slice %arg15[%add3A_37, %dma_start3A_160] : memref<10240x128xf32, #tpu.memory_space<vmem_shared>> -> memref<80x128xf32, #tpu.memory_space<vmem_shared>>
      tpu.enqueue_dma source(%arg12 : memref<80x128xf32, #tpu.memory_space<vmem>>) target(%dma_start3A_161 : memref<80x128xf32, #tpu.memory_space<vmem_shared>>) target_semaphore(%run_scoped3A : memref<!tpu.dma_semaphore, #tpu.memory_space<semaphore_mem>>)
      %dma_wait3A_162 = arith.constant 0 : i32
      %dma_wait3A_163 = tpu.memref_slice %arg15[%add3A_37, %dma_wait3A_162] : memref<10240x128xf32, #tpu.memory_space<vmem_shared>> -> memref<80x128xf32, #tpu.memory_space<vmem_shared>>
      %dma_wait3A_164 = arith.constant 0 : i32
      %dma_wait3A_165 = tpu.memref_slice %arg15[%add3A_37, %dma_wait3A_164] : memref<10240x128xf32, #tpu.memory_space<vmem_shared>> -> memref<80x128xf32, #tpu.memory_space<vmem_shared>>
      tpu.wait_dma2 semaphore(%run_scoped3A : memref<!tpu.dma_semaphore, #tpu.memory_space<semaphore_mem>>) src(%arg12 : memref<80x128xf32, #tpu.memory_space<vmem>>) dst(%dma_wait3A_165 : memref<80x128xf32, #tpu.memory_space<vmem_shared>>)
      tpu.yield
    }) : () -> ()
    %mul3A_38 = arith.constant 640 : i32
    %mul3A_39 = arith.muli %arg1, %mul3A_38 : i32
    %add3A_40 = arith.constant 560 : i32
    %add3A_41 = arith.addi %mul3A_39, %add3A_40 : i32
    "tpu.region"() ({
      %run_scoped3A = tpu.sem_alloc : memref<!tpu.dma_semaphore, #tpu.memory_space<semaphore_mem>>
      %dma_start3A_158 = arith.constant 0 : i32
      %dma_start3A_159 = tpu.memref_slice %arg15[%add3A_41, %dma_start3A_158] : memref<10240x128xf32, #tpu.memory_space<vmem_shared>> -> memref<80x128xf32, #tpu.memory_space<vmem_shared>>
      %dma_start3A_160 = arith.constant 0 : i32
      %dma_start3A_161 = tpu.memref_slice %arg15[%add3A_41, %dma_start3A_160] : memref<10240x128xf32, #tpu.memory_space<vmem_shared>> -> memref<80x128xf32, #tpu.memory_space<vmem_shared>>
      tpu.enqueue_dma source(%arg12 : memref<80x128xf32, #tpu.memory_space<vmem>>) target(%dma_start3A_161 : memref<80x128xf32, #tpu.memory_space<vmem_shared>>) target_semaphore(%run_scoped3A : memref<!tpu.dma_semaphore, #tpu.memory_space<semaphore_mem>>)
      %dma_wait3A_162 = arith.constant 0 : i32
      %dma_wait3A_163 = tpu.memref_slice %arg15[%add3A_41, %dma_wait3A_162] : memref<10240x128xf32, #tpu.memory_space<vmem_shared>> -> memref<80x128xf32, #tpu.memory_space<vmem_shared>>
      %dma_wait3A_164 = arith.constant 0 : i32
      %dma_wait3A_165 = tpu.memref_slice %arg15[%add3A_41, %dma_wait3A_164] : memref<10240x128xf32, #tpu.memory_space<vmem_shared>> -> memref<80x128xf32, #tpu.memory_space<vmem_shared>>
      tpu.wait_dma2 semaphore(%run_scoped3A : memref<!tpu.dma_semaphore, #tpu.memory_space<semaphore_mem>>) src(%arg12 : memref<80x128xf32, #tpu.memory_space<vmem>>) dst(%dma_wait3A_165 : memref<80x128xf32, #tpu.memory_space<vmem_shared>>)
      tpu.yield
    }) : () -> ()
    %barrier3A = arith.constant 0 : index
    tpu.barrier barrier_id(%barrier3A)
    %add3A_42 = arith.constant 0 : i32
    %add3A_43 = arith.addi %mul3A_2, %add3A_42 : i32
    %dma_start3A = tpu.memref_slice %arg3[%add3A_43] : memref<320000xi32, #tpu.memory_space<hbm>> -> memref<80xi32, #tpu.memory_space<hbm>>
    %dma_start3A_44 = tpu.memref_slice %arg3[%add3A_43] : memref<320000xi32, #tpu.memory_space<hbm>> -> memref<80xi32, #tpu.memory_space<hbm>>
    tpu.enqueue_dma source(%dma_start3A_44 : memref<80xi32, #tpu.memory_space<hbm>>) target(%arg6 : memref<80xi32, #tpu.memory_space<vmem>>) target_semaphore(%arg16 : memref<!tpu.dma_semaphore, #tpu.memory_space<semaphore_mem>>)
    %add3A_45 = arith.constant 0 : i32
    %add3A_46 = arith.addi %mul3A_2, %add3A_45 : i32
    %dma_start3A_47 = tpu.memref_slice %arg4[%add3A_46] : memref<320000xi32, #tpu.memory_space<hbm>> -> memref<80xi32, #tpu.memory_space<hbm>>
    %dma_start3A_48 = tpu.memref_slice %arg4[%add3A_46] : memref<320000xi32, #tpu.memory_space<hbm>> -> memref<80xi32, #tpu.memory_space<hbm>>
    tpu.enqueue_dma source(%dma_start3A_48 : memref<80xi32, #tpu.memory_space<hbm>>) target(%arg9 : memref<80xi32, #tpu.memory_space<vmem>>) target_semaphore(%arg19 : memref<!tpu.dma_semaphore, #tpu.memory_space<semaphore_mem>>)
    %add3A_49 = arith.constant 80 : i32
    %add3A_50 = arith.addi %mul3A_2, %add3A_49 : i32
    %dma_start3A_51 = tpu.memref_slice %arg3[%add3A_50] : memref<320000xi32, #tpu.memory_space<hbm>> -> memref<80xi32, #tpu.memory_space<hbm>>
    %dma_start3A_52 = tpu.memref_slice %arg3[%add3A_50] : memref<320000xi32, #tpu.memory_space<hbm>> -> memref<80xi32, #tpu.memory_space<hbm>>
    tpu.enqueue_dma source(%dma_start3A_52 : memref<80xi32, #tpu.memory_space<hbm>>) target(%arg7 : memref<80xi32, #tpu.memory_space<vmem>>) target_semaphore(%arg17 : memref<!tpu.dma_semaphore, #tpu.memory_space<semaphore_mem>>)
    %add3A_53 = arith.constant 80 : i32
    %add3A_54 = arith.addi %mul3A_2, %add3A_53 : i32
    %dma_start3A_55 = tpu.memref_slice %arg4[%add3A_54] : memref<320000xi32, #tpu.memory_space<hbm>> -> memref<80xi32, #tpu.memory_space<hbm>>
    %dma_start3A_56 = tpu.memref_slice %arg4[%add3A_54] : memref<320000xi32, #tpu.memory_space<hbm>> -> memref<80xi32, #tpu.memory_space<hbm>>
    tpu.enqueue_dma source(%dma_start3A_56 : memref<80xi32, #tpu.memory_space<hbm>>) target(%arg10 : memref<80xi32, #tpu.memory_space<vmem>>) target_semaphore(%arg20 : memref<!tpu.dma_semaphore, #tpu.memory_space<semaphore_mem>>)
    %add3A_57 = arith.constant 160 : i32
    %add3A_58 = arith.addi %mul3A_2, %add3A_57 : i32
    %dma_start3A_59 = tpu.memref_slice %arg3[%add3A_58] : memref<320000xi32, #tpu.memory_space<hbm>> -> memref<80xi32, #tpu.memory_space<hbm>>
    %dma_start3A_60 = tpu.memref_slice %arg3[%add3A_58] : memref<320000xi32, #tpu.memory_space<hbm>> -> memref<80xi32, #tpu.memory_space<hbm>>
    tpu.enqueue_dma source(%dma_start3A_60 : memref<80xi32, #tpu.memory_space<hbm>>) target(%arg8 : memref<80xi32, #tpu.memory_space<vmem>>) target_semaphore(%arg18 : memref<!tpu.dma_semaphore, #tpu.memory_space<semaphore_mem>>)
    %add3A_61 = arith.constant 160 : i32
    %add3A_62 = arith.addi %mul3A_2, %add3A_61 : i32
    %dma_start3A_63 = tpu.memref_slice %arg4[%add3A_62] : memref<320000xi32, #tpu.memory_space<hbm>> -> memref<80xi32, #tpu.memory_space<hbm>>
    %dma_start3A_64 = tpu.memref_slice %arg4[%add3A_62] : memref<320000xi32, #tpu.memory_space<hbm>> -> memref<80xi32, #tpu.memory_space<hbm>>
    tpu.enqueue_dma source(%dma_start3A_64 : memref<80xi32, #tpu.memory_space<hbm>>) target(%arg11 : memref<80xi32, #tpu.memory_space<vmem>>) target_semaphore(%arg21 : memref<!tpu.dma_semaphore, #tpu.memory_space<semaphore_mem>>)
    %add3A_65 = arith.constant 0 : i32
    %add3A_66 = arith.addi %mul3A_2, %add3A_65 : i32
    %dma_wait3A = tpu.memref_slice %arg3[%add3A_66] : memref<320000xi32, #tpu.memory_space<hbm>> -> memref<80xi32, #tpu.memory_space<hbm>>
    %dma_wait3A_67 = tpu.memref_slice %arg3[%add3A_66] : memref<320000xi32, #tpu.memory_space<hbm>> -> memref<80xi32, #tpu.memory_space<hbm>>
    tpu.wait_dma2 semaphore(%arg16 : memref<!tpu.dma_semaphore, #tpu.memory_space<semaphore_mem>>) src(%dma_wait3A_67 : memref<80xi32, #tpu.memory_space<hbm>>) dst(%arg6 : memref<80xi32, #tpu.memory_space<vmem>>)
    %dma_start3A_68 = arith.constant 0 : i32
    %dma_start3A_69 = arith.constant 0 : i32
    %dma_start3A_70 = tpu.memref_slice %arg2[%dma_start3A_68, %dma_start3A_69] : memref<10240x128xf32, #tpu.memory_space<hbm>> -> memref<10240x128xf32, #tpu.memory_space<hbm>>
    tpu.enqueue_indirect_dma source(%dma_start3A_70 : memref<10240x128xf32, #tpu.memory_space<hbm>>) target(%arg12 : memref<80x128xf32, #tpu.memory_space<vmem>>) offsets(%arg6 : memref<80xi32, #tpu.memory_space<vmem>>) semaphore(%arg22 : memref<!tpu.dma_semaphore, #tpu.memory_space<semaphore_mem>>)
    %add3A_71 = arith.constant 80 : i32
    %add3A_72 = arith.addi %mul3A_2, %add3A_71 : i32
    %dma_wait3A_73 = tpu.memref_slice %arg3[%add3A_72] : memref<320000xi32, #tpu.memory_space<hbm>> -> memref<80xi32, #tpu.memory_space<hbm>>
    %dma_wait3A_74 = tpu.memref_slice %arg3[%add3A_72] : memref<320000xi32, #tpu.memory_space<hbm>> -> memref<80xi32, #tpu.memory_space<hbm>>
    tpu.wait_dma2 semaphore(%arg17 : memref<!tpu.dma_semaphore, #tpu.memory_space<semaphore_mem>>) src(%dma_wait3A_74 : memref<80xi32, #tpu.memory_space<hbm>>) dst(%arg7 : memref<80xi32, #tpu.memory_space<vmem>>)
    %dma_start3A_75 = arith.constant 0 : i32
    %dma_start3A_76 = arith.constant 0 : i32
    %dma_start3A_77 = tpu.memref_slice %arg2[%dma_start3A_75, %dma_start3A_76] : memref<10240x128xf32, #tpu.memory_space<hbm>> -> memref<10240x128xf32, #tpu.memory_space<hbm>>
    tpu.enqueue_indirect_dma source(%dma_start3A_77 : memref<10240x128xf32, #tpu.memory_space<hbm>>) target(%arg13 : memref<80x128xf32, #tpu.memory_space<vmem>>) offsets(%arg7 : memref<80xi32, #tpu.memory_space<vmem>>) semaphore(%arg23 : memref<!tpu.dma_semaphore, #tpu.memory_space<semaphore_mem>>)
    %add3A_78 = arith.constant 160 : i32
    %add3A_79 = arith.addi %mul3A_2, %add3A_78 : i32
    %dma_wait3A_80 = tpu.memref_slice %arg3[%add3A_79] : memref<320000xi32, #tpu.memory_space<hbm>> -> memref<80xi32, #tpu.memory_space<hbm>>
    %dma_wait3A_81 = tpu.memref_slice %arg3[%add3A_79] : memref<320000xi32, #tpu.memory_space<hbm>> -> memref<80xi32, #tpu.memory_space<hbm>>
    tpu.wait_dma2 semaphore(%arg18 : memref<!tpu.dma_semaphore, #tpu.memory_space<semaphore_mem>>) src(%dma_wait3A_81 : memref<80xi32, #tpu.memory_space<hbm>>) dst(%arg8 : memref<80xi32, #tpu.memory_space<vmem>>)
    %dma_start3A_82 = arith.constant 0 : i32
    %dma_start3A_83 = arith.constant 0 : i32
    %dma_start3A_84 = tpu.memref_slice %arg2[%dma_start3A_82, %dma_start3A_83] : memref<10240x128xf32, #tpu.memory_space<hbm>> -> memref<10240x128xf32, #tpu.memory_space<hbm>>
    tpu.enqueue_indirect_dma source(%dma_start3A_84 : memref<10240x128xf32, #tpu.memory_space<hbm>>) target(%arg14 : memref<80x128xf32, #tpu.memory_space<vmem>>) offsets(%arg8 : memref<80xi32, #tpu.memory_space<vmem>>) semaphore(%arg24 : memref<!tpu.dma_semaphore, #tpu.memory_space<semaphore_mem>>)
    %scan3A_85 = arith.constant 0 : i32
    %scan3A_86 = arith.constant 0 : i32
    %scan3A_87 = arith.constant 41 : i32
    %scan3A_88 = arith.addi %scan3A_86, %scan3A_87 : i32
    %scan3A_89 = arith.constant 1 : i32
    %scan3A_90 = scf.for %scan3A_158 = %scan3A_86 to %scan3A_88 step %scan3A_89 iter_args(%scan3A_159 = %scan3A_85) -> (i32)  : i32 {
      %mul3A_160 = arith.constant 3 : i32
      %mul3A_161 = arith.muli %mul3A_160, %scan3A_158 : i32
      %dma_wait3A_162 = arith.constant 0 : i32
      %dma_wait3A_163 = arith.constant 0 : i32
      %dma_wait3A_164 = tpu.memref_slice %arg2[%dma_wait3A_162, %dma_wait3A_163] : memref<10240x128xf32, #tpu.memory_space<hbm>> -> memref<10240x128xf32, #tpu.memory_space<hbm>>
      tpu.wait_indirect_dma semaphore(%arg22 : memref<!tpu.dma_semaphore, #tpu.memory_space<semaphore_mem>>) src(%dma_wait3A_164 : memref<10240x128xf32, #tpu.memory_space<hbm>>) dst(%arg12 : memref<80x128xf32, #tpu.memory_space<vmem>>)
      %add3A_165 = arith.constant 3 : i32
      %add3A_166 = arith.addi %mul3A_161, %add3A_165 : i32
      %add3A_167 = arith.constant 0 : i32
      %add3A_168 = arith.addi %add3A_166, %add3A_167 : i32
      %min3A = arith.constant 124 : i32
      %min3A_169 = arith.minsi %add3A_168, %min3A : i32
      %mul3A_170 = arith.constant 80 : i32
      %mul3A_171 = arith.muli %min3A_169, %mul3A_170 : i32
      %add3A_172 = arith.addi %mul3A_2, %mul3A_171 : i32
      %dma_start3A_173 = tpu.memref_slice %arg3[%add3A_172] : memref<320000xi32, #tpu.memory_space<hbm>> -> memref<80xi32, #tpu.memory_space<hbm>>
      %dma_start3A_174 = tpu.memref_slice %arg3[%add3A_172] : memref<320000xi32, #tpu.memory_space<hbm>> -> memref<80xi32, #tpu.memory_space<hbm>>
      tpu.enqueue_dma source(%dma_start3A_174 : memref<80xi32, #tpu.memory_space<hbm>>) target(%arg6 : memref<80xi32, #tpu.memory_space<vmem>>) target_semaphore(%arg16 : memref<!tpu.dma_semaphore, #tpu.memory_space<semaphore_mem>>)
      %add3A_175 = arith.constant 0 : i32
      %add3A_176 = arith.addi %mul3A_161, %add3A_175 : i32
      %mul3A_177 = arith.constant 80 : i32
      %mul3A_178 = arith.muli %add3A_176, %mul3A_177 : i32
      %add3A_179 = arith.addi %mul3A_2, %mul3A_178 : i32
      %dma_wait3A_180 = tpu.memref_slice %arg4[%add3A_179] : memref<320000xi32, #tpu.memory_space<hbm>> -> memref<80xi32, #tpu.memory_space<hbm>>
      %dma_wait3A_181 = tpu.memref_slice %arg4[%add3A_179] : memref<320000xi32, #tpu.memory_space<hbm>> -> memref<80xi32, #tpu.memory_space<hbm>>
      tpu.wait_dma2 semaphore(%arg19 : memref<!tpu.dma_semaphore, #tpu.memory_space<semaphore_mem>>) src(%dma_wait3A_181 : memref<80xi32, #tpu.memory_space<hbm>>) dst(%arg9 : memref<80xi32, #tpu.memory_space<vmem>>)
      %dma_start3A_182 = arith.constant 0 : i32
      %dma_start3A_183 = arith.constant 0 : i32
      %dma_start3A_184 = tpu.memref_slice %arg15[%dma_start3A_182, %dma_start3A_183] : memref<10240x128xf32, #tpu.memory_space<vmem_shared>> -> memref<10240x128xf32, #tpu.memory_space<vmem_shared>>
      tpu.enqueue_indirect_dma source(%arg12 : memref<80x128xf32, #tpu.memory_space<vmem>>) target(%dma_start3A_184 : memref<10240x128xf32, #tpu.memory_space<vmem_shared>>) offsets(%arg9 : memref<80xi32, #tpu.memory_space<vmem>>) semaphore(%arg25 : memref<!tpu.dma_semaphore, #tpu.memory_space<semaphore_mem>>) {add = true}
      %dma_wait3A_185 = arith.constant 0 : i32
      %dma_wait3A_186 = arith.constant 0 : i32
      %dma_wait3A_187 = tpu.memref_slice %arg2[%dma_wait3A_185, %dma_wait3A_186] : memref<10240x128xf32, #tpu.memory_space<hbm>> -> memref<10240x128xf32, #tpu.memory_space<hbm>>
      tpu.wait_indirect_dma semaphore(%arg23 : memref<!tpu.dma_semaphore, #tpu.memory_space<semaphore_mem>>) src(%dma_wait3A_187 : memref<10240x128xf32, #tpu.memory_space<hbm>>) dst(%arg13 : memref<80x128xf32, #tpu.memory_space<vmem>>)
      %add3A_188 = arith.constant 3 : i32
      %add3A_189 = arith.addi %mul3A_161, %add3A_188 : i32
      %add3A_190 = arith.constant 1 : i32
      %add3A_191 = arith.addi %add3A_189, %add3A_190 : i32
      %min3A_192 = arith.constant 124 : i32
      %min3A_193 = arith.minsi %add3A_191, %min3A_192 : i32
      %mul3A_194 = arith.constant 80 : i32
      %mul3A_195 = arith.muli %min3A_193, %mul3A_194 : i32
      %add3A_196 = arith.addi %mul3A_2, %mul3A_195 : i32
      %dma_start3A_197 = tpu.memref_slice %arg3[%add3A_196] : memref<320000xi32, #tpu.memory_space<hbm>> -> memref<80xi32, #tpu.memory_space<hbm>>
      %dma_start3A_198 = tpu.memref_slice %arg3[%add3A_196] : memref<320000xi32, #tpu.memory_space<hbm>> -> memref<80xi32, #tpu.memory_space<hbm>>
      tpu.enqueue_dma source(%dma_start3A_198 : memref<80xi32, #tpu.memory_space<hbm>>) target(%arg7 : memref<80xi32, #tpu.memory_space<vmem>>) target_semaphore(%arg17 : memref<!tpu.dma_semaphore, #tpu.memory_space<semaphore_mem>>)
      %add3A_199 = arith.constant 1 : i32
      %add3A_200 = arith.addi %mul3A_161, %add3A_199 : i32
      %mul3A_201 = arith.constant 80 : i32
      %mul3A_202 = arith.muli %add3A_200, %mul3A_201 : i32
      %add3A_203 = arith.addi %mul3A_2, %mul3A_202 : i32
      %dma_wait3A_204 = tpu.memref_slice %arg4[%add3A_203] : memref<320000xi32, #tpu.memory_space<hbm>> -> memref<80xi32, #tpu.memory_space<hbm>>
      %dma_wait3A_205 = tpu.memref_slice %arg4[%add3A_203] : memref<320000xi32, #tpu.memory_space<hbm>> -> memref<80xi32, #tpu.memory_space<hbm>>
      tpu.wait_dma2 semaphore(%arg20 : memref<!tpu.dma_semaphore, #tpu.memory_space<semaphore_mem>>) src(%dma_wait3A_205 : memref<80xi32, #tpu.memory_space<hbm>>) dst(%arg10 : memref<80xi32, #tpu.memory_space<vmem>>)
      %dma_start3A_206 = arith.constant 0 : i32
      %dma_start3A_207 = arith.constant 0 : i32
      %dma_start3A_208 = tpu.memref_slice %arg15[%dma_start3A_206, %dma_start3A_207] : memref<10240x128xf32, #tpu.memory_space<vmem_shared>> -> memref<10240x128xf32, #tpu.memory_space<vmem_shared>>
      tpu.enqueue_indirect_dma source(%arg13 : memref<80x128xf32, #tpu.memory_space<vmem>>) target(%dma_start3A_208 : memref<10240x128xf32, #tpu.memory_space<vmem_shared>>) offsets(%arg10 : memref<80xi32, #tpu.memory_space<vmem>>) semaphore(%arg26 : memref<!tpu.dma_semaphore, #tpu.memory_space<semaphore_mem>>) {add = true}
      %dma_wait3A_209 = arith.constant 0 : i32
      %dma_wait3A_210 = arith.constant 0 : i32
      %dma_wait3A_211 = tpu.memref_slice %arg2[%dma_wait3A_209, %dma_wait3A_210] : memref<10240x128xf32, #tpu.memory_space<hbm>> -> memref<10240x128xf32, #tpu.memory_space<hbm>>
      tpu.wait_indirect_dma semaphore(%arg24 : memref<!tpu.dma_semaphore, #tpu.memory_space<semaphore_mem>>) src(%dma_wait3A_211 : memref<10240x128xf32, #tpu.memory_space<hbm>>) dst(%arg14 : memref<80x128xf32, #tpu.memory_space<vmem>>)
      %add3A_212 = arith.constant 3 : i32
      %add3A_213 = arith.addi %mul3A_161, %add3A_212 : i32
      %add3A_214 = arith.constant 2 : i32
      %add3A_215 = arith.addi %add3A_213, %add3A_214 : i32
      %min3A_216 = arith.constant 124 : i32
      %min3A_217 = arith.minsi %add3A_215, %min3A_216 : i32
      %mul3A_218 = arith.constant 80 : i32
      %mul3A_219 = arith.muli %min3A_217, %mul3A_218 : i32
      %add3A_220 = arith.addi %mul3A_2, %mul3A_219 : i32
      %dma_start3A_221 = tpu.memref_slice %arg3[%add3A_220] : memref<320000xi32, #tpu.memory_space<hbm>> -> memref<80xi32, #tpu.memory_space<hbm>>
      %dma_start3A_222 = tpu.memref_slice %arg3[%add3A_220] : memref<320000xi32, #tpu.memory_space<hbm>> -> memref<80xi32, #tpu.memory_space<hbm>>
      tpu.enqueue_dma source(%dma_start3A_222 : memref<80xi32, #tpu.memory_space<hbm>>) target(%arg8 : memref<80xi32, #tpu.memory_space<vmem>>) target_semaphore(%arg18 : memref<!tpu.dma_semaphore, #tpu.memory_space<semaphore_mem>>)
      %add3A_223 = arith.constant 2 : i32
      %add3A_224 = arith.addi %mul3A_161, %add3A_223 : i32
      %mul3A_225 = arith.constant 80 : i32
      %mul3A_226 = arith.muli %add3A_224, %mul3A_225 : i32
      %add3A_227 = arith.addi %mul3A_2, %mul3A_226 : i32
      %dma_wait3A_228 = tpu.memref_slice %arg4[%add3A_227] : memref<320000xi32, #tpu.memory_space<hbm>> -> memref<80xi32, #tpu.memory_space<hbm>>
      %dma_wait3A_229 = tpu.memref_slice %arg4[%add3A_227] : memref<320000xi32, #tpu.memory_space<hbm>> -> memref<80xi32, #tpu.memory_space<hbm>>
      tpu.wait_dma2 semaphore(%arg21 : memref<!tpu.dma_semaphore, #tpu.memory_space<semaphore_mem>>) src(%dma_wait3A_229 : memref<80xi32, #tpu.memory_space<hbm>>) dst(%arg11 : memref<80xi32, #tpu.memory_space<vmem>>)
      %dma_start3A_230 = arith.constant 0 : i32
      %dma_start3A_231 = arith.constant 0 : i32
      %dma_start3A_232 = tpu.memref_slice %arg15[%dma_start3A_230, %dma_start3A_231] : memref<10240x128xf32, #tpu.memory_space<vmem_shared>> -> memref<10240x128xf32, #tpu.memory_space<vmem_shared>>
      tpu.enqueue_indirect_dma source(%arg14 : memref<80x128xf32, #tpu.memory_space<vmem>>) target(%dma_start3A_232 : memref<10240x128xf32, #tpu.memory_space<vmem_shared>>) offsets(%arg11 : memref<80xi32, #tpu.memory_space<vmem>>) semaphore(%arg27 : memref<!tpu.dma_semaphore, #tpu.memory_space<semaphore_mem>>) {add = true}
      %dma_wait3A_233 = arith.constant 0 : i32
      %dma_wait3A_234 = arith.constant 0 : i32
      %dma_wait3A_235 = tpu.memref_slice %arg15[%dma_wait3A_233, %dma_wait3A_234] : memref<10240x128xf32, #tpu.memory_space<vmem_shared>> -> memref<10240x128xf32, #tpu.memory_space<vmem_shared>>
      tpu.wait_indirect_dma semaphore(%arg25 : memref<!tpu.dma_semaphore, #tpu.memory_space<semaphore_mem>>) src(%arg12 : memref<80x128xf32, #tpu.memory_space<vmem>>) dst(%dma_wait3A_235 : memref<10240x128xf32, #tpu.memory_space<vmem_shared>>)
      %add3A_236 = arith.constant 3 : i32
      %add3A_237 = arith.addi %mul3A_161, %add3A_236 : i32
      %add3A_238 = arith.constant 0 : i32
      %add3A_239 = arith.addi %add3A_237, %add3A_238 : i32
      %min3A_240 = arith.constant 124 : i32
      %min3A_241 = arith.minsi %add3A_239, %min3A_240 : i32
      %mul3A_242 = arith.constant 80 : i32
      %mul3A_243 = arith.muli %min3A_241, %mul3A_242 : i32
      %add3A_244 = arith.addi %mul3A_2, %mul3A_243 : i32
      %dma_start3A_245 = tpu.memref_slice %arg4[%add3A_244] : memref<320000xi32, #tpu.memory_space<hbm>> -> memref<80xi32, #tpu.memory_space<hbm>>
      %dma_start3A_246 = tpu.memref_slice %arg4[%add3A_244] : memref<320000xi32, #tpu.memory_space<hbm>> -> memref<80xi32, #tpu.memory_space<hbm>>
      tpu.enqueue_dma source(%dma_start3A_246 : memref<80xi32, #tpu.memory_space<hbm>>) target(%arg9 : memref<80xi32, #tpu.memory_space<vmem>>) target_semaphore(%arg19 : memref<!tpu.dma_semaphore, #tpu.memory_space<semaphore_mem>>)
      %add3A_247 = arith.constant 3 : i32
      %add3A_248 = arith.addi %mul3A_161, %add3A_247 : i32
      %add3A_249 = arith.constant 0 : i32
      %add3A_250 = arith.addi %add3A_248, %add3A_249 : i32
      %min3A_251 = arith.constant 124 : i32
      %min3A_252 = arith.minsi %add3A_250, %min3A_251 : i32
      %mul3A_253 = arith.constant 80 : i32
      %mul3A_254 = arith.muli %min3A_252, %mul3A_253 : i32
      %add3A_255 = arith.addi %mul3A_2, %mul3A_254 : i32
      %dma_wait3A_256 = tpu.memref_slice %arg3[%add3A_255] : memref<320000xi32, #tpu.memory_space<hbm>> -> memref<80xi32, #tpu.memory_space<hbm>>
      %dma_wait3A_257 = tpu.memref_slice %arg3[%add3A_255] : memref<320000xi32, #tpu.memory_space<hbm>> -> memref<80xi32, #tpu.memory_space<hbm>>
      tpu.wait_dma2 semaphore(%arg16 : memref<!tpu.dma_semaphore, #tpu.memory_space<semaphore_mem>>) src(%dma_wait3A_257 : memref<80xi32, #tpu.memory_space<hbm>>) dst(%arg6 : memref<80xi32, #tpu.memory_space<vmem>>)
      %dma_start3A_258 = arith.constant 0 : i32
      %dma_start3A_259 = arith.constant 0 : i32
      %dma_start3A_260 = tpu.memref_slice %arg2[%dma_start3A_258, %dma_start3A_259] : memref<10240x128xf32, #tpu.memory_space<hbm>> -> memref<10240x128xf32, #tpu.memory_space<hbm>>
      tpu.enqueue_indirect_dma source(%dma_start3A_260 : memref<10240x128xf32, #tpu.memory_space<hbm>>) target(%arg12 : memref<80x128xf32, #tpu.memory_space<vmem>>) offsets(%arg6 : memref<80xi32, #tpu.memory_space<vmem>>) semaphore(%arg22 : memref<!tpu.dma_semaphore, #tpu.memory_space<semaphore_mem>>)
      %dma_wait3A_261 = arith.constant 0 : i32
      %dma_wait3A_262 = arith.constant 0 : i32
      %dma_wait3A_263 = tpu.memref_slice %arg15[%dma_wait3A_261, %dma_wait3A_262] : memref<10240x128xf32, #tpu.memory_space<vmem_shared>> -> memref<10240x128xf32, #tpu.memory_space<vmem_shared>>
      tpu.wait_indirect_dma semaphore(%arg26 : memref<!tpu.dma_semaphore, #tpu.memory_space<semaphore_mem>>) src(%arg13 : memref<80x128xf32, #tpu.memory_space<vmem>>) dst(%dma_wait3A_263 : memref<10240x128xf32, #tpu.memory_space<vmem_shared>>)
      %add3A_264 = arith.constant 3 : i32
      %add3A_265 = arith.addi %mul3A_161, %add3A_264 : i32
      %add3A_266 = arith.constant 1 : i32
      %add3A_267 = arith.addi %add3A_265, %add3A_266 : i32
      %min3A_268 = arith.constant 124 : i32
      %min3A_269 = arith.minsi %add3A_267, %min3A_268 : i32
      %mul3A_270 = arith.constant 80 : i32
      %mul3A_271 = arith.muli %min3A_269, %mul3A_270 : i32
      %add3A_272 = arith.addi %mul3A_2, %mul3A_271 : i32
      %dma_start3A_273 = tpu.memref_slice %arg4[%add3A_272] : memref<320000xi32, #tpu.memory_space<hbm>> -> memref<80xi32, #tpu.memory_space<hbm>>
      %dma_start3A_274 = tpu.memref_slice %arg4[%add3A_272] : memref<320000xi32, #tpu.memory_space<hbm>> -> memref<80xi32, #tpu.memory_space<hbm>>
      tpu.enqueue_dma source(%dma_start3A_274 : memref<80xi32, #tpu.memory_space<hbm>>) target(%arg10 : memref<80xi32, #tpu.memory_space<vmem>>) target_semaphore(%arg20 : memref<!tpu.dma_semaphore, #tpu.memory_space<semaphore_mem>>)
      %add3A_275 = arith.constant 3 : i32
      %add3A_276 = arith.addi %mul3A_161, %add3A_275 : i32
      %add3A_277 = arith.constant 1 : i32
      %add3A_278 = arith.addi %add3A_276, %add3A_277 : i32
      %min3A_279 = arith.constant 124 : i32
      %min3A_280 = arith.minsi %add3A_278, %min3A_279 : i32
      %mul3A_281 = arith.constant 80 : i32
      %mul3A_282 = arith.muli %min3A_280, %mul3A_281 : i32
      %add3A_283 = arith.addi %mul3A_2, %mul3A_282 : i32
      %dma_wait3A_284 = tpu.memref_slice %arg3[%add3A_283] : memref<320000xi32, #tpu.memory_space<hbm>> -> memref<80xi32, #tpu.memory_space<hbm>>
      %dma_wait3A_285 = tpu.memref_slice %arg3[%add3A_283] : memref<320000xi32, #tpu.memory_space<hbm>> -> memref<80xi32, #tpu.memory_space<hbm>>
      tpu.wait_dma2 semaphore(%arg17 : memref<!tpu.dma_semaphore, #tpu.memory_space<semaphore_mem>>) src(%dma_wait3A_285 : memref<80xi32, #tpu.memory_space<hbm>>) dst(%arg7 : memref<80xi32, #tpu.memory_space<vmem>>)
      %dma_start3A_286 = arith.constant 0 : i32
      %dma_start3A_287 = arith.constant 0 : i32
      %dma_start3A_288 = tpu.memref_slice %arg2[%dma_start3A_286, %dma_start3A_287] : memref<10240x128xf32, #tpu.memory_space<hbm>> -> memref<10240x128xf32, #tpu.memory_space<hbm>>
      tpu.enqueue_indirect_dma source(%dma_start3A_288 : memref<10240x128xf32, #tpu.memory_space<hbm>>) target(%arg13 : memref<80x128xf32, #tpu.memory_space<vmem>>) offsets(%arg7 : memref<80xi32, #tpu.memory_space<vmem>>) semaphore(%arg23 : memref<!tpu.dma_semaphore, #tpu.memory_space<semaphore_mem>>)
      %dma_wait3A_289 = arith.constant 0 : i32
      %dma_wait3A_290 = arith.constant 0 : i32
      %dma_wait3A_291 = tpu.memref_slice %arg15[%dma_wait3A_289, %dma_wait3A_290] : memref<10240x128xf32, #tpu.memory_space<vmem_shared>> -> memref<10240x128xf32, #tpu.memory_space<vmem_shared>>
      tpu.wait_indirect_dma semaphore(%arg27 : memref<!tpu.dma_semaphore, #tpu.memory_space<semaphore_mem>>) src(%arg14 : memref<80x128xf32, #tpu.memory_space<vmem>>) dst(%dma_wait3A_291 : memref<10240x128xf32, #tpu.memory_space<vmem_shared>>)
      %add3A_292 = arith.constant 3 : i32
      %add3A_293 = arith.addi %mul3A_161, %add3A_292 : i32
      %add3A_294 = arith.constant 2 : i32
      %add3A_295 = arith.addi %add3A_293, %add3A_294 : i32
      %min3A_296 = arith.constant 124 : i32
      %min3A_297 = arith.minsi %add3A_295, %min3A_296 : i32
      %mul3A_298 = arith.constant 80 : i32
      %mul3A_299 = arith.muli %min3A_297, %mul3A_298 : i32
      %add3A_300 = arith.addi %mul3A_2, %mul3A_299 : i32
      %dma_start3A_301 = tpu.memref_slice %arg4[%add3A_300] : memref<320000xi32, #tpu.memory_space<hbm>> -> memref<80xi32, #tpu.memory_space<hbm>>
      %dma_start3A_302 = tpu.memref_slice %arg4[%add3A_300] : memref<320000xi32, #tpu.memory_space<hbm>> -> memref<80xi32, #tpu.memory_space<hbm>>
      tpu.enqueue_dma source(%dma_start3A_302 : memref<80xi32, #tpu.memory_space<hbm>>) target(%arg11 : memref<80xi32, #tpu.memory_space<vmem>>) target_semaphore(%arg21 : memref<!tpu.dma_semaphore, #tpu.memory_space<semaphore_mem>>)
      %add3A_303 = arith.constant 3 : i32
      %add3A_304 = arith.addi %mul3A_161, %add3A_303 : i32
      %add3A_305 = arith.constant 2 : i32
      %add3A_306 = arith.addi %add3A_304, %add3A_305 : i32
      %min3A_307 = arith.constant 124 : i32
      %min3A_308 = arith.minsi %add3A_306, %min3A_307 : i32
      %mul3A_309 = arith.constant 80 : i32
      %mul3A_310 = arith.muli %min3A_308, %mul3A_309 : i32
      %add3A_311 = arith.addi %mul3A_2, %mul3A_310 : i32
      %dma_wait3A_312 = tpu.memref_slice %arg3[%add3A_311] : memref<320000xi32, #tpu.memory_space<hbm>> -> memref<80xi32, #tpu.memory_space<hbm>>
      %dma_wait3A_313 = tpu.memref_slice %arg3[%add3A_311] : memref<320000xi32, #tpu.memory_space<hbm>> -> memref<80xi32, #tpu.memory_space<hbm>>
      tpu.wait_dma2 semaphore(%arg18 : memref<!tpu.dma_semaphore, #tpu.memory_space<semaphore_mem>>) src(%dma_wait3A_313 : memref<80xi32, #tpu.memory_space<hbm>>) dst(%arg8 : memref<80xi32, #tpu.memory_space<vmem>>)
      %dma_start3A_314 = arith.constant 0 : i32
      %dma_start3A_315 = arith.constant 0 : i32
      %dma_start3A_316 = tpu.memref_slice %arg2[%dma_start3A_314, %dma_start3A_315] : memref<10240x128xf32, #tpu.memory_space<hbm>> -> memref<10240x128xf32, #tpu.memory_space<hbm>>
      tpu.enqueue_indirect_dma source(%dma_start3A_316 : memref<10240x128xf32, #tpu.memory_space<hbm>>) target(%arg14 : memref<80x128xf32, #tpu.memory_space<vmem>>) offsets(%arg8 : memref<80xi32, #tpu.memory_space<vmem>>) semaphore(%arg24 : memref<!tpu.dma_semaphore, #tpu.memory_space<semaphore_mem>>)
      %scan3A_317 = arith.constant 0 : i32
      scf.yield %scan3A_317 : i32
    }
    %scan3A_91 = arith.constant 41 : i32
    %dma_wait3A_92 = arith.constant 0 : i32
    %dma_wait3A_93 = arith.constant 0 : i32
    %dma_wait3A_94 = tpu.memref_slice %arg2[%dma_wait3A_92, %dma_wait3A_93] : memref<10240x128xf32, #tpu.memory_space<hbm>> -> memref<10240x128xf32, #tpu.memory_space<hbm>>
    tpu.wait_indirect_dma semaphore(%arg22 : memref<!tpu.dma_semaphore, #tpu.memory_space<semaphore_mem>>) src(%dma_wait3A_94 : memref<10240x128xf32, #tpu.memory_space<hbm>>) dst(%arg12 : memref<80x128xf32, #tpu.memory_space<vmem>>)
    %add3A_95 = arith.constant 9840 : i32
    %add3A_96 = arith.addi %mul3A_2, %add3A_95 : i32
    %dma_wait3A_97 = tpu.memref_slice %arg4[%add3A_96] : memref<320000xi32, #tpu.memory_space<hbm>> -> memref<80xi32, #tpu.memory_space<hbm>>
    %dma_wait3A_98 = tpu.memref_slice %arg4[%add3A_96] : memref<320000xi32, #tpu.memory_space<hbm>> -> memref<80xi32, #tpu.memory_space<hbm>>
    tpu.wait_dma2 semaphore(%arg19 : memref<!tpu.dma_semaphore, #tpu.memory_space<semaphore_mem>>) src(%dma_wait3A_98 : memref<80xi32, #tpu.memory_space<hbm>>) dst(%arg9 : memref<80xi32, #tpu.memory_space<vmem>>)
    %dma_start3A_99 = arith.constant 0 : i32
    %dma_start3A_100 = arith.constant 0 : i32
    %dma_start3A_101 = tpu.memref_slice %arg15[%dma_start3A_99, %dma_start3A_100] : memref<10240x128xf32, #tpu.memory_space<vmem_shared>> -> memref<10240x128xf32, #tpu.memory_space<vmem_shared>>
    tpu.enqueue_indirect_dma source(%arg12 : memref<80x128xf32, #tpu.memory_space<vmem>>) target(%dma_start3A_101 : memref<10240x128xf32, #tpu.memory_space<vmem_shared>>) offsets(%arg9 : memref<80xi32, #tpu.memory_space<vmem>>) semaphore(%arg25 : memref<!tpu.dma_semaphore, #tpu.memory_space<semaphore_mem>>) {add = true}
    %dma_wait3A_102 = arith.constant 0 : i32
    %dma_wait3A_103 = arith.constant 0 : i32
    %dma_wait3A_104 = tpu.memref_slice %arg2[%dma_wait3A_102, %dma_wait3A_103] : memref<10240x128xf32, #tpu.memory_space<hbm>> -> memref<10240x128xf32, #tpu.memory_space<hbm>>
    tpu.wait_indirect_dma semaphore(%arg23 : memref<!tpu.dma_semaphore, #tpu.memory_space<semaphore_mem>>) src(%dma_wait3A_104 : memref<10240x128xf32, #tpu.memory_space<hbm>>) dst(%arg13 : memref<80x128xf32, #tpu.memory_space<vmem>>)
    %add3A_105 = arith.constant 9920 : i32
    %add3A_106 = arith.addi %mul3A_2, %add3A_105 : i32
    %dma_wait3A_107 = tpu.memref_slice %arg4[%add3A_106] : memref<320000xi32, #tpu.memory_space<hbm>> -> memref<80xi32, #tpu.memory_space<hbm>>
    %dma_wait3A_108 = tpu.memref_slice %arg4[%add3A_106] : memref<320000xi32, #tpu.memory_space<hbm>> -> memref<80xi32, #tpu.memory_space<hbm>>
    tpu.wait_dma2 semaphore(%arg20 : memref<!tpu.dma_semaphore, #tpu.memory_space<semaphore_mem>>) src(%dma_wait3A_108 : memref<80xi32, #tpu.memory_space<hbm>>) dst(%arg10 : memref<80xi32, #tpu.memory_space<vmem>>)
    %dma_start3A_109 = arith.constant 0 : i32
    %dma_start3A_110 = arith.constant 0 : i32
    %dma_start3A_111 = tpu.memref_slice %arg15[%dma_start3A_109, %dma_start3A_110] : memref<10240x128xf32, #tpu.memory_space<vmem_shared>> -> memref<10240x128xf32, #tpu.memory_space<vmem_shared>>
    tpu.enqueue_indirect_dma source(%arg13 : memref<80x128xf32, #tpu.memory_space<vmem>>) target(%dma_start3A_111 : memref<10240x128xf32, #tpu.memory_space<vmem_shared>>) offsets(%arg10 : memref<80xi32, #tpu.memory_space<vmem>>) semaphore(%arg26 : memref<!tpu.dma_semaphore, #tpu.memory_space<semaphore_mem>>) {add = true}
    %dma_wait3A_112 = arith.constant 0 : i32
    %dma_wait3A_113 = arith.constant 0 : i32
    %dma_wait3A_114 = tpu.memref_slice %arg2[%dma_wait3A_112, %dma_wait3A_113] : memref<10240x128xf32, #tpu.memory_space<hbm>> -> memref<10240x128xf32, #tpu.memory_space<hbm>>
    tpu.wait_indirect_dma semaphore(%arg24 : memref<!tpu.dma_semaphore, #tpu.memory_space<semaphore_mem>>) src(%dma_wait3A_114 : memref<10240x128xf32, #tpu.memory_space<hbm>>) dst(%arg14 : memref<80x128xf32, #tpu.memory_space<vmem>>)
    %add3A_115 = arith.constant 9920 : i32
    %add3A_116 = arith.addi %mul3A_2, %add3A_115 : i32
    %dma_wait3A_117 = tpu.memref_slice %arg4[%add3A_116] : memref<320000xi32, #tpu.memory_space<hbm>> -> memref<80xi32, #tpu.memory_space<hbm>>
    %dma_wait3A_118 = tpu.memref_slice %arg4[%add3A_116] : memref<320000xi32, #tpu.memory_space<hbm>> -> memref<80xi32, #tpu.memory_space<hbm>>
    tpu.wait_dma2 semaphore(%arg21 : memref<!tpu.dma_semaphore, #tpu.memory_space<semaphore_mem>>) src(%dma_wait3A_118 : memref<80xi32, #tpu.memory_space<hbm>>) dst(%arg11 : memref<80xi32, #tpu.memory_space<vmem>>)
    %dma_wait3A_119 = arith.constant 0 : i32
    %dma_wait3A_120 = arith.constant 0 : i32
    %dma_wait3A_121 = tpu.memref_slice %arg15[%dma_wait3A_119, %dma_wait3A_120] : memref<10240x128xf32, #tpu.memory_space<vmem_shared>> -> memref<10240x128xf32, #tpu.memory_space<vmem_shared>>
    tpu.wait_indirect_dma semaphore(%arg25 : memref<!tpu.dma_semaphore, #tpu.memory_space<semaphore_mem>>) src(%arg12 : memref<80x128xf32, #tpu.memory_space<vmem>>) dst(%dma_wait3A_121 : memref<10240x128xf32, #tpu.memory_space<vmem_shared>>)
    %dma_wait3A_122 = arith.constant 0 : i32
    %dma_wait3A_123 = arith.constant 0 : i32
    %dma_wait3A_124 = tpu.memref_slice %arg15[%dma_wait3A_122, %dma_wait3A_123] : memref<10240x128xf32, #tpu.memory_space<vmem_shared>> -> memref<10240x128xf32, #tpu.memory_space<vmem_shared>>
    tpu.wait_indirect_dma semaphore(%arg26 : memref<!tpu.dma_semaphore, #tpu.memory_space<semaphore_mem>>) src(%arg13 : memref<80x128xf32, #tpu.memory_space<vmem>>) dst(%dma_wait3A_124 : memref<10240x128xf32, #tpu.memory_space<vmem_shared>>)
    %barrier3A_125 = arith.constant 0 : index
    tpu.barrier barrier_id(%barrier3A_125)
    %mul3A_126 = arith.constant 640 : i32
    %mul3A_127 = arith.muli %arg1, %mul3A_126 : i32
    %add3A_128 = arith.constant 0 : i32
    %add3A_129 = arith.addi %mul3A_127, %add3A_128 : i32
    "tpu.region"() ({
      %run_scoped3A = tpu.sem_alloc : memref<!tpu.dma_semaphore, #tpu.memory_space<semaphore_mem>>
      %dma_start3A_158 = arith.constant 0 : i32
      %dma_start3A_159 = tpu.memref_slice %arg5[%arg0, %add3A_129, %dma_start3A_158] : memref<2x10240x128xf32, #tpu.memory_space<hbm>> -> memref<1x80x128xf32, #tpu.memory_space<hbm>>
      %dma_start3A_160 = tpu.memref_squeeze %dma_start3A_159 : memref<1x80x128xf32, #tpu.memory_space<hbm>> -> memref<80x128xf32, #tpu.memory_space<hbm>>
      %dma_start3A_161 = arith.constant 0 : i32
      %dma_start3A_162 = tpu.memref_slice %arg15[%add3A_129, %dma_start3A_161] : memref<10240x128xf32, #tpu.memory_space<vmem_shared>> -> memref<80x128xf32, #tpu.memory_space<vmem_shared>>
      tpu.enqueue_dma source(%dma_start3A_162 : memref<80x128xf32, #tpu.memory_space<vmem_shared>>) target(%dma_start3A_160 : memref<80x128xf32, #tpu.memory_space<hbm>>) target_semaphore(%run_scoped3A : memref<!tpu.dma_semaphore, #tpu.memory_space<semaphore_mem>>)
      %dma_wait3A_163 = arith.constant 0 : i32
      %dma_wait3A_164 = tpu.memref_slice %arg5[%arg0, %add3A_129, %dma_wait3A_163] : memref<2x10240x128xf32, #tpu.memory_space<hbm>> -> memref<1x80x128xf32, #tpu.memory_space<hbm>>
      %dma_wait3A_165 = tpu.memref_squeeze %dma_wait3A_164 : memref<1x80x128xf32, #tpu.memory_space<hbm>> -> memref<80x128xf32, #tpu.memory_space<hbm>>
      %dma_wait3A_166 = arith.constant 0 : i32
      %dma_wait3A_167 = tpu.memref_slice %arg15[%add3A_129, %dma_wait3A_166] : memref<10240x128xf32, #tpu.memory_space<vmem_shared>> -> memref<80x128xf32, #tpu.memory_space<vmem_shared>>
      tpu.wait_dma2 semaphore(%run_scoped3A : memref<!tpu.dma_semaphore, #tpu.memory_space<semaphore_mem>>) src(%dma_wait3A_167 : memref<80x128xf32, #tpu.memory_space<vmem_shared>>) dst(%dma_wait3A_165 : memref<80x128xf32, #tpu.memory_space<hbm>>)
      tpu.yield
    }) : () -> ()
    %mul3A_130 = arith.constant 640 : i32
    %mul3A_131 = arith.muli %arg1, %mul3A_130 : i32
    %add3A_132 = arith.constant 80 : i32
    %add3A_133 = arith.addi %mul3A_131, %add3A_132 : i32
    "tpu.region"() ({
      %run_scoped3A = tpu.sem_alloc : memref<!tpu.dma_semaphore, #tpu.memory_space<semaphore_mem>>
      %dma_start3A_158 = arith.constant 0 : i32
      %dma_start3A_159 = tpu.memref_slice %arg5[%arg0, %add3A_133, %dma_start3A_158] : memref<2x10240x128xf32, #tpu.memory_space<hbm>> -> memref<1x80x128xf32, #tpu.memory_space<hbm>>
      %dma_start3A_160 = tpu.memref_squeeze %dma_start3A_159 : memref<1x80x128xf32, #tpu.memory_space<hbm>> -> memref<80x128xf32, #tpu.memory_space<hbm>>
      %dma_start3A_161 = arith.constant 0 : i32
      %dma_start3A_162 = tpu.memref_slice %arg15[%add3A_133, %dma_start3A_161] : memref<10240x128xf32, #tpu.memory_space<vmem_shared>> -> memref<80x128xf32, #tpu.memory_space<vmem_shared>>
      tpu.enqueue_dma source(%dma_start3A_162 : memref<80x128xf32, #tpu.memory_space<vmem_shared>>) target(%dma_start3A_160 : memref<80x128xf32, #tpu.memory_space<hbm>>) target_semaphore(%run_scoped3A : memref<!tpu.dma_semaphore, #tpu.memory_space<semaphore_mem>>)
      %dma_wait3A_163 = arith.constant 0 : i32
      %dma_wait3A_164 = tpu.memref_slice %arg5[%arg0, %add3A_133, %dma_wait3A_163] : memref<2x10240x128xf32, #tpu.memory_space<hbm>> -> memref<1x80x128xf32, #tpu.memory_space<hbm>>
      %dma_wait3A_165 = tpu.memref_squeeze %dma_wait3A_164 : memref<1x80x128xf32, #tpu.memory_space<hbm>> -> memref<80x128xf32, #tpu.memory_space<hbm>>
      %dma_wait3A_166 = arith.constant 0 : i32
      %dma_wait3A_167 = tpu.memref_slice %arg15[%add3A_133, %dma_wait3A_166] : memref<10240x128xf32, #tpu.memory_space<vmem_shared>> -> memref<80x128xf32, #tpu.memory_space<vmem_shared>>
      tpu.wait_dma2 semaphore(%run_scoped3A : memref<!tpu.dma_semaphore, #tpu.memory_space<semaphore_mem>>) src(%dma_wait3A_167 : memref<80x128xf32, #tpu.memory_space<vmem_shared>>) dst(%dma_wait3A_165 : memref<80x128xf32, #tpu.memory_space<hbm>>)
      tpu.yield
    }) : () -> ()
    %mul3A_134 = arith.constant 640 : i32
    %mul3A_135 = arith.muli %arg1, %mul3A_134 : i32
    %add3A_136 = arith.constant 160 : i32
    %add3A_137 = arith.addi %mul3A_135, %add3A_136 : i32
    "tpu.region"() ({
      %run_scoped3A = tpu.sem_alloc : memref<!tpu.dma_semaphore, #tpu.memory_space<semaphore_mem>>
      %dma_start3A_158 = arith.constant 0 : i32
      %dma_start3A_159 = tpu.memref_slice %arg5[%arg0, %add3A_137, %dma_start3A_158] : memref<2x10240x128xf32, #tpu.memory_space<hbm>> -> memref<1x80x128xf32, #tpu.memory_space<hbm>>
      %dma_start3A_160 = tpu.memref_squeeze %dma_start3A_159 : memref<1x80x128xf32, #tpu.memory_space<hbm>> -> memref<80x128xf32, #tpu.memory_space<hbm>>
      %dma_start3A_161 = arith.constant 0 : i32
      %dma_start3A_162 = tpu.memref_slice %arg15[%add3A_137, %dma_start3A_161] : memref<10240x128xf32, #tpu.memory_space<vmem_shared>> -> memref<80x128xf32, #tpu.memory_space<vmem_shared>>
      tpu.enqueue_dma source(%dma_start3A_162 : memref<80x128xf32, #tpu.memory_space<vmem_shared>>) target(%dma_start3A_160 : memref<80x128xf32, #tpu.memory_space<hbm>>) target_semaphore(%run_scoped3A : memref<!tpu.dma_semaphore, #tpu.memory_space<semaphore_mem>>)
      %dma_wait3A_163 = arith.constant 0 : i32
      %dma_wait3A_164 = tpu.memref_slice %arg5[%arg0, %add3A_137, %dma_wait3A_163] : memref<2x10240x128xf32, #tpu.memory_space<hbm>> -> memref<1x80x128xf32, #tpu.memory_space<hbm>>
      %dma_wait3A_165 = tpu.memref_squeeze %dma_wait3A_164 : memref<1x80x128xf32, #tpu.memory_space<hbm>> -> memref<80x128xf32, #tpu.memory_space<hbm>>
      %dma_wait3A_166 = arith.constant 0 : i32
      %dma_wait3A_167 = tpu.memref_slice %arg15[%add3A_137, %dma_wait3A_166] : memref<10240x128xf32, #tpu.memory_space<vmem_shared>> -> memref<80x128xf32, #tpu.memory_space<vmem_shared>>
      tpu.wait_dma2 semaphore(%run_scoped3A : memref<!tpu.dma_semaphore, #tpu.memory_space<semaphore_mem>>) src(%dma_wait3A_167 : memref<80x128xf32, #tpu.memory_space<vmem_shared>>) dst(%dma_wait3A_165 : memref<80x128xf32, #tpu.memory_space<hbm>>)
      tpu.yield
    }) : () -> ()
    %mul3A_138 = arith.constant 640 : i32
    %mul3A_139 = arith.muli %arg1, %mul3A_138 : i32
    %add3A_140 = arith.constant 240 : i32
    %add3A_141 = arith.addi %mul3A_139, %add3A_140 : i32
    "tpu.region"() ({
      %run_scoped3A = tpu.sem_alloc : memref<!tpu.dma_semaphore, #tpu.memory_space<semaphore_mem>>
      %dma_start3A_158 = arith.constant 0 : i32
      %dma_start3A_159 = tpu.memref_slice %arg5[%arg0, %add3A_141, %dma_start3A_158] : memref<2x10240x128xf32, #tpu.memory_space<hbm>> -> memref<1x80x128xf32, #tpu.memory_space<hbm>>
      %dma_start3A_160 = tpu.memref_squeeze %dma_start3A_159 : memref<1x80x128xf32, #tpu.memory_space<hbm>> -> memref<80x128xf32, #tpu.memory_space<hbm>>
      %dma_start3A_161 = arith.constant 0 : i32
      %dma_start3A_162 = tpu.memref_slice %arg15[%add3A_141, %dma_start3A_161] : memref<10240x128xf32, #tpu.memory_space<vmem_shared>> -> memref<80x128xf32, #tpu.memory_space<vmem_shared>>
      tpu.enqueue_dma source(%dma_start3A_162 : memref<80x128xf32, #tpu.memory_space<vmem_shared>>) target(%dma_start3A_160 : memref<80x128xf32, #tpu.memory_space<hbm>>) target_semaphore(%run_scoped3A : memref<!tpu.dma_semaphore, #tpu.memory_space<semaphore_mem>>)
      %dma_wait3A_163 = arith.constant 0 : i32
      %dma_wait3A_164 = tpu.memref_slice %arg5[%arg0, %add3A_141, %dma_wait3A_163] : memref<2x10240x128xf32, #tpu.memory_space<hbm>> -> memref<1x80x128xf32, #tpu.memory_space<hbm>>
      %dma_wait3A_165 = tpu.memref_squeeze %dma_wait3A_164 : memref<1x80x128xf32, #tpu.memory_space<hbm>> -> memref<80x128xf32, #tpu.memory_space<hbm>>
      %dma_wait3A_166 = arith.constant 0 : i32
      %dma_wait3A_167 = tpu.memref_slice %arg15[%add3A_141, %dma_wait3A_166] : memref<10240x128xf32, #tpu.memory_space<vmem_shared>> -> memref<80x128xf32, #tpu.memory_space<vmem_shared>>
      tpu.wait_dma2 semaphore(%run_scoped3A : memref<!tpu.dma_semaphore, #tpu.memory_space<semaphore_mem>>) src(%dma_wait3A_167 : memref<80x128xf32, #tpu.memory_space<vmem_shared>>) dst(%dma_wait3A_165 : memref<80x128xf32, #tpu.memory_space<hbm>>)
      tpu.yield
    }) : () -> ()
    %mul3A_142 = arith.constant 640 : i32
    %mul3A_143 = arith.muli %arg1, %mul3A_142 : i32
    %add3A_144 = arith.constant 320 : i32
    %add3A_145 = arith.addi %mul3A_143, %add3A_144 : i32
    "tpu.region"() ({
      %run_scoped3A = tpu.sem_alloc : memref<!tpu.dma_semaphore, #tpu.memory_space<semaphore_mem>>
      %dma_start3A_158 = arith.constant 0 : i32
      %dma_start3A_159 = tpu.memref_slice %arg5[%arg0, %add3A_145, %dma_start3A_158] : memref<2x10240x128xf32, #tpu.memory_space<hbm>> -> memref<1x80x128xf32, #tpu.memory_space<hbm>>
      %dma_start3A_160 = tpu.memref_squeeze %dma_start3A_159 : memref<1x80x128xf32, #tpu.memory_space<hbm>> -> memref<80x128xf32, #tpu.memory_space<hbm>>
      %dma_start3A_161 = arith.constant 0 : i32
      %dma_start3A_162 = tpu.memref_slice %arg15[%add3A_145, %dma_start3A_161] : memref<10240x128xf32, #tpu.memory_space<vmem_shared>> -> memref<80x128xf32, #tpu.memory_space<vmem_shared>>
      tpu.enqueue_dma source(%dma_start3A_162 : memref<80x128xf32, #tpu.memory_space<vmem_shared>>) target(%dma_start3A_160 : memref<80x128xf32, #tpu.memory_space<hbm>>) target_semaphore(%run_scoped3A : memref<!tpu.dma_semaphore, #tpu.memory_space<semaphore_mem>>)
      %dma_wait3A_163 = arith.constant 0 : i32
      %dma_wait3A_164 = tpu.memref_slice %arg5[%arg0, %add3A_145, %dma_wait3A_163] : memref<2x10240x128xf32, #tpu.memory_space<hbm>> -> memref<1x80x128xf32, #tpu.memory_space<hbm>>
      %dma_wait3A_165 = tpu.memref_squeeze %dma_wait3A_164 : memref<1x80x128xf32, #tpu.memory_space<hbm>> -> memref<80x128xf32, #tpu.memory_space<hbm>>
      %dma_wait3A_166 = arith.constant 0 : i32
      %dma_wait3A_167 = tpu.memref_slice %arg15[%add3A_145, %dma_wait3A_166] : memref<10240x128xf32, #tpu.memory_space<vmem_shared>> -> memref<80x128xf32, #tpu.memory_space<vmem_shared>>
      tpu.wait_dma2 semaphore(%run_scoped3A : memref<!tpu.dma_semaphore, #tpu.memory_space<semaphore_mem>>) src(%dma_wait3A_167 : memref<80x128xf32, #tpu.memory_space<vmem_shared>>) dst(%dma_wait3A_165 : memref<80x128xf32, #tpu.memory_space<hbm>>)
      tpu.yield
    }) : () -> ()
    %mul3A_146 = arith.constant 640 : i32
    %mul3A_147 = arith.muli %arg1, %mul3A_146 : i32
    %add3A_148 = arith.constant 400 : i32
    %add3A_149 = arith.addi %mul3A_147, %add3A_148 : i32
    "tpu.region"() ({
      %run_scoped3A = tpu.sem_alloc : memref<!tpu.dma_semaphore, #tpu.memory_space<semaphore_mem>>
      %dma_start3A_158 = arith.constant 0 : i32
      %dma_start3A_159 = tpu.memref_slice %arg5[%arg0, %add3A_149, %dma_start3A_158] : memref<2x10240x128xf32, #tpu.memory_space<hbm>> -> memref<1x80x128xf32, #tpu.memory_space<hbm>>
      %dma_start3A_160 = tpu.memref_squeeze %dma_start3A_159 : memref<1x80x128xf32, #tpu.memory_space<hbm>> -> memref<80x128xf32, #tpu.memory_space<hbm>>
      %dma_start3A_161 = arith.constant 0 : i32
      %dma_start3A_162 = tpu.memref_slice %arg15[%add3A_149, %dma_start3A_161] : memref<10240x128xf32, #tpu.memory_space<vmem_shared>> -> memref<80x128xf32, #tpu.memory_space<vmem_shared>>
      tpu.enqueue_dma source(%dma_start3A_162 : memref<80x128xf32, #tpu.memory_space<vmem_shared>>) target(%dma_start3A_160 : memref<80x128xf32, #tpu.memory_space<hbm>>) target_semaphore(%run_scoped3A : memref<!tpu.dma_semaphore, #tpu.memory_space<semaphore_mem>>)
      %dma_wait3A_163 = arith.constant 0 : i32
      %dma_wait3A_164 = tpu.memref_slice %arg5[%arg0, %add3A_149, %dma_wait3A_163] : memref<2x10240x128xf32, #tpu.memory_space<hbm>> -> memref<1x80x128xf32, #tpu.memory_space<hbm>>
      %dma_wait3A_165 = tpu.memref_squeeze %dma_wait3A_164 : memref<1x80x128xf32, #tpu.memory_space<hbm>> -> memref<80x128xf32, #tpu.memory_space<hbm>>
      %dma_wait3A_166 = arith.constant 0 : i32
      %dma_wait3A_167 = tpu.memref_slice %arg15[%add3A_149, %dma_wait3A_166] : memref<10240x128xf32, #tpu.memory_space<vmem_shared>> -> memref<80x128xf32, #tpu.memory_space<vmem_shared>>
      tpu.wait_dma2 semaphore(%run_scoped3A : memref<!tpu.dma_semaphore, #tpu.memory_space<semaphore_mem>>) src(%dma_wait3A_167 : memref<80x128xf32, #tpu.memory_space<vmem_shared>>) dst(%dma_wait3A_165 : memref<80x128xf32, #tpu.memory_space<hbm>>)
      tpu.yield
    }) : () -> ()
    %mul3A_150 = arith.constant 640 : i32
    %mul3A_151 = arith.muli %arg1, %mul3A_150 : i32
    %add3A_152 = arith.constant 480 : i32
    %add3A_153 = arith.addi %mul3A_151, %add3A_152 : i32
    "tpu.region"() ({
      %run_scoped3A = tpu.sem_alloc : memref<!tpu.dma_semaphore, #tpu.memory_space<semaphore_mem>>
      %dma_start3A_158 = arith.constant 0 : i32
      %dma_start3A_159 = tpu.memref_slice %arg5[%arg0, %add3A_153, %dma_start3A_158] : memref<2x10240x128xf32, #tpu.memory_space<hbm>> -> memref<1x80x128xf32, #tpu.memory_space<hbm>>
      %dma_start3A_160 = tpu.memref_squeeze %dma_start3A_159 : memref<1x80x128xf32, #tpu.memory_space<hbm>> -> memref<80x128xf32, #tpu.memory_space<hbm>>
      %dma_start3A_161 = arith.constant 0 : i32
      %dma_start3A_162 = tpu.memref_slice %arg15[%add3A_153, %dma_start3A_161] : memref<10240x128xf32, #tpu.memory_space<vmem_shared>> -> memref<80x128xf32, #tpu.memory_space<vmem_shared>>
      tpu.enqueue_dma source(%dma_start3A_162 : memref<80x128xf32, #tpu.memory_space<vmem_shared>>) target(%dma_start3A_160 : memref<80x128xf32, #tpu.memory_space<hbm>>) target_semaphore(%run_scoped3A : memref<!tpu.dma_semaphore, #tpu.memory_space<semaphore_mem>>)
      %dma_wait3A_163 = arith.constant 0 : i32
      %dma_wait3A_164 = tpu.memref_slice %arg5[%arg0, %add3A_153, %dma_wait3A_163] : memref<2x10240x128xf32, #tpu.memory_space<hbm>> -> memref<1x80x128xf32, #tpu.memory_space<hbm>>
      %dma_wait3A_165 = tpu.memref_squeeze %dma_wait3A_164 : memref<1x80x128xf32, #tpu.memory_space<hbm>> -> memref<80x128xf32, #tpu.memory_space<hbm>>
      %dma_wait3A_166 = arith.constant 0 : i32
      %dma_wait3A_167 = tpu.memref_slice %arg15[%add3A_153, %dma_wait3A_166] : memref<10240x128xf32, #tpu.memory_space<vmem_shared>> -> memref<80x128xf32, #tpu.memory_space<vmem_shared>>
      tpu.wait_dma2 semaphore(%run_scoped3A : memref<!tpu.dma_semaphore, #tpu.memory_space<semaphore_mem>>) src(%dma_wait3A_167 : memref<80x128xf32, #tpu.memory_space<vmem_shared>>) dst(%dma_wait3A_165 : memref<80x128xf32, #tpu.memory_space<hbm>>)
      tpu.yield
    }) : () -> ()
    %mul3A_154 = arith.constant 640 : i32
    %mul3A_155 = arith.muli %arg1, %mul3A_154 : i32
    %add3A_156 = arith.constant 560 : i32
    %add3A_157 = arith.addi %mul3A_155, %add3A_156 : i32
    "tpu.region"() ({
      %run_scoped3A = tpu.sem_alloc : memref<!tpu.dma_semaphore, #tpu.memory_space<semaphore_mem>>
      %dma_start3A_158 = arith.constant 0 : i32
      %dma_start3A_159 = tpu.memref_slice %arg5[%arg0, %add3A_157, %dma_start3A_158] : memref<2x10240x128xf32, #tpu.memory_space<hbm>> -> memref<1x80x128xf32, #tpu.memory_space<hbm>>
      %dma_start3A_160 = tpu.memref_squeeze %dma_start3A_159 : memref<1x80x128xf32, #tpu.memory_space<hbm>> -> memref<80x128xf32, #tpu.memory_space<hbm>>
      %dma_start3A_161 = arith.constant 0 : i32
      %dma_start3A_162 = tpu.memref_slice %arg15[%add3A_157, %dma_start3A_161] : memref<10240x128xf32, #tpu.memory_space<vmem_shared>> -> memref<80x128xf32, #tpu.memory_space<vmem_shared>>
      tpu.enqueue_dma source(%dma_start3A_162 : memref<80x128xf32, #tpu.memory_space<vmem_shared>>) target(%dma_start3A_160 : memref<80x128xf32, #tpu.memory_space<hbm>>) target_semaphore(%run_scoped3A : memref<!tpu.dma_semaphore, #tpu.memory_space<semaphore_mem>>)
      %dma_wait3A_163 = arith.constant 0 : i32
      %dma_wait3A_164 = tpu.memref_slice %arg5[%arg0, %add3A_157, %dma_wait3A_163] : memref<2x10240x128xf32, #tpu.memory_space<hbm>> -> memref<1x80x128xf32, #tpu.memory_space<hbm>>
      %dma_wait3A_165 = tpu.memref_squeeze %dma_wait3A_164 : memref<1x80x128xf32, #tpu.memory_space<hbm>> -> memref<80x128xf32, #tpu.memory_space<hbm>>
      %dma_wait3A_166 = arith.constant 0 : i32
      %dma_wait3A_167 = tpu.memref_slice %arg15[%add3A_157, %dma_wait3A_166] : memref<10240x128xf32, #tpu.memory_space<vmem_shared>> -> memref<80x128xf32, #tpu.memory_space<vmem_shared>>
      tpu.wait_dma2 semaphore(%run_scoped3A : memref<!tpu.dma_semaphore, #tpu.memory_space<semaphore_mem>>) src(%dma_wait3A_167 : memref<80x128xf32, #tpu.memory_space<vmem_shared>>) dst(%dma_wait3A_165 : memref<80x128xf32, #tpu.memory_space<hbm>>)
      tpu.yield
    }) : () -> ()
    return
  }
}

#map = affine_map<(d0, d1) -> (0)>
#map1 = affine_map<(d0, d1) -> (0, 0, 0)>
module attributes {stable_mosaic.version = 14 : i64} {
  func.func @_deg_kernel(%arg0: i32, %arg1: i32, %arg2: memref<320000xi32, #tpu.memory_space<hbm>>, %arg3: memref<2x10240x128xf32, #tpu.memory_space<hbm>>, %arg4: memref<80xi32, #tpu.memory_space<vmem>>, %arg5: memref<80xi32, #tpu.memory_space<vmem>>, %arg6: memref<80xi32, #tpu.memory_space<vmem>>, %arg7: memref<80x128xf32, #tpu.memory_space<vmem>>, %arg8: memref<10240x128xf32, #tpu.memory_space<vmem_shared>>, %arg9: memref<!tpu.dma_semaphore, #tpu.memory_space<semaphore_mem>>, %arg10: memref<!tpu.dma_semaphore, #tpu.memory_space<semaphore_mem>>, %arg11: memref<!tpu.dma_semaphore, #tpu.memory_space<semaphore_mem>>, %arg12: memref<!tpu.dma_semaphore, #tpu.memory_space<semaphore_mem>>, %arg13: memref<!tpu.dma_semaphore, #tpu.memory_space<semaphore_mem>>, %arg14: memref<!tpu.dma_semaphore, #tpu.memory_space<semaphore_mem>>) attributes {dimension_semantics = [#tpu.dimension_semantics<core_parallel>, #tpu.dimension_semantics<subcore_parallel>], iteration_bounds = array<i64: 2, 16>, scalar_prefetch = 0 : i64, scratch_operands = 11 : i64, tpu.core_type = #tpu.core_type<sc_vector_subcore>, window_params = [{transform_indices = #map}, {transform_indices = #map1}]} {
    %mul3A = arith.constant 16 : i32
    %mul3A_0 = arith.muli %arg0, %mul3A : i32
    %add3A = arith.addi %mul3A_0, %arg1 : i32
    %mul3A_1 = arith.constant 10000 : i32
    %mul3A_2 = arith.muli %add3A, %mul3A_1 : i32
    %broadcast_in_dim3A = arith.constant 0.000000e+00 : f32
    %broadcast_in_dim3A_3 = vector.broadcast %broadcast_in_dim3A : f32 to vector<16xf32>
    %broadcast_in_dim3A_4 = arith.constant 1.000000e+00 : f32
    %broadcast_in_dim3A_5 = vector.broadcast %broadcast_in_dim3A_4 : f32 to vector<16xf32>
    %scan3A = arith.constant 0 : i32
    %scan3A_6 = arith.constant 0 : i32
    %scan3A_7 = arith.constant 640 : i32
    %scan3A_8 = arith.addi %scan3A_6, %scan3A_7 : i32
    %scan3A_9 = arith.constant 1 : i32
    %scan3A_10 = scf.for %scan3A_125 = %scan3A_6 to %scan3A_8 step %scan3A_9 iter_args(%scan3A_126 = %scan3A) -> (i32)  : i32 {
      %shift_right_arithmetic3A = arith.constant 3 : i32
      %shift_right_arithmetic3A_127 = arith.shrsi %scan3A_125, %shift_right_arithmetic3A : i32
      %and3A = arith.constant 7 : i32
      %and3A_128 = arith.andi %scan3A_125, %and3A : i32
      %mul3A_129 = arith.constant 16 : i32
      %mul3A_130 = arith.muli %and3A_128, %mul3A_129 : i32
      %swap3A = arith.index_cast %shift_right_arithmetic3A_127 : i32 to index
      %swap3A_131 = arith.index_cast %mul3A_130 : i32 to index
      %swap3A_132 = tpu.vector_load %arg7[%swap3A, %swap3A_131] {strides = array<i32>} : memref<80x128xf32, #tpu.memory_space<vmem>>, vector<1x16xf32>,
      %swap3A_133 = vector.shape_cast %swap3A_132 : vector<1x16xf32> to vector<16xf32>
      %swap3A_134 = vector.shape_cast %broadcast_in_dim3A_3 : vector<16xf32> to vector<1x16xf32>
      tpu.vector_store %arg7[%swap3A, %swap3A_131], %swap3A_134 {strides = array<i32>} : memref<80x128xf32, #tpu.memory_space<vmem>>, vector<1x16xf32>,
      %scan3A_135 = arith.constant 0 : i32
      scf.yield %scan3A_135 : i32
    }
    %scan3A_11 = arith.constant 640 : i32
    %mul3A_12 = arith.constant 640 : i32
    %mul3A_13 = arith.muli %arg1, %mul3A_12 : i32
    %add3A_14 = arith.constant 0 : i32
    %add3A_15 = arith.addi %mul3A_13, %add3A_14 : i32
    "tpu.region"() ({
      %run_scoped3A = tpu.sem_alloc : memref<!tpu.dma_semaphore, #tpu.memory_space<semaphore_mem>>
      %dma_start3A_125 = arith.constant 0 : i32
      %dma_start3A_126 = tpu.memref_slice %arg8[%add3A_15, %dma_start3A_125] : memref<10240x128xf32, #tpu.memory_space<vmem_shared>> -> memref<80x128xf32, #tpu.memory_space<vmem_shared>>
      %dma_start3A_127 = arith.constant 0 : i32
      %dma_start3A_128 = tpu.memref_slice %arg8[%add3A_15, %dma_start3A_127] : memref<10240x128xf32, #tpu.memory_space<vmem_shared>> -> memref<80x128xf32, #tpu.memory_space<vmem_shared>>
      tpu.enqueue_dma source(%arg7 : memref<80x128xf32, #tpu.memory_space<vmem>>) target(%dma_start3A_128 : memref<80x128xf32, #tpu.memory_space<vmem_shared>>) target_semaphore(%run_scoped3A : memref<!tpu.dma_semaphore, #tpu.memory_space<semaphore_mem>>)
      %dma_wait3A_129 = arith.constant 0 : i32
      %dma_wait3A_130 = tpu.memref_slice %arg8[%add3A_15, %dma_wait3A_129] : memref<10240x128xf32, #tpu.memory_space<vmem_shared>> -> memref<80x128xf32, #tpu.memory_space<vmem_shared>>
      %dma_wait3A_131 = arith.constant 0 : i32
      %dma_wait3A_132 = tpu.memref_slice %arg8[%add3A_15, %dma_wait3A_131] : memref<10240x128xf32, #tpu.memory_space<vmem_shared>> -> memref<80x128xf32, #tpu.memory_space<vmem_shared>>
      tpu.wait_dma2 semaphore(%run_scoped3A : memref<!tpu.dma_semaphore, #tpu.memory_space<semaphore_mem>>) src(%arg7 : memref<80x128xf32, #tpu.memory_space<vmem>>) dst(%dma_wait3A_132 : memref<80x128xf32, #tpu.memory_space<vmem_shared>>)
      tpu.yield
    }) : () -> ()
    %mul3A_16 = arith.constant 640 : i32
    %mul3A_17 = arith.muli %arg1, %mul3A_16 : i32
    %add3A_18 = arith.constant 80 : i32
    %add3A_19 = arith.addi %mul3A_17, %add3A_18 : i32
    "tpu.region"() ({
      %run_scoped3A = tpu.sem_alloc : memref<!tpu.dma_semaphore, #tpu.memory_space<semaphore_mem>>
      %dma_start3A_125 = arith.constant 0 : i32
      %dma_start3A_126 = tpu.memref_slice %arg8[%add3A_19, %dma_start3A_125] : memref<10240x128xf32, #tpu.memory_space<vmem_shared>> -> memref<80x128xf32, #tpu.memory_space<vmem_shared>>
      %dma_start3A_127 = arith.constant 0 : i32
      %dma_start3A_128 = tpu.memref_slice %arg8[%add3A_19, %dma_start3A_127] : memref<10240x128xf32, #tpu.memory_space<vmem_shared>> -> memref<80x128xf32, #tpu.memory_space<vmem_shared>>
      tpu.enqueue_dma source(%arg7 : memref<80x128xf32, #tpu.memory_space<vmem>>) target(%dma_start3A_128 : memref<80x128xf32, #tpu.memory_space<vmem_shared>>) target_semaphore(%run_scoped3A : memref<!tpu.dma_semaphore, #tpu.memory_space<semaphore_mem>>)
      %dma_wait3A_129 = arith.constant 0 : i32
      %dma_wait3A_130 = tpu.memref_slice %arg8[%add3A_19, %dma_wait3A_129] : memref<10240x128xf32, #tpu.memory_space<vmem_shared>> -> memref<80x128xf32, #tpu.memory_space<vmem_shared>>
      %dma_wait3A_131 = arith.constant 0 : i32
      %dma_wait3A_132 = tpu.memref_slice %arg8[%add3A_19, %dma_wait3A_131] : memref<10240x128xf32, #tpu.memory_space<vmem_shared>> -> memref<80x128xf32, #tpu.memory_space<vmem_shared>>
      tpu.wait_dma2 semaphore(%run_scoped3A : memref<!tpu.dma_semaphore, #tpu.memory_space<semaphore_mem>>) src(%arg7 : memref<80x128xf32, #tpu.memory_space<vmem>>) dst(%dma_wait3A_132 : memref<80x128xf32, #tpu.memory_space<vmem_shared>>)
      tpu.yield
    }) : () -> ()
    %mul3A_20 = arith.constant 640 : i32
    %mul3A_21 = arith.muli %arg1, %mul3A_20 : i32
    %add3A_22 = arith.constant 160 : i32
    %add3A_23 = arith.addi %mul3A_21, %add3A_22 : i32
    "tpu.region"() ({
      %run_scoped3A = tpu.sem_alloc : memref<!tpu.dma_semaphore, #tpu.memory_space<semaphore_mem>>
      %dma_start3A_125 = arith.constant 0 : i32
      %dma_start3A_126 = tpu.memref_slice %arg8[%add3A_23, %dma_start3A_125] : memref<10240x128xf32, #tpu.memory_space<vmem_shared>> -> memref<80x128xf32, #tpu.memory_space<vmem_shared>>
      %dma_start3A_127 = arith.constant 0 : i32
      %dma_start3A_128 = tpu.memref_slice %arg8[%add3A_23, %dma_start3A_127] : memref<10240x128xf32, #tpu.memory_space<vmem_shared>> -> memref<80x128xf32, #tpu.memory_space<vmem_shared>>
      tpu.enqueue_dma source(%arg7 : memref<80x128xf32, #tpu.memory_space<vmem>>) target(%dma_start3A_128 : memref<80x128xf32, #tpu.memory_space<vmem_shared>>) target_semaphore(%run_scoped3A : memref<!tpu.dma_semaphore, #tpu.memory_space<semaphore_mem>>)
      %dma_wait3A_129 = arith.constant 0 : i32
      %dma_wait3A_130 = tpu.memref_slice %arg8[%add3A_23, %dma_wait3A_129] : memref<10240x128xf32, #tpu.memory_space<vmem_shared>> -> memref<80x128xf32, #tpu.memory_space<vmem_shared>>
      %dma_wait3A_131 = arith.constant 0 : i32
      %dma_wait3A_132 = tpu.memref_slice %arg8[%add3A_23, %dma_wait3A_131] : memref<10240x128xf32, #tpu.memory_space<vmem_shared>> -> memref<80x128xf32, #tpu.memory_space<vmem_shared>>
      tpu.wait_dma2 semaphore(%run_scoped3A : memref<!tpu.dma_semaphore, #tpu.memory_space<semaphore_mem>>) src(%arg7 : memref<80x128xf32, #tpu.memory_space<vmem>>) dst(%dma_wait3A_132 : memref<80x128xf32, #tpu.memory_space<vmem_shared>>)
      tpu.yield
    }) : () -> ()
    %mul3A_24 = arith.constant 640 : i32
    %mul3A_25 = arith.muli %arg1, %mul3A_24 : i32
    %add3A_26 = arith.constant 240 : i32
    %add3A_27 = arith.addi %mul3A_25, %add3A_26 : i32
    "tpu.region"() ({
      %run_scoped3A = tpu.sem_alloc : memref<!tpu.dma_semaphore, #tpu.memory_space<semaphore_mem>>
      %dma_start3A_125 = arith.constant 0 : i32
      %dma_start3A_126 = tpu.memref_slice %arg8[%add3A_27, %dma_start3A_125] : memref<10240x128xf32, #tpu.memory_space<vmem_shared>> -> memref<80x128xf32, #tpu.memory_space<vmem_shared>>
      %dma_start3A_127 = arith.constant 0 : i32
      %dma_start3A_128 = tpu.memref_slice %arg8[%add3A_27, %dma_start3A_127] : memref<10240x128xf32, #tpu.memory_space<vmem_shared>> -> memref<80x128xf32, #tpu.memory_space<vmem_shared>>
      tpu.enqueue_dma source(%arg7 : memref<80x128xf32, #tpu.memory_space<vmem>>) target(%dma_start3A_128 : memref<80x128xf32, #tpu.memory_space<vmem_shared>>) target_semaphore(%run_scoped3A : memref<!tpu.dma_semaphore, #tpu.memory_space<semaphore_mem>>)
      %dma_wait3A_129 = arith.constant 0 : i32
      %dma_wait3A_130 = tpu.memref_slice %arg8[%add3A_27, %dma_wait3A_129] : memref<10240x128xf32, #tpu.memory_space<vmem_shared>> -> memref<80x128xf32, #tpu.memory_space<vmem_shared>>
      %dma_wait3A_131 = arith.constant 0 : i32
      %dma_wait3A_132 = tpu.memref_slice %arg8[%add3A_27, %dma_wait3A_131] : memref<10240x128xf32, #tpu.memory_space<vmem_shared>> -> memref<80x128xf32, #tpu.memory_space<vmem_shared>>
      tpu.wait_dma2 semaphore(%run_scoped3A : memref<!tpu.dma_semaphore, #tpu.memory_space<semaphore_mem>>) src(%arg7 : memref<80x128xf32, #tpu.memory_space<vmem>>) dst(%dma_wait3A_132 : memref<80x128xf32, #tpu.memory_space<vmem_shared>>)
      tpu.yield
    }) : () -> ()
    %mul3A_28 = arith.constant 640 : i32
    %mul3A_29 = arith.muli %arg1, %mul3A_28 : i32
    %add3A_30 = arith.constant 320 : i32
    %add3A_31 = arith.addi %mul3A_29, %add3A_30 : i32
    "tpu.region"() ({
      %run_scoped3A = tpu.sem_alloc : memref<!tpu.dma_semaphore, #tpu.memory_space<semaphore_mem>>
      %dma_start3A_125 = arith.constant 0 : i32
      %dma_start3A_126 = tpu.memref_slice %arg8[%add3A_31, %dma_start3A_125] : memref<10240x128xf32, #tpu.memory_space<vmem_shared>> -> memref<80x128xf32, #tpu.memory_space<vmem_shared>>
      %dma_start3A_127 = arith.constant 0 : i32
      %dma_start3A_128 = tpu.memref_slice %arg8[%add3A_31, %dma_start3A_127] : memref<10240x128xf32, #tpu.memory_space<vmem_shared>> -> memref<80x128xf32, #tpu.memory_space<vmem_shared>>
      tpu.enqueue_dma source(%arg7 : memref<80x128xf32, #tpu.memory_space<vmem>>) target(%dma_start3A_128 : memref<80x128xf32, #tpu.memory_space<vmem_shared>>) target_semaphore(%run_scoped3A : memref<!tpu.dma_semaphore, #tpu.memory_space<semaphore_mem>>)
      %dma_wait3A_129 = arith.constant 0 : i32
      %dma_wait3A_130 = tpu.memref_slice %arg8[%add3A_31, %dma_wait3A_129] : memref<10240x128xf32, #tpu.memory_space<vmem_shared>> -> memref<80x128xf32, #tpu.memory_space<vmem_shared>>
      %dma_wait3A_131 = arith.constant 0 : i32
      %dma_wait3A_132 = tpu.memref_slice %arg8[%add3A_31, %dma_wait3A_131] : memref<10240x128xf32, #tpu.memory_space<vmem_shared>> -> memref<80x128xf32, #tpu.memory_space<vmem_shared>>
      tpu.wait_dma2 semaphore(%run_scoped3A : memref<!tpu.dma_semaphore, #tpu.memory_space<semaphore_mem>>) src(%arg7 : memref<80x128xf32, #tpu.memory_space<vmem>>) dst(%dma_wait3A_132 : memref<80x128xf32, #tpu.memory_space<vmem_shared>>)
      tpu.yield
    }) : () -> ()
    %mul3A_32 = arith.constant 640 : i32
    %mul3A_33 = arith.muli %arg1, %mul3A_32 : i32
    %add3A_34 = arith.constant 400 : i32
    %add3A_35 = arith.addi %mul3A_33, %add3A_34 : i32
    "tpu.region"() ({
      %run_scoped3A = tpu.sem_alloc : memref<!tpu.dma_semaphore, #tpu.memory_space<semaphore_mem>>
      %dma_start3A_125 = arith.constant 0 : i32
      %dma_start3A_126 = tpu.memref_slice %arg8[%add3A_35, %dma_start3A_125] : memref<10240x128xf32, #tpu.memory_space<vmem_shared>> -> memref<80x128xf32, #tpu.memory_space<vmem_shared>>
      %dma_start3A_127 = arith.constant 0 : i32
      %dma_start3A_128 = tpu.memref_slice %arg8[%add3A_35, %dma_start3A_127] : memref<10240x128xf32, #tpu.memory_space<vmem_shared>> -> memref<80x128xf32, #tpu.memory_space<vmem_shared>>
      tpu.enqueue_dma source(%arg7 : memref<80x128xf32, #tpu.memory_space<vmem>>) target(%dma_start3A_128 : memref<80x128xf32, #tpu.memory_space<vmem_shared>>) target_semaphore(%run_scoped3A : memref<!tpu.dma_semaphore, #tpu.memory_space<semaphore_mem>>)
      %dma_wait3A_129 = arith.constant 0 : i32
      %dma_wait3A_130 = tpu.memref_slice %arg8[%add3A_35, %dma_wait3A_129] : memref<10240x128xf32, #tpu.memory_space<vmem_shared>> -> memref<80x128xf32, #tpu.memory_space<vmem_shared>>
      %dma_wait3A_131 = arith.constant 0 : i32
      %dma_wait3A_132 = tpu.memref_slice %arg8[%add3A_35, %dma_wait3A_131] : memref<10240x128xf32, #tpu.memory_space<vmem_shared>> -> memref<80x128xf32, #tpu.memory_space<vmem_shared>>
      tpu.wait_dma2 semaphore(%run_scoped3A : memref<!tpu.dma_semaphore, #tpu.memory_space<semaphore_mem>>) src(%arg7 : memref<80x128xf32, #tpu.memory_space<vmem>>) dst(%dma_wait3A_132 : memref<80x128xf32, #tpu.memory_space<vmem_shared>>)
      tpu.yield
    }) : () -> ()
    %mul3A_36 = arith.constant 640 : i32
    %mul3A_37 = arith.muli %arg1, %mul3A_36 : i32
    %add3A_38 = arith.constant 480 : i32
    %add3A_39 = arith.addi %mul3A_37, %add3A_38 : i32
    "tpu.region"() ({
      %run_scoped3A = tpu.sem_alloc : memref<!tpu.dma_semaphore, #tpu.memory_space<semaphore_mem>>
      %dma_start3A_125 = arith.constant 0 : i32
      %dma_start3A_126 = tpu.memref_slice %arg8[%add3A_39, %dma_start3A_125] : memref<10240x128xf32, #tpu.memory_space<vmem_shared>> -> memref<80x128xf32, #tpu.memory_space<vmem_shared>>
      %dma_start3A_127 = arith.constant 0 : i32
      %dma_start3A_128 = tpu.memref_slice %arg8[%add3A_39, %dma_start3A_127] : memref<10240x128xf32, #tpu.memory_space<vmem_shared>> -> memref<80x128xf32, #tpu.memory_space<vmem_shared>>
      tpu.enqueue_dma source(%arg7 : memref<80x128xf32, #tpu.memory_space<vmem>>) target(%dma_start3A_128 : memref<80x128xf32, #tpu.memory_space<vmem_shared>>) target_semaphore(%run_scoped3A : memref<!tpu.dma_semaphore, #tpu.memory_space<semaphore_mem>>)
      %dma_wait3A_129 = arith.constant 0 : i32
      %dma_wait3A_130 = tpu.memref_slice %arg8[%add3A_39, %dma_wait3A_129] : memref<10240x128xf32, #tpu.memory_space<vmem_shared>> -> memref<80x128xf32, #tpu.memory_space<vmem_shared>>
      %dma_wait3A_131 = arith.constant 0 : i32
      %dma_wait3A_132 = tpu.memref_slice %arg8[%add3A_39, %dma_wait3A_131] : memref<10240x128xf32, #tpu.memory_space<vmem_shared>> -> memref<80x128xf32, #tpu.memory_space<vmem_shared>>
      tpu.wait_dma2 semaphore(%run_scoped3A : memref<!tpu.dma_semaphore, #tpu.memory_space<semaphore_mem>>) src(%arg7 : memref<80x128xf32, #tpu.memory_space<vmem>>) dst(%dma_wait3A_132 : memref<80x128xf32, #tpu.memory_space<vmem_shared>>)
      tpu.yield
    }) : () -> ()
    %mul3A_40 = arith.constant 640 : i32
    %mul3A_41 = arith.muli %arg1, %mul3A_40 : i32
    %add3A_42 = arith.constant 560 : i32
    %add3A_43 = arith.addi %mul3A_41, %add3A_42 : i32
    "tpu.region"() ({
      %run_scoped3A = tpu.sem_alloc : memref<!tpu.dma_semaphore, #tpu.memory_space<semaphore_mem>>
      %dma_start3A_125 = arith.constant 0 : i32
      %dma_start3A_126 = tpu.memref_slice %arg8[%add3A_43, %dma_start3A_125] : memref<10240x128xf32, #tpu.memory_space<vmem_shared>> -> memref<80x128xf32, #tpu.memory_space<vmem_shared>>
      %dma_start3A_127 = arith.constant 0 : i32
      %dma_start3A_128 = tpu.memref_slice %arg8[%add3A_43, %dma_start3A_127] : memref<10240x128xf32, #tpu.memory_space<vmem_shared>> -> memref<80x128xf32, #tpu.memory_space<vmem_shared>>
      tpu.enqueue_dma source(%arg7 : memref<80x128xf32, #tpu.memory_space<vmem>>) target(%dma_start3A_128 : memref<80x128xf32, #tpu.memory_space<vmem_shared>>) target_semaphore(%run_scoped3A : memref<!tpu.dma_semaphore, #tpu.memory_space<semaphore_mem>>)
      %dma_wait3A_129 = arith.constant 0 : i32
      %dma_wait3A_130 = tpu.memref_slice %arg8[%add3A_43, %dma_wait3A_129] : memref<10240x128xf32, #tpu.memory_space<vmem_shared>> -> memref<80x128xf32, #tpu.memory_space<vmem_shared>>
      %dma_wait3A_131 = arith.constant 0 : i32
      %dma_wait3A_132 = tpu.memref_slice %arg8[%add3A_43, %dma_wait3A_131] : memref<10240x128xf32, #tpu.memory_space<vmem_shared>> -> memref<80x128xf32, #tpu.memory_space<vmem_shared>>
      tpu.wait_dma2 semaphore(%run_scoped3A : memref<!tpu.dma_semaphore, #tpu.memory_space<semaphore_mem>>) src(%arg7 : memref<80x128xf32, #tpu.memory_space<vmem>>) dst(%dma_wait3A_132 : memref<80x128xf32, #tpu.memory_space<vmem_shared>>)
      tpu.yield
    }) : () -> ()
    %scan3A_44 = arith.constant 0 : i32
    %scan3A_45 = arith.constant 0 : i32
    %scan3A_46 = arith.constant 640 : i32
    %scan3A_47 = arith.addi %scan3A_45, %scan3A_46 : i32
    %scan3A_48 = arith.constant 1 : i32
    %scan3A_49 = scf.for %scan3A_125 = %scan3A_45 to %scan3A_47 step %scan3A_48 iter_args(%scan3A_126 = %scan3A_44) -> (i32)  : i32 {
      %shift_right_arithmetic3A = arith.constant 3 : i32
      %shift_right_arithmetic3A_127 = arith.shrsi %scan3A_125, %shift_right_arithmetic3A : i32
      %and3A = arith.constant 7 : i32
      %and3A_128 = arith.andi %scan3A_125, %and3A : i32
      %mul3A_129 = arith.constant 16 : i32
      %mul3A_130 = arith.muli %and3A_128, %mul3A_129 : i32
      %swap3A = arith.index_cast %shift_right_arithmetic3A_127 : i32 to index
      %swap3A_131 = arith.index_cast %mul3A_130 : i32 to index
      %swap3A_132 = tpu.vector_load %arg7[%swap3A, %swap3A_131] {strides = array<i32>} : memref<80x128xf32, #tpu.memory_space<vmem>>, vector<1x16xf32>,
      %swap3A_133 = vector.shape_cast %swap3A_132 : vector<1x16xf32> to vector<16xf32>
      %swap3A_134 = vector.shape_cast %broadcast_in_dim3A_5 : vector<16xf32> to vector<1x16xf32>
      tpu.vector_store %arg7[%swap3A, %swap3A_131], %swap3A_134 {strides = array<i32>} : memref<80x128xf32, #tpu.memory_space<vmem>>, vector<1x16xf32>,
      %scan3A_135 = arith.constant 0 : i32
      scf.yield %scan3A_135 : i32
    }
    %scan3A_50 = arith.constant 640 : i32
    %barrier3A = arith.constant 0 : index
    tpu.barrier barrier_id(%barrier3A)
    %add3A_51 = arith.constant 0 : i32
    %add3A_52 = arith.addi %mul3A_2, %add3A_51 : i32
    %dma_start3A = tpu.memref_slice %arg2[%add3A_52] : memref<320000xi32, #tpu.memory_space<hbm>> -> memref<80xi32, #tpu.memory_space<hbm>>
    %dma_start3A_53 = tpu.memref_slice %arg2[%add3A_52] : memref<320000xi32, #tpu.memory_space<hbm>> -> memref<80xi32, #tpu.memory_space<hbm>>
    tpu.enqueue_dma source(%dma_start3A_53 : memref<80xi32, #tpu.memory_space<hbm>>) target(%arg4 : memref<80xi32, #tpu.memory_space<vmem>>) target_semaphore(%arg9 : memref<!tpu.dma_semaphore, #tpu.memory_space<semaphore_mem>>)
    %add3A_54 = arith.constant 80 : i32
    %add3A_55 = arith.addi %mul3A_2, %add3A_54 : i32
    %dma_start3A_56 = tpu.memref_slice %arg2[%add3A_55] : memref<320000xi32, #tpu.memory_space<hbm>> -> memref<80xi32, #tpu.memory_space<hbm>>
    %dma_start3A_57 = tpu.memref_slice %arg2[%add3A_55] : memref<320000xi32, #tpu.memory_space<hbm>> -> memref<80xi32, #tpu.memory_space<hbm>>
    tpu.enqueue_dma source(%dma_start3A_57 : memref<80xi32, #tpu.memory_space<hbm>>) target(%arg5 : memref<80xi32, #tpu.memory_space<vmem>>) target_semaphore(%arg10 : memref<!tpu.dma_semaphore, #tpu.memory_space<semaphore_mem>>)
    %add3A_58 = arith.constant 160 : i32
    %add3A_59 = arith.addi %mul3A_2, %add3A_58 : i32
    %dma_start3A_60 = tpu.memref_slice %arg2[%add3A_59] : memref<320000xi32, #tpu.memory_space<hbm>> -> memref<80xi32, #tpu.memory_space<hbm>>
    %dma_start3A_61 = tpu.memref_slice %arg2[%add3A_59] : memref<320000xi32, #tpu.memory_space<hbm>> -> memref<80xi32, #tpu.memory_space<hbm>>
    tpu.enqueue_dma source(%dma_start3A_61 : memref<80xi32, #tpu.memory_space<hbm>>) target(%arg6 : memref<80xi32, #tpu.memory_space<vmem>>) target_semaphore(%arg11 : memref<!tpu.dma_semaphore, #tpu.memory_space<semaphore_mem>>)
    %scan3A_62 = arith.constant 0 : i32
    %scan3A_63 = arith.constant 0 : i32
    %scan3A_64 = arith.constant 41 : i32
    %scan3A_65 = arith.addi %scan3A_63, %scan3A_64 : i32
    %scan3A_66 = arith.constant 1 : i32
    %scan3A_67 = scf.for %scan3A_125 = %scan3A_63 to %scan3A_65 step %scan3A_66 iter_args(%scan3A_126 = %scan3A_62) -> (i32)  : i32 {
      %mul3A_127 = arith.constant 3 : i32
      %mul3A_128 = arith.muli %mul3A_127, %scan3A_125 : i32
      %add3A_129 = arith.constant 0 : i32
      %add3A_130 = arith.addi %mul3A_128, %add3A_129 : i32
      %mul3A_131 = arith.constant 80 : i32
      %mul3A_132 = arith.muli %add3A_130, %mul3A_131 : i32
      %add3A_133 = arith.addi %mul3A_2, %mul3A_132 : i32
      %dma_wait3A_134 = tpu.memref_slice %arg2[%add3A_133] : memref<320000xi32, #tpu.memory_space<hbm>> -> memref<80xi32, #tpu.memory_space<hbm>>
      %dma_wait3A_135 = tpu.memref_slice %arg2[%add3A_133] : memref<320000xi32, #tpu.memory_space<hbm>> -> memref<80xi32, #tpu.memory_space<hbm>>
      tpu.wait_dma2 semaphore(%arg9 : memref<!tpu.dma_semaphore, #tpu.memory_space<semaphore_mem>>) src(%dma_wait3A_135 : memref<80xi32, #tpu.memory_space<hbm>>) dst(%arg4 : memref<80xi32, #tpu.memory_space<vmem>>)
      %dma_start3A_136 = arith.constant 0 : i32
      %dma_start3A_137 = arith.constant 0 : i32
      %dma_start3A_138 = tpu.memref_slice %arg8[%dma_start3A_136, %dma_start3A_137] : memref<10240x128xf32, #tpu.memory_space<vmem_shared>> -> memref<10240x128xf32, #tpu.memory_space<vmem_shared>>
      tpu.enqueue_indirect_dma source(%arg7 : memref<80x128xf32, #tpu.memory_space<vmem>>) target(%dma_start3A_138 : memref<10240x128xf32, #tpu.memory_space<vmem_shared>>) offsets(%arg4 : memref<80xi32, #tpu.memory_space<vmem>>) semaphore(%arg12 : memref<!tpu.dma_semaphore, #tpu.memory_space<semaphore_mem>>) {add = true}
      %add3A_139 = arith.constant 1 : i32
      %add3A_140 = arith.addi %mul3A_128, %add3A_139 : i32
      %mul3A_141 = arith.constant 80 : i32
      %mul3A_142 = arith.muli %add3A_140, %mul3A_141 : i32
      %add3A_143 = arith.addi %mul3A_2, %mul3A_142 : i32
      %dma_wait3A_144 = tpu.memref_slice %arg2[%add3A_143] : memref<320000xi32, #tpu.memory_space<hbm>> -> memref<80xi32, #tpu.memory_space<hbm>>
      %dma_wait3A_145 = tpu.memref_slice %arg2[%add3A_143] : memref<320000xi32, #tpu.memory_space<hbm>> -> memref<80xi32, #tpu.memory_space<hbm>>
      tpu.wait_dma2 semaphore(%arg10 : memref<!tpu.dma_semaphore, #tpu.memory_space<semaphore_mem>>) src(%dma_wait3A_145 : memref<80xi32, #tpu.memory_space<hbm>>) dst(%arg5 : memref<80xi32, #tpu.memory_space<vmem>>)
      %dma_start3A_146 = arith.constant 0 : i32
      %dma_start3A_147 = arith.constant 0 : i32
      %dma_start3A_148 = tpu.memref_slice %arg8[%dma_start3A_146, %dma_start3A_147] : memref<10240x128xf32, #tpu.memory_space<vmem_shared>> -> memref<10240x128xf32, #tpu.memory_space<vmem_shared>>
      tpu.enqueue_indirect_dma source(%arg7 : memref<80x128xf32, #tpu.memory_space<vmem>>) target(%dma_start3A_148 : memref<10240x128xf32, #tpu.memory_space<vmem_shared>>) offsets(%arg5 : memref<80xi32, #tpu.memory_space<vmem>>) semaphore(%arg13 : memref<!tpu.dma_semaphore, #tpu.memory_space<semaphore_mem>>) {add = true}
      %add3A_149 = arith.constant 2 : i32
      %add3A_150 = arith.addi %mul3A_128, %add3A_149 : i32
      %mul3A_151 = arith.constant 80 : i32
      %mul3A_152 = arith.muli %add3A_150, %mul3A_151 : i32
      %add3A_153 = arith.addi %mul3A_2, %mul3A_152 : i32
      %dma_wait3A_154 = tpu.memref_slice %arg2[%add3A_153] : memref<320000xi32, #tpu.memory_space<hbm>> -> memref<80xi32, #tpu.memory_space<hbm>>
      %dma_wait3A_155 = tpu.memref_slice %arg2[%add3A_153] : memref<320000xi32, #tpu.memory_space<hbm>> -> memref<80xi32, #tpu.memory_space<hbm>>
      tpu.wait_dma2 semaphore(%arg11 : memref<!tpu.dma_semaphore, #tpu.memory_space<semaphore_mem>>) src(%dma_wait3A_155 : memref<80xi32, #tpu.memory_space<hbm>>) dst(%arg6 : memref<80xi32, #tpu.memory_space<vmem>>)
      %dma_start3A_156 = arith.constant 0 : i32
      %dma_start3A_157 = arith.constant 0 : i32
      %dma_start3A_158 = tpu.memref_slice %arg8[%dma_start3A_156, %dma_start3A_157] : memref<10240x128xf32, #tpu.memory_space<vmem_shared>> -> memref<10240x128xf32, #tpu.memory_space<vmem_shared>>
      tpu.enqueue_indirect_dma source(%arg7 : memref<80x128xf32, #tpu.memory_space<vmem>>) target(%dma_start3A_158 : memref<10240x128xf32, #tpu.memory_space<vmem_shared>>) offsets(%arg6 : memref<80xi32, #tpu.memory_space<vmem>>) semaphore(%arg14 : memref<!tpu.dma_semaphore, #tpu.memory_space<semaphore_mem>>) {add = true}
      %dma_wait3A_159 = arith.constant 0 : i32
      %dma_wait3A_160 = arith.constant 0 : i32
      %dma_wait3A_161 = tpu.memref_slice %arg8[%dma_wait3A_159, %dma_wait3A_160] : memref<10240x128xf32, #tpu.memory_space<vmem_shared>> -> memref<10240x128xf32, #tpu.memory_space<vmem_shared>>
      tpu.wait_indirect_dma semaphore(%arg12 : memref<!tpu.dma_semaphore, #tpu.memory_space<semaphore_mem>>) src(%arg7 : memref<80x128xf32, #tpu.memory_space<vmem>>) dst(%dma_wait3A_161 : memref<10240x128xf32, #tpu.memory_space<vmem_shared>>)
      %add3A_162 = arith.constant 3 : i32
      %add3A_163 = arith.addi %mul3A_128, %add3A_162 : i32
      %add3A_164 = arith.constant 0 : i32
      %add3A_165 = arith.addi %add3A_163, %add3A_164 : i32
      %min3A = arith.constant 124 : i32
      %min3A_166 = arith.minsi %add3A_165, %min3A : i32
      %mul3A_167 = arith.constant 80 : i32
      %mul3A_168 = arith.muli %min3A_166, %mul3A_167 : i32
      %add3A_169 = arith.addi %mul3A_2, %mul3A_168 : i32
      %dma_start3A_170 = tpu.memref_slice %arg2[%add3A_169] : memref<320000xi32, #tpu.memory_space<hbm>> -> memref<80xi32, #tpu.memory_space<hbm>>
      %dma_start3A_171 = tpu.memref_slice %arg2[%add3A_169] : memref<320000xi32, #tpu.memory_space<hbm>> -> memref<80xi32, #tpu.memory_space<hbm>>
      tpu.enqueue_dma source(%dma_start3A_171 : memref<80xi32, #tpu.memory_space<hbm>>) target(%arg4 : memref<80xi32, #tpu.memory_space<vmem>>) target_semaphore(%arg9 : memref<!tpu.dma_semaphore, #tpu.memory_space<semaphore_mem>>)
      %dma_wait3A_172 = arith.constant 0 : i32
      %dma_wait3A_173 = arith.constant 0 : i32
      %dma_wait3A_174 = tpu.memref_slice %arg8[%dma_wait3A_172, %dma_wait3A_173] : memref<10240x128xf32, #tpu.memory_space<vmem_shared>> -> memref<10240x128xf32, #tpu.memory_space<vmem_shared>>
      tpu.wait_indirect_dma semaphore(%arg13 : memref<!tpu.dma_semaphore, #tpu.memory_space<semaphore_mem>>) src(%arg7 : memref<80x128xf32, #tpu.memory_space<vmem>>) dst(%dma_wait3A_174 : memref<10240x128xf32, #tpu.memory_space<vmem_shared>>)
      %add3A_175 = arith.constant 3 : i32
      %add3A_176 = arith.addi %mul3A_128, %add3A_175 : i32
      %add3A_177 = arith.constant 1 : i32
      %add3A_178 = arith.addi %add3A_176, %add3A_177 : i32
      %min3A_179 = arith.constant 124 : i32
      %min3A_180 = arith.minsi %add3A_178, %min3A_179 : i32
      %mul3A_181 = arith.constant 80 : i32
      %mul3A_182 = arith.muli %min3A_180, %mul3A_181 : i32
      %add3A_183 = arith.addi %mul3A_2, %mul3A_182 : i32
      %dma_start3A_184 = tpu.memref_slice %arg2[%add3A_183] : memref<320000xi32, #tpu.memory_space<hbm>> -> memref<80xi32, #tpu.memory_space<hbm>>
      %dma_start3A_185 = tpu.memref_slice %arg2[%add3A_183] : memref<320000xi32, #tpu.memory_space<hbm>> -> memref<80xi32, #tpu.memory_space<hbm>>
      tpu.enqueue_dma source(%dma_start3A_185 : memref<80xi32, #tpu.memory_space<hbm>>) target(%arg5 : memref<80xi32, #tpu.memory_space<vmem>>) target_semaphore(%arg10 : memref<!tpu.dma_semaphore, #tpu.memory_space<semaphore_mem>>)
      %dma_wait3A_186 = arith.constant 0 : i32
      %dma_wait3A_187 = arith.constant 0 : i32
      %dma_wait3A_188 = tpu.memref_slice %arg8[%dma_wait3A_186, %dma_wait3A_187] : memref<10240x128xf32, #tpu.memory_space<vmem_shared>> -> memref<10240x128xf32, #tpu.memory_space<vmem_shared>>
      tpu.wait_indirect_dma semaphore(%arg14 : memref<!tpu.dma_semaphore, #tpu.memory_space<semaphore_mem>>) src(%arg7 : memref<80x128xf32, #tpu.memory_space<vmem>>) dst(%dma_wait3A_188 : memref<10240x128xf32, #tpu.memory_space<vmem_shared>>)
      %add3A_189 = arith.constant 3 : i32
      %add3A_190 = arith.addi %mul3A_128, %add3A_189 : i32
      %add3A_191 = arith.constant 2 : i32
      %add3A_192 = arith.addi %add3A_190, %add3A_191 : i32
      %min3A_193 = arith.constant 124 : i32
      %min3A_194 = arith.minsi %add3A_192, %min3A_193 : i32
      %mul3A_195 = arith.constant 80 : i32
      %mul3A_196 = arith.muli %min3A_194, %mul3A_195 : i32
      %add3A_197 = arith.addi %mul3A_2, %mul3A_196 : i32
      %dma_start3A_198 = tpu.memref_slice %arg2[%add3A_197] : memref<320000xi32, #tpu.memory_space<hbm>> -> memref<80xi32, #tpu.memory_space<hbm>>
      %dma_start3A_199 = tpu.memref_slice %arg2[%add3A_197] : memref<320000xi32, #tpu.memory_space<hbm>> -> memref<80xi32, #tpu.memory_space<hbm>>
      tpu.enqueue_dma source(%dma_start3A_199 : memref<80xi32, #tpu.memory_space<hbm>>) target(%arg6 : memref<80xi32, #tpu.memory_space<vmem>>) target_semaphore(%arg11 : memref<!tpu.dma_semaphore, #tpu.memory_space<semaphore_mem>>)
      %scan3A_200 = arith.constant 0 : i32
      scf.yield %scan3A_200 : i32
    }
    %scan3A_68 = arith.constant 41 : i32
    %add3A_69 = arith.constant 9840 : i32
    %add3A_70 = arith.addi %mul3A_2, %add3A_69 : i32
    %dma_wait3A = tpu.memref_slice %arg2[%add3A_70] : memref<320000xi32, #tpu.memory_space<hbm>> -> memref<80xi32, #tpu.memory_space<hbm>>
    %dma_wait3A_71 = tpu.memref_slice %arg2[%add3A_70] : memref<320000xi32, #tpu.memory_space<hbm>> -> memref<80xi32, #tpu.memory_space<hbm>>
    tpu.wait_dma2 semaphore(%arg9 : memref<!tpu.dma_semaphore, #tpu.memory_space<semaphore_mem>>) src(%dma_wait3A_71 : memref<80xi32, #tpu.memory_space<hbm>>) dst(%arg4 : memref<80xi32, #tpu.memory_space<vmem>>)
    %dma_start3A_72 = arith.constant 0 : i32
    %dma_start3A_73 = arith.constant 0 : i32
    %dma_start3A_74 = tpu.memref_slice %arg8[%dma_start3A_72, %dma_start3A_73] : memref<10240x128xf32, #tpu.memory_space<vmem_shared>> -> memref<10240x128xf32, #tpu.memory_space<vmem_shared>>
    tpu.enqueue_indirect_dma source(%arg7 : memref<80x128xf32, #tpu.memory_space<vmem>>) target(%dma_start3A_74 : memref<10240x128xf32, #tpu.memory_space<vmem_shared>>) offsets(%arg4 : memref<80xi32, #tpu.memory_space<vmem>>) semaphore(%arg12 : memref<!tpu.dma_semaphore, #tpu.memory_space<semaphore_mem>>) {add = true}
    %add3A_75 = arith.constant 9920 : i32
    %add3A_76 = arith.addi %mul3A_2, %add3A_75 : i32
    %dma_wait3A_77 = tpu.memref_slice %arg2[%add3A_76] : memref<320000xi32, #tpu.memory_space<hbm>> -> memref<80xi32, #tpu.memory_space<hbm>>
    %dma_wait3A_78 = tpu.memref_slice %arg2[%add3A_76] : memref<320000xi32, #tpu.memory_space<hbm>> -> memref<80xi32, #tpu.memory_space<hbm>>
    tpu.wait_dma2 semaphore(%arg10 : memref<!tpu.dma_semaphore, #tpu.memory_space<semaphore_mem>>) src(%dma_wait3A_78 : memref<80xi32, #tpu.memory_space<hbm>>) dst(%arg5 : memref<80xi32, #tpu.memory_space<vmem>>)
    %dma_start3A_79 = arith.constant 0 : i32
    %dma_start3A_80 = arith.constant 0 : i32
    %dma_start3A_81 = tpu.memref_slice %arg8[%dma_start3A_79, %dma_start3A_80] : memref<10240x128xf32, #tpu.memory_space<vmem_shared>> -> memref<10240x128xf32, #tpu.memory_space<vmem_shared>>
    tpu.enqueue_indirect_dma source(%arg7 : memref<80x128xf32, #tpu.memory_space<vmem>>) target(%dma_start3A_81 : memref<10240x128xf32, #tpu.memory_space<vmem_shared>>) offsets(%arg5 : memref<80xi32, #tpu.memory_space<vmem>>) semaphore(%arg13 : memref<!tpu.dma_semaphore, #tpu.memory_space<semaphore_mem>>) {add = true}
    %add3A_82 = arith.constant 9920 : i32
    %add3A_83 = arith.addi %mul3A_2, %add3A_82 : i32
    %dma_wait3A_84 = tpu.memref_slice %arg2[%add3A_83] : memref<320000xi32, #tpu.memory_space<hbm>> -> memref<80xi32, #tpu.memory_space<hbm>>
    %dma_wait3A_85 = tpu.memref_slice %arg2[%add3A_83] : memref<320000xi32, #tpu.memory_space<hbm>> -> memref<80xi32, #tpu.memory_space<hbm>>
    tpu.wait_dma2 semaphore(%arg11 : memref<!tpu.dma_semaphore, #tpu.memory_space<semaphore_mem>>) src(%dma_wait3A_85 : memref<80xi32, #tpu.memory_space<hbm>>) dst(%arg6 : memref<80xi32, #tpu.memory_space<vmem>>)
    %dma_wait3A_86 = arith.constant 0 : i32
    %dma_wait3A_87 = arith.constant 0 : i32
    %dma_wait3A_88 = tpu.memref_slice %arg8[%dma_wait3A_86, %dma_wait3A_87] : memref<10240x128xf32, #tpu.memory_space<vmem_shared>> -> memref<10240x128xf32, #tpu.memory_space<vmem_shared>>
    tpu.wait_indirect_dma semaphore(%arg12 : memref<!tpu.dma_semaphore, #tpu.memory_space<semaphore_mem>>) src(%arg7 : memref<80x128xf32, #tpu.memory_space<vmem>>) dst(%dma_wait3A_88 : memref<10240x128xf32, #tpu.memory_space<vmem_shared>>)
    %dma_wait3A_89 = arith.constant 0 : i32
    %dma_wait3A_90 = arith.constant 0 : i32
    %dma_wait3A_91 = tpu.memref_slice %arg8[%dma_wait3A_89, %dma_wait3A_90] : memref<10240x128xf32, #tpu.memory_space<vmem_shared>> -> memref<10240x128xf32, #tpu.memory_space<vmem_shared>>
    tpu.wait_indirect_dma semaphore(%arg13 : memref<!tpu.dma_semaphore, #tpu.memory_space<semaphore_mem>>) src(%arg7 : memref<80x128xf32, #tpu.memory_space<vmem>>) dst(%dma_wait3A_91 : memref<10240x128xf32, #tpu.memory_space<vmem_shared>>)
    %barrier3A_92 = arith.constant 0 : index
    tpu.barrier barrier_id(%barrier3A_92)
    %mul3A_93 = arith.constant 640 : i32
    %mul3A_94 = arith.muli %arg1, %mul3A_93 : i32
    %add3A_95 = arith.constant 0 : i32
    %add3A_96 = arith.addi %mul3A_94, %add3A_95 : i32
    "tpu.region"() ({
      %run_scoped3A = tpu.sem_alloc : memref<!tpu.dma_semaphore, #tpu.memory_space<semaphore_mem>>
      %dma_start3A_125 = arith.constant 0 : i32
      %dma_start3A_126 = tpu.memref_slice %arg3[%arg0, %add3A_96, %dma_start3A_125] : memref<2x10240x128xf32, #tpu.memory_space<hbm>> -> memref<1x80x128xf32, #tpu.memory_space<hbm>>
      %dma_start3A_127 = tpu.memref_squeeze %dma_start3A_126 : memref<1x80x128xf32, #tpu.memory_space<hbm>> -> memref<80x128xf32, #tpu.memory_space<hbm>>
      %dma_start3A_128 = arith.constant 0 : i32
      %dma_start3A_129 = tpu.memref_slice %arg8[%add3A_96, %dma_start3A_128] : memref<10240x128xf32, #tpu.memory_space<vmem_shared>> -> memref<80x128xf32, #tpu.memory_space<vmem_shared>>
      tpu.enqueue_dma source(%dma_start3A_129 : memref<80x128xf32, #tpu.memory_space<vmem_shared>>) target(%dma_start3A_127 : memref<80x128xf32, #tpu.memory_space<hbm>>) target_semaphore(%run_scoped3A : memref<!tpu.dma_semaphore, #tpu.memory_space<semaphore_mem>>)
      %dma_wait3A_130 = arith.constant 0 : i32
      %dma_wait3A_131 = tpu.memref_slice %arg3[%arg0, %add3A_96, %dma_wait3A_130] : memref<2x10240x128xf32, #tpu.memory_space<hbm>> -> memref<1x80x128xf32, #tpu.memory_space<hbm>>
      %dma_wait3A_132 = tpu.memref_squeeze %dma_wait3A_131 : memref<1x80x128xf32, #tpu.memory_space<hbm>> -> memref<80x128xf32, #tpu.memory_space<hbm>>
      %dma_wait3A_133 = arith.constant 0 : i32
      %dma_wait3A_134 = tpu.memref_slice %arg8[%add3A_96, %dma_wait3A_133] : memref<10240x128xf32, #tpu.memory_space<vmem_shared>> -> memref<80x128xf32, #tpu.memory_space<vmem_shared>>
      tpu.wait_dma2 semaphore(%run_scoped3A : memref<!tpu.dma_semaphore, #tpu.memory_space<semaphore_mem>>) src(%dma_wait3A_134 : memref<80x128xf32, #tpu.memory_space<vmem_shared>>) dst(%dma_wait3A_132 : memref<80x128xf32, #tpu.memory_space<hbm>>)
      tpu.yield
    }) : () -> ()
    %mul3A_97 = arith.constant 640 : i32
    %mul3A_98 = arith.muli %arg1, %mul3A_97 : i32
    %add3A_99 = arith.constant 80 : i32
    %add3A_100 = arith.addi %mul3A_98, %add3A_99 : i32
    "tpu.region"() ({
      %run_scoped3A = tpu.sem_alloc : memref<!tpu.dma_semaphore, #tpu.memory_space<semaphore_mem>>
      %dma_start3A_125 = arith.constant 0 : i32
      %dma_start3A_126 = tpu.memref_slice %arg3[%arg0, %add3A_100, %dma_start3A_125] : memref<2x10240x128xf32, #tpu.memory_space<hbm>> -> memref<1x80x128xf32, #tpu.memory_space<hbm>>
      %dma_start3A_127 = tpu.memref_squeeze %dma_start3A_126 : memref<1x80x128xf32, #tpu.memory_space<hbm>> -> memref<80x128xf32, #tpu.memory_space<hbm>>
      %dma_start3A_128 = arith.constant 0 : i32
      %dma_start3A_129 = tpu.memref_slice %arg8[%add3A_100, %dma_start3A_128] : memref<10240x128xf32, #tpu.memory_space<vmem_shared>> -> memref<80x128xf32, #tpu.memory_space<vmem_shared>>
      tpu.enqueue_dma source(%dma_start3A_129 : memref<80x128xf32, #tpu.memory_space<vmem_shared>>) target(%dma_start3A_127 : memref<80x128xf32, #tpu.memory_space<hbm>>) target_semaphore(%run_scoped3A : memref<!tpu.dma_semaphore, #tpu.memory_space<semaphore_mem>>)
      %dma_wait3A_130 = arith.constant 0 : i32
      %dma_wait3A_131 = tpu.memref_slice %arg3[%arg0, %add3A_100, %dma_wait3A_130] : memref<2x10240x128xf32, #tpu.memory_space<hbm>> -> memref<1x80x128xf32, #tpu.memory_space<hbm>>
      %dma_wait3A_132 = tpu.memref_squeeze %dma_wait3A_131 : memref<1x80x128xf32, #tpu.memory_space<hbm>> -> memref<80x128xf32, #tpu.memory_space<hbm>>
      %dma_wait3A_133 = arith.constant 0 : i32
      %dma_wait3A_134 = tpu.memref_slice %arg8[%add3A_100, %dma_wait3A_133] : memref<10240x128xf32, #tpu.memory_space<vmem_shared>> -> memref<80x128xf32, #tpu.memory_space<vmem_shared>>
      tpu.wait_dma2 semaphore(%run_scoped3A : memref<!tpu.dma_semaphore, #tpu.memory_space<semaphore_mem>>) src(%dma_wait3A_134 : memref<80x128xf32, #tpu.memory_space<vmem_shared>>) dst(%dma_wait3A_132 : memref<80x128xf32, #tpu.memory_space<hbm>>)
      tpu.yield
    }) : () -> ()
    %mul3A_101 = arith.constant 640 : i32
    %mul3A_102 = arith.muli %arg1, %mul3A_101 : i32
    %add3A_103 = arith.constant 160 : i32
    %add3A_104 = arith.addi %mul3A_102, %add3A_103 : i32
    "tpu.region"() ({
      %run_scoped3A = tpu.sem_alloc : memref<!tpu.dma_semaphore, #tpu.memory_space<semaphore_mem>>
      %dma_start3A_125 = arith.constant 0 : i32
      %dma_start3A_126 = tpu.memref_slice %arg3[%arg0, %add3A_104, %dma_start3A_125] : memref<2x10240x128xf32, #tpu.memory_space<hbm>> -> memref<1x80x128xf32, #tpu.memory_space<hbm>>
      %dma_start3A_127 = tpu.memref_squeeze %dma_start3A_126 : memref<1x80x128xf32, #tpu.memory_space<hbm>> -> memref<80x128xf32, #tpu.memory_space<hbm>>
      %dma_start3A_128 = arith.constant 0 : i32
      %dma_start3A_129 = tpu.memref_slice %arg8[%add3A_104, %dma_start3A_128] : memref<10240x128xf32, #tpu.memory_space<vmem_shared>> -> memref<80x128xf32, #tpu.memory_space<vmem_shared>>
      tpu.enqueue_dma source(%dma_start3A_129 : memref<80x128xf32, #tpu.memory_space<vmem_shared>>) target(%dma_start3A_127 : memref<80x128xf32, #tpu.memory_space<hbm>>) target_semaphore(%run_scoped3A : memref<!tpu.dma_semaphore, #tpu.memory_space<semaphore_mem>>)
      %dma_wait3A_130 = arith.constant 0 : i32
      %dma_wait3A_131 = tpu.memref_slice %arg3[%arg0, %add3A_104, %dma_wait3A_130] : memref<2x10240x128xf32, #tpu.memory_space<hbm>> -> memref<1x80x128xf32, #tpu.memory_space<hbm>>
      %dma_wait3A_132 = tpu.memref_squeeze %dma_wait3A_131 : memref<1x80x128xf32, #tpu.memory_space<hbm>> -> memref<80x128xf32, #tpu.memory_space<hbm>>
      %dma_wait3A_133 = arith.constant 0 : i32
      %dma_wait3A_134 = tpu.memref_slice %arg8[%add3A_104, %dma_wait3A_133] : memref<10240x128xf32, #tpu.memory_space<vmem_shared>> -> memref<80x128xf32, #tpu.memory_space<vmem_shared>>
      tpu.wait_dma2 semaphore(%run_scoped3A : memref<!tpu.dma_semaphore, #tpu.memory_space<semaphore_mem>>) src(%dma_wait3A_134 : memref<80x128xf32, #tpu.memory_space<vmem_shared>>) dst(%dma_wait3A_132 : memref<80x128xf32, #tpu.memory_space<hbm>>)
      tpu.yield
    }) : () -> ()
    %mul3A_105 = arith.constant 640 : i32
    %mul3A_106 = arith.muli %arg1, %mul3A_105 : i32
    %add3A_107 = arith.constant 240 : i32
    %add3A_108 = arith.addi %mul3A_106, %add3A_107 : i32
    "tpu.region"() ({
      %run_scoped3A = tpu.sem_alloc : memref<!tpu.dma_semaphore, #tpu.memory_space<semaphore_mem>>
      %dma_start3A_125 = arith.constant 0 : i32
      %dma_start3A_126 = tpu.memref_slice %arg3[%arg0, %add3A_108, %dma_start3A_125] : memref<2x10240x128xf32, #tpu.memory_space<hbm>> -> memref<1x80x128xf32, #tpu.memory_space<hbm>>
      %dma_start3A_127 = tpu.memref_squeeze %dma_start3A_126 : memref<1x80x128xf32, #tpu.memory_space<hbm>> -> memref<80x128xf32, #tpu.memory_space<hbm>>
      %dma_start3A_128 = arith.constant 0 : i32
      %dma_start3A_129 = tpu.memref_slice %arg8[%add3A_108, %dma_start3A_128] : memref<10240x128xf32, #tpu.memory_space<vmem_shared>> -> memref<80x128xf32, #tpu.memory_space<vmem_shared>>
      tpu.enqueue_dma source(%dma_start3A_129 : memref<80x128xf32, #tpu.memory_space<vmem_shared>>) target(%dma_start3A_127 : memref<80x128xf32, #tpu.memory_space<hbm>>) target_semaphore(%run_scoped3A : memref<!tpu.dma_semaphore, #tpu.memory_space<semaphore_mem>>)
      %dma_wait3A_130 = arith.constant 0 : i32
      %dma_wait3A_131 = tpu.memref_slice %arg3[%arg0, %add3A_108, %dma_wait3A_130] : memref<2x10240x128xf32, #tpu.memory_space<hbm>> -> memref<1x80x128xf32, #tpu.memory_space<hbm>>
      %dma_wait3A_132 = tpu.memref_squeeze %dma_wait3A_131 : memref<1x80x128xf32, #tpu.memory_space<hbm>> -> memref<80x128xf32, #tpu.memory_space<hbm>>
      %dma_wait3A_133 = arith.constant 0 : i32
      %dma_wait3A_134 = tpu.memref_slice %arg8[%add3A_108, %dma_wait3A_133] : memref<10240x128xf32, #tpu.memory_space<vmem_shared>> -> memref<80x128xf32, #tpu.memory_space<vmem_shared>>
      tpu.wait_dma2 semaphore(%run_scoped3A : memref<!tpu.dma_semaphore, #tpu.memory_space<semaphore_mem>>) src(%dma_wait3A_134 : memref<80x128xf32, #tpu.memory_space<vmem_shared>>) dst(%dma_wait3A_132 : memref<80x128xf32, #tpu.memory_space<hbm>>)
      tpu.yield
    }) : () -> ()
    %mul3A_109 = arith.constant 640 : i32
    %mul3A_110 = arith.muli %arg1, %mul3A_109 : i32
    %add3A_111 = arith.constant 320 : i32
    %add3A_112 = arith.addi %mul3A_110, %add3A_111 : i32
    "tpu.region"() ({
      %run_scoped3A = tpu.sem_alloc : memref<!tpu.dma_semaphore, #tpu.memory_space<semaphore_mem>>
      %dma_start3A_125 = arith.constant 0 : i32
      %dma_start3A_126 = tpu.memref_slice %arg3[%arg0, %add3A_112, %dma_start3A_125] : memref<2x10240x128xf32, #tpu.memory_space<hbm>> -> memref<1x80x128xf32, #tpu.memory_space<hbm>>
      %dma_start3A_127 = tpu.memref_squeeze %dma_start3A_126 : memref<1x80x128xf32, #tpu.memory_space<hbm>> -> memref<80x128xf32, #tpu.memory_space<hbm>>
      %dma_start3A_128 = arith.constant 0 : i32
      %dma_start3A_129 = tpu.memref_slice %arg8[%add3A_112, %dma_start3A_128] : memref<10240x128xf32, #tpu.memory_space<vmem_shared>> -> memref<80x128xf32, #tpu.memory_space<vmem_shared>>
      tpu.enqueue_dma source(%dma_start3A_129 : memref<80x128xf32, #tpu.memory_space<vmem_shared>>) target(%dma_start3A_127 : memref<80x128xf32, #tpu.memory_space<hbm>>) target_semaphore(%run_scoped3A : memref<!tpu.dma_semaphore, #tpu.memory_space<semaphore_mem>>)
      %dma_wait3A_130 = arith.constant 0 : i32
      %dma_wait3A_131 = tpu.memref_slice %arg3[%arg0, %add3A_112, %dma_wait3A_130] : memref<2x10240x128xf32, #tpu.memory_space<hbm>> -> memref<1x80x128xf32, #tpu.memory_space<hbm>>
      %dma_wait3A_132 = tpu.memref_squeeze %dma_wait3A_131 : memref<1x80x128xf32, #tpu.memory_space<hbm>> -> memref<80x128xf32, #tpu.memory_space<hbm>>
      %dma_wait3A_133 = arith.constant 0 : i32
      %dma_wait3A_134 = tpu.memref_slice %arg8[%add3A_112, %dma_wait3A_133] : memref<10240x128xf32, #tpu.memory_space<vmem_shared>> -> memref<80x128xf32, #tpu.memory_space<vmem_shared>>
      tpu.wait_dma2 semaphore(%run_scoped3A : memref<!tpu.dma_semaphore, #tpu.memory_space<semaphore_mem>>) src(%dma_wait3A_134 : memref<80x128xf32, #tpu.memory_space<vmem_shared>>) dst(%dma_wait3A_132 : memref<80x128xf32, #tpu.memory_space<hbm>>)
      tpu.yield
    }) : () -> ()
    %mul3A_113 = arith.constant 640 : i32
    %mul3A_114 = arith.muli %arg1, %mul3A_113 : i32
    %add3A_115 = arith.constant 400 : i32
    %add3A_116 = arith.addi %mul3A_114, %add3A_115 : i32
    "tpu.region"() ({
      %run_scoped3A = tpu.sem_alloc : memref<!tpu.dma_semaphore, #tpu.memory_space<semaphore_mem>>
      %dma_start3A_125 = arith.constant 0 : i32
      %dma_start3A_126 = tpu.memref_slice %arg3[%arg0, %add3A_116, %dma_start3A_125] : memref<2x10240x128xf32, #tpu.memory_space<hbm>> -> memref<1x80x128xf32, #tpu.memory_space<hbm>>
      %dma_start3A_127 = tpu.memref_squeeze %dma_start3A_126 : memref<1x80x128xf32, #tpu.memory_space<hbm>> -> memref<80x128xf32, #tpu.memory_space<hbm>>
      %dma_start3A_128 = arith.constant 0 : i32
      %dma_start3A_129 = tpu.memref_slice %arg8[%add3A_116, %dma_start3A_128] : memref<10240x128xf32, #tpu.memory_space<vmem_shared>> -> memref<80x128xf32, #tpu.memory_space<vmem_shared>>
      tpu.enqueue_dma source(%dma_start3A_129 : memref<80x128xf32, #tpu.memory_space<vmem_shared>>) target(%dma_start3A_127 : memref<80x128xf32, #tpu.memory_space<hbm>>) target_semaphore(%run_scoped3A : memref<!tpu.dma_semaphore, #tpu.memory_space<semaphore_mem>>)
      %dma_wait3A_130 = arith.constant 0 : i32
      %dma_wait3A_131 = tpu.memref_slice %arg3[%arg0, %add3A_116, %dma_wait3A_130] : memref<2x10240x128xf32, #tpu.memory_space<hbm>> -> memref<1x80x128xf32, #tpu.memory_space<hbm>>
      %dma_wait3A_132 = tpu.memref_squeeze %dma_wait3A_131 : memref<1x80x128xf32, #tpu.memory_space<hbm>> -> memref<80x128xf32, #tpu.memory_space<hbm>>
      %dma_wait3A_133 = arith.constant 0 : i32
      %dma_wait3A_134 = tpu.memref_slice %arg8[%add3A_116, %dma_wait3A_133] : memref<10240x128xf32, #tpu.memory_space<vmem_shared>> -> memref<80x128xf32, #tpu.memory_space<vmem_shared>>
      tpu.wait_dma2 semaphore(%run_scoped3A : memref<!tpu.dma_semaphore, #tpu.memory_space<semaphore_mem>>) src(%dma_wait3A_134 : memref<80x128xf32, #tpu.memory_space<vmem_shared>>) dst(%dma_wait3A_132 : memref<80x128xf32, #tpu.memory_space<hbm>>)
      tpu.yield
    }) : () -> ()
    %mul3A_117 = arith.constant 640 : i32
    %mul3A_118 = arith.muli %arg1, %mul3A_117 : i32
    %add3A_119 = arith.constant 480 : i32
    %add3A_120 = arith.addi %mul3A_118, %add3A_119 : i32
    "tpu.region"() ({
      %run_scoped3A = tpu.sem_alloc : memref<!tpu.dma_semaphore, #tpu.memory_space<semaphore_mem>>
      %dma_start3A_125 = arith.constant 0 : i32
      %dma_start3A_126 = tpu.memref_slice %arg3[%arg0, %add3A_120, %dma_start3A_125] : memref<2x10240x128xf32, #tpu.memory_space<hbm>> -> memref<1x80x128xf32, #tpu.memory_space<hbm>>
      %dma_start3A_127 = tpu.memref_squeeze %dma_start3A_126 : memref<1x80x128xf32, #tpu.memory_space<hbm>> -> memref<80x128xf32, #tpu.memory_space<hbm>>
      %dma_start3A_128 = arith.constant 0 : i32
      %dma_start3A_129 = tpu.memref_slice %arg8[%add3A_120, %dma_start3A_128] : memref<10240x128xf32, #tpu.memory_space<vmem_shared>> -> memref<80x128xf32, #tpu.memory_space<vmem_shared>>
      tpu.enqueue_dma source(%dma_start3A_129 : memref<80x128xf32, #tpu.memory_space<vmem_shared>>) target(%dma_start3A_127 : memref<80x128xf32, #tpu.memory_space<hbm>>) target_semaphore(%run_scoped3A : memref<!tpu.dma_semaphore, #tpu.memory_space<semaphore_mem>>)
      %dma_wait3A_130 = arith.constant 0 : i32
      %dma_wait3A_131 = tpu.memref_slice %arg3[%arg0, %add3A_120, %dma_wait3A_130] : memref<2x10240x128xf32, #tpu.memory_space<hbm>> -> memref<1x80x128xf32, #tpu.memory_space<hbm>>
      %dma_wait3A_132 = tpu.memref_squeeze %dma_wait3A_131 : memref<1x80x128xf32, #tpu.memory_space<hbm>> -> memref<80x128xf32, #tpu.memory_space<hbm>>
      %dma_wait3A_133 = arith.constant 0 : i32
      %dma_wait3A_134 = tpu.memref_slice %arg8[%add3A_120, %dma_wait3A_133] : memref<10240x128xf32, #tpu.memory_space<vmem_shared>> -> memref<80x128xf32, #tpu.memory_space<vmem_shared>>
      tpu.wait_dma2 semaphore(%run_scoped3A : memref<!tpu.dma_semaphore, #tpu.memory_space<semaphore_mem>>) src(%dma_wait3A_134 : memref<80x128xf32, #tpu.memory_space<vmem_shared>>) dst(%dma_wait3A_132 : memref<80x128xf32, #tpu.memory_space<hbm>>)
      tpu.yield
    }) : () -> ()
    %mul3A_121 = arith.constant 640 : i32
    %mul3A_122 = arith.muli %arg1, %mul3A_121 : i32
    %add3A_123 = arith.constant 560 : i32
    %add3A_124 = arith.addi %mul3A_122, %add3A_123 : i32
    "tpu.region"() ({
      %run_scoped3A = tpu.sem_alloc : memref<!tpu.dma_semaphore, #tpu.memory_space<semaphore_mem>>
      %dma_start3A_125 = arith.constant 0 : i32
      %dma_start3A_126 = tpu.memref_slice %arg3[%arg0, %add3A_124, %dma_start3A_125] : memref<2x10240x128xf32, #tpu.memory_space<hbm>> -> memref<1x80x128xf32, #tpu.memory_space<hbm>>
      %dma_start3A_127 = tpu.memref_squeeze %dma_start3A_126 : memref<1x80x128xf32, #tpu.memory_space<hbm>> -> memref<80x128xf32, #tpu.memory_space<hbm>>
      %dma_start3A_128 = arith.constant 0 : i32
      %dma_start3A_129 = tpu.memref_slice %arg8[%add3A_124, %dma_start3A_128] : memref<10240x128xf32, #tpu.memory_space<vmem_shared>> -> memref<80x128xf32, #tpu.memory_space<vmem_shared>>
      tpu.enqueue_dma source(%dma_start3A_129 : memref<80x128xf32, #tpu.memory_space<vmem_shared>>) target(%dma_start3A_127 : memref<80x128xf32, #tpu.memory_space<hbm>>) target_semaphore(%run_scoped3A : memref<!tpu.dma_semaphore, #tpu.memory_space<semaphore_mem>>)
      %dma_wait3A_130 = arith.constant 0 : i32
      %dma_wait3A_131 = tpu.memref_slice %arg3[%arg0, %add3A_124, %dma_wait3A_130] : memref<2x10240x128xf32, #tpu.memory_space<hbm>> -> memref<1x80x128xf32, #tpu.memory_space<hbm>>
      %dma_wait3A_132 = tpu.memref_squeeze %dma_wait3A_131 : memref<1x80x128xf32, #tpu.memory_space<hbm>> -> memref<80x128xf32, #tpu.memory_space<hbm>>
      %dma_wait3A_133 = arith.constant 0 : i32
      %dma_wait3A_134 = tpu.memref_slice %arg8[%add3A_124, %dma_wait3A_133] : memref<10240x128xf32, #tpu.memory_space<vmem_shared>> -> memref<80x128xf32, #tpu.memory_space<vmem_shared>>
      tpu.wait_dma2 semaphore(%run_scoped3A : memref<!tpu.dma_semaphore, #tpu.memory_space<semaphore_mem>>) src(%dma_wait3A_134 : memref<80x128xf32, #tpu.memory_space<vmem_shared>>) dst(%dma_wait3A_132 : memref<80x128xf32, #tpu.memory_space<hbm>>)
      tpu.yield
    }) : () -> ()
    return
  }
}

#map = affine_map<(d0, d1) -> (0, 0)>
#map1 = affine_map<(d0, d1) -> (0)>
#map2 = affine_map<(d0, d1) -> (0, 0, 0)>
module attributes {stable_mosaic.version = 14 : i64} {
  func.func @_prop_kernel(%arg0: i32, %arg1: i32, %arg2: memref<10000x128xf32, #tpu.memory_space<hbm>>, %arg3: memref<320000xi32, #tpu.memory_space<hbm>>, %arg4: memref<320000xi32, #tpu.memory_space<hbm>>, %arg5: memref<2x10240x128xf32, #tpu.memory_space<hbm>>, %arg6: memref<80xi32, #tpu.memory_space<vmem>>, %arg7: memref<80xi32, #tpu.memory_space<vmem>>, %arg8: memref<80xi32, #tpu.memory_space<vmem>>, %arg9: memref<80xi32, #tpu.memory_space<vmem>>, %arg10: memref<80xi32, #tpu.memory_space<vmem>>, %arg11: memref<80xi32, #tpu.memory_space<vmem>>, %arg12: memref<80x128xf32, #tpu.memory_space<vmem>>, %arg13: memref<80x128xf32, #tpu.memory_space<vmem>>, %arg14: memref<80x128xf32, #tpu.memory_space<vmem>>, %arg15: memref<10240x128xf32, #tpu.memory_space<vmem_shared>>, %arg16: memref<!tpu.dma_semaphore, #tpu.memory_space<semaphore_mem>>, %arg17: memref<!tpu.dma_semaphore, #tpu.memory_space<semaphore_mem>>, %arg18: memref<!tpu.dma_semaphore, #tpu.memory_space<semaphore_mem>>, %arg19: memref<!tpu.dma_semaphore, #tpu.memory_space<semaphore_mem>>, %arg20: memref<!tpu.dma_semaphore, #tpu.memory_space<semaphore_mem>>, %arg21: memref<!tpu.dma_semaphore, #tpu.memory_space<semaphore_mem>>, %arg22: memref<!tpu.dma_semaphore, #tpu.memory_space<semaphore_mem>>, %arg23: memref<!tpu.dma_semaphore, #tpu.memory_space<semaphore_mem>>, %arg24: memref<!tpu.dma_semaphore, #tpu.memory_space<semaphore_mem>>, %arg25: memref<!tpu.dma_semaphore, #tpu.memory_space<semaphore_mem>>, %arg26: memref<!tpu.dma_semaphore, #tpu.memory_space<semaphore_mem>>, %arg27: memref<!tpu.dma_semaphore, #tpu.memory_space<semaphore_mem>>) attributes {dimension_semantics = [#tpu.dimension_semantics<core_parallel>, #tpu.dimension_semantics<subcore_parallel>], iteration_bounds = array<i64: 2, 16>, scalar_prefetch = 0 : i64, scratch_operands = 22 : i64, tpu.core_type = #tpu.core_type<sc_vector_subcore>, window_params = [{transform_indices = #map}, {transform_indices = #map1}, {transform_indices = #map1}, {transform_indices = #map2}]} {
    %mul3A = arith.constant 16 : i32
    %mul3A_0 = arith.muli %arg0, %mul3A : i32
    %add3A = arith.addi %mul3A_0, %arg1 : i32
    %mul3A_1 = arith.constant 10000 : i32
    %mul3A_2 = arith.muli %add3A, %mul3A_1 : i32
    %broadcast_in_dim3A = arith.constant 0.000000e+00 : f32
    %broadcast_in_dim3A_3 = vector.broadcast %broadcast_in_dim3A : f32 to vector<16xf32>
    %scan3A = arith.constant 0 : i32
    %scan3A_4 = arith.constant 0 : i32
    %scan3A_5 = arith.constant 640 : i32
    %scan3A_6 = arith.addi %scan3A_4, %scan3A_5 : i32
    %scan3A_7 = arith.constant 1 : i32
    %scan3A_8 = scf.for %scan3A_158 = %scan3A_4 to %scan3A_6 step %scan3A_7 iter_args(%scan3A_159 = %scan3A) -> (i32)  : i32 {
      %shift_right_arithmetic3A = arith.constant 3 : i32
      %shift_right_arithmetic3A_160 = arith.shrsi %scan3A_158, %shift_right_arithmetic3A : i32
      %and3A = arith.constant 7 : i32
      %and3A_161 = arith.andi %scan3A_158, %and3A : i32
      %mul3A_162 = arith.constant 16 : i32
      %mul3A_163 = arith.muli %and3A_161, %mul3A_162 : i32
      %swap3A = arith.index_cast %shift_right_arithmetic3A_160 : i32 to index
      %swap3A_164 = arith.index_cast %mul3A_163 : i32 to index
      %swap3A_165 = tpu.vector_load %arg12[%swap3A, %swap3A_164] {strides = array<i32>} : memref<80x128xf32, #tpu.memory_space<vmem>>, vector<1x16xf32>,
      %swap3A_166 = vector.shape_cast %swap3A_165 : vector<1x16xf32> to vector<16xf32>
      %swap3A_167 = vector.shape_cast %broadcast_in_dim3A_3 : vector<16xf32> to vector<1x16xf32>
      tpu.vector_store %arg12[%swap3A, %swap3A_164], %swap3A_167 {strides = array<i32>} : memref<80x128xf32, #tpu.memory_space<vmem>>, vector<1x16xf32>,
      %scan3A_168 = arith.constant 0 : i32
      scf.yield %scan3A_168 : i32
    }
    %scan3A_9 = arith.constant 640 : i32
    %mul3A_10 = arith.constant 640 : i32
    %mul3A_11 = arith.muli %arg1, %mul3A_10 : i32
    %add3A_12 = arith.constant 0 : i32
    %add3A_13 = arith.addi %mul3A_11, %add3A_12 : i32
    "tpu.region"() ({
      %run_scoped3A = tpu.sem_alloc : memref<!tpu.dma_semaphore, #tpu.memory_space<semaphore_mem>>
      %dma_start3A_158 = arith.constant 0 : i32
      %dma_start3A_159 = tpu.memref_slice %arg15[%add3A_13, %dma_start3A_158] : memref<10240x128xf32, #tpu.memory_space<vmem_shared>> -> memref<80x128xf32, #tpu.memory_space<vmem_shared>>
      %dma_start3A_160 = arith.constant 0 : i32
      %dma_start3A_161 = tpu.memref_slice %arg15[%add3A_13, %dma_start3A_160] : memref<10240x128xf32, #tpu.memory_space<vmem_shared>> -> memref<80x128xf32, #tpu.memory_space<vmem_shared>>
      tpu.enqueue_dma source(%arg12 : memref<80x128xf32, #tpu.memory_space<vmem>>) target(%dma_start3A_161 : memref<80x128xf32, #tpu.memory_space<vmem_shared>>) target_semaphore(%run_scoped3A : memref<!tpu.dma_semaphore, #tpu.memory_space<semaphore_mem>>)
      %dma_wait3A_162 = arith.constant 0 : i32
      %dma_wait3A_163 = tpu.memref_slice %arg15[%add3A_13, %dma_wait3A_162] : memref<10240x128xf32, #tpu.memory_space<vmem_shared>> -> memref<80x128xf32, #tpu.memory_space<vmem_shared>>
      %dma_wait3A_164 = arith.constant 0 : i32
      %dma_wait3A_165 = tpu.memref_slice %arg15[%add3A_13, %dma_wait3A_164] : memref<10240x128xf32, #tpu.memory_space<vmem_shared>> -> memref<80x128xf32, #tpu.memory_space<vmem_shared>>
      tpu.wait_dma2 semaphore(%run_scoped3A : memref<!tpu.dma_semaphore, #tpu.memory_space<semaphore_mem>>) src(%arg12 : memref<80x128xf32, #tpu.memory_space<vmem>>) dst(%dma_wait3A_165 : memref<80x128xf32, #tpu.memory_space<vmem_shared>>)
      tpu.yield
    }) : () -> ()
    %mul3A_14 = arith.constant 640 : i32
    %mul3A_15 = arith.muli %arg1, %mul3A_14 : i32
    %add3A_16 = arith.constant 80 : i32
    %add3A_17 = arith.addi %mul3A_15, %add3A_16 : i32
    "tpu.region"() ({
      %run_scoped3A = tpu.sem_alloc : memref<!tpu.dma_semaphore, #tpu.memory_space<semaphore_mem>>
      %dma_start3A_158 = arith.constant 0 : i32
      %dma_start3A_159 = tpu.memref_slice %arg15[%add3A_17, %dma_start3A_158] : memref<10240x128xf32, #tpu.memory_space<vmem_shared>> -> memref<80x128xf32, #tpu.memory_space<vmem_shared>>
      %dma_start3A_160 = arith.constant 0 : i32
      %dma_start3A_161 = tpu.memref_slice %arg15[%add3A_17, %dma_start3A_160] : memref<10240x128xf32, #tpu.memory_space<vmem_shared>> -> memref<80x128xf32, #tpu.memory_space<vmem_shared>>
      tpu.enqueue_dma source(%arg12 : memref<80x128xf32, #tpu.memory_space<vmem>>) target(%dma_start3A_161 : memref<80x128xf32, #tpu.memory_space<vmem_shared>>) target_semaphore(%run_scoped3A : memref<!tpu.dma_semaphore, #tpu.memory_space<semaphore_mem>>)
      %dma_wait3A_162 = arith.constant 0 : i32
      %dma_wait3A_163 = tpu.memref_slice %arg15[%add3A_17, %dma_wait3A_162] : memref<10240x128xf32, #tpu.memory_space<vmem_shared>> -> memref<80x128xf32, #tpu.memory_space<vmem_shared>>
      %dma_wait3A_164 = arith.constant 0 : i32
      %dma_wait3A_165 = tpu.memref_slice %arg15[%add3A_17, %dma_wait3A_164] : memref<10240x128xf32, #tpu.memory_space<vmem_shared>> -> memref<80x128xf32, #tpu.memory_space<vmem_shared>>
      tpu.wait_dma2 semaphore(%run_scoped3A : memref<!tpu.dma_semaphore, #tpu.memory_space<semaphore_mem>>) src(%arg12 : memref<80x128xf32, #tpu.memory_space<vmem>>) dst(%dma_wait3A_165 : memref<80x128xf32, #tpu.memory_space<vmem_shared>>)
      tpu.yield
    }) : () -> ()
    %mul3A_18 = arith.constant 640 : i32
    %mul3A_19 = arith.muli %arg1, %mul3A_18 : i32
    %add3A_20 = arith.constant 160 : i32
    %add3A_21 = arith.addi %mul3A_19, %add3A_20 : i32
    "tpu.region"() ({
      %run_scoped3A = tpu.sem_alloc : memref<!tpu.dma_semaphore, #tpu.memory_space<semaphore_mem>>
      %dma_start3A_158 = arith.constant 0 : i32
      %dma_start3A_159 = tpu.memref_slice %arg15[%add3A_21, %dma_start3A_158] : memref<10240x128xf32, #tpu.memory_space<vmem_shared>> -> memref<80x128xf32, #tpu.memory_space<vmem_shared>>
      %dma_start3A_160 = arith.constant 0 : i32
      %dma_start3A_161 = tpu.memref_slice %arg15[%add3A_21, %dma_start3A_160] : memref<10240x128xf32, #tpu.memory_space<vmem_shared>> -> memref<80x128xf32, #tpu.memory_space<vmem_shared>>
      tpu.enqueue_dma source(%arg12 : memref<80x128xf32, #tpu.memory_space<vmem>>) target(%dma_start3A_161 : memref<80x128xf32, #tpu.memory_space<vmem_shared>>) target_semaphore(%run_scoped3A : memref<!tpu.dma_semaphore, #tpu.memory_space<semaphore_mem>>)
      %dma_wait3A_162 = arith.constant 0 : i32
      %dma_wait3A_163 = tpu.memref_slice %arg15[%add3A_21, %dma_wait3A_162] : memref<10240x128xf32, #tpu.memory_space<vmem_shared>> -> memref<80x128xf32, #tpu.memory_space<vmem_shared>>
      %dma_wait3A_164 = arith.constant 0 : i32
      %dma_wait3A_165 = tpu.memref_slice %arg15[%add3A_21, %dma_wait3A_164] : memref<10240x128xf32, #tpu.memory_space<vmem_shared>> -> memref<80x128xf32, #tpu.memory_space<vmem_shared>>
      tpu.wait_dma2 semaphore(%run_scoped3A : memref<!tpu.dma_semaphore, #tpu.memory_space<semaphore_mem>>) src(%arg12 : memref<80x128xf32, #tpu.memory_space<vmem>>) dst(%dma_wait3A_165 : memref<80x128xf32, #tpu.memory_space<vmem_shared>>)
      tpu.yield
    }) : () -> ()
    %mul3A_22 = arith.constant 640 : i32
    %mul3A_23 = arith.muli %arg1, %mul3A_22 : i32
    %add3A_24 = arith.constant 240 : i32
    %add3A_25 = arith.addi %mul3A_23, %add3A_24 : i32
    "tpu.region"() ({
      %run_scoped3A = tpu.sem_alloc : memref<!tpu.dma_semaphore, #tpu.memory_space<semaphore_mem>>
      %dma_start3A_158 = arith.constant 0 : i32
      %dma_start3A_159 = tpu.memref_slice %arg15[%add3A_25, %dma_start3A_158] : memref<10240x128xf32, #tpu.memory_space<vmem_shared>> -> memref<80x128xf32, #tpu.memory_space<vmem_shared>>
      %dma_start3A_160 = arith.constant 0 : i32
      %dma_start3A_161 = tpu.memref_slice %arg15[%add3A_25, %dma_start3A_160] : memref<10240x128xf32, #tpu.memory_space<vmem_shared>> -> memref<80x128xf32, #tpu.memory_space<vmem_shared>>
      tpu.enqueue_dma source(%arg12 : memref<80x128xf32, #tpu.memory_space<vmem>>) target(%dma_start3A_161 : memref<80x128xf32, #tpu.memory_space<vmem_shared>>) target_semaphore(%run_scoped3A : memref<!tpu.dma_semaphore, #tpu.memory_space<semaphore_mem>>)
      %dma_wait3A_162 = arith.constant 0 : i32
      %dma_wait3A_163 = tpu.memref_slice %arg15[%add3A_25, %dma_wait3A_162] : memref<10240x128xf32, #tpu.memory_space<vmem_shared>> -> memref<80x128xf32, #tpu.memory_space<vmem_shared>>
      %dma_wait3A_164 = arith.constant 0 : i32
      %dma_wait3A_165 = tpu.memref_slice %arg15[%add3A_25, %dma_wait3A_164] : memref<10240x128xf32, #tpu.memory_space<vmem_shared>> -> memref<80x128xf32, #tpu.memory_space<vmem_shared>>
      tpu.wait_dma2 semaphore(%run_scoped3A : memref<!tpu.dma_semaphore, #tpu.memory_space<semaphore_mem>>) src(%arg12 : memref<80x128xf32, #tpu.memory_space<vmem>>) dst(%dma_wait3A_165 : memref<80x128xf32, #tpu.memory_space<vmem_shared>>)
      tpu.yield
    }) : () -> ()
    %mul3A_26 = arith.constant 640 : i32
    %mul3A_27 = arith.muli %arg1, %mul3A_26 : i32
    %add3A_28 = arith.constant 320 : i32
    %add3A_29 = arith.addi %mul3A_27, %add3A_28 : i32
    "tpu.region"() ({
      %run_scoped3A = tpu.sem_alloc : memref<!tpu.dma_semaphore, #tpu.memory_space<semaphore_mem>>
      %dma_start3A_158 = arith.constant 0 : i32
      %dma_start3A_159 = tpu.memref_slice %arg15[%add3A_29, %dma_start3A_158] : memref<10240x128xf32, #tpu.memory_space<vmem_shared>> -> memref<80x128xf32, #tpu.memory_space<vmem_shared>>
      %dma_start3A_160 = arith.constant 0 : i32
      %dma_start3A_161 = tpu.memref_slice %arg15[%add3A_29, %dma_start3A_160] : memref<10240x128xf32, #tpu.memory_space<vmem_shared>> -> memref<80x128xf32, #tpu.memory_space<vmem_shared>>
      tpu.enqueue_dma source(%arg12 : memref<80x128xf32, #tpu.memory_space<vmem>>) target(%dma_start3A_161 : memref<80x128xf32, #tpu.memory_space<vmem_shared>>) target_semaphore(%run_scoped3A : memref<!tpu.dma_semaphore, #tpu.memory_space<semaphore_mem>>)
      %dma_wait3A_162 = arith.constant 0 : i32
      %dma_wait3A_163 = tpu.memref_slice %arg15[%add3A_29, %dma_wait3A_162] : memref<10240x128xf32, #tpu.memory_space<vmem_shared>> -> memref<80x128xf32, #tpu.memory_space<vmem_shared>>
      %dma_wait3A_164 = arith.constant 0 : i32
      %dma_wait3A_165 = tpu.memref_slice %arg15[%add3A_29, %dma_wait3A_164] : memref<10240x128xf32, #tpu.memory_space<vmem_shared>> -> memref<80x128xf32, #tpu.memory_space<vmem_shared>>
      tpu.wait_dma2 semaphore(%run_scoped3A : memref<!tpu.dma_semaphore, #tpu.memory_space<semaphore_mem>>) src(%arg12 : memref<80x128xf32, #tpu.memory_space<vmem>>) dst(%dma_wait3A_165 : memref<80x128xf32, #tpu.memory_space<vmem_shared>>)
      tpu.yield
    }) : () -> ()
    %mul3A_30 = arith.constant 640 : i32
    %mul3A_31 = arith.muli %arg1, %mul3A_30 : i32
    %add3A_32 = arith.constant 400 : i32
    %add3A_33 = arith.addi %mul3A_31, %add3A_32 : i32
    "tpu.region"() ({
      %run_scoped3A = tpu.sem_alloc : memref<!tpu.dma_semaphore, #tpu.memory_space<semaphore_mem>>
      %dma_start3A_158 = arith.constant 0 : i32
      %dma_start3A_159 = tpu.memref_slice %arg15[%add3A_33, %dma_start3A_158] : memref<10240x128xf32, #tpu.memory_space<vmem_shared>> -> memref<80x128xf32, #tpu.memory_space<vmem_shared>>
      %dma_start3A_160 = arith.constant 0 : i32
      %dma_start3A_161 = tpu.memref_slice %arg15[%add3A_33, %dma_start3A_160] : memref<10240x128xf32, #tpu.memory_space<vmem_shared>> -> memref<80x128xf32, #tpu.memory_space<vmem_shared>>
      tpu.enqueue_dma source(%arg12 : memref<80x128xf32, #tpu.memory_space<vmem>>) target(%dma_start3A_161 : memref<80x128xf32, #tpu.memory_space<vmem_shared>>) target_semaphore(%run_scoped3A : memref<!tpu.dma_semaphore, #tpu.memory_space<semaphore_mem>>)
      %dma_wait3A_162 = arith.constant 0 : i32
      %dma_wait3A_163 = tpu.memref_slice %arg15[%add3A_33, %dma_wait3A_162] : memref<10240x128xf32, #tpu.memory_space<vmem_shared>> -> memref<80x128xf32, #tpu.memory_space<vmem_shared>>
      %dma_wait3A_164 = arith.constant 0 : i32
      %dma_wait3A_165 = tpu.memref_slice %arg15[%add3A_33, %dma_wait3A_164] : memref<10240x128xf32, #tpu.memory_space<vmem_shared>> -> memref<80x128xf32, #tpu.memory_space<vmem_shared>>
      tpu.wait_dma2 semaphore(%run_scoped3A : memref<!tpu.dma_semaphore, #tpu.memory_space<semaphore_mem>>) src(%arg12 : memref<80x128xf32, #tpu.memory_space<vmem>>) dst(%dma_wait3A_165 : memref<80x128xf32, #tpu.memory_space<vmem_shared>>)
      tpu.yield
    }) : () -> ()
    %mul3A_34 = arith.constant 640 : i32
    %mul3A_35 = arith.muli %arg1, %mul3A_34 : i32
    %add3A_36 = arith.constant 480 : i32
    %add3A_37 = arith.addi %mul3A_35, %add3A_36 : i32
    "tpu.region"() ({
      %run_scoped3A = tpu.sem_alloc : memref<!tpu.dma_semaphore, #tpu.memory_space<semaphore_mem>>
      %dma_start3A_158 = arith.constant 0 : i32
      %dma_start3A_159 = tpu.memref_slice %arg15[%add3A_37, %dma_start3A_158] : memref<10240x128xf32, #tpu.memory_space<vmem_shared>> -> memref<80x128xf32, #tpu.memory_space<vmem_shared>>
      %dma_start3A_160 = arith.constant 0 : i32
      %dma_start3A_161 = tpu.memref_slice %arg15[%add3A_37, %dma_start3A_160] : memref<10240x128xf32, #tpu.memory_space<vmem_shared>> -> memref<80x128xf32, #tpu.memory_space<vmem_shared>>
      tpu.enqueue_dma source(%arg12 : memref<80x128xf32, #tpu.memory_space<vmem>>) target(%dma_start3A_161 : memref<80x128xf32, #tpu.memory_space<vmem_shared>>) target_semaphore(%run_scoped3A : memref<!tpu.dma_semaphore, #tpu.memory_space<semaphore_mem>>)
      %dma_wait3A_162 = arith.constant 0 : i32
      %dma_wait3A_163 = tpu.memref_slice %arg15[%add3A_37, %dma_wait3A_162] : memref<10240x128xf32, #tpu.memory_space<vmem_shared>> -> memref<80x128xf32, #tpu.memory_space<vmem_shared>>
      %dma_wait3A_164 = arith.constant 0 : i32
      %dma_wait3A_165 = tpu.memref_slice %arg15[%add3A_37, %dma_wait3A_164] : memref<10240x128xf32, #tpu.memory_space<vmem_shared>> -> memref<80x128xf32, #tpu.memory_space<vmem_shared>>
      tpu.wait_dma2 semaphore(%run_scoped3A : memref<!tpu.dma_semaphore, #tpu.memory_space<semaphore_mem>>) src(%arg12 : memref<80x128xf32, #tpu.memory_space<vmem>>) dst(%dma_wait3A_165 : memref<80x128xf32, #tpu.memory_space<vmem_shared>>)
      tpu.yield
    }) : () -> ()
    %mul3A_38 = arith.constant 640 : i32
    %mul3A_39 = arith.muli %arg1, %mul3A_38 : i32
    %add3A_40 = arith.constant 560 : i32
    %add3A_41 = arith.addi %mul3A_39, %add3A_40 : i32
    "tpu.region"() ({
      %run_scoped3A = tpu.sem_alloc : memref<!tpu.dma_semaphore, #tpu.memory_space<semaphore_mem>>
      %dma_start3A_158 = arith.constant 0 : i32
      %dma_start3A_159 = tpu.memref_slice %arg15[%add3A_41, %dma_start3A_158] : memref<10240x128xf32, #tpu.memory_space<vmem_shared>> -> memref<80x128xf32, #tpu.memory_space<vmem_shared>>
      %dma_start3A_160 = arith.constant 0 : i32
      %dma_start3A_161 = tpu.memref_slice %arg15[%add3A_41, %dma_start3A_160] : memref<10240x128xf32, #tpu.memory_space<vmem_shared>> -> memref<80x128xf32, #tpu.memory_space<vmem_shared>>
      tpu.enqueue_dma source(%arg12 : memref<80x128xf32, #tpu.memory_space<vmem>>) target(%dma_start3A_161 : memref<80x128xf32, #tpu.memory_space<vmem_shared>>) target_semaphore(%run_scoped3A : memref<!tpu.dma_semaphore, #tpu.memory_space<semaphore_mem>>)
      %dma_wait3A_162 = arith.constant 0 : i32
      %dma_wait3A_163 = tpu.memref_slice %arg15[%add3A_41, %dma_wait3A_162] : memref<10240x128xf32, #tpu.memory_space<vmem_shared>> -> memref<80x128xf32, #tpu.memory_space<vmem_shared>>
      %dma_wait3A_164 = arith.constant 0 : i32
      %dma_wait3A_165 = tpu.memref_slice %arg15[%add3A_41, %dma_wait3A_164] : memref<10240x128xf32, #tpu.memory_space<vmem_shared>> -> memref<80x128xf32, #tpu.memory_space<vmem_shared>>
      tpu.wait_dma2 semaphore(%run_scoped3A : memref<!tpu.dma_semaphore, #tpu.memory_space<semaphore_mem>>) src(%arg12 : memref<80x128xf32, #tpu.memory_space<vmem>>) dst(%dma_wait3A_165 : memref<80x128xf32, #tpu.memory_space<vmem_shared>>)
      tpu.yield
    }) : () -> ()
    %barrier3A = arith.constant 0 : index
    tpu.barrier barrier_id(%barrier3A)
    %add3A_42 = arith.constant 0 : i32
    %add3A_43 = arith.addi %mul3A_2, %add3A_42 : i32
    %dma_start3A = tpu.memref_slice %arg3[%add3A_43] : memref<320000xi32, #tpu.memory_space<hbm>> -> memref<80xi32, #tpu.memory_space<hbm>>
    %dma_start3A_44 = tpu.memref_slice %arg3[%add3A_43] : memref<320000xi32, #tpu.memory_space<hbm>> -> memref<80xi32, #tpu.memory_space<hbm>>
    tpu.enqueue_dma source(%dma_start3A_44 : memref<80xi32, #tpu.memory_space<hbm>>) target(%arg6 : memref<80xi32, #tpu.memory_space<vmem>>) target_semaphore(%arg16 : memref<!tpu.dma_semaphore, #tpu.memory_space<semaphore_mem>>)
    %add3A_45 = arith.constant 0 : i32
    %add3A_46 = arith.addi %mul3A_2, %add3A_45 : i32
    %dma_start3A_47 = tpu.memref_slice %arg4[%add3A_46] : memref<320000xi32, #tpu.memory_space<hbm>> -> memref<80xi32, #tpu.memory_space<hbm>>
    %dma_start3A_48 = tpu.memref_slice %arg4[%add3A_46] : memref<320000xi32, #tpu.memory_space<hbm>> -> memref<80xi32, #tpu.memory_space<hbm>>
    tpu.enqueue_dma source(%dma_start3A_48 : memref<80xi32, #tpu.memory_space<hbm>>) target(%arg9 : memref<80xi32, #tpu.memory_space<vmem>>) target_semaphore(%arg19 : memref<!tpu.dma_semaphore, #tpu.memory_space<semaphore_mem>>)
    %add3A_49 = arith.constant 80 : i32
    %add3A_50 = arith.addi %mul3A_2, %add3A_49 : i32
    %dma_start3A_51 = tpu.memref_slice %arg3[%add3A_50] : memref<320000xi32, #tpu.memory_space<hbm>> -> memref<80xi32, #tpu.memory_space<hbm>>
    %dma_start3A_52 = tpu.memref_slice %arg3[%add3A_50] : memref<320000xi32, #tpu.memory_space<hbm>> -> memref<80xi32, #tpu.memory_space<hbm>>
    tpu.enqueue_dma source(%dma_start3A_52 : memref<80xi32, #tpu.memory_space<hbm>>) target(%arg7 : memref<80xi32, #tpu.memory_space<vmem>>) target_semaphore(%arg17 : memref<!tpu.dma_semaphore, #tpu.memory_space<semaphore_mem>>)
    %add3A_53 = arith.constant 80 : i32
    %add3A_54 = arith.addi %mul3A_2, %add3A_53 : i32
    %dma_start3A_55 = tpu.memref_slice %arg4[%add3A_54] : memref<320000xi32, #tpu.memory_space<hbm>> -> memref<80xi32, #tpu.memory_space<hbm>>
    %dma_start3A_56 = tpu.memref_slice %arg4[%add3A_54] : memref<320000xi32, #tpu.memory_space<hbm>> -> memref<80xi32, #tpu.memory_space<hbm>>
    tpu.enqueue_dma source(%dma_start3A_56 : memref<80xi32, #tpu.memory_space<hbm>>) target(%arg10 : memref<80xi32, #tpu.memory_space<vmem>>) target_semaphore(%arg20 : memref<!tpu.dma_semaphore, #tpu.memory_space<semaphore_mem>>)
    %add3A_57 = arith.constant 160 : i32
    %add3A_58 = arith.addi %mul3A_2, %add3A_57 : i32
    %dma_start3A_59 = tpu.memref_slice %arg3[%add3A_58] : memref<320000xi32, #tpu.memory_space<hbm>> -> memref<80xi32, #tpu.memory_space<hbm>>
    %dma_start3A_60 = tpu.memref_slice %arg3[%add3A_58] : memref<320000xi32, #tpu.memory_space<hbm>> -> memref<80xi32, #tpu.memory_space<hbm>>
    tpu.enqueue_dma source(%dma_start3A_60 : memref<80xi32, #tpu.memory_space<hbm>>) target(%arg8 : memref<80xi32, #tpu.memory_space<vmem>>) target_semaphore(%arg18 : memref<!tpu.dma_semaphore, #tpu.memory_space<semaphore_mem>>)
    %add3A_61 = arith.constant 160 : i32
    %add3A_62 = arith.addi %mul3A_2, %add3A_61 : i32
    %dma_start3A_63 = tpu.memref_slice %arg4[%add3A_62] : memref<320000xi32, #tpu.memory_space<hbm>> -> memref<80xi32, #tpu.memory_space<hbm>>
    %dma_start3A_64 = tpu.memref_slice %arg4[%add3A_62] : memref<320000xi32, #tpu.memory_space<hbm>> -> memref<80xi32, #tpu.memory_space<hbm>>
    tpu.enqueue_dma source(%dma_start3A_64 : memref<80xi32, #tpu.memory_space<hbm>>) target(%arg11 : memref<80xi32, #tpu.memory_space<vmem>>) target_semaphore(%arg21 : memref<!tpu.dma_semaphore, #tpu.memory_space<semaphore_mem>>)
    %add3A_65 = arith.constant 0 : i32
    %add3A_66 = arith.addi %mul3A_2, %add3A_65 : i32
    %dma_wait3A = tpu.memref_slice %arg3[%add3A_66] : memref<320000xi32, #tpu.memory_space<hbm>> -> memref<80xi32, #tpu.memory_space<hbm>>
    %dma_wait3A_67 = tpu.memref_slice %arg3[%add3A_66] : memref<320000xi32, #tpu.memory_space<hbm>> -> memref<80xi32, #tpu.memory_space<hbm>>
    tpu.wait_dma2 semaphore(%arg16 : memref<!tpu.dma_semaphore, #tpu.memory_space<semaphore_mem>>) src(%dma_wait3A_67 : memref<80xi32, #tpu.memory_space<hbm>>) dst(%arg6 : memref<80xi32, #tpu.memory_space<vmem>>)
    %dma_start3A_68 = arith.constant 0 : i32
    %dma_start3A_69 = arith.constant 0 : i32
    %dma_start3A_70 = tpu.memref_slice %arg2[%dma_start3A_68, %dma_start3A_69] : memref<10000x128xf32, #tpu.memory_space<hbm>> -> memref<10000x128xf32, #tpu.memory_space<hbm>>
    tpu.enqueue_indirect_dma source(%dma_start3A_70 : memref<10000x128xf32, #tpu.memory_space<hbm>>) target(%arg12 : memref<80x128xf32, #tpu.memory_space<vmem>>) offsets(%arg6 : memref<80xi32, #tpu.memory_space<vmem>>) semaphore(%arg22 : memref<!tpu.dma_semaphore, #tpu.memory_space<semaphore_mem>>)
    %add3A_71 = arith.constant 80 : i32
    %add3A_72 = arith.addi %mul3A_2, %add3A_71 : i32
    %dma_wait3A_73 = tpu.memref_slice %arg3[%add3A_72] : memref<320000xi32, #tpu.memory_space<hbm>> -> memref<80xi32, #tpu.memory_space<hbm>>
    %dma_wait3A_74 = tpu.memref_slice %arg3[%add3A_72] : memref<320000xi32, #tpu.memory_space<hbm>> -> memref<80xi32, #tpu.memory_space<hbm>>
    tpu.wait_dma2 semaphore(%arg17 : memref<!tpu.dma_semaphore, #tpu.memory_space<semaphore_mem>>) src(%dma_wait3A_74 : memref<80xi32, #tpu.memory_space<hbm>>) dst(%arg7 : memref<80xi32, #tpu.memory_space<vmem>>)
    %dma_start3A_75 = arith.constant 0 : i32
    %dma_start3A_76 = arith.constant 0 : i32
    %dma_start3A_77 = tpu.memref_slice %arg2[%dma_start3A_75, %dma_start3A_76] : memref<10000x128xf32, #tpu.memory_space<hbm>> -> memref<10000x128xf32, #tpu.memory_space<hbm>>
    tpu.enqueue_indirect_dma source(%dma_start3A_77 : memref<10000x128xf32, #tpu.memory_space<hbm>>) target(%arg13 : memref<80x128xf32, #tpu.memory_space<vmem>>) offsets(%arg7 : memref<80xi32, #tpu.memory_space<vmem>>) semaphore(%arg23 : memref<!tpu.dma_semaphore, #tpu.memory_space<semaphore_mem>>)
    %add3A_78 = arith.constant 160 : i32
    %add3A_79 = arith.addi %mul3A_2, %add3A_78 : i32
    %dma_wait3A_80 = tpu.memref_slice %arg3[%add3A_79] : memref<320000xi32, #tpu.memory_space<hbm>> -> memref<80xi32, #tpu.memory_space<hbm>>
    %dma_wait3A_81 = tpu.memref_slice %arg3[%add3A_79] : memref<320000xi32, #tpu.memory_space<hbm>> -> memref<80xi32, #tpu.memory_space<hbm>>
    tpu.wait_dma2 semaphore(%arg18 : memref<!tpu.dma_semaphore, #tpu.memory_space<semaphore_mem>>) src(%dma_wait3A_81 : memref<80xi32, #tpu.memory_space<hbm>>) dst(%arg8 : memref<80xi32, #tpu.memory_space<vmem>>)
    %dma_start3A_82 = arith.constant 0 : i32
    %dma_start3A_83 = arith.constant 0 : i32
    %dma_start3A_84 = tpu.memref_slice %arg2[%dma_start3A_82, %dma_start3A_83] : memref<10000x128xf32, #tpu.memory_space<hbm>> -> memref<10000x128xf32, #tpu.memory_space<hbm>>
    tpu.enqueue_indirect_dma source(%dma_start3A_84 : memref<10000x128xf32, #tpu.memory_space<hbm>>) target(%arg14 : memref<80x128xf32, #tpu.memory_space<vmem>>) offsets(%arg8 : memref<80xi32, #tpu.memory_space<vmem>>) semaphore(%arg24 : memref<!tpu.dma_semaphore, #tpu.memory_space<semaphore_mem>>)
    %scan3A_85 = arith.constant 0 : i32
    %scan3A_86 = arith.constant 0 : i32
    %scan3A_87 = arith.constant 41 : i32
    %scan3A_88 = arith.addi %scan3A_86, %scan3A_87 : i32
    %scan3A_89 = arith.constant 1 : i32
    %scan3A_90 = scf.for %scan3A_158 = %scan3A_86 to %scan3A_88 step %scan3A_89 iter_args(%scan3A_159 = %scan3A_85) -> (i32)  : i32 {
      %mul3A_160 = arith.constant 3 : i32
      %mul3A_161 = arith.muli %mul3A_160, %scan3A_158 : i32
      %dma_wait3A_162 = arith.constant 0 : i32
      %dma_wait3A_163 = arith.constant 0 : i32
      %dma_wait3A_164 = tpu.memref_slice %arg2[%dma_wait3A_162, %dma_wait3A_163] : memref<10000x128xf32, #tpu.memory_space<hbm>> -> memref<10000x128xf32, #tpu.memory_space<hbm>>
      tpu.wait_indirect_dma semaphore(%arg22 : memref<!tpu.dma_semaphore, #tpu.memory_space<semaphore_mem>>) src(%dma_wait3A_164 : memref<10000x128xf32, #tpu.memory_space<hbm>>) dst(%arg12 : memref<80x128xf32, #tpu.memory_space<vmem>>)
      %add3A_165 = arith.constant 3 : i32
      %add3A_166 = arith.addi %mul3A_161, %add3A_165 : i32
      %add3A_167 = arith.constant 0 : i32
      %add3A_168 = arith.addi %add3A_166, %add3A_167 : i32
      %min3A = arith.constant 124 : i32
      %min3A_169 = arith.minsi %add3A_168, %min3A : i32
      %mul3A_170 = arith.constant 80 : i32
      %mul3A_171 = arith.muli %min3A_169, %mul3A_170 : i32
      %add3A_172 = arith.addi %mul3A_2, %mul3A_171 : i32
      %dma_start3A_173 = tpu.memref_slice %arg3[%add3A_172] : memref<320000xi32, #tpu.memory_space<hbm>> -> memref<80xi32, #tpu.memory_space<hbm>>
      %dma_start3A_174 = tpu.memref_slice %arg3[%add3A_172] : memref<320000xi32, #tpu.memory_space<hbm>> -> memref<80xi32, #tpu.memory_space<hbm>>
      tpu.enqueue_dma source(%dma_start3A_174 : memref<80xi32, #tpu.memory_space<hbm>>) target(%arg6 : memref<80xi32, #tpu.memory_space<vmem>>) target_semaphore(%arg16 : memref<!tpu.dma_semaphore, #tpu.memory_space<semaphore_mem>>)
      %add3A_175 = arith.constant 0 : i32
      %add3A_176 = arith.addi %mul3A_161, %add3A_175 : i32
      %mul3A_177 = arith.constant 80 : i32
      %mul3A_178 = arith.muli %add3A_176, %mul3A_177 : i32
      %add3A_179 = arith.addi %mul3A_2, %mul3A_178 : i32
      %dma_wait3A_180 = tpu.memref_slice %arg4[%add3A_179] : memref<320000xi32, #tpu.memory_space<hbm>> -> memref<80xi32, #tpu.memory_space<hbm>>
      %dma_wait3A_181 = tpu.memref_slice %arg4[%add3A_179] : memref<320000xi32, #tpu.memory_space<hbm>> -> memref<80xi32, #tpu.memory_space<hbm>>
      tpu.wait_dma2 semaphore(%arg19 : memref<!tpu.dma_semaphore, #tpu.memory_space<semaphore_mem>>) src(%dma_wait3A_181 : memref<80xi32, #tpu.memory_space<hbm>>) dst(%arg9 : memref<80xi32, #tpu.memory_space<vmem>>)
      %dma_start3A_182 = arith.constant 0 : i32
      %dma_start3A_183 = arith.constant 0 : i32
      %dma_start3A_184 = tpu.memref_slice %arg15[%dma_start3A_182, %dma_start3A_183] : memref<10240x128xf32, #tpu.memory_space<vmem_shared>> -> memref<10240x128xf32, #tpu.memory_space<vmem_shared>>
      tpu.enqueue_indirect_dma source(%arg12 : memref<80x128xf32, #tpu.memory_space<vmem>>) target(%dma_start3A_184 : memref<10240x128xf32, #tpu.memory_space<vmem_shared>>) offsets(%arg9 : memref<80xi32, #tpu.memory_space<vmem>>) semaphore(%arg25 : memref<!tpu.dma_semaphore, #tpu.memory_space<semaphore_mem>>) {add = true}
      %dma_wait3A_185 = arith.constant 0 : i32
      %dma_wait3A_186 = arith.constant 0 : i32
      %dma_wait3A_187 = tpu.memref_slice %arg2[%dma_wait3A_185, %dma_wait3A_186] : memref<10000x128xf32, #tpu.memory_space<hbm>> -> memref<10000x128xf32, #tpu.memory_space<hbm>>
      tpu.wait_indirect_dma semaphore(%arg23 : memref<!tpu.dma_semaphore, #tpu.memory_space<semaphore_mem>>) src(%dma_wait3A_187 : memref<10000x128xf32, #tpu.memory_space<hbm>>) dst(%arg13 : memref<80x128xf32, #tpu.memory_space<vmem>>)
      %add3A_188 = arith.constant 3 : i32
      %add3A_189 = arith.addi %mul3A_161, %add3A_188 : i32
      %add3A_190 = arith.constant 1 : i32
      %add3A_191 = arith.addi %add3A_189, %add3A_190 : i32
      %min3A_192 = arith.constant 124 : i32
      %min3A_193 = arith.minsi %add3A_191, %min3A_192 : i32
      %mul3A_194 = arith.constant 80 : i32
      %mul3A_195 = arith.muli %min3A_193, %mul3A_194 : i32
      %add3A_196 = arith.addi %mul3A_2, %mul3A_195 : i32
      %dma_start3A_197 = tpu.memref_slice %arg3[%add3A_196] : memref<320000xi32, #tpu.memory_space<hbm>> -> memref<80xi32, #tpu.memory_space<hbm>>
      %dma_start3A_198 = tpu.memref_slice %arg3[%add3A_196] : memref<320000xi32, #tpu.memory_space<hbm>> -> memref<80xi32, #tpu.memory_space<hbm>>
      tpu.enqueue_dma source(%dma_start3A_198 : memref<80xi32, #tpu.memory_space<hbm>>) target(%arg7 : memref<80xi32, #tpu.memory_space<vmem>>) target_semaphore(%arg17 : memref<!tpu.dma_semaphore, #tpu.memory_space<semaphore_mem>>)
      %add3A_199 = arith.constant 1 : i32
      %add3A_200 = arith.addi %mul3A_161, %add3A_199 : i32
      %mul3A_201 = arith.constant 80 : i32
      %mul3A_202 = arith.muli %add3A_200, %mul3A_201 : i32
      %add3A_203 = arith.addi %mul3A_2, %mul3A_202 : i32
      %dma_wait3A_204 = tpu.memref_slice %arg4[%add3A_203] : memref<320000xi32, #tpu.memory_space<hbm>> -> memref<80xi32, #tpu.memory_space<hbm>>
      %dma_wait3A_205 = tpu.memref_slice %arg4[%add3A_203] : memref<320000xi32, #tpu.memory_space<hbm>> -> memref<80xi32, #tpu.memory_space<hbm>>
      tpu.wait_dma2 semaphore(%arg20 : memref<!tpu.dma_semaphore, #tpu.memory_space<semaphore_mem>>) src(%dma_wait3A_205 : memref<80xi32, #tpu.memory_space<hbm>>) dst(%arg10 : memref<80xi32, #tpu.memory_space<vmem>>)
      %dma_start3A_206 = arith.constant 0 : i32
      %dma_start3A_207 = arith.constant 0 : i32
      %dma_start3A_208 = tpu.memref_slice %arg15[%dma_start3A_206, %dma_start3A_207] : memref<10240x128xf32, #tpu.memory_space<vmem_shared>> -> memref<10240x128xf32, #tpu.memory_space<vmem_shared>>
      tpu.enqueue_indirect_dma source(%arg13 : memref<80x128xf32, #tpu.memory_space<vmem>>) target(%dma_start3A_208 : memref<10240x128xf32, #tpu.memory_space<vmem_shared>>) offsets(%arg10 : memref<80xi32, #tpu.memory_space<vmem>>) semaphore(%arg26 : memref<!tpu.dma_semaphore, #tpu.memory_space<semaphore_mem>>) {add = true}
      %dma_wait3A_209 = arith.constant 0 : i32
      %dma_wait3A_210 = arith.constant 0 : i32
      %dma_wait3A_211 = tpu.memref_slice %arg2[%dma_wait3A_209, %dma_wait3A_210] : memref<10000x128xf32, #tpu.memory_space<hbm>> -> memref<10000x128xf32, #tpu.memory_space<hbm>>
      tpu.wait_indirect_dma semaphore(%arg24 : memref<!tpu.dma_semaphore, #tpu.memory_space<semaphore_mem>>) src(%dma_wait3A_211 : memref<10000x128xf32, #tpu.memory_space<hbm>>) dst(%arg14 : memref<80x128xf32, #tpu.memory_space<vmem>>)
      %add3A_212 = arith.constant 3 : i32
      %add3A_213 = arith.addi %mul3A_161, %add3A_212 : i32
      %add3A_214 = arith.constant 2 : i32
      %add3A_215 = arith.addi %add3A_213, %add3A_214 : i32
      %min3A_216 = arith.constant 124 : i32
      %min3A_217 = arith.minsi %add3A_215, %min3A_216 : i32
      %mul3A_218 = arith.constant 80 : i32
      %mul3A_219 = arith.muli %min3A_217, %mul3A_218 : i32
      %add3A_220 = arith.addi %mul3A_2, %mul3A_219 : i32
      %dma_start3A_221 = tpu.memref_slice %arg3[%add3A_220] : memref<320000xi32, #tpu.memory_space<hbm>> -> memref<80xi32, #tpu.memory_space<hbm>>
      %dma_start3A_222 = tpu.memref_slice %arg3[%add3A_220] : memref<320000xi32, #tpu.memory_space<hbm>> -> memref<80xi32, #tpu.memory_space<hbm>>
      tpu.enqueue_dma source(%dma_start3A_222 : memref<80xi32, #tpu.memory_space<hbm>>) target(%arg8 : memref<80xi32, #tpu.memory_space<vmem>>) target_semaphore(%arg18 : memref<!tpu.dma_semaphore, #tpu.memory_space<semaphore_mem>>)
      %add3A_223 = arith.constant 2 : i32
      %add3A_224 = arith.addi %mul3A_161, %add3A_223 : i32
      %mul3A_225 = arith.constant 80 : i32
      %mul3A_226 = arith.muli %add3A_224, %mul3A_225 : i32
      %add3A_227 = arith.addi %mul3A_2, %mul3A_226 : i32
      %dma_wait3A_228 = tpu.memref_slice %arg4[%add3A_227] : memref<320000xi32, #tpu.memory_space<hbm>> -> memref<80xi32, #tpu.memory_space<hbm>>
      %dma_wait3A_229 = tpu.memref_slice %arg4[%add3A_227] : memref<320000xi32, #tpu.memory_space<hbm>> -> memref<80xi32, #tpu.memory_space<hbm>>
      tpu.wait_dma2 semaphore(%arg21 : memref<!tpu.dma_semaphore, #tpu.memory_space<semaphore_mem>>) src(%dma_wait3A_229 : memref<80xi32, #tpu.memory_space<hbm>>) dst(%arg11 : memref<80xi32, #tpu.memory_space<vmem>>)
      %dma_start3A_230 = arith.constant 0 : i32
      %dma_start3A_231 = arith.constant 0 : i32
      %dma_start3A_232 = tpu.memref_slice %arg15[%dma_start3A_230, %dma_start3A_231] : memref<10240x128xf32, #tpu.memory_space<vmem_shared>> -> memref<10240x128xf32, #tpu.memory_space<vmem_shared>>
      tpu.enqueue_indirect_dma source(%arg14 : memref<80x128xf32, #tpu.memory_space<vmem>>) target(%dma_start3A_232 : memref<10240x128xf32, #tpu.memory_space<vmem_shared>>) offsets(%arg11 : memref<80xi32, #tpu.memory_space<vmem>>) semaphore(%arg27 : memref<!tpu.dma_semaphore, #tpu.memory_space<semaphore_mem>>) {add = true}
      %dma_wait3A_233 = arith.constant 0 : i32
      %dma_wait3A_234 = arith.constant 0 : i32
      %dma_wait3A_235 = tpu.memref_slice %arg15[%dma_wait3A_233, %dma_wait3A_234] : memref<10240x128xf32, #tpu.memory_space<vmem_shared>> -> memref<10240x128xf32, #tpu.memory_space<vmem_shared>>
      tpu.wait_indirect_dma semaphore(%arg25 : memref<!tpu.dma_semaphore, #tpu.memory_space<semaphore_mem>>) src(%arg12 : memref<80x128xf32, #tpu.memory_space<vmem>>) dst(%dma_wait3A_235 : memref<10240x128xf32, #tpu.memory_space<vmem_shared>>)
      %add3A_236 = arith.constant 3 : i32
      %add3A_237 = arith.addi %mul3A_161, %add3A_236 : i32
      %add3A_238 = arith.constant 0 : i32
      %add3A_239 = arith.addi %add3A_237, %add3A_238 : i32
      %min3A_240 = arith.constant 124 : i32
      %min3A_241 = arith.minsi %add3A_239, %min3A_240 : i32
      %mul3A_242 = arith.constant 80 : i32
      %mul3A_243 = arith.muli %min3A_241, %mul3A_242 : i32
      %add3A_244 = arith.addi %mul3A_2, %mul3A_243 : i32
      %dma_start3A_245 = tpu.memref_slice %arg4[%add3A_244] : memref<320000xi32, #tpu.memory_space<hbm>> -> memref<80xi32, #tpu.memory_space<hbm>>
      %dma_start3A_246 = tpu.memref_slice %arg4[%add3A_244] : memref<320000xi32, #tpu.memory_space<hbm>> -> memref<80xi32, #tpu.memory_space<hbm>>
      tpu.enqueue_dma source(%dma_start3A_246 : memref<80xi32, #tpu.memory_space<hbm>>) target(%arg9 : memref<80xi32, #tpu.memory_space<vmem>>) target_semaphore(%arg19 : memref<!tpu.dma_semaphore, #tpu.memory_space<semaphore_mem>>)
      %add3A_247 = arith.constant 3 : i32
      %add3A_248 = arith.addi %mul3A_161, %add3A_247 : i32
      %add3A_249 = arith.constant 0 : i32
      %add3A_250 = arith.addi %add3A_248, %add3A_249 : i32
      %min3A_251 = arith.constant 124 : i32
      %min3A_252 = arith.minsi %add3A_250, %min3A_251 : i32
      %mul3A_253 = arith.constant 80 : i32
      %mul3A_254 = arith.muli %min3A_252, %mul3A_253 : i32
      %add3A_255 = arith.addi %mul3A_2, %mul3A_254 : i32
      %dma_wait3A_256 = tpu.memref_slice %arg3[%add3A_255] : memref<320000xi32, #tpu.memory_space<hbm>> -> memref<80xi32, #tpu.memory_space<hbm>>
      %dma_wait3A_257 = tpu.memref_slice %arg3[%add3A_255] : memref<320000xi32, #tpu.memory_space<hbm>> -> memref<80xi32, #tpu.memory_space<hbm>>
      tpu.wait_dma2 semaphore(%arg16 : memref<!tpu.dma_semaphore, #tpu.memory_space<semaphore_mem>>) src(%dma_wait3A_257 : memref<80xi32, #tpu.memory_space<hbm>>) dst(%arg6 : memref<80xi32, #tpu.memory_space<vmem>>)
      %dma_start3A_258 = arith.constant 0 : i32
      %dma_start3A_259 = arith.constant 0 : i32
      %dma_start3A_260 = tpu.memref_slice %arg2[%dma_start3A_258, %dma_start3A_259] : memref<10000x128xf32, #tpu.memory_space<hbm>> -> memref<10000x128xf32, #tpu.memory_space<hbm>>
      tpu.enqueue_indirect_dma source(%dma_start3A_260 : memref<10000x128xf32, #tpu.memory_space<hbm>>) target(%arg12 : memref<80x128xf32, #tpu.memory_space<vmem>>) offsets(%arg6 : memref<80xi32, #tpu.memory_space<vmem>>) semaphore(%arg22 : memref<!tpu.dma_semaphore, #tpu.memory_space<semaphore_mem>>)
      %dma_wait3A_261 = arith.constant 0 : i32
      %dma_wait3A_262 = arith.constant 0 : i32
      %dma_wait3A_263 = tpu.memref_slice %arg15[%dma_wait3A_261, %dma_wait3A_262] : memref<10240x128xf32, #tpu.memory_space<vmem_shared>> -> memref<10240x128xf32, #tpu.memory_space<vmem_shared>>
      tpu.wait_indirect_dma semaphore(%arg26 : memref<!tpu.dma_semaphore, #tpu.memory_space<semaphore_mem>>) src(%arg13 : memref<80x128xf32, #tpu.memory_space<vmem>>) dst(%dma_wait3A_263 : memref<10240x128xf32, #tpu.memory_space<vmem_shared>>)
      %add3A_264 = arith.constant 3 : i32
      %add3A_265 = arith.addi %mul3A_161, %add3A_264 : i32
      %add3A_266 = arith.constant 1 : i32
      %add3A_267 = arith.addi %add3A_265, %add3A_266 : i32
      %min3A_268 = arith.constant 124 : i32
      %min3A_269 = arith.minsi %add3A_267, %min3A_268 : i32
      %mul3A_270 = arith.constant 80 : i32
      %mul3A_271 = arith.muli %min3A_269, %mul3A_270 : i32
      %add3A_272 = arith.addi %mul3A_2, %mul3A_271 : i32
      %dma_start3A_273 = tpu.memref_slice %arg4[%add3A_272] : memref<320000xi32, #tpu.memory_space<hbm>> -> memref<80xi32, #tpu.memory_space<hbm>>
      %dma_start3A_274 = tpu.memref_slice %arg4[%add3A_272] : memref<320000xi32, #tpu.memory_space<hbm>> -> memref<80xi32, #tpu.memory_space<hbm>>
      tpu.enqueue_dma source(%dma_start3A_274 : memref<80xi32, #tpu.memory_space<hbm>>) target(%arg10 : memref<80xi32, #tpu.memory_space<vmem>>) target_semaphore(%arg20 : memref<!tpu.dma_semaphore, #tpu.memory_space<semaphore_mem>>)
      %add3A_275 = arith.constant 3 : i32
      %add3A_276 = arith.addi %mul3A_161, %add3A_275 : i32
      %add3A_277 = arith.constant 1 : i32
      %add3A_278 = arith.addi %add3A_276, %add3A_277 : i32
      %min3A_279 = arith.constant 124 : i32
      %min3A_280 = arith.minsi %add3A_278, %min3A_279 : i32
      %mul3A_281 = arith.constant 80 : i32
      %mul3A_282 = arith.muli %min3A_280, %mul3A_281 : i32
      %add3A_283 = arith.addi %mul3A_2, %mul3A_282 : i32
      %dma_wait3A_284 = tpu.memref_slice %arg3[%add3A_283] : memref<320000xi32, #tpu.memory_space<hbm>> -> memref<80xi32, #tpu.memory_space<hbm>>
      %dma_wait3A_285 = tpu.memref_slice %arg3[%add3A_283] : memref<320000xi32, #tpu.memory_space<hbm>> -> memref<80xi32, #tpu.memory_space<hbm>>
      tpu.wait_dma2 semaphore(%arg17 : memref<!tpu.dma_semaphore, #tpu.memory_space<semaphore_mem>>) src(%dma_wait3A_285 : memref<80xi32, #tpu.memory_space<hbm>>) dst(%arg7 : memref<80xi32, #tpu.memory_space<vmem>>)
      %dma_start3A_286 = arith.constant 0 : i32
      %dma_start3A_287 = arith.constant 0 : i32
      %dma_start3A_288 = tpu.memref_slice %arg2[%dma_start3A_286, %dma_start3A_287] : memref<10000x128xf32, #tpu.memory_space<hbm>> -> memref<10000x128xf32, #tpu.memory_space<hbm>>
      tpu.enqueue_indirect_dma source(%dma_start3A_288 : memref<10000x128xf32, #tpu.memory_space<hbm>>) target(%arg13 : memref<80x128xf32, #tpu.memory_space<vmem>>) offsets(%arg7 : memref<80xi32, #tpu.memory_space<vmem>>) semaphore(%arg23 : memref<!tpu.dma_semaphore, #tpu.memory_space<semaphore_mem>>)
      %dma_wait3A_289 = arith.constant 0 : i32
      %dma_wait3A_290 = arith.constant 0 : i32
      %dma_wait3A_291 = tpu.memref_slice %arg15[%dma_wait3A_289, %dma_wait3A_290] : memref<10240x128xf32, #tpu.memory_space<vmem_shared>> -> memref<10240x128xf32, #tpu.memory_space<vmem_shared>>
      tpu.wait_indirect_dma semaphore(%arg27 : memref<!tpu.dma_semaphore, #tpu.memory_space<semaphore_mem>>) src(%arg14 : memref<80x128xf32, #tpu.memory_space<vmem>>) dst(%dma_wait3A_291 : memref<10240x128xf32, #tpu.memory_space<vmem_shared>>)
      %add3A_292 = arith.constant 3 : i32
      %add3A_293 = arith.addi %mul3A_161, %add3A_292 : i32
      %add3A_294 = arith.constant 2 : i32
      %add3A_295 = arith.addi %add3A_293, %add3A_294 : i32
      %min3A_296 = arith.constant 124 : i32
      %min3A_297 = arith.minsi %add3A_295, %min3A_296 : i32
      %mul3A_298 = arith.constant 80 : i32
      %mul3A_299 = arith.muli %min3A_297, %mul3A_298 : i32
      %add3A_300 = arith.addi %mul3A_2, %mul3A_299 : i32
      %dma_start3A_301 = tpu.memref_slice %arg4[%add3A_300] : memref<320000xi32, #tpu.memory_space<hbm>> -> memref<80xi32, #tpu.memory_space<hbm>>
      %dma_start3A_302 = tpu.memref_slice %arg4[%add3A_300] : memref<320000xi32, #tpu.memory_space<hbm>> -> memref<80xi32, #tpu.memory_space<hbm>>
      tpu.enqueue_dma source(%dma_start3A_302 : memref<80xi32, #tpu.memory_space<hbm>>) target(%arg11 : memref<80xi32, #tpu.memory_space<vmem>>) target_semaphore(%arg21 : memref<!tpu.dma_semaphore, #tpu.memory_space<semaphore_mem>>)
      %add3A_303 = arith.constant 3 : i32
      %add3A_304 = arith.addi %mul3A_161, %add3A_303 : i32
      %add3A_305 = arith.constant 2 : i32
      %add3A_306 = arith.addi %add3A_304, %add3A_305 : i32
      %min3A_307 = arith.constant 124 : i32
      %min3A_308 = arith.minsi %add3A_306, %min3A_307 : i32
      %mul3A_309 = arith.constant 80 : i32
      %mul3A_310 = arith.muli %min3A_308, %mul3A_309 : i32
      %add3A_311 = arith.addi %mul3A_2, %mul3A_310 : i32
      %dma_wait3A_312 = tpu.memref_slice %arg3[%add3A_311] : memref<320000xi32, #tpu.memory_space<hbm>> -> memref<80xi32, #tpu.memory_space<hbm>>
      %dma_wait3A_313 = tpu.memref_slice %arg3[%add3A_311] : memref<320000xi32, #tpu.memory_space<hbm>> -> memref<80xi32, #tpu.memory_space<hbm>>
      tpu.wait_dma2 semaphore(%arg18 : memref<!tpu.dma_semaphore, #tpu.memory_space<semaphore_mem>>) src(%dma_wait3A_313 : memref<80xi32, #tpu.memory_space<hbm>>) dst(%arg8 : memref<80xi32, #tpu.memory_space<vmem>>)
      %dma_start3A_314 = arith.constant 0 : i32
      %dma_start3A_315 = arith.constant 0 : i32
      %dma_start3A_316 = tpu.memref_slice %arg2[%dma_start3A_314, %dma_start3A_315] : memref<10000x128xf32, #tpu.memory_space<hbm>> -> memref<10000x128xf32, #tpu.memory_space<hbm>>
      tpu.enqueue_indirect_dma source(%dma_start3A_316 : memref<10000x128xf32, #tpu.memory_space<hbm>>) target(%arg14 : memref<80x128xf32, #tpu.memory_space<vmem>>) offsets(%arg8 : memref<80xi32, #tpu.memory_space<vmem>>) semaphore(%arg24 : memref<!tpu.dma_semaphore, #tpu.memory_space<semaphore_mem>>)
      %scan3A_317 = arith.constant 0 : i32
      scf.yield %scan3A_317 : i32
    }
    %scan3A_91 = arith.constant 41 : i32
    %dma_wait3A_92 = arith.constant 0 : i32
    %dma_wait3A_93 = arith.constant 0 : i32
    %dma_wait3A_94 = tpu.memref_slice %arg2[%dma_wait3A_92, %dma_wait3A_93] : memref<10000x128xf32, #tpu.memory_space<hbm>> -> memref<10000x128xf32, #tpu.memory_space<hbm>>
    tpu.wait_indirect_dma semaphore(%arg22 : memref<!tpu.dma_semaphore, #tpu.memory_space<semaphore_mem>>) src(%dma_wait3A_94 : memref<10000x128xf32, #tpu.memory_space<hbm>>) dst(%arg12 : memref<80x128xf32, #tpu.memory_space<vmem>>)
    %add3A_95 = arith.constant 9840 : i32
    %add3A_96 = arith.addi %mul3A_2, %add3A_95 : i32
    %dma_wait3A_97 = tpu.memref_slice %arg4[%add3A_96] : memref<320000xi32, #tpu.memory_space<hbm>> -> memref<80xi32, #tpu.memory_space<hbm>>
    %dma_wait3A_98 = tpu.memref_slice %arg4[%add3A_96] : memref<320000xi32, #tpu.memory_space<hbm>> -> memref<80xi32, #tpu.memory_space<hbm>>
    tpu.wait_dma2 semaphore(%arg19 : memref<!tpu.dma_semaphore, #tpu.memory_space<semaphore_mem>>) src(%dma_wait3A_98 : memref<80xi32, #tpu.memory_space<hbm>>) dst(%arg9 : memref<80xi32, #tpu.memory_space<vmem>>)
    %dma_start3A_99 = arith.constant 0 : i32
    %dma_start3A_100 = arith.constant 0 : i32
    %dma_start3A_101 = tpu.memref_slice %arg15[%dma_start3A_99, %dma_start3A_100] : memref<10240x128xf32, #tpu.memory_space<vmem_shared>> -> memref<10240x128xf32, #tpu.memory_space<vmem_shared>>
    tpu.enqueue_indirect_dma source(%arg12 : memref<80x128xf32, #tpu.memory_space<vmem>>) target(%dma_start3A_101 : memref<10240x128xf32, #tpu.memory_space<vmem_shared>>) offsets(%arg9 : memref<80xi32, #tpu.memory_space<vmem>>) semaphore(%arg25 : memref<!tpu.dma_semaphore, #tpu.memory_space<semaphore_mem>>) {add = true}
    %dma_wait3A_102 = arith.constant 0 : i32
    %dma_wait3A_103 = arith.constant 0 : i32
    %dma_wait3A_104 = tpu.memref_slice %arg2[%dma_wait3A_102, %dma_wait3A_103] : memref<10000x128xf32, #tpu.memory_space<hbm>> -> memref<10000x128xf32, #tpu.memory_space<hbm>>
    tpu.wait_indirect_dma semaphore(%arg23 : memref<!tpu.dma_semaphore, #tpu.memory_space<semaphore_mem>>) src(%dma_wait3A_104 : memref<10000x128xf32, #tpu.memory_space<hbm>>) dst(%arg13 : memref<80x128xf32, #tpu.memory_space<vmem>>)
    %add3A_105 = arith.constant 9920 : i32
    %add3A_106 = arith.addi %mul3A_2, %add3A_105 : i32
    %dma_wait3A_107 = tpu.memref_slice %arg4[%add3A_106] : memref<320000xi32, #tpu.memory_space<hbm>> -> memref<80xi32, #tpu.memory_space<hbm>>
    %dma_wait3A_108 = tpu.memref_slice %arg4[%add3A_106] : memref<320000xi32, #tpu.memory_space<hbm>> -> memref<80xi32, #tpu.memory_space<hbm>>
    tpu.wait_dma2 semaphore(%arg20 : memref<!tpu.dma_semaphore, #tpu.memory_space<semaphore_mem>>) src(%dma_wait3A_108 : memref<80xi32, #tpu.memory_space<hbm>>) dst(%arg10 : memref<80xi32, #tpu.memory_space<vmem>>)
    %dma_start3A_109 = arith.constant 0 : i32
    %dma_start3A_110 = arith.constant 0 : i32
    %dma_start3A_111 = tpu.memref_slice %arg15[%dma_start3A_109, %dma_start3A_110] : memref<10240x128xf32, #tpu.memory_space<vmem_shared>> -> memref<10240x128xf32, #tpu.memory_space<vmem_shared>>
    tpu.enqueue_indirect_dma source(%arg13 : memref<80x128xf32, #tpu.memory_space<vmem>>) target(%dma_start3A_111 : memref<10240x128xf32, #tpu.memory_space<vmem_shared>>) offsets(%arg10 : memref<80xi32, #tpu.memory_space<vmem>>) semaphore(%arg26 : memref<!tpu.dma_semaphore, #tpu.memory_space<semaphore_mem>>) {add = true}
    %dma_wait3A_112 = arith.constant 0 : i32
    %dma_wait3A_113 = arith.constant 0 : i32
    %dma_wait3A_114 = tpu.memref_slice %arg2[%dma_wait3A_112, %dma_wait3A_113] : memref<10000x128xf32, #tpu.memory_space<hbm>> -> memref<10000x128xf32, #tpu.memory_space<hbm>>
    tpu.wait_indirect_dma semaphore(%arg24 : memref<!tpu.dma_semaphore, #tpu.memory_space<semaphore_mem>>) src(%dma_wait3A_114 : memref<10000x128xf32, #tpu.memory_space<hbm>>) dst(%arg14 : memref<80x128xf32, #tpu.memory_space<vmem>>)
    %add3A_115 = arith.constant 9920 : i32
    %add3A_116 = arith.addi %mul3A_2, %add3A_115 : i32
    %dma_wait3A_117 = tpu.memref_slice %arg4[%add3A_116] : memref<320000xi32, #tpu.memory_space<hbm>> -> memref<80xi32, #tpu.memory_space<hbm>>
    %dma_wait3A_118 = tpu.memref_slice %arg4[%add3A_116] : memref<320000xi32, #tpu.memory_space<hbm>> -> memref<80xi32, #tpu.memory_space<hbm>>
    tpu.wait_dma2 semaphore(%arg21 : memref<!tpu.dma_semaphore, #tpu.memory_space<semaphore_mem>>) src(%dma_wait3A_118 : memref<80xi32, #tpu.memory_space<hbm>>) dst(%arg11 : memref<80xi32, #tpu.memory_space<vmem>>)
    %dma_wait3A_119 = arith.constant 0 : i32
    %dma_wait3A_120 = arith.constant 0 : i32
    %dma_wait3A_121 = tpu.memref_slice %arg15[%dma_wait3A_119, %dma_wait3A_120] : memref<10240x128xf32, #tpu.memory_space<vmem_shared>> -> memref<10240x128xf32, #tpu.memory_space<vmem_shared>>
    tpu.wait_indirect_dma semaphore(%arg25 : memref<!tpu.dma_semaphore, #tpu.memory_space<semaphore_mem>>) src(%arg12 : memref<80x128xf32, #tpu.memory_space<vmem>>) dst(%dma_wait3A_121 : memref<10240x128xf32, #tpu.memory_space<vmem_shared>>)
    %dma_wait3A_122 = arith.constant 0 : i32
    %dma_wait3A_123 = arith.constant 0 : i32
    %dma_wait3A_124 = tpu.memref_slice %arg15[%dma_wait3A_122, %dma_wait3A_123] : memref<10240x128xf32, #tpu.memory_space<vmem_shared>> -> memref<10240x128xf32, #tpu.memory_space<vmem_shared>>
    tpu.wait_indirect_dma semaphore(%arg26 : memref<!tpu.dma_semaphore, #tpu.memory_space<semaphore_mem>>) src(%arg13 : memref<80x128xf32, #tpu.memory_space<vmem>>) dst(%dma_wait3A_124 : memref<10240x128xf32, #tpu.memory_space<vmem_shared>>)
    %barrier3A_125 = arith.constant 0 : index
    tpu.barrier barrier_id(%barrier3A_125)
    %mul3A_126 = arith.constant 640 : i32
    %mul3A_127 = arith.muli %arg1, %mul3A_126 : i32
    %add3A_128 = arith.constant 0 : i32
    %add3A_129 = arith.addi %mul3A_127, %add3A_128 : i32
    "tpu.region"() ({
      %run_scoped3A = tpu.sem_alloc : memref<!tpu.dma_semaphore, #tpu.memory_space<semaphore_mem>>
      %dma_start3A_158 = arith.constant 0 : i32
      %dma_start3A_159 = tpu.memref_slice %arg5[%arg0, %add3A_129, %dma_start3A_158] : memref<2x10240x128xf32, #tpu.memory_space<hbm>> -> memref<1x80x128xf32, #tpu.memory_space<hbm>>
      %dma_start3A_160 = tpu.memref_squeeze %dma_start3A_159 : memref<1x80x128xf32, #tpu.memory_space<hbm>> -> memref<80x128xf32, #tpu.memory_space<hbm>>
      %dma_start3A_161 = arith.constant 0 : i32
      %dma_start3A_162 = tpu.memref_slice %arg15[%add3A_129, %dma_start3A_161] : memref<10240x128xf32, #tpu.memory_space<vmem_shared>> -> memref<80x128xf32, #tpu.memory_space<vmem_shared>>
      tpu.enqueue_dma source(%dma_start3A_162 : memref<80x128xf32, #tpu.memory_space<vmem_shared>>) target(%dma_start3A_160 : memref<80x128xf32, #tpu.memory_space<hbm>>) target_semaphore(%run_scoped3A : memref<!tpu.dma_semaphore, #tpu.memory_space<semaphore_mem>>)
      %dma_wait3A_163 = arith.constant 0 : i32
      %dma_wait3A_164 = tpu.memref_slice %arg5[%arg0, %add3A_129, %dma_wait3A_163] : memref<2x10240x128xf32, #tpu.memory_space<hbm>> -> memref<1x80x128xf32, #tpu.memory_space<hbm>>
      %dma_wait3A_165 = tpu.memref_squeeze %dma_wait3A_164 : memref<1x80x128xf32, #tpu.memory_space<hbm>> -> memref<80x128xf32, #tpu.memory_space<hbm>>
      %dma_wait3A_166 = arith.constant 0 : i32
      %dma_wait3A_167 = tpu.memref_slice %arg15[%add3A_129, %dma_wait3A_166] : memref<10240x128xf32, #tpu.memory_space<vmem_shared>> -> memref<80x128xf32, #tpu.memory_space<vmem_shared>>
      tpu.wait_dma2 semaphore(%run_scoped3A : memref<!tpu.dma_semaphore, #tpu.memory_space<semaphore_mem>>) src(%dma_wait3A_167 : memref<80x128xf32, #tpu.memory_space<vmem_shared>>) dst(%dma_wait3A_165 : memref<80x128xf32, #tpu.memory_space<hbm>>)
      tpu.yield
    }) : () -> ()
    %mul3A_130 = arith.constant 640 : i32
    %mul3A_131 = arith.muli %arg1, %mul3A_130 : i32
    %add3A_132 = arith.constant 80 : i32
    %add3A_133 = arith.addi %mul3A_131, %add3A_132 : i32
    "tpu.region"() ({
      %run_scoped3A = tpu.sem_alloc : memref<!tpu.dma_semaphore, #tpu.memory_space<semaphore_mem>>
      %dma_start3A_158 = arith.constant 0 : i32
      %dma_start3A_159 = tpu.memref_slice %arg5[%arg0, %add3A_133, %dma_start3A_158] : memref<2x10240x128xf32, #tpu.memory_space<hbm>> -> memref<1x80x128xf32, #tpu.memory_space<hbm>>
      %dma_start3A_160 = tpu.memref_squeeze %dma_start3A_159 : memref<1x80x128xf32, #tpu.memory_space<hbm>> -> memref<80x128xf32, #tpu.memory_space<hbm>>
      %dma_start3A_161 = arith.constant 0 : i32
      %dma_start3A_162 = tpu.memref_slice %arg15[%add3A_133, %dma_start3A_161] : memref<10240x128xf32, #tpu.memory_space<vmem_shared>> -> memref<80x128xf32, #tpu.memory_space<vmem_shared>>
      tpu.enqueue_dma source(%dma_start3A_162 : memref<80x128xf32, #tpu.memory_space<vmem_shared>>) target(%dma_start3A_160 : memref<80x128xf32, #tpu.memory_space<hbm>>) target_semaphore(%run_scoped3A : memref<!tpu.dma_semaphore, #tpu.memory_space<semaphore_mem>>)
      %dma_wait3A_163 = arith.constant 0 : i32
      %dma_wait3A_164 = tpu.memref_slice %arg5[%arg0, %add3A_133, %dma_wait3A_163] : memref<2x10240x128xf32, #tpu.memory_space<hbm>> -> memref<1x80x128xf32, #tpu.memory_space<hbm>>
      %dma_wait3A_165 = tpu.memref_squeeze %dma_wait3A_164 : memref<1x80x128xf32, #tpu.memory_space<hbm>> -> memref<80x128xf32, #tpu.memory_space<hbm>>
      %dma_wait3A_166 = arith.constant 0 : i32
      %dma_wait3A_167 = tpu.memref_slice %arg15[%add3A_133, %dma_wait3A_166] : memref<10240x128xf32, #tpu.memory_space<vmem_shared>> -> memref<80x128xf32, #tpu.memory_space<vmem_shared>>
      tpu.wait_dma2 semaphore(%run_scoped3A : memref<!tpu.dma_semaphore, #tpu.memory_space<semaphore_mem>>) src(%dma_wait3A_167 : memref<80x128xf32, #tpu.memory_space<vmem_shared>>) dst(%dma_wait3A_165 : memref<80x128xf32, #tpu.memory_space<hbm>>)
      tpu.yield
    }) : () -> ()
    %mul3A_134 = arith.constant 640 : i32
    %mul3A_135 = arith.muli %arg1, %mul3A_134 : i32
    %add3A_136 = arith.constant 160 : i32
    %add3A_137 = arith.addi %mul3A_135, %add3A_136 : i32
    "tpu.region"() ({
      %run_scoped3A = tpu.sem_alloc : memref<!tpu.dma_semaphore, #tpu.memory_space<semaphore_mem>>
      %dma_start3A_158 = arith.constant 0 : i32
      %dma_start3A_159 = tpu.memref_slice %arg5[%arg0, %add3A_137, %dma_start3A_158] : memref<2x10240x128xf32, #tpu.memory_space<hbm>> -> memref<1x80x128xf32, #tpu.memory_space<hbm>>
      %dma_start3A_160 = tpu.memref_squeeze %dma_start3A_159 : memref<1x80x128xf32, #tpu.memory_space<hbm>> -> memref<80x128xf32, #tpu.memory_space<hbm>>
      %dma_start3A_161 = arith.constant 0 : i32
      %dma_start3A_162 = tpu.memref_slice %arg15[%add3A_137, %dma_start3A_161] : memref<10240x128xf32, #tpu.memory_space<vmem_shared>> -> memref<80x128xf32, #tpu.memory_space<vmem_shared>>
      tpu.enqueue_dma source(%dma_start3A_162 : memref<80x128xf32, #tpu.memory_space<vmem_shared>>) target(%dma_start3A_160 : memref<80x128xf32, #tpu.memory_space<hbm>>) target_semaphore(%run_scoped3A : memref<!tpu.dma_semaphore, #tpu.memory_space<semaphore_mem>>)
      %dma_wait3A_163 = arith.constant 0 : i32
      %dma_wait3A_164 = tpu.memref_slice %arg5[%arg0, %add3A_137, %dma_wait3A_163] : memref<2x10240x128xf32, #tpu.memory_space<hbm>> -> memref<1x80x128xf32, #tpu.memory_space<hbm>>
      %dma_wait3A_165 = tpu.memref_squeeze %dma_wait3A_164 : memref<1x80x128xf32, #tpu.memory_space<hbm>> -> memref<80x128xf32, #tpu.memory_space<hbm>>
      %dma_wait3A_166 = arith.constant 0 : i32
      %dma_wait3A_167 = tpu.memref_slice %arg15[%add3A_137, %dma_wait3A_166] : memref<10240x128xf32, #tpu.memory_space<vmem_shared>> -> memref<80x128xf32, #tpu.memory_space<vmem_shared>>
      tpu.wait_dma2 semaphore(%run_scoped3A : memref<!tpu.dma_semaphore, #tpu.memory_space<semaphore_mem>>) src(%dma_wait3A_167 : memref<80x128xf32, #tpu.memory_space<vmem_shared>>) dst(%dma_wait3A_165 : memref<80x128xf32, #tpu.memory_space<hbm>>)
      tpu.yield
    }) : () -> ()
    %mul3A_138 = arith.constant 640 : i32
    %mul3A_139 = arith.muli %arg1, %mul3A_138 : i32
    %add3A_140 = arith.constant 240 : i32
    %add3A_141 = arith.addi %mul3A_139, %add3A_140 : i32
    "tpu.region"() ({
      %run_scoped3A = tpu.sem_alloc : memref<!tpu.dma_semaphore, #tpu.memory_space<semaphore_mem>>
      %dma_start3A_158 = arith.constant 0 : i32
      %dma_start3A_159 = tpu.memref_slice %arg5[%arg0, %add3A_141, %dma_start3A_158] : memref<2x10240x128xf32, #tpu.memory_space<hbm>> -> memref<1x80x128xf32, #tpu.memory_space<hbm>>
      %dma_start3A_160 = tpu.memref_squeeze %dma_start3A_159 : memref<1x80x128xf32, #tpu.memory_space<hbm>> -> memref<80x128xf32, #tpu.memory_space<hbm>>
      %dma_start3A_161 = arith.constant 0 : i32
      %dma_start3A_162 = tpu.memref_slice %arg15[%add3A_141, %dma_start3A_161] : memref<10240x128xf32, #tpu.memory_space<vmem_shared>> -> memref<80x128xf32, #tpu.memory_space<vmem_shared>>
      tpu.enqueue_dma source(%dma_start3A_162 : memref<80x128xf32, #tpu.memory_space<vmem_shared>>) target(%dma_start3A_160 : memref<80x128xf32, #tpu.memory_space<hbm>>) target_semaphore(%run_scoped3A : memref<!tpu.dma_semaphore, #tpu.memory_space<semaphore_mem>>)
      %dma_wait3A_163 = arith.constant 0 : i32
      %dma_wait3A_164 = tpu.memref_slice %arg5[%arg0, %add3A_141, %dma_wait3A_163] : memref<2x10240x128xf32, #tpu.memory_space<hbm>> -> memref<1x80x128xf32, #tpu.memory_space<hbm>>
      %dma_wait3A_165 = tpu.memref_squeeze %dma_wait3A_164 : memref<1x80x128xf32, #tpu.memory_space<hbm>> -> memref<80x128xf32, #tpu.memory_space<hbm>>
      %dma_wait3A_166 = arith.constant 0 : i32
      %dma_wait3A_167 = tpu.memref_slice %arg15[%add3A_141, %dma_wait3A_166] : memref<10240x128xf32, #tpu.memory_space<vmem_shared>> -> memref<80x128xf32, #tpu.memory_space<vmem_shared>>
      tpu.wait_dma2 semaphore(%run_scoped3A : memref<!tpu.dma_semaphore, #tpu.memory_space<semaphore_mem>>) src(%dma_wait3A_167 : memref<80x128xf32, #tpu.memory_space<vmem_shared>>) dst(%dma_wait3A_165 : memref<80x128xf32, #tpu.memory_space<hbm>>)
      tpu.yield
    }) : () -> ()
    %mul3A_142 = arith.constant 640 : i32
    %mul3A_143 = arith.muli %arg1, %mul3A_142 : i32
    %add3A_144 = arith.constant 320 : i32
    %add3A_145 = arith.addi %mul3A_143, %add3A_144 : i32
    "tpu.region"() ({
      %run_scoped3A = tpu.sem_alloc : memref<!tpu.dma_semaphore, #tpu.memory_space<semaphore_mem>>
      %dma_start3A_158 = arith.constant 0 : i32
      %dma_start3A_159 = tpu.memref_slice %arg5[%arg0, %add3A_145, %dma_start3A_158] : memref<2x10240x128xf32, #tpu.memory_space<hbm>> -> memref<1x80x128xf32, #tpu.memory_space<hbm>>
      %dma_start3A_160 = tpu.memref_squeeze %dma_start3A_159 : memref<1x80x128xf32, #tpu.memory_space<hbm>> -> memref<80x128xf32, #tpu.memory_space<hbm>>
      %dma_start3A_161 = arith.constant 0 : i32
      %dma_start3A_162 = tpu.memref_slice %arg15[%add3A_145, %dma_start3A_161] : memref<10240x128xf32, #tpu.memory_space<vmem_shared>> -> memref<80x128xf32, #tpu.memory_space<vmem_shared>>
      tpu.enqueue_dma source(%dma_start3A_162 : memref<80x128xf32, #tpu.memory_space<vmem_shared>>) target(%dma_start3A_160 : memref<80x128xf32, #tpu.memory_space<hbm>>) target_semaphore(%run_scoped3A : memref<!tpu.dma_semaphore, #tpu.memory_space<semaphore_mem>>)
      %dma_wait3A_163 = arith.constant 0 : i32
      %dma_wait3A_164 = tpu.memref_slice %arg5[%arg0, %add3A_145, %dma_wait3A_163] : memref<2x10240x128xf32, #tpu.memory_space<hbm>> -> memref<1x80x128xf32, #tpu.memory_space<hbm>>
      %dma_wait3A_165 = tpu.memref_squeeze %dma_wait3A_164 : memref<1x80x128xf32, #tpu.memory_space<hbm>> -> memref<80x128xf32, #tpu.memory_space<hbm>>
      %dma_wait3A_166 = arith.constant 0 : i32
      %dma_wait3A_167 = tpu.memref_slice %arg15[%add3A_145, %dma_wait3A_166] : memref<10240x128xf32, #tpu.memory_space<vmem_shared>> -> memref<80x128xf32, #tpu.memory_space<vmem_shared>>
      tpu.wait_dma2 semaphore(%run_scoped3A : memref<!tpu.dma_semaphore, #tpu.memory_space<semaphore_mem>>) src(%dma_wait3A_167 : memref<80x128xf32, #tpu.memory_space<vmem_shared>>) dst(%dma_wait3A_165 : memref<80x128xf32, #tpu.memory_space<hbm>>)
      tpu.yield
    }) : () -> ()
    %mul3A_146 = arith.constant 640 : i32
    %mul3A_147 = arith.muli %arg1, %mul3A_146 : i32
    %add3A_148 = arith.constant 400 : i32
    %add3A_149 = arith.addi %mul3A_147, %add3A_148 : i32
    "tpu.region"() ({
      %run_scoped3A = tpu.sem_alloc : memref<!tpu.dma_semaphore, #tpu.memory_space<semaphore_mem>>
      %dma_start3A_158 = arith.constant 0 : i32
      %dma_start3A_159 = tpu.memref_slice %arg5[%arg0, %add3A_149, %dma_start3A_158] : memref<2x10240x128xf32, #tpu.memory_space<hbm>> -> memref<1x80x128xf32, #tpu.memory_space<hbm>>
      %dma_start3A_160 = tpu.memref_squeeze %dma_start3A_159 : memref<1x80x128xf32, #tpu.memory_space<hbm>> -> memref<80x128xf32, #tpu.memory_space<hbm>>
      %dma_start3A_161 = arith.constant 0 : i32
      %dma_start3A_162 = tpu.memref_slice %arg15[%add3A_149, %dma_start3A_161] : memref<10240x128xf32, #tpu.memory_space<vmem_shared>> -> memref<80x128xf32, #tpu.memory_space<vmem_shared>>
      tpu.enqueue_dma source(%dma_start3A_162 : memref<80x128xf32, #tpu.memory_space<vmem_shared>>) target(%dma_start3A_160 : memref<80x128xf32, #tpu.memory_space<hbm>>) target_semaphore(%run_scoped3A : memref<!tpu.dma_semaphore, #tpu.memory_space<semaphore_mem>>)
      %dma_wait3A_163 = arith.constant 0 : i32
      %dma_wait3A_164 = tpu.memref_slice %arg5[%arg0, %add3A_149, %dma_wait3A_163] : memref<2x10240x128xf32, #tpu.memory_space<hbm>> -> memref<1x80x128xf32, #tpu.memory_space<hbm>>
      %dma_wait3A_165 = tpu.memref_squeeze %dma_wait3A_164 : memref<1x80x128xf32, #tpu.memory_space<hbm>> -> memref<80x128xf32, #tpu.memory_space<hbm>>
      %dma_wait3A_166 = arith.constant 0 : i32
      %dma_wait3A_167 = tpu.memref_slice %arg15[%add3A_149, %dma_wait3A_166] : memref<10240x128xf32, #tpu.memory_space<vmem_shared>> -> memref<80x128xf32, #tpu.memory_space<vmem_shared>>
      tpu.wait_dma2 semaphore(%run_scoped3A : memref<!tpu.dma_semaphore, #tpu.memory_space<semaphore_mem>>) src(%dma_wait3A_167 : memref<80x128xf32, #tpu.memory_space<vmem_shared>>) dst(%dma_wait3A_165 : memref<80x128xf32, #tpu.memory_space<hbm>>)
      tpu.yield
    }) : () -> ()
    %mul3A_150 = arith.constant 640 : i32
    %mul3A_151 = arith.muli %arg1, %mul3A_150 : i32
    %add3A_152 = arith.constant 480 : i32
    %add3A_153 = arith.addi %mul3A_151, %add3A_152 : i32
    "tpu.region"() ({
      %run_scoped3A = tpu.sem_alloc : memref<!tpu.dma_semaphore, #tpu.memory_space<semaphore_mem>>
      %dma_start3A_158 = arith.constant 0 : i32
      %dma_start3A_159 = tpu.memref_slice %arg5[%arg0, %add3A_153, %dma_start3A_158] : memref<2x10240x128xf32, #tpu.memory_space<hbm>> -> memref<1x80x128xf32, #tpu.memory_space<hbm>>
      %dma_start3A_160 = tpu.memref_squeeze %dma_start3A_159 : memref<1x80x128xf32, #tpu.memory_space<hbm>> -> memref<80x128xf32, #tpu.memory_space<hbm>>
      %dma_start3A_161 = arith.constant 0 : i32
      %dma_start3A_162 = tpu.memref_slice %arg15[%add3A_153, %dma_start3A_161] : memref<10240x128xf32, #tpu.memory_space<vmem_shared>> -> memref<80x128xf32, #tpu.memory_space<vmem_shared>>
      tpu.enqueue_dma source(%dma_start3A_162 : memref<80x128xf32, #tpu.memory_space<vmem_shared>>) target(%dma_start3A_160 : memref<80x128xf32, #tpu.memory_space<hbm>>) target_semaphore(%run_scoped3A : memref<!tpu.dma_semaphore, #tpu.memory_space<semaphore_mem>>)
      %dma_wait3A_163 = arith.constant 0 : i32
      %dma_wait3A_164 = tpu.memref_slice %arg5[%arg0, %add3A_153, %dma_wait3A_163] : memref<2x10240x128xf32, #tpu.memory_space<hbm>> -> memref<1x80x128xf32, #tpu.memory_space<hbm>>
      %dma_wait3A_165 = tpu.memref_squeeze %dma_wait3A_164 : memref<1x80x128xf32, #tpu.memory_space<hbm>> -> memref<80x128xf32, #tpu.memory_space<hbm>>
      %dma_wait3A_166 = arith.constant 0 : i32
      %dma_wait3A_167 = tpu.memref_slice %arg15[%add3A_153, %dma_wait3A_166] : memref<10240x128xf32, #tpu.memory_space<vmem_shared>> -> memref<80x128xf32, #tpu.memory_space<vmem_shared>>
      tpu.wait_dma2 semaphore(%run_scoped3A : memref<!tpu.dma_semaphore, #tpu.memory_space<semaphore_mem>>) src(%dma_wait3A_167 : memref<80x128xf32, #tpu.memory_space<vmem_shared>>) dst(%dma_wait3A_165 : memref<80x128xf32, #tpu.memory_space<hbm>>)
      tpu.yield
    }) : () -> ()
    %mul3A_154 = arith.constant 640 : i32
    %mul3A_155 = arith.muli %arg1, %mul3A_154 : i32
    %add3A_156 = arith.constant 560 : i32
    %add3A_157 = arith.addi %mul3A_155, %add3A_156 : i32
    "tpu.region"() ({
      %run_scoped3A = tpu.sem_alloc : memref<!tpu.dma_semaphore, #tpu.memory_space<semaphore_mem>>
      %dma_start3A_158 = arith.constant 0 : i32
      %dma_start3A_159 = tpu.memref_slice %arg5[%arg0, %add3A_157, %dma_start3A_158] : memref<2x10240x128xf32, #tpu.memory_space<hbm>> -> memref<1x80x128xf32, #tpu.memory_space<hbm>>
      %dma_start3A_160 = tpu.memref_squeeze %dma_start3A_159 : memref<1x80x128xf32, #tpu.memory_space<hbm>> -> memref<80x128xf32, #tpu.memory_space<hbm>>
      %dma_start3A_161 = arith.constant 0 : i32
      %dma_start3A_162 = tpu.memref_slice %arg15[%add3A_157, %dma_start3A_161] : memref<10240x128xf32, #tpu.memory_space<vmem_shared>> -> memref<80x128xf32, #tpu.memory_space<vmem_shared>>
      tpu.enqueue_dma source(%dma_start3A_162 : memref<80x128xf32, #tpu.memory_space<vmem_shared>>) target(%dma_start3A_160 : memref<80x128xf32, #tpu.memory_space<hbm>>) target_semaphore(%run_scoped3A : memref<!tpu.dma_semaphore, #tpu.memory_space<semaphore_mem>>)
      %dma_wait3A_163 = arith.constant 0 : i32
      %dma_wait3A_164 = tpu.memref_slice %arg5[%arg0, %add3A_157, %dma_wait3A_163] : memref<2x10240x128xf32, #tpu.memory_space<hbm>> -> memref<1x80x128xf32, #tpu.memory_space<hbm>>
      %dma_wait3A_165 = tpu.memref_squeeze %dma_wait3A_164 : memref<1x80x128xf32, #tpu.memory_space<hbm>> -> memref<80x128xf32, #tpu.memory_space<hbm>>
      %dma_wait3A_166 = arith.constant 0 : i32
      %dma_wait3A_167 = tpu.memref_slice %arg15[%add3A_157, %dma_wait3A_166] : memref<10240x128xf32, #tpu.memory_space<vmem_shared>> -> memref<80x128xf32, #tpu.memory_space<vmem_shared>>
      tpu.wait_dma2 semaphore(%run_scoped3A : memref<!tpu.dma_semaphore, #tpu.memory_space<semaphore_mem>>) src(%dma_wait3A_167 : memref<80x128xf32, #tpu.memory_space<vmem_shared>>) dst(%dma_wait3A_165 : memref<80x128xf32, #tpu.memory_space<hbm>>)
      tpu.yield
    }) : () -> ()
    return
  }
}

#map = affine_map<(d0, d1) -> (0, 0)>
#map1 = affine_map<(d0, d1) -> (0)>
#map2 = affine_map<(d0, d1) -> (0, 0, 0)>
module attributes {stable_mosaic.version = 14 : i64} {
  func.func @_prop_kernel(%arg0: i32, %arg1: i32, %arg2: memref<10000x128xf32, #tpu.memory_space<hbm>>, %arg3: memref<320000xi32, #tpu.memory_space<hbm>>, %arg4: memref<320000xi32, #tpu.memory_space<hbm>>, %arg5: memref<2x10240x128xf32, #tpu.memory_space<hbm>>, %arg6: memref<80xi32, #tpu.memory_space<vmem>>, %arg7: memref<80xi32, #tpu.memory_space<vmem>>, %arg8: memref<80xi32, #tpu.memory_space<vmem>>, %arg9: memref<80xi32, #tpu.memory_space<vmem>>, %arg10: memref<80xi32, #tpu.memory_space<vmem>>, %arg11: memref<80xi32, #tpu.memory_space<vmem>>, %arg12: memref<80x128xf32, #tpu.memory_space<vmem>>, %arg13: memref<80x128xf32, #tpu.memory_space<vmem>>, %arg14: memref<80x128xf32, #tpu.memory_space<vmem>>, %arg15: memref<10240x128xf32, #tpu.memory_space<vmem_shared>>, %arg16: memref<!tpu.dma_semaphore, #tpu.memory_space<semaphore_mem>>, %arg17: memref<!tpu.dma_semaphore, #tpu.memory_space<semaphore_mem>>, %arg18: memref<!tpu.dma_semaphore, #tpu.memory_space<semaphore_mem>>, %arg19: memref<!tpu.dma_semaphore, #tpu.memory_space<semaphore_mem>>, %arg20: memref<!tpu.dma_semaphore, #tpu.memory_space<semaphore_mem>>, %arg21: memref<!tpu.dma_semaphore, #tpu.memory_space<semaphore_mem>>, %arg22: memref<!tpu.dma_semaphore, #tpu.memory_space<semaphore_mem>>, %arg23: memref<!tpu.dma_semaphore, #tpu.memory_space<semaphore_mem>>, %arg24: memref<!tpu.dma_semaphore, #tpu.memory_space<semaphore_mem>>, %arg25: memref<!tpu.dma_semaphore, #tpu.memory_space<semaphore_mem>>, %arg26: memref<!tpu.dma_semaphore, #tpu.memory_space<semaphore_mem>>, %arg27: memref<!tpu.dma_semaphore, #tpu.memory_space<semaphore_mem>>) attributes {dimension_semantics = [#tpu.dimension_semantics<core_parallel>, #tpu.dimension_semantics<subcore_parallel>], iteration_bounds = array<i64: 2, 16>, scalar_prefetch = 0 : i64, scratch_operands = 22 : i64, tpu.core_type = #tpu.core_type<sc_vector_subcore>, window_params = [{transform_indices = #map}, {transform_indices = #map1}, {transform_indices = #map1}, {transform_indices = #map2}]} {
    %mul3A = arith.constant 16 : i32
    %mul3A_0 = arith.muli %arg0, %mul3A : i32
    %add3A = arith.addi %mul3A_0, %arg1 : i32
    %mul3A_1 = arith.constant 10000 : i32
    %mul3A_2 = arith.muli %add3A, %mul3A_1 : i32
    %broadcast_in_dim3A = arith.constant 0.000000e+00 : f32
    %broadcast_in_dim3A_3 = vector.broadcast %broadcast_in_dim3A : f32 to vector<16xf32>
    %scan3A = arith.constant 0 : i32
    %scan3A_4 = arith.constant 0 : i32
    %scan3A_5 = arith.constant 640 : i32
    %scan3A_6 = arith.addi %scan3A_4, %scan3A_5 : i32
    %scan3A_7 = arith.constant 1 : i32
    %scan3A_8 = scf.for %scan3A_158 = %scan3A_4 to %scan3A_6 step %scan3A_7 iter_args(%scan3A_159 = %scan3A) -> (i32)  : i32 {
      %shift_right_arithmetic3A = arith.constant 3 : i32
      %shift_right_arithmetic3A_160 = arith.shrsi %scan3A_158, %shift_right_arithmetic3A : i32
      %and3A = arith.constant 7 : i32
      %and3A_161 = arith.andi %scan3A_158, %and3A : i32
      %mul3A_162 = arith.constant 16 : i32
      %mul3A_163 = arith.muli %and3A_161, %mul3A_162 : i32
      %swap3A = arith.index_cast %shift_right_arithmetic3A_160 : i32 to index
      %swap3A_164 = arith.index_cast %mul3A_163 : i32 to index
      %swap3A_165 = tpu.vector_load %arg12[%swap3A, %swap3A_164] {strides = array<i32>} : memref<80x128xf32, #tpu.memory_space<vmem>>, vector<1x16xf32>,
      %swap3A_166 = vector.shape_cast %swap3A_165 : vector<1x16xf32> to vector<16xf32>
      %swap3A_167 = vector.shape_cast %broadcast_in_dim3A_3 : vector<16xf32> to vector<1x16xf32>
      tpu.vector_store %arg12[%swap3A, %swap3A_164], %swap3A_167 {strides = array<i32>} : memref<80x128xf32, #tpu.memory_space<vmem>>, vector<1x16xf32>,
      %scan3A_168 = arith.constant 0 : i32
      scf.yield %scan3A_168 : i32
    }
    %scan3A_9 = arith.constant 640 : i32
    %mul3A_10 = arith.constant 640 : i32
    %mul3A_11 = arith.muli %arg1, %mul3A_10 : i32
    %add3A_12 = arith.constant 0 : i32
    %add3A_13 = arith.addi %mul3A_11, %add3A_12 : i32
    "tpu.region"() ({
      %run_scoped3A = tpu.sem_alloc : memref<!tpu.dma_semaphore, #tpu.memory_space<semaphore_mem>>
      %dma_start3A_158 = arith.constant 0 : i32
      %dma_start3A_159 = tpu.memref_slice %arg15[%add3A_13, %dma_start3A_158] : memref<10240x128xf32, #tpu.memory_space<vmem_shared>> -> memref<80x128xf32, #tpu.memory_space<vmem_shared>>
      %dma_start3A_160 = arith.constant 0 : i32
      %dma_start3A_161 = tpu.memref_slice %arg15[%add3A_13, %dma_start3A_160] : memref<10240x128xf32, #tpu.memory_space<vmem_shared>> -> memref<80x128xf32, #tpu.memory_space<vmem_shared>>
      tpu.enqueue_dma source(%arg12 : memref<80x128xf32, #tpu.memory_space<vmem>>) target(%dma_start3A_161 : memref<80x128xf32, #tpu.memory_space<vmem_shared>>) target_semaphore(%run_scoped3A : memref<!tpu.dma_semaphore, #tpu.memory_space<semaphore_mem>>)
      %dma_wait3A_162 = arith.constant 0 : i32
      %dma_wait3A_163 = tpu.memref_slice %arg15[%add3A_13, %dma_wait3A_162] : memref<10240x128xf32, #tpu.memory_space<vmem_shared>> -> memref<80x128xf32, #tpu.memory_space<vmem_shared>>
      %dma_wait3A_164 = arith.constant 0 : i32
      %dma_wait3A_165 = tpu.memref_slice %arg15[%add3A_13, %dma_wait3A_164] : memref<10240x128xf32, #tpu.memory_space<vmem_shared>> -> memref<80x128xf32, #tpu.memory_space<vmem_shared>>
      tpu.wait_dma2 semaphore(%run_scoped3A : memref<!tpu.dma_semaphore, #tpu.memory_space<semaphore_mem>>) src(%arg12 : memref<80x128xf32, #tpu.memory_space<vmem>>) dst(%dma_wait3A_165 : memref<80x128xf32, #tpu.memory_space<vmem_shared>>)
      tpu.yield
    }) : () -> ()
    %mul3A_14 = arith.constant 640 : i32
    %mul3A_15 = arith.muli %arg1, %mul3A_14 : i32
    %add3A_16 = arith.constant 80 : i32
    %add3A_17 = arith.addi %mul3A_15, %add3A_16 : i32
    "tpu.region"() ({
      %run_scoped3A = tpu.sem_alloc : memref<!tpu.dma_semaphore, #tpu.memory_space<semaphore_mem>>
      %dma_start3A_158 = arith.constant 0 : i32
      %dma_start3A_159 = tpu.memref_slice %arg15[%add3A_17, %dma_start3A_158] : memref<10240x128xf32, #tpu.memory_space<vmem_shared>> -> memref<80x128xf32, #tpu.memory_space<vmem_shared>>
      %dma_start3A_160 = arith.constant 0 : i32
      %dma_start3A_161 = tpu.memref_slice %arg15[%add3A_17, %dma_start3A_160] : memref<10240x128xf32, #tpu.memory_space<vmem_shared>> -> memref<80x128xf32, #tpu.memory_space<vmem_shared>>
      tpu.enqueue_dma source(%arg12 : memref<80x128xf32, #tpu.memory_space<vmem>>) target(%dma_start3A_161 : memref<80x128xf32, #tpu.memory_space<vmem_shared>>) target_semaphore(%run_scoped3A : memref<!tpu.dma_semaphore, #tpu.memory_space<semaphore_mem>>)
      %dma_wait3A_162 = arith.constant 0 : i32
      %dma_wait3A_163 = tpu.memref_slice %arg15[%add3A_17, %dma_wait3A_162] : memref<10240x128xf32, #tpu.memory_space<vmem_shared>> -> memref<80x128xf32, #tpu.memory_space<vmem_shared>>
      %dma_wait3A_164 = arith.constant 0 : i32
      %dma_wait3A_165 = tpu.memref_slice %arg15[%add3A_17, %dma_wait3A_164] : memref<10240x128xf32, #tpu.memory_space<vmem_shared>> -> memref<80x128xf32, #tpu.memory_space<vmem_shared>>
      tpu.wait_dma2 semaphore(%run_scoped3A : memref<!tpu.dma_semaphore, #tpu.memory_space<semaphore_mem>>) src(%arg12 : memref<80x128xf32, #tpu.memory_space<vmem>>) dst(%dma_wait3A_165 : memref<80x128xf32, #tpu.memory_space<vmem_shared>>)
      tpu.yield
    }) : () -> ()
    %mul3A_18 = arith.constant 640 : i32
    %mul3A_19 = arith.muli %arg1, %mul3A_18 : i32
    %add3A_20 = arith.constant 160 : i32
    %add3A_21 = arith.addi %mul3A_19, %add3A_20 : i32
    "tpu.region"() ({
      %run_scoped3A = tpu.sem_alloc : memref<!tpu.dma_semaphore, #tpu.memory_space<semaphore_mem>>
      %dma_start3A_158 = arith.constant 0 : i32
      %dma_start3A_159 = tpu.memref_slice %arg15[%add3A_21, %dma_start3A_158] : memref<10240x128xf32, #tpu.memory_space<vmem_shared>> -> memref<80x128xf32, #tpu.memory_space<vmem_shared>>
      %dma_start3A_160 = arith.constant 0 : i32
      %dma_start3A_161 = tpu.memref_slice %arg15[%add3A_21, %dma_start3A_160] : memref<10240x128xf32, #tpu.memory_space<vmem_shared>> -> memref<80x128xf32, #tpu.memory_space<vmem_shared>>
      tpu.enqueue_dma source(%arg12 : memref<80x128xf32, #tpu.memory_space<vmem>>) target(%dma_start3A_161 : memref<80x128xf32, #tpu.memory_space<vmem_shared>>) target_semaphore(%run_scoped3A : memref<!tpu.dma_semaphore, #tpu.memory_space<semaphore_mem>>)
      %dma_wait3A_162 = arith.constant 0 : i32
      %dma_wait3A_163 = tpu.memref_slice %arg15[%add3A_21, %dma_wait3A_162] : memref<10240x128xf32, #tpu.memory_space<vmem_shared>> -> memref<80x128xf32, #tpu.memory_space<vmem_shared>>
      %dma_wait3A_164 = arith.constant 0 : i32
      %dma_wait3A_165 = tpu.memref_slice %arg15[%add3A_21, %dma_wait3A_164] : memref<10240x128xf32, #tpu.memory_space<vmem_shared>> -> memref<80x128xf32, #tpu.memory_space<vmem_shared>>
      tpu.wait_dma2 semaphore(%run_scoped3A : memref<!tpu.dma_semaphore, #tpu.memory_space<semaphore_mem>>) src(%arg12 : memref<80x128xf32, #tpu.memory_space<vmem>>) dst(%dma_wait3A_165 : memref<80x128xf32, #tpu.memory_space<vmem_shared>>)
      tpu.yield
    }) : () -> ()
    %mul3A_22 = arith.constant 640 : i32
    %mul3A_23 = arith.muli %arg1, %mul3A_22 : i32
    %add3A_24 = arith.constant 240 : i32
    %add3A_25 = arith.addi %mul3A_23, %add3A_24 : i32
    "tpu.region"() ({
      %run_scoped3A = tpu.sem_alloc : memref<!tpu.dma_semaphore, #tpu.memory_space<semaphore_mem>>
      %dma_start3A_158 = arith.constant 0 : i32
      %dma_start3A_159 = tpu.memref_slice %arg15[%add3A_25, %dma_start3A_158] : memref<10240x128xf32, #tpu.memory_space<vmem_shared>> -> memref<80x128xf32, #tpu.memory_space<vmem_shared>>
      %dma_start3A_160 = arith.constant 0 : i32
      %dma_start3A_161 = tpu.memref_slice %arg15[%add3A_25, %dma_start3A_160] : memref<10240x128xf32, #tpu.memory_space<vmem_shared>> -> memref<80x128xf32, #tpu.memory_space<vmem_shared>>
      tpu.enqueue_dma source(%arg12 : memref<80x128xf32, #tpu.memory_space<vmem>>) target(%dma_start3A_161 : memref<80x128xf32, #tpu.memory_space<vmem_shared>>) target_semaphore(%run_scoped3A : memref<!tpu.dma_semaphore, #tpu.memory_space<semaphore_mem>>)
      %dma_wait3A_162 = arith.constant 0 : i32
      %dma_wait3A_163 = tpu.memref_slice %arg15[%add3A_25, %dma_wait3A_162] : memref<10240x128xf32, #tpu.memory_space<vmem_shared>> -> memref<80x128xf32, #tpu.memory_space<vmem_shared>>
      %dma_wait3A_164 = arith.constant 0 : i32
      %dma_wait3A_165 = tpu.memref_slice %arg15[%add3A_25, %dma_wait3A_164] : memref<10240x128xf32, #tpu.memory_space<vmem_shared>> -> memref<80x128xf32, #tpu.memory_space<vmem_shared>>
      tpu.wait_dma2 semaphore(%run_scoped3A : memref<!tpu.dma_semaphore, #tpu.memory_space<semaphore_mem>>) src(%arg12 : memref<80x128xf32, #tpu.memory_space<vmem>>) dst(%dma_wait3A_165 : memref<80x128xf32, #tpu.memory_space<vmem_shared>>)
      tpu.yield
    }) : () -> ()
    %mul3A_26 = arith.constant 640 : i32
    %mul3A_27 = arith.muli %arg1, %mul3A_26 : i32
    %add3A_28 = arith.constant 320 : i32
    %add3A_29 = arith.addi %mul3A_27, %add3A_28 : i32
    "tpu.region"() ({
      %run_scoped3A = tpu.sem_alloc : memref<!tpu.dma_semaphore, #tpu.memory_space<semaphore_mem>>
      %dma_start3A_158 = arith.constant 0 : i32
      %dma_start3A_159 = tpu.memref_slice %arg15[%add3A_29, %dma_start3A_158] : memref<10240x128xf32, #tpu.memory_space<vmem_shared>> -> memref<80x128xf32, #tpu.memory_space<vmem_shared>>
      %dma_start3A_160 = arith.constant 0 : i32
      %dma_start3A_161 = tpu.memref_slice %arg15[%add3A_29, %dma_start3A_160] : memref<10240x128xf32, #tpu.memory_space<vmem_shared>> -> memref<80x128xf32, #tpu.memory_space<vmem_shared>>
      tpu.enqueue_dma source(%arg12 : memref<80x128xf32, #tpu.memory_space<vmem>>) target(%dma_start3A_161 : memref<80x128xf32, #tpu.memory_space<vmem_shared>>) target_semaphore(%run_scoped3A : memref<!tpu.dma_semaphore, #tpu.memory_space<semaphore_mem>>)
      %dma_wait3A_162 = arith.constant 0 : i32
      %dma_wait3A_163 = tpu.memref_slice %arg15[%add3A_29, %dma_wait3A_162] : memref<10240x128xf32, #tpu.memory_space<vmem_shared>> -> memref<80x128xf32, #tpu.memory_space<vmem_shared>>
      %dma_wait3A_164 = arith.constant 0 : i32
      %dma_wait3A_165 = tpu.memref_slice %arg15[%add3A_29, %dma_wait3A_164] : memref<10240x128xf32, #tpu.memory_space<vmem_shared>> -> memref<80x128xf32, #tpu.memory_space<vmem_shared>>
      tpu.wait_dma2 semaphore(%run_scoped3A : memref<!tpu.dma_semaphore, #tpu.memory_space<semaphore_mem>>) src(%arg12 : memref<80x128xf32, #tpu.memory_space<vmem>>) dst(%dma_wait3A_165 : memref<80x128xf32, #tpu.memory_space<vmem_shared>>)
      tpu.yield
    }) : () -> ()
    %mul3A_30 = arith.constant 640 : i32
    %mul3A_31 = arith.muli %arg1, %mul3A_30 : i32
    %add3A_32 = arith.constant 400 : i32
    %add3A_33 = arith.addi %mul3A_31, %add3A_32 : i32
    "tpu.region"() ({
      %run_scoped3A = tpu.sem_alloc : memref<!tpu.dma_semaphore, #tpu.memory_space<semaphore_mem>>
      %dma_start3A_158 = arith.constant 0 : i32
      %dma_start3A_159 = tpu.memref_slice %arg15[%add3A_33, %dma_start3A_158] : memref<10240x128xf32, #tpu.memory_space<vmem_shared>> -> memref<80x128xf32, #tpu.memory_space<vmem_shared>>
      %dma_start3A_160 = arith.constant 0 : i32
      %dma_start3A_161 = tpu.memref_slice %arg15[%add3A_33, %dma_start3A_160] : memref<10240x128xf32, #tpu.memory_space<vmem_shared>> -> memref<80x128xf32, #tpu.memory_space<vmem_shared>>
      tpu.enqueue_dma source(%arg12 : memref<80x128xf32, #tpu.memory_space<vmem>>) target(%dma_start3A_161 : memref<80x128xf32, #tpu.memory_space<vmem_shared>>) target_semaphore(%run_scoped3A : memref<!tpu.dma_semaphore, #tpu.memory_space<semaphore_mem>>)
      %dma_wait3A_162 = arith.constant 0 : i32
      %dma_wait3A_163 = tpu.memref_slice %arg15[%add3A_33, %dma_wait3A_162] : memref<10240x128xf32, #tpu.memory_space<vmem_shared>> -> memref<80x128xf32, #tpu.memory_space<vmem_shared>>
      %dma_wait3A_164 = arith.constant 0 : i32
      %dma_wait3A_165 = tpu.memref_slice %arg15[%add3A_33, %dma_wait3A_164] : memref<10240x128xf32, #tpu.memory_space<vmem_shared>> -> memref<80x128xf32, #tpu.memory_space<vmem_shared>>
      tpu.wait_dma2 semaphore(%run_scoped3A : memref<!tpu.dma_semaphore, #tpu.memory_space<semaphore_mem>>) src(%arg12 : memref<80x128xf32, #tpu.memory_space<vmem>>) dst(%dma_wait3A_165 : memref<80x128xf32, #tpu.memory_space<vmem_shared>>)
      tpu.yield
    }) : () -> ()
    %mul3A_34 = arith.constant 640 : i32
    %mul3A_35 = arith.muli %arg1, %mul3A_34 : i32
    %add3A_36 = arith.constant 480 : i32
    %add3A_37 = arith.addi %mul3A_35, %add3A_36 : i32
    "tpu.region"() ({
      %run_scoped3A = tpu.sem_alloc : memref<!tpu.dma_semaphore, #tpu.memory_space<semaphore_mem>>
      %dma_start3A_158 = arith.constant 0 : i32
      %dma_start3A_159 = tpu.memref_slice %arg15[%add3A_37, %dma_start3A_158] : memref<10240x128xf32, #tpu.memory_space<vmem_shared>> -> memref<80x128xf32, #tpu.memory_space<vmem_shared>>
      %dma_start3A_160 = arith.constant 0 : i32
      %dma_start3A_161 = tpu.memref_slice %arg15[%add3A_37, %dma_start3A_160] : memref<10240x128xf32, #tpu.memory_space<vmem_shared>> -> memref<80x128xf32, #tpu.memory_space<vmem_shared>>
      tpu.enqueue_dma source(%arg12 : memref<80x128xf32, #tpu.memory_space<vmem>>) target(%dma_start3A_161 : memref<80x128xf32, #tpu.memory_space<vmem_shared>>) target_semaphore(%run_scoped3A : memref<!tpu.dma_semaphore, #tpu.memory_space<semaphore_mem>>)
      %dma_wait3A_162 = arith.constant 0 : i32
      %dma_wait3A_163 = tpu.memref_slice %arg15[%add3A_37, %dma_wait3A_162] : memref<10240x128xf32, #tpu.memory_space<vmem_shared>> -> memref<80x128xf32, #tpu.memory_space<vmem_shared>>
      %dma_wait3A_164 = arith.constant 0 : i32
      %dma_wait3A_165 = tpu.memref_slice %arg15[%add3A_37, %dma_wait3A_164] : memref<10240x128xf32, #tpu.memory_space<vmem_shared>> -> memref<80x128xf32, #tpu.memory_space<vmem_shared>>
      tpu.wait_dma2 semaphore(%run_scoped3A : memref<!tpu.dma_semaphore, #tpu.memory_space<semaphore_mem>>) src(%arg12 : memref<80x128xf32, #tpu.memory_space<vmem>>) dst(%dma_wait3A_165 : memref<80x128xf32, #tpu.memory_space<vmem_shared>>)
      tpu.yield
    }) : () -> ()
    %mul3A_38 = arith.constant 640 : i32
    %mul3A_39 = arith.muli %arg1, %mul3A_38 : i32
    %add3A_40 = arith.constant 560 : i32
    %add3A_41 = arith.addi %mul3A_39, %add3A_40 : i32
    "tpu.region"() ({
      %run_scoped3A = tpu.sem_alloc : memref<!tpu.dma_semaphore, #tpu.memory_space<semaphore_mem>>
      %dma_start3A_158 = arith.constant 0 : i32
      %dma_start3A_159 = tpu.memref_slice %arg15[%add3A_41, %dma_start3A_158] : memref<10240x128xf32, #tpu.memory_space<vmem_shared>> -> memref<80x128xf32, #tpu.memory_space<vmem_shared>>
      %dma_start3A_160 = arith.constant 0 : i32
      %dma_start3A_161 = tpu.memref_slice %arg15[%add3A_41, %dma_start3A_160] : memref<10240x128xf32, #tpu.memory_space<vmem_shared>> -> memref<80x128xf32, #tpu.memory_space<vmem_shared>>
      tpu.enqueue_dma source(%arg12 : memref<80x128xf32, #tpu.memory_space<vmem>>) target(%dma_start3A_161 : memref<80x128xf32, #tpu.memory_space<vmem_shared>>) target_semaphore(%run_scoped3A : memref<!tpu.dma_semaphore, #tpu.memory_space<semaphore_mem>>)
      %dma_wait3A_162 = arith.constant 0 : i32
      %dma_wait3A_163 = tpu.memref_slice %arg15[%add3A_41, %dma_wait3A_162] : memref<10240x128xf32, #tpu.memory_space<vmem_shared>> -> memref<80x128xf32, #tpu.memory_space<vmem_shared>>
      %dma_wait3A_164 = arith.constant 0 : i32
      %dma_wait3A_165 = tpu.memref_slice %arg15[%add3A_41, %dma_wait3A_164] : memref<10240x128xf32, #tpu.memory_space<vmem_shared>> -> memref<80x128xf32, #tpu.memory_space<vmem_shared>>
      tpu.wait_dma2 semaphore(%run_scoped3A : memref<!tpu.dma_semaphore, #tpu.memory_space<semaphore_mem>>) src(%arg12 : memref<80x128xf32, #tpu.memory_space<vmem>>) dst(%dma_wait3A_165 : memref<80x128xf32, #tpu.memory_space<vmem_shared>>)
      tpu.yield
    }) : () -> ()
    %barrier3A = arith.constant 0 : index
    tpu.barrier barrier_id(%barrier3A)
    %add3A_42 = arith.constant 0 : i32
    %add3A_43 = arith.addi %mul3A_2, %add3A_42 : i32
    %dma_start3A = tpu.memref_slice %arg3[%add3A_43] : memref<320000xi32, #tpu.memory_space<hbm>> -> memref<80xi32, #tpu.memory_space<hbm>>
    %dma_start3A_44 = tpu.memref_slice %arg3[%add3A_43] : memref<320000xi32, #tpu.memory_space<hbm>> -> memref<80xi32, #tpu.memory_space<hbm>>
    tpu.enqueue_dma source(%dma_start3A_44 : memref<80xi32, #tpu.memory_space<hbm>>) target(%arg6 : memref<80xi32, #tpu.memory_space<vmem>>) target_semaphore(%arg16 : memref<!tpu.dma_semaphore, #tpu.memory_space<semaphore_mem>>)
    %add3A_45 = arith.constant 0 : i32
    %add3A_46 = arith.addi %mul3A_2, %add3A_45 : i32
    %dma_start3A_47 = tpu.memref_slice %arg4[%add3A_46] : memref<320000xi32, #tpu.memory_space<hbm>> -> memref<80xi32, #tpu.memory_space<hbm>>
    %dma_start3A_48 = tpu.memref_slice %arg4[%add3A_46] : memref<320000xi32, #tpu.memory_space<hbm>> -> memref<80xi32, #tpu.memory_space<hbm>>
    tpu.enqueue_dma source(%dma_start3A_48 : memref<80xi32, #tpu.memory_space<hbm>>) target(%arg9 : memref<80xi32, #tpu.memory_space<vmem>>) target_semaphore(%arg19 : memref<!tpu.dma_semaphore, #tpu.memory_space<semaphore_mem>>)
    %add3A_49 = arith.constant 80 : i32
    %add3A_50 = arith.addi %mul3A_2, %add3A_49 : i32
    %dma_start3A_51 = tpu.memref_slice %arg3[%add3A_50] : memref<320000xi32, #tpu.memory_space<hbm>> -> memref<80xi32, #tpu.memory_space<hbm>>
    %dma_start3A_52 = tpu.memref_slice %arg3[%add3A_50] : memref<320000xi32, #tpu.memory_space<hbm>> -> memref<80xi32, #tpu.memory_space<hbm>>
    tpu.enqueue_dma source(%dma_start3A_52 : memref<80xi32, #tpu.memory_space<hbm>>) target(%arg7 : memref<80xi32, #tpu.memory_space<vmem>>) target_semaphore(%arg17 : memref<!tpu.dma_semaphore, #tpu.memory_space<semaphore_mem>>)
    %add3A_53 = arith.constant 80 : i32
    %add3A_54 = arith.addi %mul3A_2, %add3A_53 : i32
    %dma_start3A_55 = tpu.memref_slice %arg4[%add3A_54] : memref<320000xi32, #tpu.memory_space<hbm>> -> memref<80xi32, #tpu.memory_space<hbm>>
    %dma_start3A_56 = tpu.memref_slice %arg4[%add3A_54] : memref<320000xi32, #tpu.memory_space<hbm>> -> memref<80xi32, #tpu.memory_space<hbm>>
    tpu.enqueue_dma source(%dma_start3A_56 : memref<80xi32, #tpu.memory_space<hbm>>) target(%arg10 : memref<80xi32, #tpu.memory_space<vmem>>) target_semaphore(%arg20 : memref<!tpu.dma_semaphore, #tpu.memory_space<semaphore_mem>>)
    %add3A_57 = arith.constant 160 : i32
    %add3A_58 = arith.addi %mul3A_2, %add3A_57 : i32
    %dma_start3A_59 = tpu.memref_slice %arg3[%add3A_58] : memref<320000xi32, #tpu.memory_space<hbm>> -> memref<80xi32, #tpu.memory_space<hbm>>
    %dma_start3A_60 = tpu.memref_slice %arg3[%add3A_58] : memref<320000xi32, #tpu.memory_space<hbm>> -> memref<80xi32, #tpu.memory_space<hbm>>
    tpu.enqueue_dma source(%dma_start3A_60 : memref<80xi32, #tpu.memory_space<hbm>>) target(%arg8 : memref<80xi32, #tpu.memory_space<vmem>>) target_semaphore(%arg18 : memref<!tpu.dma_semaphore, #tpu.memory_space<semaphore_mem>>)
    %add3A_61 = arith.constant 160 : i32
    %add3A_62 = arith.addi %mul3A_2, %add3A_61 : i32
    %dma_start3A_63 = tpu.memref_slice %arg4[%add3A_62] : memref<320000xi32, #tpu.memory_space<hbm>> -> memref<80xi32, #tpu.memory_space<hbm>>
    %dma_start3A_64 = tpu.memref_slice %arg4[%add3A_62] : memref<320000xi32, #tpu.memory_space<hbm>> -> memref<80xi32, #tpu.memory_space<hbm>>
    tpu.enqueue_dma source(%dma_start3A_64 : memref<80xi32, #tpu.memory_space<hbm>>) target(%arg11 : memref<80xi32, #tpu.memory_space<vmem>>) target_semaphore(%arg21 : memref<!tpu.dma_semaphore, #tpu.memory_space<semaphore_mem>>)
    %add3A_65 = arith.constant 0 : i32
    %add3A_66 = arith.addi %mul3A_2, %add3A_65 : i32
    %dma_wait3A = tpu.memref_slice %arg3[%add3A_66] : memref<320000xi32, #tpu.memory_space<hbm>> -> memref<80xi32, #tpu.memory_space<hbm>>
    %dma_wait3A_67 = tpu.memref_slice %arg3[%add3A_66] : memref<320000xi32, #tpu.memory_space<hbm>> -> memref<80xi32, #tpu.memory_space<hbm>>
    tpu.wait_dma2 semaphore(%arg16 : memref<!tpu.dma_semaphore, #tpu.memory_space<semaphore_mem>>) src(%dma_wait3A_67 : memref<80xi32, #tpu.memory_space<hbm>>) dst(%arg6 : memref<80xi32, #tpu.memory_space<vmem>>)
    %dma_start3A_68 = arith.constant 0 : i32
    %dma_start3A_69 = arith.constant 0 : i32
    %dma_start3A_70 = tpu.memref_slice %arg2[%dma_start3A_68, %dma_start3A_69] : memref<10000x128xf32, #tpu.memory_space<hbm>> -> memref<10000x128xf32, #tpu.memory_space<hbm>>
    tpu.enqueue_indirect_dma source(%dma_start3A_70 : memref<10000x128xf32, #tpu.memory_space<hbm>>) target(%arg12 : memref<80x128xf32, #tpu.memory_space<vmem>>) offsets(%arg6 : memref<80xi32, #tpu.memory_space<vmem>>) semaphore(%arg22 : memref<!tpu.dma_semaphore, #tpu.memory_space<semaphore_mem>>)
    %add3A_71 = arith.constant 80 : i32
    %add3A_72 = arith.addi %mul3A_2, %add3A_71 : i32
    %dma_wait3A_73 = tpu.memref_slice %arg3[%add3A_72] : memref<320000xi32, #tpu.memory_space<hbm>> -> memref<80xi32, #tpu.memory_space<hbm>>
    %dma_wait3A_74 = tpu.memref_slice %arg3[%add3A_72] : memref<320000xi32, #tpu.memory_space<hbm>> -> memref<80xi32, #tpu.memory_space<hbm>>
    tpu.wait_dma2 semaphore(%arg17 : memref<!tpu.dma_semaphore, #tpu.memory_space<semaphore_mem>>) src(%dma_wait3A_74 : memref<80xi32, #tpu.memory_space<hbm>>) dst(%arg7 : memref<80xi32, #tpu.memory_space<vmem>>)
    %dma_start3A_75 = arith.constant 0 : i32
    %dma_start3A_76 = arith.constant 0 : i32
    %dma_start3A_77 = tpu.memref_slice %arg2[%dma_start3A_75, %dma_start3A_76] : memref<10000x128xf32, #tpu.memory_space<hbm>> -> memref<10000x128xf32, #tpu.memory_space<hbm>>
    tpu.enqueue_indirect_dma source(%dma_start3A_77 : memref<10000x128xf32, #tpu.memory_space<hbm>>) target(%arg13 : memref<80x128xf32, #tpu.memory_space<vmem>>) offsets(%arg7 : memref<80xi32, #tpu.memory_space<vmem>>) semaphore(%arg23 : memref<!tpu.dma_semaphore, #tpu.memory_space<semaphore_mem>>)
    %add3A_78 = arith.constant 160 : i32
    %add3A_79 = arith.addi %mul3A_2, %add3A_78 : i32
    %dma_wait3A_80 = tpu.memref_slice %arg3[%add3A_79] : memref<320000xi32, #tpu.memory_space<hbm>> -> memref<80xi32, #tpu.memory_space<hbm>>
    %dma_wait3A_81 = tpu.memref_slice %arg3[%add3A_79] : memref<320000xi32, #tpu.memory_space<hbm>> -> memref<80xi32, #tpu.memory_space<hbm>>
    tpu.wait_dma2 semaphore(%arg18 : memref<!tpu.dma_semaphore, #tpu.memory_space<semaphore_mem>>) src(%dma_wait3A_81 : memref<80xi32, #tpu.memory_space<hbm>>) dst(%arg8 : memref<80xi32, #tpu.memory_space<vmem>>)
    %dma_start3A_82 = arith.constant 0 : i32
    %dma_start3A_83 = arith.constant 0 : i32
    %dma_start3A_84 = tpu.memref_slice %arg2[%dma_start3A_82, %dma_start3A_83] : memref<10000x128xf32, #tpu.memory_space<hbm>> -> memref<10000x128xf32, #tpu.memory_space<hbm>>
    tpu.enqueue_indirect_dma source(%dma_start3A_84 : memref<10000x128xf32, #tpu.memory_space<hbm>>) target(%arg14 : memref<80x128xf32, #tpu.memory_space<vmem>>) offsets(%arg8 : memref<80xi32, #tpu.memory_space<vmem>>) semaphore(%arg24 : memref<!tpu.dma_semaphore, #tpu.memory_space<semaphore_mem>>)
    %scan3A_85 = arith.constant 0 : i32
    %scan3A_86 = arith.constant 0 : i32
    %scan3A_87 = arith.constant 41 : i32
    %scan3A_88 = arith.addi %scan3A_86, %scan3A_87 : i32
    %scan3A_89 = arith.constant 1 : i32
    %scan3A_90 = scf.for %scan3A_158 = %scan3A_86 to %scan3A_88 step %scan3A_89 iter_args(%scan3A_159 = %scan3A_85) -> (i32)  : i32 {
      %mul3A_160 = arith.constant 3 : i32
      %mul3A_161 = arith.muli %mul3A_160, %scan3A_158 : i32
      %dma_wait3A_162 = arith.constant 0 : i32
      %dma_wait3A_163 = arith.constant 0 : i32
      %dma_wait3A_164 = tpu.memref_slice %arg2[%dma_wait3A_162, %dma_wait3A_163] : memref<10000x128xf32, #tpu.memory_space<hbm>> -> memref<10000x128xf32, #tpu.memory_space<hbm>>
      tpu.wait_indirect_dma semaphore(%arg22 : memref<!tpu.dma_semaphore, #tpu.memory_space<semaphore_mem>>) src(%dma_wait3A_164 : memref<10000x128xf32, #tpu.memory_space<hbm>>) dst(%arg12 : memref<80x128xf32, #tpu.memory_space<vmem>>)
      %add3A_165 = arith.constant 3 : i32
      %add3A_166 = arith.addi %mul3A_161, %add3A_165 : i32
      %add3A_167 = arith.constant 0 : i32
      %add3A_168 = arith.addi %add3A_166, %add3A_167 : i32
      %min3A = arith.constant 124 : i32
      %min3A_169 = arith.minsi %add3A_168, %min3A : i32
      %mul3A_170 = arith.constant 80 : i32
      %mul3A_171 = arith.muli %min3A_169, %mul3A_170 : i32
      %add3A_172 = arith.addi %mul3A_2, %mul3A_171 : i32
      %dma_start3A_173 = tpu.memref_slice %arg3[%add3A_172] : memref<320000xi32, #tpu.memory_space<hbm>> -> memref<80xi32, #tpu.memory_space<hbm>>
      %dma_start3A_174 = tpu.memref_slice %arg3[%add3A_172] : memref<320000xi32, #tpu.memory_space<hbm>> -> memref<80xi32, #tpu.memory_space<hbm>>
      tpu.enqueue_dma source(%dma_start3A_174 : memref<80xi32, #tpu.memory_space<hbm>>) target(%arg6 : memref<80xi32, #tpu.memory_space<vmem>>) target_semaphore(%arg16 : memref<!tpu.dma_semaphore, #tpu.memory_space<semaphore_mem>>)
      %add3A_175 = arith.constant 0 : i32
      %add3A_176 = arith.addi %mul3A_161, %add3A_175 : i32
      %mul3A_177 = arith.constant 80 : i32
      %mul3A_178 = arith.muli %add3A_176, %mul3A_177 : i32
      %add3A_179 = arith.addi %mul3A_2, %mul3A_178 : i32
      %dma_wait3A_180 = tpu.memref_slice %arg4[%add3A_179] : memref<320000xi32, #tpu.memory_space<hbm>> -> memref<80xi32, #tpu.memory_space<hbm>>
      %dma_wait3A_181 = tpu.memref_slice %arg4[%add3A_179] : memref<320000xi32, #tpu.memory_space<hbm>> -> memref<80xi32, #tpu.memory_space<hbm>>
      tpu.wait_dma2 semaphore(%arg19 : memref<!tpu.dma_semaphore, #tpu.memory_space<semaphore_mem>>) src(%dma_wait3A_181 : memref<80xi32, #tpu.memory_space<hbm>>) dst(%arg9 : memref<80xi32, #tpu.memory_space<vmem>>)
      %dma_start3A_182 = arith.constant 0 : i32
      %dma_start3A_183 = arith.constant 0 : i32
      %dma_start3A_184 = tpu.memref_slice %arg15[%dma_start3A_182, %dma_start3A_183] : memref<10240x128xf32, #tpu.memory_space<vmem_shared>> -> memref<10240x128xf32, #tpu.memory_space<vmem_shared>>
      tpu.enqueue_indirect_dma source(%arg12 : memref<80x128xf32, #tpu.memory_space<vmem>>) target(%dma_start3A_184 : memref<10240x128xf32, #tpu.memory_space<vmem_shared>>) offsets(%arg9 : memref<80xi32, #tpu.memory_space<vmem>>) semaphore(%arg25 : memref<!tpu.dma_semaphore, #tpu.memory_space<semaphore_mem>>) {add = true}
      %dma_wait3A_185 = arith.constant 0 : i32
      %dma_wait3A_186 = arith.constant 0 : i32
      %dma_wait3A_187 = tpu.memref_slice %arg2[%dma_wait3A_185, %dma_wait3A_186] : memref<10000x128xf32, #tpu.memory_space<hbm>> -> memref<10000x128xf32, #tpu.memory_space<hbm>>
      tpu.wait_indirect_dma semaphore(%arg23 : memref<!tpu.dma_semaphore, #tpu.memory_space<semaphore_mem>>) src(%dma_wait3A_187 : memref<10000x128xf32, #tpu.memory_space<hbm>>) dst(%arg13 : memref<80x128xf32, #tpu.memory_space<vmem>>)
      %add3A_188 = arith.constant 3 : i32
      %add3A_189 = arith.addi %mul3A_161, %add3A_188 : i32
      %add3A_190 = arith.constant 1 : i32
      %add3A_191 = arith.addi %add3A_189, %add3A_190 : i32
      %min3A_192 = arith.constant 124 : i32
      %min3A_193 = arith.minsi %add3A_191, %min3A_192 : i32
      %mul3A_194 = arith.constant 80 : i32
      %mul3A_195 = arith.muli %min3A_193, %mul3A_194 : i32
      %add3A_196 = arith.addi %mul3A_2, %mul3A_195 : i32
      %dma_start3A_197 = tpu.memref_slice %arg3[%add3A_196] : memref<320000xi32, #tpu.memory_space<hbm>> -> memref<80xi32, #tpu.memory_space<hbm>>
      %dma_start3A_198 = tpu.memref_slice %arg3[%add3A_196] : memref<320000xi32, #tpu.memory_space<hbm>> -> memref<80xi32, #tpu.memory_space<hbm>>
      tpu.enqueue_dma source(%dma_start3A_198 : memref<80xi32, #tpu.memory_space<hbm>>) target(%arg7 : memref<80xi32, #tpu.memory_space<vmem>>) target_semaphore(%arg17 : memref<!tpu.dma_semaphore, #tpu.memory_space<semaphore_mem>>)
      %add3A_199 = arith.constant 1 : i32
      %add3A_200 = arith.addi %mul3A_161, %add3A_199 : i32
      %mul3A_201 = arith.constant 80 : i32
      %mul3A_202 = arith.muli %add3A_200, %mul3A_201 : i32
      %add3A_203 = arith.addi %mul3A_2, %mul3A_202 : i32
      %dma_wait3A_204 = tpu.memref_slice %arg4[%add3A_203] : memref<320000xi32, #tpu.memory_space<hbm>> -> memref<80xi32, #tpu.memory_space<hbm>>
      %dma_wait3A_205 = tpu.memref_slice %arg4[%add3A_203] : memref<320000xi32, #tpu.memory_space<hbm>> -> memref<80xi32, #tpu.memory_space<hbm>>
      tpu.wait_dma2 semaphore(%arg20 : memref<!tpu.dma_semaphore, #tpu.memory_space<semaphore_mem>>) src(%dma_wait3A_205 : memref<80xi32, #tpu.memory_space<hbm>>) dst(%arg10 : memref<80xi32, #tpu.memory_space<vmem>>)
      %dma_start3A_206 = arith.constant 0 : i32
      %dma_start3A_207 = arith.constant 0 : i32
      %dma_start3A_208 = tpu.memref_slice %arg15[%dma_start3A_206, %dma_start3A_207] : memref<10240x128xf32, #tpu.memory_space<vmem_shared>> -> memref<10240x128xf32, #tpu.memory_space<vmem_shared>>
      tpu.enqueue_indirect_dma source(%arg13 : memref<80x128xf32, #tpu.memory_space<vmem>>) target(%dma_start3A_208 : memref<10240x128xf32, #tpu.memory_space<vmem_shared>>) offsets(%arg10 : memref<80xi32, #tpu.memory_space<vmem>>) semaphore(%arg26 : memref<!tpu.dma_semaphore, #tpu.memory_space<semaphore_mem>>) {add = true}
      %dma_wait3A_209 = arith.constant 0 : i32
      %dma_wait3A_210 = arith.constant 0 : i32
      %dma_wait3A_211 = tpu.memref_slice %arg2[%dma_wait3A_209, %dma_wait3A_210] : memref<10000x128xf32, #tpu.memory_space<hbm>> -> memref<10000x128xf32, #tpu.memory_space<hbm>>
      tpu.wait_indirect_dma semaphore(%arg24 : memref<!tpu.dma_semaphore, #tpu.memory_space<semaphore_mem>>) src(%dma_wait3A_211 : memref<10000x128xf32, #tpu.memory_space<hbm>>) dst(%arg14 : memref<80x128xf32, #tpu.memory_space<vmem>>)
      %add3A_212 = arith.constant 3 : i32
      %add3A_213 = arith.addi %mul3A_161, %add3A_212 : i32
      %add3A_214 = arith.constant 2 : i32
      %add3A_215 = arith.addi %add3A_213, %add3A_214 : i32
      %min3A_216 = arith.constant 124 : i32
      %min3A_217 = arith.minsi %add3A_215, %min3A_216 : i32
      %mul3A_218 = arith.constant 80 : i32
      %mul3A_219 = arith.muli %min3A_217, %mul3A_218 : i32
      %add3A_220 = arith.addi %mul3A_2, %mul3A_219 : i32
      %dma_start3A_221 = tpu.memref_slice %arg3[%add3A_220] : memref<320000xi32, #tpu.memory_space<hbm>> -> memref<80xi32, #tpu.memory_space<hbm>>
      %dma_start3A_222 = tpu.memref_slice %arg3[%add3A_220] : memref<320000xi32, #tpu.memory_space<hbm>> -> memref<80xi32, #tpu.memory_space<hbm>>
      tpu.enqueue_dma source(%dma_start3A_222 : memref<80xi32, #tpu.memory_space<hbm>>) target(%arg8 : memref<80xi32, #tpu.memory_space<vmem>>) target_semaphore(%arg18 : memref<!tpu.dma_semaphore, #tpu.memory_space<semaphore_mem>>)
      %add3A_223 = arith.constant 2 : i32
      %add3A_224 = arith.addi %mul3A_161, %add3A_223 : i32
      %mul3A_225 = arith.constant 80 : i32
      %mul3A_226 = arith.muli %add3A_224, %mul3A_225 : i32
      %add3A_227 = arith.addi %mul3A_2, %mul3A_226 : i32
      %dma_wait3A_228 = tpu.memref_slice %arg4[%add3A_227] : memref<320000xi32, #tpu.memory_space<hbm>> -> memref<80xi32, #tpu.memory_space<hbm>>
      %dma_wait3A_229 = tpu.memref_slice %arg4[%add3A_227] : memref<320000xi32, #tpu.memory_space<hbm>> -> memref<80xi32, #tpu.memory_space<hbm>>
      tpu.wait_dma2 semaphore(%arg21 : memref<!tpu.dma_semaphore, #tpu.memory_space<semaphore_mem>>) src(%dma_wait3A_229 : memref<80xi32, #tpu.memory_space<hbm>>) dst(%arg11 : memref<80xi32, #tpu.memory_space<vmem>>)
      %dma_start3A_230 = arith.constant 0 : i32
      %dma_start3A_231 = arith.constant 0 : i32
      %dma_start3A_232 = tpu.memref_slice %arg15[%dma_start3A_230, %dma_start3A_231] : memref<10240x128xf32, #tpu.memory_space<vmem_shared>> -> memref<10240x128xf32, #tpu.memory_space<vmem_shared>>
      tpu.enqueue_indirect_dma source(%arg14 : memref<80x128xf32, #tpu.memory_space<vmem>>) target(%dma_start3A_232 : memref<10240x128xf32, #tpu.memory_space<vmem_shared>>) offsets(%arg11 : memref<80xi32, #tpu.memory_space<vmem>>) semaphore(%arg27 : memref<!tpu.dma_semaphore, #tpu.memory_space<semaphore_mem>>) {add = true}
      %dma_wait3A_233 = arith.constant 0 : i32
      %dma_wait3A_234 = arith.constant 0 : i32
      %dma_wait3A_235 = tpu.memref_slice %arg15[%dma_wait3A_233, %dma_wait3A_234] : memref<10240x128xf32, #tpu.memory_space<vmem_shared>> -> memref<10240x128xf32, #tpu.memory_space<vmem_shared>>
      tpu.wait_indirect_dma semaphore(%arg25 : memref<!tpu.dma_semaphore, #tpu.memory_space<semaphore_mem>>) src(%arg12 : memref<80x128xf32, #tpu.memory_space<vmem>>) dst(%dma_wait3A_235 : memref<10240x128xf32, #tpu.memory_space<vmem_shared>>)
      %add3A_236 = arith.constant 3 : i32
      %add3A_237 = arith.addi %mul3A_161, %add3A_236 : i32
      %add3A_238 = arith.constant 0 : i32
      %add3A_239 = arith.addi %add3A_237, %add3A_238 : i32
      %min3A_240 = arith.constant 124 : i32
      %min3A_241 = arith.minsi %add3A_239, %min3A_240 : i32
      %mul3A_242 = arith.constant 80 : i32
      %mul3A_243 = arith.muli %min3A_241, %mul3A_242 : i32
      %add3A_244 = arith.addi %mul3A_2, %mul3A_243 : i32
      %dma_start3A_245 = tpu.memref_slice %arg4[%add3A_244] : memref<320000xi32, #tpu.memory_space<hbm>> -> memref<80xi32, #tpu.memory_space<hbm>>
      %dma_start3A_246 = tpu.memref_slice %arg4[%add3A_244] : memref<320000xi32, #tpu.memory_space<hbm>> -> memref<80xi32, #tpu.memory_space<hbm>>
      tpu.enqueue_dma source(%dma_start3A_246 : memref<80xi32, #tpu.memory_space<hbm>>) target(%arg9 : memref<80xi32, #tpu.memory_space<vmem>>) target_semaphore(%arg19 : memref<!tpu.dma_semaphore, #tpu.memory_space<semaphore_mem>>)
      %add3A_247 = arith.constant 3 : i32
      %add3A_248 = arith.addi %mul3A_161, %add3A_247 : i32
      %add3A_249 = arith.constant 0 : i32
      %add3A_250 = arith.addi %add3A_248, %add3A_249 : i32
      %min3A_251 = arith.constant 124 : i32
      %min3A_252 = arith.minsi %add3A_250, %min3A_251 : i32
      %mul3A_253 = arith.constant 80 : i32
      %mul3A_254 = arith.muli %min3A_252, %mul3A_253 : i32
      %add3A_255 = arith.addi %mul3A_2, %mul3A_254 : i32
      %dma_wait3A_256 = tpu.memref_slice %arg3[%add3A_255] : memref<320000xi32, #tpu.memory_space<hbm>> -> memref<80xi32, #tpu.memory_space<hbm>>
      %dma_wait3A_257 = tpu.memref_slice %arg3[%add3A_255] : memref<320000xi32, #tpu.memory_space<hbm>> -> memref<80xi32, #tpu.memory_space<hbm>>
      tpu.wait_dma2 semaphore(%arg16 : memref<!tpu.dma_semaphore, #tpu.memory_space<semaphore_mem>>) src(%dma_wait3A_257 : memref<80xi32, #tpu.memory_space<hbm>>) dst(%arg6 : memref<80xi32, #tpu.memory_space<vmem>>)
      %dma_start3A_258 = arith.constant 0 : i32
      %dma_start3A_259 = arith.constant 0 : i32
      %dma_start3A_260 = tpu.memref_slice %arg2[%dma_start3A_258, %dma_start3A_259] : memref<10000x128xf32, #tpu.memory_space<hbm>> -> memref<10000x128xf32, #tpu.memory_space<hbm>>
      tpu.enqueue_indirect_dma source(%dma_start3A_260 : memref<10000x128xf32, #tpu.memory_space<hbm>>) target(%arg12 : memref<80x128xf32, #tpu.memory_space<vmem>>) offsets(%arg6 : memref<80xi32, #tpu.memory_space<vmem>>) semaphore(%arg22 : memref<!tpu.dma_semaphore, #tpu.memory_space<semaphore_mem>>)
      %dma_wait3A_261 = arith.constant 0 : i32
      %dma_wait3A_262 = arith.constant 0 : i32
      %dma_wait3A_263 = tpu.memref_slice %arg15[%dma_wait3A_261, %dma_wait3A_262] : memref<10240x128xf32, #tpu.memory_space<vmem_shared>> -> memref<10240x128xf32, #tpu.memory_space<vmem_shared>>
      tpu.wait_indirect_dma semaphore(%arg26 : memref<!tpu.dma_semaphore, #tpu.memory_space<semaphore_mem>>) src(%arg13 : memref<80x128xf32, #tpu.memory_space<vmem>>) dst(%dma_wait3A_263 : memref<10240x128xf32, #tpu.memory_space<vmem_shared>>)
      %add3A_264 = arith.constant 3 : i32
      %add3A_265 = arith.addi %mul3A_161, %add3A_264 : i32
      %add3A_266 = arith.constant 1 : i32
      %add3A_267 = arith.addi %add3A_265, %add3A_266 : i32
      %min3A_268 = arith.constant 124 : i32
      %min3A_269 = arith.minsi %add3A_267, %min3A_268 : i32
      %mul3A_270 = arith.constant 80 : i32
      %mul3A_271 = arith.muli %min3A_269, %mul3A_270 : i32
      %add3A_272 = arith.addi %mul3A_2, %mul3A_271 : i32
      %dma_start3A_273 = tpu.memref_slice %arg4[%add3A_272] : memref<320000xi32, #tpu.memory_space<hbm>> -> memref<80xi32, #tpu.memory_space<hbm>>
      %dma_start3A_274 = tpu.memref_slice %arg4[%add3A_272] : memref<320000xi32, #tpu.memory_space<hbm>> -> memref<80xi32, #tpu.memory_space<hbm>>
      tpu.enqueue_dma source(%dma_start3A_274 : memref<80xi32, #tpu.memory_space<hbm>>) target(%arg10 : memref<80xi32, #tpu.memory_space<vmem>>) target_semaphore(%arg20 : memref<!tpu.dma_semaphore, #tpu.memory_space<semaphore_mem>>)
      %add3A_275 = arith.constant 3 : i32
      %add3A_276 = arith.addi %mul3A_161, %add3A_275 : i32
      %add3A_277 = arith.constant 1 : i32
      %add3A_278 = arith.addi %add3A_276, %add3A_277 : i32
      %min3A_279 = arith.constant 124 : i32
      %min3A_280 = arith.minsi %add3A_278, %min3A_279 : i32
      %mul3A_281 = arith.constant 80 : i32
      %mul3A_282 = arith.muli %min3A_280, %mul3A_281 : i32
      %add3A_283 = arith.addi %mul3A_2, %mul3A_282 : i32
      %dma_wait3A_284 = tpu.memref_slice %arg3[%add3A_283] : memref<320000xi32, #tpu.memory_space<hbm>> -> memref<80xi32, #tpu.memory_space<hbm>>
      %dma_wait3A_285 = tpu.memref_slice %arg3[%add3A_283] : memref<320000xi32, #tpu.memory_space<hbm>> -> memref<80xi32, #tpu.memory_space<hbm>>
      tpu.wait_dma2 semaphore(%arg17 : memref<!tpu.dma_semaphore, #tpu.memory_space<semaphore_mem>>) src(%dma_wait3A_285 : memref<80xi32, #tpu.memory_space<hbm>>) dst(%arg7 : memref<80xi32, #tpu.memory_space<vmem>>)
      %dma_start3A_286 = arith.constant 0 : i32
      %dma_start3A_287 = arith.constant 0 : i32
      %dma_start3A_288 = tpu.memref_slice %arg2[%dma_start3A_286, %dma_start3A_287] : memref<10000x128xf32, #tpu.memory_space<hbm>> -> memref<10000x128xf32, #tpu.memory_space<hbm>>
      tpu.enqueue_indirect_dma source(%dma_start3A_288 : memref<10000x128xf32, #tpu.memory_space<hbm>>) target(%arg13 : memref<80x128xf32, #tpu.memory_space<vmem>>) offsets(%arg7 : memref<80xi32, #tpu.memory_space<vmem>>) semaphore(%arg23 : memref<!tpu.dma_semaphore, #tpu.memory_space<semaphore_mem>>)
      %dma_wait3A_289 = arith.constant 0 : i32
      %dma_wait3A_290 = arith.constant 0 : i32
      %dma_wait3A_291 = tpu.memref_slice %arg15[%dma_wait3A_289, %dma_wait3A_290] : memref<10240x128xf32, #tpu.memory_space<vmem_shared>> -> memref<10240x128xf32, #tpu.memory_space<vmem_shared>>
      tpu.wait_indirect_dma semaphore(%arg27 : memref<!tpu.dma_semaphore, #tpu.memory_space<semaphore_mem>>) src(%arg14 : memref<80x128xf32, #tpu.memory_space<vmem>>) dst(%dma_wait3A_291 : memref<10240x128xf32, #tpu.memory_space<vmem_shared>>)
      %add3A_292 = arith.constant 3 : i32
      %add3A_293 = arith.addi %mul3A_161, %add3A_292 : i32
      %add3A_294 = arith.constant 2 : i32
      %add3A_295 = arith.addi %add3A_293, %add3A_294 : i32
      %min3A_296 = arith.constant 124 : i32
      %min3A_297 = arith.minsi %add3A_295, %min3A_296 : i32
      %mul3A_298 = arith.constant 80 : i32
      %mul3A_299 = arith.muli %min3A_297, %mul3A_298 : i32
      %add3A_300 = arith.addi %mul3A_2, %mul3A_299 : i32
      %dma_start3A_301 = tpu.memref_slice %arg4[%add3A_300] : memref<320000xi32, #tpu.memory_space<hbm>> -> memref<80xi32, #tpu.memory_space<hbm>>
      %dma_start3A_302 = tpu.memref_slice %arg4[%add3A_300] : memref<320000xi32, #tpu.memory_space<hbm>> -> memref<80xi32, #tpu.memory_space<hbm>>
      tpu.enqueue_dma source(%dma_start3A_302 : memref<80xi32, #tpu.memory_space<hbm>>) target(%arg11 : memref<80xi32, #tpu.memory_space<vmem>>) target_semaphore(%arg21 : memref<!tpu.dma_semaphore, #tpu.memory_space<semaphore_mem>>)
      %add3A_303 = arith.constant 3 : i32
      %add3A_304 = arith.addi %mul3A_161, %add3A_303 : i32
      %add3A_305 = arith.constant 2 : i32
      %add3A_306 = arith.addi %add3A_304, %add3A_305 : i32
      %min3A_307 = arith.constant 124 : i32
      %min3A_308 = arith.minsi %add3A_306, %min3A_307 : i32
      %mul3A_309 = arith.constant 80 : i32
      %mul3A_310 = arith.muli %min3A_308, %mul3A_309 : i32
      %add3A_311 = arith.addi %mul3A_2, %mul3A_310 : i32
      %dma_wait3A_312 = tpu.memref_slice %arg3[%add3A_311] : memref<320000xi32, #tpu.memory_space<hbm>> -> memref<80xi32, #tpu.memory_space<hbm>>
      %dma_wait3A_313 = tpu.memref_slice %arg3[%add3A_311] : memref<320000xi32, #tpu.memory_space<hbm>> -> memref<80xi32, #tpu.memory_space<hbm>>
      tpu.wait_dma2 semaphore(%arg18 : memref<!tpu.dma_semaphore, #tpu.memory_space<semaphore_mem>>) src(%dma_wait3A_313 : memref<80xi32, #tpu.memory_space<hbm>>) dst(%arg8 : memref<80xi32, #tpu.memory_space<vmem>>)
      %dma_start3A_314 = arith.constant 0 : i32
      %dma_start3A_315 = arith.constant 0 : i32
      %dma_start3A_316 = tpu.memref_slice %arg2[%dma_start3A_314, %dma_start3A_315] : memref<10000x128xf32, #tpu.memory_space<hbm>> -> memref<10000x128xf32, #tpu.memory_space<hbm>>
      tpu.enqueue_indirect_dma source(%dma_start3A_316 : memref<10000x128xf32, #tpu.memory_space<hbm>>) target(%arg14 : memref<80x128xf32, #tpu.memory_space<vmem>>) offsets(%arg8 : memref<80xi32, #tpu.memory_space<vmem>>) semaphore(%arg24 : memref<!tpu.dma_semaphore, #tpu.memory_space<semaphore_mem>>)
      %scan3A_317 = arith.constant 0 : i32
      scf.yield %scan3A_317 : i32
    }
    %scan3A_91 = arith.constant 41 : i32
    %dma_wait3A_92 = arith.constant 0 : i32
    %dma_wait3A_93 = arith.constant 0 : i32
    %dma_wait3A_94 = tpu.memref_slice %arg2[%dma_wait3A_92, %dma_wait3A_93] : memref<10000x128xf32, #tpu.memory_space<hbm>> -> memref<10000x128xf32, #tpu.memory_space<hbm>>
    tpu.wait_indirect_dma semaphore(%arg22 : memref<!tpu.dma_semaphore, #tpu.memory_space<semaphore_mem>>) src(%dma_wait3A_94 : memref<10000x128xf32, #tpu.memory_space<hbm>>) dst(%arg12 : memref<80x128xf32, #tpu.memory_space<vmem>>)
    %add3A_95 = arith.constant 9840 : i32
    %add3A_96 = arith.addi %mul3A_2, %add3A_95 : i32
    %dma_wait3A_97 = tpu.memref_slice %arg4[%add3A_96] : memref<320000xi32, #tpu.memory_space<hbm>> -> memref<80xi32, #tpu.memory_space<hbm>>
    %dma_wait3A_98 = tpu.memref_slice %arg4[%add3A_96] : memref<320000xi32, #tpu.memory_space<hbm>> -> memref<80xi32, #tpu.memory_space<hbm>>
    tpu.wait_dma2 semaphore(%arg19 : memref<!tpu.dma_semaphore, #tpu.memory_space<semaphore_mem>>) src(%dma_wait3A_98 : memref<80xi32, #tpu.memory_space<hbm>>) dst(%arg9 : memref<80xi32, #tpu.memory_space<vmem>>)
    %dma_start3A_99 = arith.constant 0 : i32
    %dma_start3A_100 = arith.constant 0 : i32
    %dma_start3A_101 = tpu.memref_slice %arg15[%dma_start3A_99, %dma_start3A_100] : memref<10240x128xf32, #tpu.memory_space<vmem_shared>> -> memref<10240x128xf32, #tpu.memory_space<vmem_shared>>
    tpu.enqueue_indirect_dma source(%arg12 : memref<80x128xf32, #tpu.memory_space<vmem>>) target(%dma_start3A_101 : memref<10240x128xf32, #tpu.memory_space<vmem_shared>>) offsets(%arg9 : memref<80xi32, #tpu.memory_space<vmem>>) semaphore(%arg25 : memref<!tpu.dma_semaphore, #tpu.memory_space<semaphore_mem>>) {add = true}
    %dma_wait3A_102 = arith.constant 0 : i32
    %dma_wait3A_103 = arith.constant 0 : i32
    %dma_wait3A_104 = tpu.memref_slice %arg2[%dma_wait3A_102, %dma_wait3A_103] : memref<10000x128xf32, #tpu.memory_space<hbm>> -> memref<10000x128xf32, #tpu.memory_space<hbm>>
    tpu.wait_indirect_dma semaphore(%arg23 : memref<!tpu.dma_semaphore, #tpu.memory_space<semaphore_mem>>) src(%dma_wait3A_104 : memref<10000x128xf32, #tpu.memory_space<hbm>>) dst(%arg13 : memref<80x128xf32, #tpu.memory_space<vmem>>)
    %add3A_105 = arith.constant 9920 : i32
    %add3A_106 = arith.addi %mul3A_2, %add3A_105 : i32
    %dma_wait3A_107 = tpu.memref_slice %arg4[%add3A_106] : memref<320000xi32, #tpu.memory_space<hbm>> -> memref<80xi32, #tpu.memory_space<hbm>>
    %dma_wait3A_108 = tpu.memref_slice %arg4[%add3A_106] : memref<320000xi32, #tpu.memory_space<hbm>> -> memref<80xi32, #tpu.memory_space<hbm>>
    tpu.wait_dma2 semaphore(%arg20 : memref<!tpu.dma_semaphore, #tpu.memory_space<semaphore_mem>>) src(%dma_wait3A_108 : memref<80xi32, #tpu.memory_space<hbm>>) dst(%arg10 : memref<80xi32, #tpu.memory_space<vmem>>)
    %dma_start3A_109 = arith.constant 0 : i32
    %dma_start3A_110 = arith.constant 0 : i32
    %dma_start3A_111 = tpu.memref_slice %arg15[%dma_start3A_109, %dma_start3A_110] : memref<10240x128xf32, #tpu.memory_space<vmem_shared>> -> memref<10240x128xf32, #tpu.memory_space<vmem_shared>>
    tpu.enqueue_indirect_dma source(%arg13 : memref<80x128xf32, #tpu.memory_space<vmem>>) target(%dma_start3A_111 : memref<10240x128xf32, #tpu.memory_space<vmem_shared>>) offsets(%arg10 : memref<80xi32, #tpu.memory_space<vmem>>) semaphore(%arg26 : memref<!tpu.dma_semaphore, #tpu.memory_space<semaphore_mem>>) {add = true}
    %dma_wait3A_112 = arith.constant 0 : i32
    %dma_wait3A_113 = arith.constant 0 : i32
    %dma_wait3A_114 = tpu.memref_slice %arg2[%dma_wait3A_112, %dma_wait3A_113] : memref<10000x128xf32, #tpu.memory_space<hbm>> -> memref<10000x128xf32, #tpu.memory_space<hbm>>
    tpu.wait_indirect_dma semaphore(%arg24 : memref<!tpu.dma_semaphore, #tpu.memory_space<semaphore_mem>>) src(%dma_wait3A_114 : memref<10000x128xf32, #tpu.memory_space<hbm>>) dst(%arg14 : memref<80x128xf32, #tpu.memory_space<vmem>>)
    %add3A_115 = arith.constant 9920 : i32
    %add3A_116 = arith.addi %mul3A_2, %add3A_115 : i32
    %dma_wait3A_117 = tpu.memref_slice %arg4[%add3A_116] : memref<320000xi32, #tpu.memory_space<hbm>> -> memref<80xi32, #tpu.memory_space<hbm>>
    %dma_wait3A_118 = tpu.memref_slice %arg4[%add3A_116] : memref<320000xi32, #tpu.memory_space<hbm>> -> memref<80xi32, #tpu.memory_space<hbm>>
    tpu.wait_dma2 semaphore(%arg21 : memref<!tpu.dma_semaphore, #tpu.memory_space<semaphore_mem>>) src(%dma_wait3A_118 : memref<80xi32, #tpu.memory_space<hbm>>) dst(%arg11 : memref<80xi32, #tpu.memory_space<vmem>>)
    %dma_wait3A_119 = arith.constant 0 : i32
    %dma_wait3A_120 = arith.constant 0 : i32
    %dma_wait3A_121 = tpu.memref_slice %arg15[%dma_wait3A_119, %dma_wait3A_120] : memref<10240x128xf32, #tpu.memory_space<vmem_shared>> -> memref<10240x128xf32, #tpu.memory_space<vmem_shared>>
    tpu.wait_indirect_dma semaphore(%arg25 : memref<!tpu.dma_semaphore, #tpu.memory_space<semaphore_mem>>) src(%arg12 : memref<80x128xf32, #tpu.memory_space<vmem>>) dst(%dma_wait3A_121 : memref<10240x128xf32, #tpu.memory_space<vmem_shared>>)
    %dma_wait3A_122 = arith.constant 0 : i32
    %dma_wait3A_123 = arith.constant 0 : i32
    %dma_wait3A_124 = tpu.memref_slice %arg15[%dma_wait3A_122, %dma_wait3A_123] : memref<10240x128xf32, #tpu.memory_space<vmem_shared>> -> memref<10240x128xf32, #tpu.memory_space<vmem_shared>>
    tpu.wait_indirect_dma semaphore(%arg26 : memref<!tpu.dma_semaphore, #tpu.memory_space<semaphore_mem>>) src(%arg13 : memref<80x128xf32, #tpu.memory_space<vmem>>) dst(%dma_wait3A_124 : memref<10240x128xf32, #tpu.memory_space<vmem_shared>>)
    %barrier3A_125 = arith.constant 0 : index
    tpu.barrier barrier_id(%barrier3A_125)
    %mul3A_126 = arith.constant 640 : i32
    %mul3A_127 = arith.muli %arg1, %mul3A_126 : i32
    %add3A_128 = arith.constant 0 : i32
    %add3A_129 = arith.addi %mul3A_127, %add3A_128 : i32
    "tpu.region"() ({
      %run_scoped3A = tpu.sem_alloc : memref<!tpu.dma_semaphore, #tpu.memory_space<semaphore_mem>>
      %dma_start3A_158 = arith.constant 0 : i32
      %dma_start3A_159 = tpu.memref_slice %arg5[%arg0, %add3A_129, %dma_start3A_158] : memref<2x10240x128xf32, #tpu.memory_space<hbm>> -> memref<1x80x128xf32, #tpu.memory_space<hbm>>
      %dma_start3A_160 = tpu.memref_squeeze %dma_start3A_159 : memref<1x80x128xf32, #tpu.memory_space<hbm>> -> memref<80x128xf32, #tpu.memory_space<hbm>>
      %dma_start3A_161 = arith.constant 0 : i32
      %dma_start3A_162 = tpu.memref_slice %arg15[%add3A_129, %dma_start3A_161] : memref<10240x128xf32, #tpu.memory_space<vmem_shared>> -> memref<80x128xf32, #tpu.memory_space<vmem_shared>>
      tpu.enqueue_dma source(%dma_start3A_162 : memref<80x128xf32, #tpu.memory_space<vmem_shared>>) target(%dma_start3A_160 : memref<80x128xf32, #tpu.memory_space<hbm>>) target_semaphore(%run_scoped3A : memref<!tpu.dma_semaphore, #tpu.memory_space<semaphore_mem>>)
      %dma_wait3A_163 = arith.constant 0 : i32
      %dma_wait3A_164 = tpu.memref_slice %arg5[%arg0, %add3A_129, %dma_wait3A_163] : memref<2x10240x128xf32, #tpu.memory_space<hbm>> -> memref<1x80x128xf32, #tpu.memory_space<hbm>>
      %dma_wait3A_165 = tpu.memref_squeeze %dma_wait3A_164 : memref<1x80x128xf32, #tpu.memory_space<hbm>> -> memref<80x128xf32, #tpu.memory_space<hbm>>
      %dma_wait3A_166 = arith.constant 0 : i32
      %dma_wait3A_167 = tpu.memref_slice %arg15[%add3A_129, %dma_wait3A_166] : memref<10240x128xf32, #tpu.memory_space<vmem_shared>> -> memref<80x128xf32, #tpu.memory_space<vmem_shared>>
      tpu.wait_dma2 semaphore(%run_scoped3A : memref<!tpu.dma_semaphore, #tpu.memory_space<semaphore_mem>>) src(%dma_wait3A_167 : memref<80x128xf32, #tpu.memory_space<vmem_shared>>) dst(%dma_wait3A_165 : memref<80x128xf32, #tpu.memory_space<hbm>>)
      tpu.yield
    }) : () -> ()
    %mul3A_130 = arith.constant 640 : i32
    %mul3A_131 = arith.muli %arg1, %mul3A_130 : i32
    %add3A_132 = arith.constant 80 : i32
    %add3A_133 = arith.addi %mul3A_131, %add3A_132 : i32
    "tpu.region"() ({
      %run_scoped3A = tpu.sem_alloc : memref<!tpu.dma_semaphore, #tpu.memory_space<semaphore_mem>>
      %dma_start3A_158 = arith.constant 0 : i32
      %dma_start3A_159 = tpu.memref_slice %arg5[%arg0, %add3A_133, %dma_start3A_158] : memref<2x10240x128xf32, #tpu.memory_space<hbm>> -> memref<1x80x128xf32, #tpu.memory_space<hbm>>
      %dma_start3A_160 = tpu.memref_squeeze %dma_start3A_159 : memref<1x80x128xf32, #tpu.memory_space<hbm>> -> memref<80x128xf32, #tpu.memory_space<hbm>>
      %dma_start3A_161 = arith.constant 0 : i32
      %dma_start3A_162 = tpu.memref_slice %arg15[%add3A_133, %dma_start3A_161] : memref<10240x128xf32, #tpu.memory_space<vmem_shared>> -> memref<80x128xf32, #tpu.memory_space<vmem_shared>>
      tpu.enqueue_dma source(%dma_start3A_162 : memref<80x128xf32, #tpu.memory_space<vmem_shared>>) target(%dma_start3A_160 : memref<80x128xf32, #tpu.memory_space<hbm>>) target_semaphore(%run_scoped3A : memref<!tpu.dma_semaphore, #tpu.memory_space<semaphore_mem>>)
      %dma_wait3A_163 = arith.constant 0 : i32
      %dma_wait3A_164 = tpu.memref_slice %arg5[%arg0, %add3A_133, %dma_wait3A_163] : memref<2x10240x128xf32, #tpu.memory_space<hbm>> -> memref<1x80x128xf32, #tpu.memory_space<hbm>>
      %dma_wait3A_165 = tpu.memref_squeeze %dma_wait3A_164 : memref<1x80x128xf32, #tpu.memory_space<hbm>> -> memref<80x128xf32, #tpu.memory_space<hbm>>
      %dma_wait3A_166 = arith.constant 0 : i32
      %dma_wait3A_167 = tpu.memref_slice %arg15[%add3A_133, %dma_wait3A_166] : memref<10240x128xf32, #tpu.memory_space<vmem_shared>> -> memref<80x128xf32, #tpu.memory_space<vmem_shared>>
      tpu.wait_dma2 semaphore(%run_scoped3A : memref<!tpu.dma_semaphore, #tpu.memory_space<semaphore_mem>>) src(%dma_wait3A_167 : memref<80x128xf32, #tpu.memory_space<vmem_shared>>) dst(%dma_wait3A_165 : memref<80x128xf32, #tpu.memory_space<hbm>>)
      tpu.yield
    }) : () -> ()
    %mul3A_134 = arith.constant 640 : i32
    %mul3A_135 = arith.muli %arg1, %mul3A_134 : i32
    %add3A_136 = arith.constant 160 : i32
    %add3A_137 = arith.addi %mul3A_135, %add3A_136 : i32
    "tpu.region"() ({
      %run_scoped3A = tpu.sem_alloc : memref<!tpu.dma_semaphore, #tpu.memory_space<semaphore_mem>>
      %dma_start3A_158 = arith.constant 0 : i32
      %dma_start3A_159 = tpu.memref_slice %arg5[%arg0, %add3A_137, %dma_start3A_158] : memref<2x10240x128xf32, #tpu.memory_space<hbm>> -> memref<1x80x128xf32, #tpu.memory_space<hbm>>
      %dma_start3A_160 = tpu.memref_squeeze %dma_start3A_159 : memref<1x80x128xf32, #tpu.memory_space<hbm>> -> memref<80x128xf32, #tpu.memory_space<hbm>>
      %dma_start3A_161 = arith.constant 0 : i32
      %dma_start3A_162 = tpu.memref_slice %arg15[%add3A_137, %dma_start3A_161] : memref<10240x128xf32, #tpu.memory_space<vmem_shared>> -> memref<80x128xf32, #tpu.memory_space<vmem_shared>>
      tpu.enqueue_dma source(%dma_start3A_162 : memref<80x128xf32, #tpu.memory_space<vmem_shared>>) target(%dma_start3A_160 : memref<80x128xf32, #tpu.memory_space<hbm>>) target_semaphore(%run_scoped3A : memref<!tpu.dma_semaphore, #tpu.memory_space<semaphore_mem>>)
      %dma_wait3A_163 = arith.constant 0 : i32
      %dma_wait3A_164 = tpu.memref_slice %arg5[%arg0, %add3A_137, %dma_wait3A_163] : memref<2x10240x128xf32, #tpu.memory_space<hbm>> -> memref<1x80x128xf32, #tpu.memory_space<hbm>>
      %dma_wait3A_165 = tpu.memref_squeeze %dma_wait3A_164 : memref<1x80x128xf32, #tpu.memory_space<hbm>> -> memref<80x128xf32, #tpu.memory_space<hbm>>
      %dma_wait3A_166 = arith.constant 0 : i32
      %dma_wait3A_167 = tpu.memref_slice %arg15[%add3A_137, %dma_wait3A_166] : memref<10240x128xf32, #tpu.memory_space<vmem_shared>> -> memref<80x128xf32, #tpu.memory_space<vmem_shared>>
      tpu.wait_dma2 semaphore(%run_scoped3A : memref<!tpu.dma_semaphore, #tpu.memory_space<semaphore_mem>>) src(%dma_wait3A_167 : memref<80x128xf32, #tpu.memory_space<vmem_shared>>) dst(%dma_wait3A_165 : memref<80x128xf32, #tpu.memory_space<hbm>>)
      tpu.yield
    }) : () -> ()
    %mul3A_138 = arith.constant 640 : i32
    %mul3A_139 = arith.muli %arg1, %mul3A_138 : i32
    %add3A_140 = arith.constant 240 : i32
    %add3A_141 = arith.addi %mul3A_139, %add3A_140 : i32
    "tpu.region"() ({
      %run_scoped3A = tpu.sem_alloc : memref<!tpu.dma_semaphore, #tpu.memory_space<semaphore_mem>>
      %dma_start3A_158 = arith.constant 0 : i32
      %dma_start3A_159 = tpu.memref_slice %arg5[%arg0, %add3A_141, %dma_start3A_158] : memref<2x10240x128xf32, #tpu.memory_space<hbm>> -> memref<1x80x128xf32, #tpu.memory_space<hbm>>
      %dma_start3A_160 = tpu.memref_squeeze %dma_start3A_159 : memref<1x80x128xf32, #tpu.memory_space<hbm>> -> memref<80x128xf32, #tpu.memory_space<hbm>>
      %dma_start3A_161 = arith.constant 0 : i32
      %dma_start3A_162 = tpu.memref_slice %arg15[%add3A_141, %dma_start3A_161] : memref<10240x128xf32, #tpu.memory_space<vmem_shared>> -> memref<80x128xf32, #tpu.memory_space<vmem_shared>>
      tpu.enqueue_dma source(%dma_start3A_162 : memref<80x128xf32, #tpu.memory_space<vmem_shared>>) target(%dma_start3A_160 : memref<80x128xf32, #tpu.memory_space<hbm>>) target_semaphore(%run_scoped3A : memref<!tpu.dma_semaphore, #tpu.memory_space<semaphore_mem>>)
      %dma_wait3A_163 = arith.constant 0 : i32
      %dma_wait3A_164 = tpu.memref_slice %arg5[%arg0, %add3A_141, %dma_wait3A_163] : memref<2x10240x128xf32, #tpu.memory_space<hbm>> -> memref<1x80x128xf32, #tpu.memory_space<hbm>>
      %dma_wait3A_165 = tpu.memref_squeeze %dma_wait3A_164 : memref<1x80x128xf32, #tpu.memory_space<hbm>> -> memref<80x128xf32, #tpu.memory_space<hbm>>
      %dma_wait3A_166 = arith.constant 0 : i32
      %dma_wait3A_167 = tpu.memref_slice %arg15[%add3A_141, %dma_wait3A_166] : memref<10240x128xf32, #tpu.memory_space<vmem_shared>> -> memref<80x128xf32, #tpu.memory_space<vmem_shared>>
      tpu.wait_dma2 semaphore(%run_scoped3A : memref<!tpu.dma_semaphore, #tpu.memory_space<semaphore_mem>>) src(%dma_wait3A_167 : memref<80x128xf32, #tpu.memory_space<vmem_shared>>) dst(%dma_wait3A_165 : memref<80x128xf32, #tpu.memory_space<hbm>>)
      tpu.yield
    }) : () -> ()
    %mul3A_142 = arith.constant 640 : i32
    %mul3A_143 = arith.muli %arg1, %mul3A_142 : i32
    %add3A_144 = arith.constant 320 : i32
    %add3A_145 = arith.addi %mul3A_143, %add3A_144 : i32
    "tpu.region"() ({
      %run_scoped3A = tpu.sem_alloc : memref<!tpu.dma_semaphore, #tpu.memory_space<semaphore_mem>>
      %dma_start3A_158 = arith.constant 0 : i32
      %dma_start3A_159 = tpu.memref_slice %arg5[%arg0, %add3A_145, %dma_start3A_158] : memref<2x10240x128xf32, #tpu.memory_space<hbm>> -> memref<1x80x128xf32, #tpu.memory_space<hbm>>
      %dma_start3A_160 = tpu.memref_squeeze %dma_start3A_159 : memref<1x80x128xf32, #tpu.memory_space<hbm>> -> memref<80x128xf32, #tpu.memory_space<hbm>>
      %dma_start3A_161 = arith.constant 0 : i32
      %dma_start3A_162 = tpu.memref_slice %arg15[%add3A_145, %dma_start3A_161] : memref<10240x128xf32, #tpu.memory_space<vmem_shared>> -> memref<80x128xf32, #tpu.memory_space<vmem_shared>>
      tpu.enqueue_dma source(%dma_start3A_162 : memref<80x128xf32, #tpu.memory_space<vmem_shared>>) target(%dma_start3A_160 : memref<80x128xf32, #tpu.memory_space<hbm>>) target_semaphore(%run_scoped3A : memref<!tpu.dma_semaphore, #tpu.memory_space<semaphore_mem>>)
      %dma_wait3A_163 = arith.constant 0 : i32
      %dma_wait3A_164 = tpu.memref_slice %arg5[%arg0, %add3A_145, %dma_wait3A_163] : memref<2x10240x128xf32, #tpu.memory_space<hbm>> -> memref<1x80x128xf32, #tpu.memory_space<hbm>>
      %dma_wait3A_165 = tpu.memref_squeeze %dma_wait3A_164 : memref<1x80x128xf32, #tpu.memory_space<hbm>> -> memref<80x128xf32, #tpu.memory_space<hbm>>
      %dma_wait3A_166 = arith.constant 0 : i32
      %dma_wait3A_167 = tpu.memref_slice %arg15[%add3A_145, %dma_wait3A_166] : memref<10240x128xf32, #tpu.memory_space<vmem_shared>> -> memref<80x128xf32, #tpu.memory_space<vmem_shared>>
      tpu.wait_dma2 semaphore(%run_scoped3A : memref<!tpu.dma_semaphore, #tpu.memory_space<semaphore_mem>>) src(%dma_wait3A_167 : memref<80x128xf32, #tpu.memory_space<vmem_shared>>) dst(%dma_wait3A_165 : memref<80x128xf32, #tpu.memory_space<hbm>>)
      tpu.yield
    }) : () -> ()
    %mul3A_146 = arith.constant 640 : i32
    %mul3A_147 = arith.muli %arg1, %mul3A_146 : i32
    %add3A_148 = arith.constant 400 : i32
    %add3A_149 = arith.addi %mul3A_147, %add3A_148 : i32
    "tpu.region"() ({
      %run_scoped3A = tpu.sem_alloc : memref<!tpu.dma_semaphore, #tpu.memory_space<semaphore_mem>>
      %dma_start3A_158 = arith.constant 0 : i32
      %dma_start3A_159 = tpu.memref_slice %arg5[%arg0, %add3A_149, %dma_start3A_158] : memref<2x10240x128xf32, #tpu.memory_space<hbm>> -> memref<1x80x128xf32, #tpu.memory_space<hbm>>
      %dma_start3A_160 = tpu.memref_squeeze %dma_start3A_159 : memref<1x80x128xf32, #tpu.memory_space<hbm>> -> memref<80x128xf32, #tpu.memory_space<hbm>>
      %dma_start3A_161 = arith.constant 0 : i32
      %dma_start3A_162 = tpu.memref_slice %arg15[%add3A_149, %dma_start3A_161] : memref<10240x128xf32, #tpu.memory_space<vmem_shared>> -> memref<80x128xf32, #tpu.memory_space<vmem_shared>>
      tpu.enqueue_dma source(%dma_start3A_162 : memref<80x128xf32, #tpu.memory_space<vmem_shared>>) target(%dma_start3A_160 : memref<80x128xf32, #tpu.memory_space<hbm>>) target_semaphore(%run_scoped3A : memref<!tpu.dma_semaphore, #tpu.memory_space<semaphore_mem>>)
      %dma_wait3A_163 = arith.constant 0 : i32
      %dma_wait3A_164 = tpu.memref_slice %arg5[%arg0, %add3A_149, %dma_wait3A_163] : memref<2x10240x128xf32, #tpu.memory_space<hbm>> -> memref<1x80x128xf32, #tpu.memory_space<hbm>>
      %dma_wait3A_165 = tpu.memref_squeeze %dma_wait3A_164 : memref<1x80x128xf32, #tpu.memory_space<hbm>> -> memref<80x128xf32, #tpu.memory_space<hbm>>
      %dma_wait3A_166 = arith.constant 0 : i32
      %dma_wait3A_167 = tpu.memref_slice %arg15[%add3A_149, %dma_wait3A_166] : memref<10240x128xf32, #tpu.memory_space<vmem_shared>> -> memref<80x128xf32, #tpu.memory_space<vmem_shared>>
      tpu.wait_dma2 semaphore(%run_scoped3A : memref<!tpu.dma_semaphore, #tpu.memory_space<semaphore_mem>>) src(%dma_wait3A_167 : memref<80x128xf32, #tpu.memory_space<vmem_shared>>) dst(%dma_wait3A_165 : memref<80x128xf32, #tpu.memory_space<hbm>>)
      tpu.yield
    }) : () -> ()
    %mul3A_150 = arith.constant 640 : i32
    %mul3A_151 = arith.muli %arg1, %mul3A_150 : i32
    %add3A_152 = arith.constant 480 : i32
    %add3A_153 = arith.addi %mul3A_151, %add3A_152 : i32
    "tpu.region"() ({
      %run_scoped3A = tpu.sem_alloc : memref<!tpu.dma_semaphore, #tpu.memory_space<semaphore_mem>>
      %dma_start3A_158 = arith.constant 0 : i32
      %dma_start3A_159 = tpu.memref_slice %arg5[%arg0, %add3A_153, %dma_start3A_158] : memref<2x10240x128xf32, #tpu.memory_space<hbm>> -> memref<1x80x128xf32, #tpu.memory_space<hbm>>
      %dma_start3A_160 = tpu.memref_squeeze %dma_start3A_159 : memref<1x80x128xf32, #tpu.memory_space<hbm>> -> memref<80x128xf32, #tpu.memory_space<hbm>>
      %dma_start3A_161 = arith.constant 0 : i32
      %dma_start3A_162 = tpu.memref_slice %arg15[%add3A_153, %dma_start3A_161] : memref<10240x128xf32, #tpu.memory_space<vmem_shared>> -> memref<80x128xf32, #tpu.memory_space<vmem_shared>>
      tpu.enqueue_dma source(%dma_start3A_162 : memref<80x128xf32, #tpu.memory_space<vmem_shared>>) target(%dma_start3A_160 : memref<80x128xf32, #tpu.memory_space<hbm>>) target_semaphore(%run_scoped3A : memref<!tpu.dma_semaphore, #tpu.memory_space<semaphore_mem>>)
      %dma_wait3A_163 = arith.constant 0 : i32
      %dma_wait3A_164 = tpu.memref_slice %arg5[%arg0, %add3A_153, %dma_wait3A_163] : memref<2x10240x128xf32, #tpu.memory_space<hbm>> -> memref<1x80x128xf32, #tpu.memory_space<hbm>>
      %dma_wait3A_165 = tpu.memref_squeeze %dma_wait3A_164 : memref<1x80x128xf32, #tpu.memory_space<hbm>> -> memref<80x128xf32, #tpu.memory_space<hbm>>
      %dma_wait3A_166 = arith.constant 0 : i32
      %dma_wait3A_167 = tpu.memref_slice %arg15[%add3A_153, %dma_wait3A_166] : memref<10240x128xf32, #tpu.memory_space<vmem_shared>> -> memref<80x128xf32, #tpu.memory_space<vmem_shared>>
      tpu.wait_dma2 semaphore(%run_scoped3A : memref<!tpu.dma_semaphore, #tpu.memory_space<semaphore_mem>>) src(%dma_wait3A_167 : memref<80x128xf32, #tpu.memory_space<vmem_shared>>) dst(%dma_wait3A_165 : memref<80x128xf32, #tpu.memory_space<hbm>>)
      tpu.yield
    }) : () -> ()
    %mul3A_154 = arith.constant 640 : i32
    %mul3A_155 = arith.muli %arg1, %mul3A_154 : i32
    %add3A_156 = arith.constant 560 : i32
    %add3A_157 = arith.addi %mul3A_155, %add3A_156 : i32
    "tpu.region"() ({
      %run_scoped3A = tpu.sem_alloc : memref<!tpu.dma_semaphore, #tpu.memory_space<semaphore_mem>>
      %dma_start3A_158 = arith.constant 0 : i32
      %dma_start3A_159 = tpu.memref_slice %arg5[%arg0, %add3A_157, %dma_start3A_158] : memref<2x10240x128xf32, #tpu.memory_space<hbm>> -> memref<1x80x128xf32, #tpu.memory_space<hbm>>
      %dma_start3A_160 = tpu.memref_squeeze %dma_start3A_159 : memref<1x80x128xf32, #tpu.memory_space<hbm>> -> memref<80x128xf32, #tpu.memory_space<hbm>>
      %dma_start3A_161 = arith.constant 0 : i32
      %dma_start3A_162 = tpu.memref_slice %arg15[%add3A_157, %dma_start3A_161] : memref<10240x128xf32, #tpu.memory_space<vmem_shared>> -> memref<80x128xf32, #tpu.memory_space<vmem_shared>>
      tpu.enqueue_dma source(%dma_start3A_162 : memref<80x128xf32, #tpu.memory_space<vmem_shared>>) target(%dma_start3A_160 : memref<80x128xf32, #tpu.memory_space<hbm>>) target_semaphore(%run_scoped3A : memref<!tpu.dma_semaphore, #tpu.memory_space<semaphore_mem>>)
      %dma_wait3A_163 = arith.constant 0 : i32
      %dma_wait3A_164 = tpu.memref_slice %arg5[%arg0, %add3A_157, %dma_wait3A_163] : memref<2x10240x128xf32, #tpu.memory_space<hbm>> -> memref<1x80x128xf32, #tpu.memory_space<hbm>>
      %dma_wait3A_165 = tpu.memref_squeeze %dma_wait3A_164 : memref<1x80x128xf32, #tpu.memory_space<hbm>> -> memref<80x128xf32, #tpu.memory_space<hbm>>
      %dma_wait3A_166 = arith.constant 0 : i32
      %dma_wait3A_167 = tpu.memref_slice %arg15[%add3A_157, %dma_wait3A_166] : memref<10240x128xf32, #tpu.memory_space<vmem_shared>> -> memref<80x128xf32, #tpu.memory_space<vmem_shared>>
      tpu.wait_dma2 semaphore(%run_scoped3A : memref<!tpu.dma_semaphore, #tpu.memory_space<semaphore_mem>>) src(%dma_wait3A_167 : memref<80x128xf32, #tpu.memory_space<vmem_shared>>) dst(%dma_wait3A_165 : memref<80x128xf32, #tpu.memory_space<hbm>>)
      tpu.yield
    }) : () -> ()
    return
  }
}

#map = affine_map<(d0, d1) -> (0, 0)>
#map1 = affine_map<(d0, d1) -> (0)>
#map2 = affine_map<(d0, d1) -> (0, 0, 0)>
module attributes {stable_mosaic.version = 14 : i64} {
  func.func @_prop_kernel(%arg0: i32, %arg1: i32, %arg2: memref<10000x128xf32, #tpu.memory_space<hbm>>, %arg3: memref<320000xi32, #tpu.memory_space<hbm>>, %arg4: memref<320000xi32, #tpu.memory_space<hbm>>, %arg5: memref<2x10240x128xf32, #tpu.memory_space<hbm>>, %arg6: memref<80xi32, #tpu.memory_space<vmem>>, %arg7: memref<80xi32, #tpu.memory_space<vmem>>, %arg8: memref<80xi32, #tpu.memory_space<vmem>>, %arg9: memref<80xi32, #tpu.memory_space<vmem>>, %arg10: memref<80xi32, #tpu.memory_space<vmem>>, %arg11: memref<80xi32, #tpu.memory_space<vmem>>, %arg12: memref<80x128xf32, #tpu.memory_space<vmem>>, %arg13: memref<80x128xf32, #tpu.memory_space<vmem>>, %arg14: memref<80x128xf32, #tpu.memory_space<vmem>>, %arg15: memref<10240x128xf32, #tpu.memory_space<vmem_shared>>, %arg16: memref<!tpu.dma_semaphore, #tpu.memory_space<semaphore_mem>>, %arg17: memref<!tpu.dma_semaphore, #tpu.memory_space<semaphore_mem>>, %arg18: memref<!tpu.dma_semaphore, #tpu.memory_space<semaphore_mem>>, %arg19: memref<!tpu.dma_semaphore, #tpu.memory_space<semaphore_mem>>, %arg20: memref<!tpu.dma_semaphore, #tpu.memory_space<semaphore_mem>>, %arg21: memref<!tpu.dma_semaphore, #tpu.memory_space<semaphore_mem>>, %arg22: memref<!tpu.dma_semaphore, #tpu.memory_space<semaphore_mem>>, %arg23: memref<!tpu.dma_semaphore, #tpu.memory_space<semaphore_mem>>, %arg24: memref<!tpu.dma_semaphore, #tpu.memory_space<semaphore_mem>>, %arg25: memref<!tpu.dma_semaphore, #tpu.memory_space<semaphore_mem>>, %arg26: memref<!tpu.dma_semaphore, #tpu.memory_space<semaphore_mem>>, %arg27: memref<!tpu.dma_semaphore, #tpu.memory_space<semaphore_mem>>) attributes {dimension_semantics = [#tpu.dimension_semantics<core_parallel>, #tpu.dimension_semantics<subcore_parallel>], iteration_bounds = array<i64: 2, 16>, scalar_prefetch = 0 : i64, scratch_operands = 22 : i64, tpu.core_type = #tpu.core_type<sc_vector_subcore>, window_params = [{transform_indices = #map}, {transform_indices = #map1}, {transform_indices = #map1}, {transform_indices = #map2}]} {
    %mul3A = arith.constant 16 : i32
    %mul3A_0 = arith.muli %arg0, %mul3A : i32
    %add3A = arith.addi %mul3A_0, %arg1 : i32
    %mul3A_1 = arith.constant 10000 : i32
    %mul3A_2 = arith.muli %add3A, %mul3A_1 : i32
    %broadcast_in_dim3A = arith.constant 0.000000e+00 : f32
    %broadcast_in_dim3A_3 = vector.broadcast %broadcast_in_dim3A : f32 to vector<16xf32>
    %scan3A = arith.constant 0 : i32
    %scan3A_4 = arith.constant 0 : i32
    %scan3A_5 = arith.constant 640 : i32
    %scan3A_6 = arith.addi %scan3A_4, %scan3A_5 : i32
    %scan3A_7 = arith.constant 1 : i32
    %scan3A_8 = scf.for %scan3A_158 = %scan3A_4 to %scan3A_6 step %scan3A_7 iter_args(%scan3A_159 = %scan3A) -> (i32)  : i32 {
      %shift_right_arithmetic3A = arith.constant 3 : i32
      %shift_right_arithmetic3A_160 = arith.shrsi %scan3A_158, %shift_right_arithmetic3A : i32
      %and3A = arith.constant 7 : i32
      %and3A_161 = arith.andi %scan3A_158, %and3A : i32
      %mul3A_162 = arith.constant 16 : i32
      %mul3A_163 = arith.muli %and3A_161, %mul3A_162 : i32
      %swap3A = arith.index_cast %shift_right_arithmetic3A_160 : i32 to index
      %swap3A_164 = arith.index_cast %mul3A_163 : i32 to index
      %swap3A_165 = tpu.vector_load %arg12[%swap3A, %swap3A_164] {strides = array<i32>} : memref<80x128xf32, #tpu.memory_space<vmem>>, vector<1x16xf32>,
      %swap3A_166 = vector.shape_cast %swap3A_165 : vector<1x16xf32> to vector<16xf32>
      %swap3A_167 = vector.shape_cast %broadcast_in_dim3A_3 : vector<16xf32> to vector<1x16xf32>
      tpu.vector_store %arg12[%swap3A, %swap3A_164], %swap3A_167 {strides = array<i32>} : memref<80x128xf32, #tpu.memory_space<vmem>>, vector<1x16xf32>,
      %scan3A_168 = arith.constant 0 : i32
      scf.yield %scan3A_168 : i32
    }
    %scan3A_9 = arith.constant 640 : i32
    %mul3A_10 = arith.constant 640 : i32
    %mul3A_11 = arith.muli %arg1, %mul3A_10 : i32
    %add3A_12 = arith.constant 0 : i32
    %add3A_13 = arith.addi %mul3A_11, %add3A_12 : i32
    "tpu.region"() ({
      %run_scoped3A = tpu.sem_alloc : memref<!tpu.dma_semaphore, #tpu.memory_space<semaphore_mem>>
      %dma_start3A_158 = arith.constant 0 : i32
      %dma_start3A_159 = tpu.memref_slice %arg15[%add3A_13, %dma_start3A_158] : memref<10240x128xf32, #tpu.memory_space<vmem_shared>> -> memref<80x128xf32, #tpu.memory_space<vmem_shared>>
      %dma_start3A_160 = arith.constant 0 : i32
      %dma_start3A_161 = tpu.memref_slice %arg15[%add3A_13, %dma_start3A_160] : memref<10240x128xf32, #tpu.memory_space<vmem_shared>> -> memref<80x128xf32, #tpu.memory_space<vmem_shared>>
      tpu.enqueue_dma source(%arg12 : memref<80x128xf32, #tpu.memory_space<vmem>>) target(%dma_start3A_161 : memref<80x128xf32, #tpu.memory_space<vmem_shared>>) target_semaphore(%run_scoped3A : memref<!tpu.dma_semaphore, #tpu.memory_space<semaphore_mem>>)
      %dma_wait3A_162 = arith.constant 0 : i32
      %dma_wait3A_163 = tpu.memref_slice %arg15[%add3A_13, %dma_wait3A_162] : memref<10240x128xf32, #tpu.memory_space<vmem_shared>> -> memref<80x128xf32, #tpu.memory_space<vmem_shared>>
      %dma_wait3A_164 = arith.constant 0 : i32
      %dma_wait3A_165 = tpu.memref_slice %arg15[%add3A_13, %dma_wait3A_164] : memref<10240x128xf32, #tpu.memory_space<vmem_shared>> -> memref<80x128xf32, #tpu.memory_space<vmem_shared>>
      tpu.wait_dma2 semaphore(%run_scoped3A : memref<!tpu.dma_semaphore, #tpu.memory_space<semaphore_mem>>) src(%arg12 : memref<80x128xf32, #tpu.memory_space<vmem>>) dst(%dma_wait3A_165 : memref<80x128xf32, #tpu.memory_space<vmem_shared>>)
      tpu.yield
    }) : () -> ()
    %mul3A_14 = arith.constant 640 : i32
    %mul3A_15 = arith.muli %arg1, %mul3A_14 : i32
    %add3A_16 = arith.constant 80 : i32
    %add3A_17 = arith.addi %mul3A_15, %add3A_16 : i32
    "tpu.region"() ({
      %run_scoped3A = tpu.sem_alloc : memref<!tpu.dma_semaphore, #tpu.memory_space<semaphore_mem>>
      %dma_start3A_158 = arith.constant 0 : i32
      %dma_start3A_159 = tpu.memref_slice %arg15[%add3A_17, %dma_start3A_158] : memref<10240x128xf32, #tpu.memory_space<vmem_shared>> -> memref<80x128xf32, #tpu.memory_space<vmem_shared>>
      %dma_start3A_160 = arith.constant 0 : i32
      %dma_start3A_161 = tpu.memref_slice %arg15[%add3A_17, %dma_start3A_160] : memref<10240x128xf32, #tpu.memory_space<vmem_shared>> -> memref<80x128xf32, #tpu.memory_space<vmem_shared>>
      tpu.enqueue_dma source(%arg12 : memref<80x128xf32, #tpu.memory_space<vmem>>) target(%dma_start3A_161 : memref<80x128xf32, #tpu.memory_space<vmem_shared>>) target_semaphore(%run_scoped3A : memref<!tpu.dma_semaphore, #tpu.memory_space<semaphore_mem>>)
      %dma_wait3A_162 = arith.constant 0 : i32
      %dma_wait3A_163 = tpu.memref_slice %arg15[%add3A_17, %dma_wait3A_162] : memref<10240x128xf32, #tpu.memory_space<vmem_shared>> -> memref<80x128xf32, #tpu.memory_space<vmem_shared>>
      %dma_wait3A_164 = arith.constant 0 : i32
      %dma_wait3A_165 = tpu.memref_slice %arg15[%add3A_17, %dma_wait3A_164] : memref<10240x128xf32, #tpu.memory_space<vmem_shared>> -> memref<80x128xf32, #tpu.memory_space<vmem_shared>>
      tpu.wait_dma2 semaphore(%run_scoped3A : memref<!tpu.dma_semaphore, #tpu.memory_space<semaphore_mem>>) src(%arg12 : memref<80x128xf32, #tpu.memory_space<vmem>>) dst(%dma_wait3A_165 : memref<80x128xf32, #tpu.memory_space<vmem_shared>>)
      tpu.yield
    }) : () -> ()
    %mul3A_18 = arith.constant 640 : i32
    %mul3A_19 = arith.muli %arg1, %mul3A_18 : i32
    %add3A_20 = arith.constant 160 : i32
    %add3A_21 = arith.addi %mul3A_19, %add3A_20 : i32
    "tpu.region"() ({
      %run_scoped3A = tpu.sem_alloc : memref<!tpu.dma_semaphore, #tpu.memory_space<semaphore_mem>>
      %dma_start3A_158 = arith.constant 0 : i32
      %dma_start3A_159 = tpu.memref_slice %arg15[%add3A_21, %dma_start3A_158] : memref<10240x128xf32, #tpu.memory_space<vmem_shared>> -> memref<80x128xf32, #tpu.memory_space<vmem_shared>>
      %dma_start3A_160 = arith.constant 0 : i32
      %dma_start3A_161 = tpu.memref_slice %arg15[%add3A_21, %dma_start3A_160] : memref<10240x128xf32, #tpu.memory_space<vmem_shared>> -> memref<80x128xf32, #tpu.memory_space<vmem_shared>>
      tpu.enqueue_dma source(%arg12 : memref<80x128xf32, #tpu.memory_space<vmem>>) target(%dma_start3A_161 : memref<80x128xf32, #tpu.memory_space<vmem_shared>>) target_semaphore(%run_scoped3A : memref<!tpu.dma_semaphore, #tpu.memory_space<semaphore_mem>>)
      %dma_wait3A_162 = arith.constant 0 : i32
      %dma_wait3A_163 = tpu.memref_slice %arg15[%add3A_21, %dma_wait3A_162] : memref<10240x128xf32, #tpu.memory_space<vmem_shared>> -> memref<80x128xf32, #tpu.memory_space<vmem_shared>>
      %dma_wait3A_164 = arith.constant 0 : i32
      %dma_wait3A_165 = tpu.memref_slice %arg15[%add3A_21, %dma_wait3A_164] : memref<10240x128xf32, #tpu.memory_space<vmem_shared>> -> memref<80x128xf32, #tpu.memory_space<vmem_shared>>
      tpu.wait_dma2 semaphore(%run_scoped3A : memref<!tpu.dma_semaphore, #tpu.memory_space<semaphore_mem>>) src(%arg12 : memref<80x128xf32, #tpu.memory_space<vmem>>) dst(%dma_wait3A_165 : memref<80x128xf32, #tpu.memory_space<vmem_shared>>)
      tpu.yield
    }) : () -> ()
    %mul3A_22 = arith.constant 640 : i32
    %mul3A_23 = arith.muli %arg1, %mul3A_22 : i32
    %add3A_24 = arith.constant 240 : i32
    %add3A_25 = arith.addi %mul3A_23, %add3A_24 : i32
    "tpu.region"() ({
      %run_scoped3A = tpu.sem_alloc : memref<!tpu.dma_semaphore, #tpu.memory_space<semaphore_mem>>
      %dma_start3A_158 = arith.constant 0 : i32
      %dma_start3A_159 = tpu.memref_slice %arg15[%add3A_25, %dma_start3A_158] : memref<10240x128xf32, #tpu.memory_space<vmem_shared>> -> memref<80x128xf32, #tpu.memory_space<vmem_shared>>
      %dma_start3A_160 = arith.constant 0 : i32
      %dma_start3A_161 = tpu.memref_slice %arg15[%add3A_25, %dma_start3A_160] : memref<10240x128xf32, #tpu.memory_space<vmem_shared>> -> memref<80x128xf32, #tpu.memory_space<vmem_shared>>
      tpu.enqueue_dma source(%arg12 : memref<80x128xf32, #tpu.memory_space<vmem>>) target(%dma_start3A_161 : memref<80x128xf32, #tpu.memory_space<vmem_shared>>) target_semaphore(%run_scoped3A : memref<!tpu.dma_semaphore, #tpu.memory_space<semaphore_mem>>)
      %dma_wait3A_162 = arith.constant 0 : i32
      %dma_wait3A_163 = tpu.memref_slice %arg15[%add3A_25, %dma_wait3A_162] : memref<10240x128xf32, #tpu.memory_space<vmem_shared>> -> memref<80x128xf32, #tpu.memory_space<vmem_shared>>
      %dma_wait3A_164 = arith.constant 0 : i32
      %dma_wait3A_165 = tpu.memref_slice %arg15[%add3A_25, %dma_wait3A_164] : memref<10240x128xf32, #tpu.memory_space<vmem_shared>> -> memref<80x128xf32, #tpu.memory_space<vmem_shared>>
      tpu.wait_dma2 semaphore(%run_scoped3A : memref<!tpu.dma_semaphore, #tpu.memory_space<semaphore_mem>>) src(%arg12 : memref<80x128xf32, #tpu.memory_space<vmem>>) dst(%dma_wait3A_165 : memref<80x128xf32, #tpu.memory_space<vmem_shared>>)
      tpu.yield
    }) : () -> ()
    %mul3A_26 = arith.constant 640 : i32
    %mul3A_27 = arith.muli %arg1, %mul3A_26 : i32
    %add3A_28 = arith.constant 320 : i32
    %add3A_29 = arith.addi %mul3A_27, %add3A_28 : i32
    "tpu.region"() ({
      %run_scoped3A = tpu.sem_alloc : memref<!tpu.dma_semaphore, #tpu.memory_space<semaphore_mem>>
      %dma_start3A_158 = arith.constant 0 : i32
      %dma_start3A_159 = tpu.memref_slice %arg15[%add3A_29, %dma_start3A_158] : memref<10240x128xf32, #tpu.memory_space<vmem_shared>> -> memref<80x128xf32, #tpu.memory_space<vmem_shared>>
      %dma_start3A_160 = arith.constant 0 : i32
      %dma_start3A_161 = tpu.memref_slice %arg15[%add3A_29, %dma_start3A_160] : memref<10240x128xf32, #tpu.memory_space<vmem_shared>> -> memref<80x128xf32, #tpu.memory_space<vmem_shared>>
      tpu.enqueue_dma source(%arg12 : memref<80x128xf32, #tpu.memory_space<vmem>>) target(%dma_start3A_161 : memref<80x128xf32, #tpu.memory_space<vmem_shared>>) target_semaphore(%run_scoped3A : memref<!tpu.dma_semaphore, #tpu.memory_space<semaphore_mem>>)
      %dma_wait3A_162 = arith.constant 0 : i32
      %dma_wait3A_163 = tpu.memref_slice %arg15[%add3A_29, %dma_wait3A_162] : memref<10240x128xf32, #tpu.memory_space<vmem_shared>> -> memref<80x128xf32, #tpu.memory_space<vmem_shared>>
      %dma_wait3A_164 = arith.constant 0 : i32
      %dma_wait3A_165 = tpu.memref_slice %arg15[%add3A_29, %dma_wait3A_164] : memref<10240x128xf32, #tpu.memory_space<vmem_shared>> -> memref<80x128xf32, #tpu.memory_space<vmem_shared>>
      tpu.wait_dma2 semaphore(%run_scoped3A : memref<!tpu.dma_semaphore, #tpu.memory_space<semaphore_mem>>) src(%arg12 : memref<80x128xf32, #tpu.memory_space<vmem>>) dst(%dma_wait3A_165 : memref<80x128xf32, #tpu.memory_space<vmem_shared>>)
      tpu.yield
    }) : () -> ()
    %mul3A_30 = arith.constant 640 : i32
    %mul3A_31 = arith.muli %arg1, %mul3A_30 : i32
    %add3A_32 = arith.constant 400 : i32
    %add3A_33 = arith.addi %mul3A_31, %add3A_32 : i32
    "tpu.region"() ({
      %run_scoped3A = tpu.sem_alloc : memref<!tpu.dma_semaphore, #tpu.memory_space<semaphore_mem>>
      %dma_start3A_158 = arith.constant 0 : i32
      %dma_start3A_159 = tpu.memref_slice %arg15[%add3A_33, %dma_start3A_158] : memref<10240x128xf32, #tpu.memory_space<vmem_shared>> -> memref<80x128xf32, #tpu.memory_space<vmem_shared>>
      %dma_start3A_160 = arith.constant 0 : i32
      %dma_start3A_161 = tpu.memref_slice %arg15[%add3A_33, %dma_start3A_160] : memref<10240x128xf32, #tpu.memory_space<vmem_shared>> -> memref<80x128xf32, #tpu.memory_space<vmem_shared>>
      tpu.enqueue_dma source(%arg12 : memref<80x128xf32, #tpu.memory_space<vmem>>) target(%dma_start3A_161 : memref<80x128xf32, #tpu.memory_space<vmem_shared>>) target_semaphore(%run_scoped3A : memref<!tpu.dma_semaphore, #tpu.memory_space<semaphore_mem>>)
      %dma_wait3A_162 = arith.constant 0 : i32
      %dma_wait3A_163 = tpu.memref_slice %arg15[%add3A_33, %dma_wait3A_162] : memref<10240x128xf32, #tpu.memory_space<vmem_shared>> -> memref<80x128xf32, #tpu.memory_space<vmem_shared>>
      %dma_wait3A_164 = arith.constant 0 : i32
      %dma_wait3A_165 = tpu.memref_slice %arg15[%add3A_33, %dma_wait3A_164] : memref<10240x128xf32, #tpu.memory_space<vmem_shared>> -> memref<80x128xf32, #tpu.memory_space<vmem_shared>>
      tpu.wait_dma2 semaphore(%run_scoped3A : memref<!tpu.dma_semaphore, #tpu.memory_space<semaphore_mem>>) src(%arg12 : memref<80x128xf32, #tpu.memory_space<vmem>>) dst(%dma_wait3A_165 : memref<80x128xf32, #tpu.memory_space<vmem_shared>>)
      tpu.yield
    }) : () -> ()
    %mul3A_34 = arith.constant 640 : i32
    %mul3A_35 = arith.muli %arg1, %mul3A_34 : i32
    %add3A_36 = arith.constant 480 : i32
    %add3A_37 = arith.addi %mul3A_35, %add3A_36 : i32
    "tpu.region"() ({
      %run_scoped3A = tpu.sem_alloc : memref<!tpu.dma_semaphore, #tpu.memory_space<semaphore_mem>>
      %dma_start3A_158 = arith.constant 0 : i32
      %dma_start3A_159 = tpu.memref_slice %arg15[%add3A_37, %dma_start3A_158] : memref<10240x128xf32, #tpu.memory_space<vmem_shared>> -> memref<80x128xf32, #tpu.memory_space<vmem_shared>>
      %dma_start3A_160 = arith.constant 0 : i32
      %dma_start3A_161 = tpu.memref_slice %arg15[%add3A_37, %dma_start3A_160] : memref<10240x128xf32, #tpu.memory_space<vmem_shared>> -> memref<80x128xf32, #tpu.memory_space<vmem_shared>>
      tpu.enqueue_dma source(%arg12 : memref<80x128xf32, #tpu.memory_space<vmem>>) target(%dma_start3A_161 : memref<80x128xf32, #tpu.memory_space<vmem_shared>>) target_semaphore(%run_scoped3A : memref<!tpu.dma_semaphore, #tpu.memory_space<semaphore_mem>>)
      %dma_wait3A_162 = arith.constant 0 : i32
      %dma_wait3A_163 = tpu.memref_slice %arg15[%add3A_37, %dma_wait3A_162] : memref<10240x128xf32, #tpu.memory_space<vmem_shared>> -> memref<80x128xf32, #tpu.memory_space<vmem_shared>>
      %dma_wait3A_164 = arith.constant 0 : i32
      %dma_wait3A_165 = tpu.memref_slice %arg15[%add3A_37, %dma_wait3A_164] : memref<10240x128xf32, #tpu.memory_space<vmem_shared>> -> memref<80x128xf32, #tpu.memory_space<vmem_shared>>
      tpu.wait_dma2 semaphore(%run_scoped3A : memref<!tpu.dma_semaphore, #tpu.memory_space<semaphore_mem>>) src(%arg12 : memref<80x128xf32, #tpu.memory_space<vmem>>) dst(%dma_wait3A_165 : memref<80x128xf32, #tpu.memory_space<vmem_shared>>)
      tpu.yield
    }) : () -> ()
    %mul3A_38 = arith.constant 640 : i32
    %mul3A_39 = arith.muli %arg1, %mul3A_38 : i32
    %add3A_40 = arith.constant 560 : i32
    %add3A_41 = arith.addi %mul3A_39, %add3A_40 : i32
    "tpu.region"() ({
      %run_scoped3A = tpu.sem_alloc : memref<!tpu.dma_semaphore, #tpu.memory_space<semaphore_mem>>
      %dma_start3A_158 = arith.constant 0 : i32
      %dma_start3A_159 = tpu.memref_slice %arg15[%add3A_41, %dma_start3A_158] : memref<10240x128xf32, #tpu.memory_space<vmem_shared>> -> memref<80x128xf32, #tpu.memory_space<vmem_shared>>
      %dma_start3A_160 = arith.constant 0 : i32
      %dma_start3A_161 = tpu.memref_slice %arg15[%add3A_41, %dma_start3A_160] : memref<10240x128xf32, #tpu.memory_space<vmem_shared>> -> memref<80x128xf32, #tpu.memory_space<vmem_shared>>
      tpu.enqueue_dma source(%arg12 : memref<80x128xf32, #tpu.memory_space<vmem>>) target(%dma_start3A_161 : memref<80x128xf32, #tpu.memory_space<vmem_shared>>) target_semaphore(%run_scoped3A : memref<!tpu.dma_semaphore, #tpu.memory_space<semaphore_mem>>)
      %dma_wait3A_162 = arith.constant 0 : i32
      %dma_wait3A_163 = tpu.memref_slice %arg15[%add3A_41, %dma_wait3A_162] : memref<10240x128xf32, #tpu.memory_space<vmem_shared>> -> memref<80x128xf32, #tpu.memory_space<vmem_shared>>
      %dma_wait3A_164 = arith.constant 0 : i32
      %dma_wait3A_165 = tpu.memref_slice %arg15[%add3A_41, %dma_wait3A_164] : memref<10240x128xf32, #tpu.memory_space<vmem_shared>> -> memref<80x128xf32, #tpu.memory_space<vmem_shared>>
      tpu.wait_dma2 semaphore(%run_scoped3A : memref<!tpu.dma_semaphore, #tpu.memory_space<semaphore_mem>>) src(%arg12 : memref<80x128xf32, #tpu.memory_space<vmem>>) dst(%dma_wait3A_165 : memref<80x128xf32, #tpu.memory_space<vmem_shared>>)
      tpu.yield
    }) : () -> ()
    %barrier3A = arith.constant 0 : index
    tpu.barrier barrier_id(%barrier3A)
    %add3A_42 = arith.constant 0 : i32
    %add3A_43 = arith.addi %mul3A_2, %add3A_42 : i32
    %dma_start3A = tpu.memref_slice %arg3[%add3A_43] : memref<320000xi32, #tpu.memory_space<hbm>> -> memref<80xi32, #tpu.memory_space<hbm>>
    %dma_start3A_44 = tpu.memref_slice %arg3[%add3A_43] : memref<320000xi32, #tpu.memory_space<hbm>> -> memref<80xi32, #tpu.memory_space<hbm>>
    tpu.enqueue_dma source(%dma_start3A_44 : memref<80xi32, #tpu.memory_space<hbm>>) target(%arg6 : memref<80xi32, #tpu.memory_space<vmem>>) target_semaphore(%arg16 : memref<!tpu.dma_semaphore, #tpu.memory_space<semaphore_mem>>)
    %add3A_45 = arith.constant 0 : i32
    %add3A_46 = arith.addi %mul3A_2, %add3A_45 : i32
    %dma_start3A_47 = tpu.memref_slice %arg4[%add3A_46] : memref<320000xi32, #tpu.memory_space<hbm>> -> memref<80xi32, #tpu.memory_space<hbm>>
    %dma_start3A_48 = tpu.memref_slice %arg4[%add3A_46] : memref<320000xi32, #tpu.memory_space<hbm>> -> memref<80xi32, #tpu.memory_space<hbm>>
    tpu.enqueue_dma source(%dma_start3A_48 : memref<80xi32, #tpu.memory_space<hbm>>) target(%arg9 : memref<80xi32, #tpu.memory_space<vmem>>) target_semaphore(%arg19 : memref<!tpu.dma_semaphore, #tpu.memory_space<semaphore_mem>>)
    %add3A_49 = arith.constant 80 : i32
    %add3A_50 = arith.addi %mul3A_2, %add3A_49 : i32
    %dma_start3A_51 = tpu.memref_slice %arg3[%add3A_50] : memref<320000xi32, #tpu.memory_space<hbm>> -> memref<80xi32, #tpu.memory_space<hbm>>
    %dma_start3A_52 = tpu.memref_slice %arg3[%add3A_50] : memref<320000xi32, #tpu.memory_space<hbm>> -> memref<80xi32, #tpu.memory_space<hbm>>
    tpu.enqueue_dma source(%dma_start3A_52 : memref<80xi32, #tpu.memory_space<hbm>>) target(%arg7 : memref<80xi32, #tpu.memory_space<vmem>>) target_semaphore(%arg17 : memref<!tpu.dma_semaphore, #tpu.memory_space<semaphore_mem>>)
    %add3A_53 = arith.constant 80 : i32
    %add3A_54 = arith.addi %mul3A_2, %add3A_53 : i32
    %dma_start3A_55 = tpu.memref_slice %arg4[%add3A_54] : memref<320000xi32, #tpu.memory_space<hbm>> -> memref<80xi32, #tpu.memory_space<hbm>>
    %dma_start3A_56 = tpu.memref_slice %arg4[%add3A_54] : memref<320000xi32, #tpu.memory_space<hbm>> -> memref<80xi32, #tpu.memory_space<hbm>>
    tpu.enqueue_dma source(%dma_start3A_56 : memref<80xi32, #tpu.memory_space<hbm>>) target(%arg10 : memref<80xi32, #tpu.memory_space<vmem>>) target_semaphore(%arg20 : memref<!tpu.dma_semaphore, #tpu.memory_space<semaphore_mem>>)
    %add3A_57 = arith.constant 160 : i32
    %add3A_58 = arith.addi %mul3A_2, %add3A_57 : i32
    %dma_start3A_59 = tpu.memref_slice %arg3[%add3A_58] : memref<320000xi32, #tpu.memory_space<hbm>> -> memref<80xi32, #tpu.memory_space<hbm>>
    %dma_start3A_60 = tpu.memref_slice %arg3[%add3A_58] : memref<320000xi32, #tpu.memory_space<hbm>> -> memref<80xi32, #tpu.memory_space<hbm>>
    tpu.enqueue_dma source(%dma_start3A_60 : memref<80xi32, #tpu.memory_space<hbm>>) target(%arg8 : memref<80xi32, #tpu.memory_space<vmem>>) target_semaphore(%arg18 : memref<!tpu.dma_semaphore, #tpu.memory_space<semaphore_mem>>)
    %add3A_61 = arith.constant 160 : i32
    %add3A_62 = arith.addi %mul3A_2, %add3A_61 : i32
    %dma_start3A_63 = tpu.memref_slice %arg4[%add3A_62] : memref<320000xi32, #tpu.memory_space<hbm>> -> memref<80xi32, #tpu.memory_space<hbm>>
    %dma_start3A_64 = tpu.memref_slice %arg4[%add3A_62] : memref<320000xi32, #tpu.memory_space<hbm>> -> memref<80xi32, #tpu.memory_space<hbm>>
    tpu.enqueue_dma source(%dma_start3A_64 : memref<80xi32, #tpu.memory_space<hbm>>) target(%arg11 : memref<80xi32, #tpu.memory_space<vmem>>) target_semaphore(%arg21 : memref<!tpu.dma_semaphore, #tpu.memory_space<semaphore_mem>>)
    %add3A_65 = arith.constant 0 : i32
    %add3A_66 = arith.addi %mul3A_2, %add3A_65 : i32
    %dma_wait3A = tpu.memref_slice %arg3[%add3A_66] : memref<320000xi32, #tpu.memory_space<hbm>> -> memref<80xi32, #tpu.memory_space<hbm>>
    %dma_wait3A_67 = tpu.memref_slice %arg3[%add3A_66] : memref<320000xi32, #tpu.memory_space<hbm>> -> memref<80xi32, #tpu.memory_space<hbm>>
    tpu.wait_dma2 semaphore(%arg16 : memref<!tpu.dma_semaphore, #tpu.memory_space<semaphore_mem>>) src(%dma_wait3A_67 : memref<80xi32, #tpu.memory_space<hbm>>) dst(%arg6 : memref<80xi32, #tpu.memory_space<vmem>>)
    %dma_start3A_68 = arith.constant 0 : i32
    %dma_start3A_69 = arith.constant 0 : i32
    %dma_start3A_70 = tpu.memref_slice %arg2[%dma_start3A_68, %dma_start3A_69] : memref<10000x128xf32, #tpu.memory_space<hbm>> -> memref<10000x128xf32, #tpu.memory_space<hbm>>
    tpu.enqueue_indirect_dma source(%dma_start3A_70 : memref<10000x128xf32, #tpu.memory_space<hbm>>) target(%arg12 : memref<80x128xf32, #tpu.memory_space<vmem>>) offsets(%arg6 : memref<80xi32, #tpu.memory_space<vmem>>) semaphore(%arg22 : memref<!tpu.dma_semaphore, #tpu.memory_space<semaphore_mem>>)
    %add3A_71 = arith.constant 80 : i32
    %add3A_72 = arith.addi %mul3A_2, %add3A_71 : i32
    %dma_wait3A_73 = tpu.memref_slice %arg3[%add3A_72] : memref<320000xi32, #tpu.memory_space<hbm>> -> memref<80xi32, #tpu.memory_space<hbm>>
    %dma_wait3A_74 = tpu.memref_slice %arg3[%add3A_72] : memref<320000xi32, #tpu.memory_space<hbm>> -> memref<80xi32, #tpu.memory_space<hbm>>
    tpu.wait_dma2 semaphore(%arg17 : memref<!tpu.dma_semaphore, #tpu.memory_space<semaphore_mem>>) src(%dma_wait3A_74 : memref<80xi32, #tpu.memory_space<hbm>>) dst(%arg7 : memref<80xi32, #tpu.memory_space<vmem>>)
    %dma_start3A_75 = arith.constant 0 : i32
    %dma_start3A_76 = arith.constant 0 : i32
    %dma_start3A_77 = tpu.memref_slice %arg2[%dma_start3A_75, %dma_start3A_76] : memref<10000x128xf32, #tpu.memory_space<hbm>> -> memref<10000x128xf32, #tpu.memory_space<hbm>>
    tpu.enqueue_indirect_dma source(%dma_start3A_77 : memref<10000x128xf32, #tpu.memory_space<hbm>>) target(%arg13 : memref<80x128xf32, #tpu.memory_space<vmem>>) offsets(%arg7 : memref<80xi32, #tpu.memory_space<vmem>>) semaphore(%arg23 : memref<!tpu.dma_semaphore, #tpu.memory_space<semaphore_mem>>)
    %add3A_78 = arith.constant 160 : i32
    %add3A_79 = arith.addi %mul3A_2, %add3A_78 : i32
    %dma_wait3A_80 = tpu.memref_slice %arg3[%add3A_79] : memref<320000xi32, #tpu.memory_space<hbm>> -> memref<80xi32, #tpu.memory_space<hbm>>
    %dma_wait3A_81 = tpu.memref_slice %arg3[%add3A_79] : memref<320000xi32, #tpu.memory_space<hbm>> -> memref<80xi32, #tpu.memory_space<hbm>>
    tpu.wait_dma2 semaphore(%arg18 : memref<!tpu.dma_semaphore, #tpu.memory_space<semaphore_mem>>) src(%dma_wait3A_81 : memref<80xi32, #tpu.memory_space<hbm>>) dst(%arg8 : memref<80xi32, #tpu.memory_space<vmem>>)
    %dma_start3A_82 = arith.constant 0 : i32
    %dma_start3A_83 = arith.constant 0 : i32
    %dma_start3A_84 = tpu.memref_slice %arg2[%dma_start3A_82, %dma_start3A_83] : memref<10000x128xf32, #tpu.memory_space<hbm>> -> memref<10000x128xf32, #tpu.memory_space<hbm>>
    tpu.enqueue_indirect_dma source(%dma_start3A_84 : memref<10000x128xf32, #tpu.memory_space<hbm>>) target(%arg14 : memref<80x128xf32, #tpu.memory_space<vmem>>) offsets(%arg8 : memref<80xi32, #tpu.memory_space<vmem>>) semaphore(%arg24 : memref<!tpu.dma_semaphore, #tpu.memory_space<semaphore_mem>>)
    %scan3A_85 = arith.constant 0 : i32
    %scan3A_86 = arith.constant 0 : i32
    %scan3A_87 = arith.constant 41 : i32
    %scan3A_88 = arith.addi %scan3A_86, %scan3A_87 : i32
    %scan3A_89 = arith.constant 1 : i32
    %scan3A_90 = scf.for %scan3A_158 = %scan3A_86 to %scan3A_88 step %scan3A_89 iter_args(%scan3A_159 = %scan3A_85) -> (i32)  : i32 {
      %mul3A_160 = arith.constant 3 : i32
      %mul3A_161 = arith.muli %mul3A_160, %scan3A_158 : i32
      %dma_wait3A_162 = arith.constant 0 : i32
      %dma_wait3A_163 = arith.constant 0 : i32
      %dma_wait3A_164 = tpu.memref_slice %arg2[%dma_wait3A_162, %dma_wait3A_163] : memref<10000x128xf32, #tpu.memory_space<hbm>> -> memref<10000x128xf32, #tpu.memory_space<hbm>>
      tpu.wait_indirect_dma semaphore(%arg22 : memref<!tpu.dma_semaphore, #tpu.memory_space<semaphore_mem>>) src(%dma_wait3A_164 : memref<10000x128xf32, #tpu.memory_space<hbm>>) dst(%arg12 : memref<80x128xf32, #tpu.memory_space<vmem>>)
      %add3A_165 = arith.constant 3 : i32
      %add3A_166 = arith.addi %mul3A_161, %add3A_165 : i32
      %add3A_167 = arith.constant 0 : i32
      %add3A_168 = arith.addi %add3A_166, %add3A_167 : i32
      %min3A = arith.constant 124 : i32
      %min3A_169 = arith.minsi %add3A_168, %min3A : i32
      %mul3A_170 = arith.constant 80 : i32
      %mul3A_171 = arith.muli %min3A_169, %mul3A_170 : i32
      %add3A_172 = arith.addi %mul3A_2, %mul3A_171 : i32
      %dma_start3A_173 = tpu.memref_slice %arg3[%add3A_172] : memref<320000xi32, #tpu.memory_space<hbm>> -> memref<80xi32, #tpu.memory_space<hbm>>
      %dma_start3A_174 = tpu.memref_slice %arg3[%add3A_172] : memref<320000xi32, #tpu.memory_space<hbm>> -> memref<80xi32, #tpu.memory_space<hbm>>
      tpu.enqueue_dma source(%dma_start3A_174 : memref<80xi32, #tpu.memory_space<hbm>>) target(%arg6 : memref<80xi32, #tpu.memory_space<vmem>>) target_semaphore(%arg16 : memref<!tpu.dma_semaphore, #tpu.memory_space<semaphore_mem>>)
      %add3A_175 = arith.constant 0 : i32
      %add3A_176 = arith.addi %mul3A_161, %add3A_175 : i32
      %mul3A_177 = arith.constant 80 : i32
      %mul3A_178 = arith.muli %add3A_176, %mul3A_177 : i32
      %add3A_179 = arith.addi %mul3A_2, %mul3A_178 : i32
      %dma_wait3A_180 = tpu.memref_slice %arg4[%add3A_179] : memref<320000xi32, #tpu.memory_space<hbm>> -> memref<80xi32, #tpu.memory_space<hbm>>
      %dma_wait3A_181 = tpu.memref_slice %arg4[%add3A_179] : memref<320000xi32, #tpu.memory_space<hbm>> -> memref<80xi32, #tpu.memory_space<hbm>>
      tpu.wait_dma2 semaphore(%arg19 : memref<!tpu.dma_semaphore, #tpu.memory_space<semaphore_mem>>) src(%dma_wait3A_181 : memref<80xi32, #tpu.memory_space<hbm>>) dst(%arg9 : memref<80xi32, #tpu.memory_space<vmem>>)
      %dma_start3A_182 = arith.constant 0 : i32
      %dma_start3A_183 = arith.constant 0 : i32
      %dma_start3A_184 = tpu.memref_slice %arg15[%dma_start3A_182, %dma_start3A_183] : memref<10240x128xf32, #tpu.memory_space<vmem_shared>> -> memref<10240x128xf32, #tpu.memory_space<vmem_shared>>
      tpu.enqueue_indirect_dma source(%arg12 : memref<80x128xf32, #tpu.memory_space<vmem>>) target(%dma_start3A_184 : memref<10240x128xf32, #tpu.memory_space<vmem_shared>>) offsets(%arg9 : memref<80xi32, #tpu.memory_space<vmem>>) semaphore(%arg25 : memref<!tpu.dma_semaphore, #tpu.memory_space<semaphore_mem>>) {add = true}
      %dma_wait3A_185 = arith.constant 0 : i32
      %dma_wait3A_186 = arith.constant 0 : i32
      %dma_wait3A_187 = tpu.memref_slice %arg2[%dma_wait3A_185, %dma_wait3A_186] : memref<10000x128xf32, #tpu.memory_space<hbm>> -> memref<10000x128xf32, #tpu.memory_space<hbm>>
      tpu.wait_indirect_dma semaphore(%arg23 : memref<!tpu.dma_semaphore, #tpu.memory_space<semaphore_mem>>) src(%dma_wait3A_187 : memref<10000x128xf32, #tpu.memory_space<hbm>>) dst(%arg13 : memref<80x128xf32, #tpu.memory_space<vmem>>)
      %add3A_188 = arith.constant 3 : i32
      %add3A_189 = arith.addi %mul3A_161, %add3A_188 : i32
      %add3A_190 = arith.constant 1 : i32
      %add3A_191 = arith.addi %add3A_189, %add3A_190 : i32
      %min3A_192 = arith.constant 124 : i32
      %min3A_193 = arith.minsi %add3A_191, %min3A_192 : i32
      %mul3A_194 = arith.constant 80 : i32
      %mul3A_195 = arith.muli %min3A_193, %mul3A_194 : i32
      %add3A_196 = arith.addi %mul3A_2, %mul3A_195 : i32
      %dma_start3A_197 = tpu.memref_slice %arg3[%add3A_196] : memref<320000xi32, #tpu.memory_space<hbm>> -> memref<80xi32, #tpu.memory_space<hbm>>
      %dma_start3A_198 = tpu.memref_slice %arg3[%add3A_196] : memref<320000xi32, #tpu.memory_space<hbm>> -> memref<80xi32, #tpu.memory_space<hbm>>
      tpu.enqueue_dma source(%dma_start3A_198 : memref<80xi32, #tpu.memory_space<hbm>>) target(%arg7 : memref<80xi32, #tpu.memory_space<vmem>>) target_semaphore(%arg17 : memref<!tpu.dma_semaphore, #tpu.memory_space<semaphore_mem>>)
      %add3A_199 = arith.constant 1 : i32
      %add3A_200 = arith.addi %mul3A_161, %add3A_199 : i32
      %mul3A_201 = arith.constant 80 : i32
      %mul3A_202 = arith.muli %add3A_200, %mul3A_201 : i32
      %add3A_203 = arith.addi %mul3A_2, %mul3A_202 : i32
      %dma_wait3A_204 = tpu.memref_slice %arg4[%add3A_203] : memref<320000xi32, #tpu.memory_space<hbm>> -> memref<80xi32, #tpu.memory_space<hbm>>
      %dma_wait3A_205 = tpu.memref_slice %arg4[%add3A_203] : memref<320000xi32, #tpu.memory_space<hbm>> -> memref<80xi32, #tpu.memory_space<hbm>>
      tpu.wait_dma2 semaphore(%arg20 : memref<!tpu.dma_semaphore, #tpu.memory_space<semaphore_mem>>) src(%dma_wait3A_205 : memref<80xi32, #tpu.memory_space<hbm>>) dst(%arg10 : memref<80xi32, #tpu.memory_space<vmem>>)
      %dma_start3A_206 = arith.constant 0 : i32
      %dma_start3A_207 = arith.constant 0 : i32
      %dma_start3A_208 = tpu.memref_slice %arg15[%dma_start3A_206, %dma_start3A_207] : memref<10240x128xf32, #tpu.memory_space<vmem_shared>> -> memref<10240x128xf32, #tpu.memory_space<vmem_shared>>
      tpu.enqueue_indirect_dma source(%arg13 : memref<80x128xf32, #tpu.memory_space<vmem>>) target(%dma_start3A_208 : memref<10240x128xf32, #tpu.memory_space<vmem_shared>>) offsets(%arg10 : memref<80xi32, #tpu.memory_space<vmem>>) semaphore(%arg26 : memref<!tpu.dma_semaphore, #tpu.memory_space<semaphore_mem>>) {add = true}
      %dma_wait3A_209 = arith.constant 0 : i32
      %dma_wait3A_210 = arith.constant 0 : i32
      %dma_wait3A_211 = tpu.memref_slice %arg2[%dma_wait3A_209, %dma_wait3A_210] : memref<10000x128xf32, #tpu.memory_space<hbm>> -> memref<10000x128xf32, #tpu.memory_space<hbm>>
      tpu.wait_indirect_dma semaphore(%arg24 : memref<!tpu.dma_semaphore, #tpu.memory_space<semaphore_mem>>) src(%dma_wait3A_211 : memref<10000x128xf32, #tpu.memory_space<hbm>>) dst(%arg14 : memref<80x128xf32, #tpu.memory_space<vmem>>)
      %add3A_212 = arith.constant 3 : i32
      %add3A_213 = arith.addi %mul3A_161, %add3A_212 : i32
      %add3A_214 = arith.constant 2 : i32
      %add3A_215 = arith.addi %add3A_213, %add3A_214 : i32
      %min3A_216 = arith.constant 124 : i32
      %min3A_217 = arith.minsi %add3A_215, %min3A_216 : i32
      %mul3A_218 = arith.constant 80 : i32
      %mul3A_219 = arith.muli %min3A_217, %mul3A_218 : i32
      %add3A_220 = arith.addi %mul3A_2, %mul3A_219 : i32
      %dma_start3A_221 = tpu.memref_slice %arg3[%add3A_220] : memref<320000xi32, #tpu.memory_space<hbm>> -> memref<80xi32, #tpu.memory_space<hbm>>
      %dma_start3A_222 = tpu.memref_slice %arg3[%add3A_220] : memref<320000xi32, #tpu.memory_space<hbm>> -> memref<80xi32, #tpu.memory_space<hbm>>
      tpu.enqueue_dma source(%dma_start3A_222 : memref<80xi32, #tpu.memory_space<hbm>>) target(%arg8 : memref<80xi32, #tpu.memory_space<vmem>>) target_semaphore(%arg18 : memref<!tpu.dma_semaphore, #tpu.memory_space<semaphore_mem>>)
      %add3A_223 = arith.constant 2 : i32
      %add3A_224 = arith.addi %mul3A_161, %add3A_223 : i32
      %mul3A_225 = arith.constant 80 : i32
      %mul3A_226 = arith.muli %add3A_224, %mul3A_225 : i32
      %add3A_227 = arith.addi %mul3A_2, %mul3A_226 : i32
      %dma_wait3A_228 = tpu.memref_slice %arg4[%add3A_227] : memref<320000xi32, #tpu.memory_space<hbm>> -> memref<80xi32, #tpu.memory_space<hbm>>
      %dma_wait3A_229 = tpu.memref_slice %arg4[%add3A_227] : memref<320000xi32, #tpu.memory_space<hbm>> -> memref<80xi32, #tpu.memory_space<hbm>>
      tpu.wait_dma2 semaphore(%arg21 : memref<!tpu.dma_semaphore, #tpu.memory_space<semaphore_mem>>) src(%dma_wait3A_229 : memref<80xi32, #tpu.memory_space<hbm>>) dst(%arg11 : memref<80xi32, #tpu.memory_space<vmem>>)
      %dma_start3A_230 = arith.constant 0 : i32
      %dma_start3A_231 = arith.constant 0 : i32
      %dma_start3A_232 = tpu.memref_slice %arg15[%dma_start3A_230, %dma_start3A_231] : memref<10240x128xf32, #tpu.memory_space<vmem_shared>> -> memref<10240x128xf32, #tpu.memory_space<vmem_shared>>
      tpu.enqueue_indirect_dma source(%arg14 : memref<80x128xf32, #tpu.memory_space<vmem>>) target(%dma_start3A_232 : memref<10240x128xf32, #tpu.memory_space<vmem_shared>>) offsets(%arg11 : memref<80xi32, #tpu.memory_space<vmem>>) semaphore(%arg27 : memref<!tpu.dma_semaphore, #tpu.memory_space<semaphore_mem>>) {add = true}
      %dma_wait3A_233 = arith.constant 0 : i32
      %dma_wait3A_234 = arith.constant 0 : i32
      %dma_wait3A_235 = tpu.memref_slice %arg15[%dma_wait3A_233, %dma_wait3A_234] : memref<10240x128xf32, #tpu.memory_space<vmem_shared>> -> memref<10240x128xf32, #tpu.memory_space<vmem_shared>>
      tpu.wait_indirect_dma semaphore(%arg25 : memref<!tpu.dma_semaphore, #tpu.memory_space<semaphore_mem>>) src(%arg12 : memref<80x128xf32, #tpu.memory_space<vmem>>) dst(%dma_wait3A_235 : memref<10240x128xf32, #tpu.memory_space<vmem_shared>>)
      %add3A_236 = arith.constant 3 : i32
      %add3A_237 = arith.addi %mul3A_161, %add3A_236 : i32
      %add3A_238 = arith.constant 0 : i32
      %add3A_239 = arith.addi %add3A_237, %add3A_238 : i32
      %min3A_240 = arith.constant 124 : i32
      %min3A_241 = arith.minsi %add3A_239, %min3A_240 : i32
      %mul3A_242 = arith.constant 80 : i32
      %mul3A_243 = arith.muli %min3A_241, %mul3A_242 : i32
      %add3A_244 = arith.addi %mul3A_2, %mul3A_243 : i32
      %dma_start3A_245 = tpu.memref_slice %arg4[%add3A_244] : memref<320000xi32, #tpu.memory_space<hbm>> -> memref<80xi32, #tpu.memory_space<hbm>>
      %dma_start3A_246 = tpu.memref_slice %arg4[%add3A_244] : memref<320000xi32, #tpu.memory_space<hbm>> -> memref<80xi32, #tpu.memory_space<hbm>>
      tpu.enqueue_dma source(%dma_start3A_246 : memref<80xi32, #tpu.memory_space<hbm>>) target(%arg9 : memref<80xi32, #tpu.memory_space<vmem>>) target_semaphore(%arg19 : memref<!tpu.dma_semaphore, #tpu.memory_space<semaphore_mem>>)
      %add3A_247 = arith.constant 3 : i32
      %add3A_248 = arith.addi %mul3A_161, %add3A_247 : i32
      %add3A_249 = arith.constant 0 : i32
      %add3A_250 = arith.addi %add3A_248, %add3A_249 : i32
      %min3A_251 = arith.constant 124 : i32
      %min3A_252 = arith.minsi %add3A_250, %min3A_251 : i32
      %mul3A_253 = arith.constant 80 : i32
      %mul3A_254 = arith.muli %min3A_252, %mul3A_253 : i32
      %add3A_255 = arith.addi %mul3A_2, %mul3A_254 : i32
      %dma_wait3A_256 = tpu.memref_slice %arg3[%add3A_255] : memref<320000xi32, #tpu.memory_space<hbm>> -> memref<80xi32, #tpu.memory_space<hbm>>
      %dma_wait3A_257 = tpu.memref_slice %arg3[%add3A_255] : memref<320000xi32, #tpu.memory_space<hbm>> -> memref<80xi32, #tpu.memory_space<hbm>>
      tpu.wait_dma2 semaphore(%arg16 : memref<!tpu.dma_semaphore, #tpu.memory_space<semaphore_mem>>) src(%dma_wait3A_257 : memref<80xi32, #tpu.memory_space<hbm>>) dst(%arg6 : memref<80xi32, #tpu.memory_space<vmem>>)
      %dma_start3A_258 = arith.constant 0 : i32
      %dma_start3A_259 = arith.constant 0 : i32
      %dma_start3A_260 = tpu.memref_slice %arg2[%dma_start3A_258, %dma_start3A_259] : memref<10000x128xf32, #tpu.memory_space<hbm>> -> memref<10000x128xf32, #tpu.memory_space<hbm>>
      tpu.enqueue_indirect_dma source(%dma_start3A_260 : memref<10000x128xf32, #tpu.memory_space<hbm>>) target(%arg12 : memref<80x128xf32, #tpu.memory_space<vmem>>) offsets(%arg6 : memref<80xi32, #tpu.memory_space<vmem>>) semaphore(%arg22 : memref<!tpu.dma_semaphore, #tpu.memory_space<semaphore_mem>>)
      %dma_wait3A_261 = arith.constant 0 : i32
      %dma_wait3A_262 = arith.constant 0 : i32
      %dma_wait3A_263 = tpu.memref_slice %arg15[%dma_wait3A_261, %dma_wait3A_262] : memref<10240x128xf32, #tpu.memory_space<vmem_shared>> -> memref<10240x128xf32, #tpu.memory_space<vmem_shared>>
      tpu.wait_indirect_dma semaphore(%arg26 : memref<!tpu.dma_semaphore, #tpu.memory_space<semaphore_mem>>) src(%arg13 : memref<80x128xf32, #tpu.memory_space<vmem>>) dst(%dma_wait3A_263 : memref<10240x128xf32, #tpu.memory_space<vmem_shared>>)
      %add3A_264 = arith.constant 3 : i32
      %add3A_265 = arith.addi %mul3A_161, %add3A_264 : i32
      %add3A_266 = arith.constant 1 : i32
      %add3A_267 = arith.addi %add3A_265, %add3A_266 : i32
      %min3A_268 = arith.constant 124 : i32
      %min3A_269 = arith.minsi %add3A_267, %min3A_268 : i32
      %mul3A_270 = arith.constant 80 : i32
      %mul3A_271 = arith.muli %min3A_269, %mul3A_270 : i32
      %add3A_272 = arith.addi %mul3A_2, %mul3A_271 : i32
      %dma_start3A_273 = tpu.memref_slice %arg4[%add3A_272] : memref<320000xi32, #tpu.memory_space<hbm>> -> memref<80xi32, #tpu.memory_space<hbm>>
      %dma_start3A_274 = tpu.memref_slice %arg4[%add3A_272] : memref<320000xi32, #tpu.memory_space<hbm>> -> memref<80xi32, #tpu.memory_space<hbm>>
      tpu.enqueue_dma source(%dma_start3A_274 : memref<80xi32, #tpu.memory_space<hbm>>) target(%arg10 : memref<80xi32, #tpu.memory_space<vmem>>) target_semaphore(%arg20 : memref<!tpu.dma_semaphore, #tpu.memory_space<semaphore_mem>>)
      %add3A_275 = arith.constant 3 : i32
      %add3A_276 = arith.addi %mul3A_161, %add3A_275 : i32
      %add3A_277 = arith.constant 1 : i32
      %add3A_278 = arith.addi %add3A_276, %add3A_277 : i32
      %min3A_279 = arith.constant 124 : i32
      %min3A_280 = arith.minsi %add3A_278, %min3A_279 : i32
      %mul3A_281 = arith.constant 80 : i32
      %mul3A_282 = arith.muli %min3A_280, %mul3A_281 : i32
      %add3A_283 = arith.addi %mul3A_2, %mul3A_282 : i32
      %dma_wait3A_284 = tpu.memref_slice %arg3[%add3A_283] : memref<320000xi32, #tpu.memory_space<hbm>> -> memref<80xi32, #tpu.memory_space<hbm>>
      %dma_wait3A_285 = tpu.memref_slice %arg3[%add3A_283] : memref<320000xi32, #tpu.memory_space<hbm>> -> memref<80xi32, #tpu.memory_space<hbm>>
      tpu.wait_dma2 semaphore(%arg17 : memref<!tpu.dma_semaphore, #tpu.memory_space<semaphore_mem>>) src(%dma_wait3A_285 : memref<80xi32, #tpu.memory_space<hbm>>) dst(%arg7 : memref<80xi32, #tpu.memory_space<vmem>>)
      %dma_start3A_286 = arith.constant 0 : i32
      %dma_start3A_287 = arith.constant 0 : i32
      %dma_start3A_288 = tpu.memref_slice %arg2[%dma_start3A_286, %dma_start3A_287] : memref<10000x128xf32, #tpu.memory_space<hbm>> -> memref<10000x128xf32, #tpu.memory_space<hbm>>
      tpu.enqueue_indirect_dma source(%dma_start3A_288 : memref<10000x128xf32, #tpu.memory_space<hbm>>) target(%arg13 : memref<80x128xf32, #tpu.memory_space<vmem>>) offsets(%arg7 : memref<80xi32, #tpu.memory_space<vmem>>) semaphore(%arg23 : memref<!tpu.dma_semaphore, #tpu.memory_space<semaphore_mem>>)
      %dma_wait3A_289 = arith.constant 0 : i32
      %dma_wait3A_290 = arith.constant 0 : i32
      %dma_wait3A_291 = tpu.memref_slice %arg15[%dma_wait3A_289, %dma_wait3A_290] : memref<10240x128xf32, #tpu.memory_space<vmem_shared>> -> memref<10240x128xf32, #tpu.memory_space<vmem_shared>>
      tpu.wait_indirect_dma semaphore(%arg27 : memref<!tpu.dma_semaphore, #tpu.memory_space<semaphore_mem>>) src(%arg14 : memref<80x128xf32, #tpu.memory_space<vmem>>) dst(%dma_wait3A_291 : memref<10240x128xf32, #tpu.memory_space<vmem_shared>>)
      %add3A_292 = arith.constant 3 : i32
      %add3A_293 = arith.addi %mul3A_161, %add3A_292 : i32
      %add3A_294 = arith.constant 2 : i32
      %add3A_295 = arith.addi %add3A_293, %add3A_294 : i32
      %min3A_296 = arith.constant 124 : i32
      %min3A_297 = arith.minsi %add3A_295, %min3A_296 : i32
      %mul3A_298 = arith.constant 80 : i32
      %mul3A_299 = arith.muli %min3A_297, %mul3A_298 : i32
      %add3A_300 = arith.addi %mul3A_2, %mul3A_299 : i32
      %dma_start3A_301 = tpu.memref_slice %arg4[%add3A_300] : memref<320000xi32, #tpu.memory_space<hbm>> -> memref<80xi32, #tpu.memory_space<hbm>>
      %dma_start3A_302 = tpu.memref_slice %arg4[%add3A_300] : memref<320000xi32, #tpu.memory_space<hbm>> -> memref<80xi32, #tpu.memory_space<hbm>>
      tpu.enqueue_dma source(%dma_start3A_302 : memref<80xi32, #tpu.memory_space<hbm>>) target(%arg11 : memref<80xi32, #tpu.memory_space<vmem>>) target_semaphore(%arg21 : memref<!tpu.dma_semaphore, #tpu.memory_space<semaphore_mem>>)
      %add3A_303 = arith.constant 3 : i32
      %add3A_304 = arith.addi %mul3A_161, %add3A_303 : i32
      %add3A_305 = arith.constant 2 : i32
      %add3A_306 = arith.addi %add3A_304, %add3A_305 : i32
      %min3A_307 = arith.constant 124 : i32
      %min3A_308 = arith.minsi %add3A_306, %min3A_307 : i32
      %mul3A_309 = arith.constant 80 : i32
      %mul3A_310 = arith.muli %min3A_308, %mul3A_309 : i32
      %add3A_311 = arith.addi %mul3A_2, %mul3A_310 : i32
      %dma_wait3A_312 = tpu.memref_slice %arg3[%add3A_311] : memref<320000xi32, #tpu.memory_space<hbm>> -> memref<80xi32, #tpu.memory_space<hbm>>
      %dma_wait3A_313 = tpu.memref_slice %arg3[%add3A_311] : memref<320000xi32, #tpu.memory_space<hbm>> -> memref<80xi32, #tpu.memory_space<hbm>>
      tpu.wait_dma2 semaphore(%arg18 : memref<!tpu.dma_semaphore, #tpu.memory_space<semaphore_mem>>) src(%dma_wait3A_313 : memref<80xi32, #tpu.memory_space<hbm>>) dst(%arg8 : memref<80xi32, #tpu.memory_space<vmem>>)
      %dma_start3A_314 = arith.constant 0 : i32
      %dma_start3A_315 = arith.constant 0 : i32
      %dma_start3A_316 = tpu.memref_slice %arg2[%dma_start3A_314, %dma_start3A_315] : memref<10000x128xf32, #tpu.memory_space<hbm>> -> memref<10000x128xf32, #tpu.memory_space<hbm>>
      tpu.enqueue_indirect_dma source(%dma_start3A_316 : memref<10000x128xf32, #tpu.memory_space<hbm>>) target(%arg14 : memref<80x128xf32, #tpu.memory_space<vmem>>) offsets(%arg8 : memref<80xi32, #tpu.memory_space<vmem>>) semaphore(%arg24 : memref<!tpu.dma_semaphore, #tpu.memory_space<semaphore_mem>>)
      %scan3A_317 = arith.constant 0 : i32
      scf.yield %scan3A_317 : i32
    }
    %scan3A_91 = arith.constant 41 : i32
    %dma_wait3A_92 = arith.constant 0 : i32
    %dma_wait3A_93 = arith.constant 0 : i32
    %dma_wait3A_94 = tpu.memref_slice %arg2[%dma_wait3A_92, %dma_wait3A_93] : memref<10000x128xf32, #tpu.memory_space<hbm>> -> memref<10000x128xf32, #tpu.memory_space<hbm>>
    tpu.wait_indirect_dma semaphore(%arg22 : memref<!tpu.dma_semaphore, #tpu.memory_space<semaphore_mem>>) src(%dma_wait3A_94 : memref<10000x128xf32, #tpu.memory_space<hbm>>) dst(%arg12 : memref<80x128xf32, #tpu.memory_space<vmem>>)
    %add3A_95 = arith.constant 9840 : i32
    %add3A_96 = arith.addi %mul3A_2, %add3A_95 : i32
    %dma_wait3A_97 = tpu.memref_slice %arg4[%add3A_96] : memref<320000xi32, #tpu.memory_space<hbm>> -> memref<80xi32, #tpu.memory_space<hbm>>
    %dma_wait3A_98 = tpu.memref_slice %arg4[%add3A_96] : memref<320000xi32, #tpu.memory_space<hbm>> -> memref<80xi32, #tpu.memory_space<hbm>>
    tpu.wait_dma2 semaphore(%arg19 : memref<!tpu.dma_semaphore, #tpu.memory_space<semaphore_mem>>) src(%dma_wait3A_98 : memref<80xi32, #tpu.memory_space<hbm>>) dst(%arg9 : memref<80xi32, #tpu.memory_space<vmem>>)
    %dma_start3A_99 = arith.constant 0 : i32
    %dma_start3A_100 = arith.constant 0 : i32
    %dma_start3A_101 = tpu.memref_slice %arg15[%dma_start3A_99, %dma_start3A_100] : memref<10240x128xf32, #tpu.memory_space<vmem_shared>> -> memref<10240x128xf32, #tpu.memory_space<vmem_shared>>
    tpu.enqueue_indirect_dma source(%arg12 : memref<80x128xf32, #tpu.memory_space<vmem>>) target(%dma_start3A_101 : memref<10240x128xf32, #tpu.memory_space<vmem_shared>>) offsets(%arg9 : memref<80xi32, #tpu.memory_space<vmem>>) semaphore(%arg25 : memref<!tpu.dma_semaphore, #tpu.memory_space<semaphore_mem>>) {add = true}
    %dma_wait3A_102 = arith.constant 0 : i32
    %dma_wait3A_103 = arith.constant 0 : i32
    %dma_wait3A_104 = tpu.memref_slice %arg2[%dma_wait3A_102, %dma_wait3A_103] : memref<10000x128xf32, #tpu.memory_space<hbm>> -> memref<10000x128xf32, #tpu.memory_space<hbm>>
    tpu.wait_indirect_dma semaphore(%arg23 : memref<!tpu.dma_semaphore, #tpu.memory_space<semaphore_mem>>) src(%dma_wait3A_104 : memref<10000x128xf32, #tpu.memory_space<hbm>>) dst(%arg13 : memref<80x128xf32, #tpu.memory_space<vmem>>)
    %add3A_105 = arith.constant 9920 : i32
    %add3A_106 = arith.addi %mul3A_2, %add3A_105 : i32
    %dma_wait3A_107 = tpu.memref_slice %arg4[%add3A_106] : memref<320000xi32, #tpu.memory_space<hbm>> -> memref<80xi32, #tpu.memory_space<hbm>>
    %dma_wait3A_108 = tpu.memref_slice %arg4[%add3A_106] : memref<320000xi32, #tpu.memory_space<hbm>> -> memref<80xi32, #tpu.memory_space<hbm>>
    tpu.wait_dma2 semaphore(%arg20 : memref<!tpu.dma_semaphore, #tpu.memory_space<semaphore_mem>>) src(%dma_wait3A_108 : memref<80xi32, #tpu.memory_space<hbm>>) dst(%arg10 : memref<80xi32, #tpu.memory_space<vmem>>)
    %dma_start3A_109 = arith.constant 0 : i32
    %dma_start3A_110 = arith.constant 0 : i32
    %dma_start3A_111 = tpu.memref_slice %arg15[%dma_start3A_109, %dma_start3A_110] : memref<10240x128xf32, #tpu.memory_space<vmem_shared>> -> memref<10240x128xf32, #tpu.memory_space<vmem_shared>>
    tpu.enqueue_indirect_dma source(%arg13 : memref<80x128xf32, #tpu.memory_space<vmem>>) target(%dma_start3A_111 : memref<10240x128xf32, #tpu.memory_space<vmem_shared>>) offsets(%arg10 : memref<80xi32, #tpu.memory_space<vmem>>) semaphore(%arg26 : memref<!tpu.dma_semaphore, #tpu.memory_space<semaphore_mem>>) {add = true}
    %dma_wait3A_112 = arith.constant 0 : i32
    %dma_wait3A_113 = arith.constant 0 : i32
    %dma_wait3A_114 = tpu.memref_slice %arg2[%dma_wait3A_112, %dma_wait3A_113] : memref<10000x128xf32, #tpu.memory_space<hbm>> -> memref<10000x128xf32, #tpu.memory_space<hbm>>
    tpu.wait_indirect_dma semaphore(%arg24 : memref<!tpu.dma_semaphore, #tpu.memory_space<semaphore_mem>>) src(%dma_wait3A_114 : memref<10000x128xf32, #tpu.memory_space<hbm>>) dst(%arg14 : memref<80x128xf32, #tpu.memory_space<vmem>>)
    %add3A_115 = arith.constant 9920 : i32
    %add3A_116 = arith.addi %mul3A_2, %add3A_115 : i32
    %dma_wait3A_117 = tpu.memref_slice %arg4[%add3A_116] : memref<320000xi32, #tpu.memory_space<hbm>> -> memref<80xi32, #tpu.memory_space<hbm>>
    %dma_wait3A_118 = tpu.memref_slice %arg4[%add3A_116] : memref<320000xi32, #tpu.memory_space<hbm>> -> memref<80xi32, #tpu.memory_space<hbm>>
    tpu.wait_dma2 semaphore(%arg21 : memref<!tpu.dma_semaphore, #tpu.memory_space<semaphore_mem>>) src(%dma_wait3A_118 : memref<80xi32, #tpu.memory_space<hbm>>) dst(%arg11 : memref<80xi32, #tpu.memory_space<vmem>>)
    %dma_wait3A_119 = arith.constant 0 : i32
    %dma_wait3A_120 = arith.constant 0 : i32
    %dma_wait3A_121 = tpu.memref_slice %arg15[%dma_wait3A_119, %dma_wait3A_120] : memref<10240x128xf32, #tpu.memory_space<vmem_shared>> -> memref<10240x128xf32, #tpu.memory_space<vmem_shared>>
    tpu.wait_indirect_dma semaphore(%arg25 : memref<!tpu.dma_semaphore, #tpu.memory_space<semaphore_mem>>) src(%arg12 : memref<80x128xf32, #tpu.memory_space<vmem>>) dst(%dma_wait3A_121 : memref<10240x128xf32, #tpu.memory_space<vmem_shared>>)
    %dma_wait3A_122 = arith.constant 0 : i32
    %dma_wait3A_123 = arith.constant 0 : i32
    %dma_wait3A_124 = tpu.memref_slice %arg15[%dma_wait3A_122, %dma_wait3A_123] : memref<10240x128xf32, #tpu.memory_space<vmem_shared>> -> memref<10240x128xf32, #tpu.memory_space<vmem_shared>>
    tpu.wait_indirect_dma semaphore(%arg26 : memref<!tpu.dma_semaphore, #tpu.memory_space<semaphore_mem>>) src(%arg13 : memref<80x128xf32, #tpu.memory_space<vmem>>) dst(%dma_wait3A_124 : memref<10240x128xf32, #tpu.memory_space<vmem_shared>>)
    %barrier3A_125 = arith.constant 0 : index
    tpu.barrier barrier_id(%barrier3A_125)
    %mul3A_126 = arith.constant 640 : i32
    %mul3A_127 = arith.muli %arg1, %mul3A_126 : i32
    %add3A_128 = arith.constant 0 : i32
    %add3A_129 = arith.addi %mul3A_127, %add3A_128 : i32
    "tpu.region"() ({
      %run_scoped3A = tpu.sem_alloc : memref<!tpu.dma_semaphore, #tpu.memory_space<semaphore_mem>>
      %dma_start3A_158 = arith.constant 0 : i32
      %dma_start3A_159 = tpu.memref_slice %arg5[%arg0, %add3A_129, %dma_start3A_158] : memref<2x10240x128xf32, #tpu.memory_space<hbm>> -> memref<1x80x128xf32, #tpu.memory_space<hbm>>
      %dma_start3A_160 = tpu.memref_squeeze %dma_start3A_159 : memref<1x80x128xf32, #tpu.memory_space<hbm>> -> memref<80x128xf32, #tpu.memory_space<hbm>>
      %dma_start3A_161 = arith.constant 0 : i32
      %dma_start3A_162 = tpu.memref_slice %arg15[%add3A_129, %dma_start3A_161] : memref<10240x128xf32, #tpu.memory_space<vmem_shared>> -> memref<80x128xf32, #tpu.memory_space<vmem_shared>>
      tpu.enqueue_dma source(%dma_start3A_162 : memref<80x128xf32, #tpu.memory_space<vmem_shared>>) target(%dma_start3A_160 : memref<80x128xf32, #tpu.memory_space<hbm>>) target_semaphore(%run_scoped3A : memref<!tpu.dma_semaphore, #tpu.memory_space<semaphore_mem>>)
      %dma_wait3A_163 = arith.constant 0 : i32
      %dma_wait3A_164 = tpu.memref_slice %arg5[%arg0, %add3A_129, %dma_wait3A_163] : memref<2x10240x128xf32, #tpu.memory_space<hbm>> -> memref<1x80x128xf32, #tpu.memory_space<hbm>>
      %dma_wait3A_165 = tpu.memref_squeeze %dma_wait3A_164 : memref<1x80x128xf32, #tpu.memory_space<hbm>> -> memref<80x128xf32, #tpu.memory_space<hbm>>
      %dma_wait3A_166 = arith.constant 0 : i32
      %dma_wait3A_167 = tpu.memref_slice %arg15[%add3A_129, %dma_wait3A_166] : memref<10240x128xf32, #tpu.memory_space<vmem_shared>> -> memref<80x128xf32, #tpu.memory_space<vmem_shared>>
      tpu.wait_dma2 semaphore(%run_scoped3A : memref<!tpu.dma_semaphore, #tpu.memory_space<semaphore_mem>>) src(%dma_wait3A_167 : memref<80x128xf32, #tpu.memory_space<vmem_shared>>) dst(%dma_wait3A_165 : memref<80x128xf32, #tpu.memory_space<hbm>>)
      tpu.yield
    }) : () -> ()
    %mul3A_130 = arith.constant 640 : i32
    %mul3A_131 = arith.muli %arg1, %mul3A_130 : i32
    %add3A_132 = arith.constant 80 : i32
    %add3A_133 = arith.addi %mul3A_131, %add3A_132 : i32
    "tpu.region"() ({
      %run_scoped3A = tpu.sem_alloc : memref<!tpu.dma_semaphore, #tpu.memory_space<semaphore_mem>>
      %dma_start3A_158 = arith.constant 0 : i32
      %dma_start3A_159 = tpu.memref_slice %arg5[%arg0, %add3A_133, %dma_start3A_158] : memref<2x10240x128xf32, #tpu.memory_space<hbm>> -> memref<1x80x128xf32, #tpu.memory_space<hbm>>
      %dma_start3A_160 = tpu.memref_squeeze %dma_start3A_159 : memref<1x80x128xf32, #tpu.memory_space<hbm>> -> memref<80x128xf32, #tpu.memory_space<hbm>>
      %dma_start3A_161 = arith.constant 0 : i32
      %dma_start3A_162 = tpu.memref_slice %arg15[%add3A_133, %dma_start3A_161] : memref<10240x128xf32, #tpu.memory_space<vmem_shared>> -> memref<80x128xf32, #tpu.memory_space<vmem_shared>>
      tpu.enqueue_dma source(%dma_start3A_162 : memref<80x128xf32, #tpu.memory_space<vmem_shared>>) target(%dma_start3A_160 : memref<80x128xf32, #tpu.memory_space<hbm>>) target_semaphore(%run_scoped3A : memref<!tpu.dma_semaphore, #tpu.memory_space<semaphore_mem>>)
      %dma_wait3A_163 = arith.constant 0 : i32
      %dma_wait3A_164 = tpu.memref_slice %arg5[%arg0, %add3A_133, %dma_wait3A_163] : memref<2x10240x128xf32, #tpu.memory_space<hbm>> -> memref<1x80x128xf32, #tpu.memory_space<hbm>>
      %dma_wait3A_165 = tpu.memref_squeeze %dma_wait3A_164 : memref<1x80x128xf32, #tpu.memory_space<hbm>> -> memref<80x128xf32, #tpu.memory_space<hbm>>
      %dma_wait3A_166 = arith.constant 0 : i32
      %dma_wait3A_167 = tpu.memref_slice %arg15[%add3A_133, %dma_wait3A_166] : memref<10240x128xf32, #tpu.memory_space<vmem_shared>> -> memref<80x128xf32, #tpu.memory_space<vmem_shared>>
      tpu.wait_dma2 semaphore(%run_scoped3A : memref<!tpu.dma_semaphore, #tpu.memory_space<semaphore_mem>>) src(%dma_wait3A_167 : memref<80x128xf32, #tpu.memory_space<vmem_shared>>) dst(%dma_wait3A_165 : memref<80x128xf32, #tpu.memory_space<hbm>>)
      tpu.yield
    }) : () -> ()
    %mul3A_134 = arith.constant 640 : i32
    %mul3A_135 = arith.muli %arg1, %mul3A_134 : i32
    %add3A_136 = arith.constant 160 : i32
    %add3A_137 = arith.addi %mul3A_135, %add3A_136 : i32
    "tpu.region"() ({
      %run_scoped3A = tpu.sem_alloc : memref<!tpu.dma_semaphore, #tpu.memory_space<semaphore_mem>>
      %dma_start3A_158 = arith.constant 0 : i32
      %dma_start3A_159 = tpu.memref_slice %arg5[%arg0, %add3A_137, %dma_start3A_158] : memref<2x10240x128xf32, #tpu.memory_space<hbm>> -> memref<1x80x128xf32, #tpu.memory_space<hbm>>
      %dma_start3A_160 = tpu.memref_squeeze %dma_start3A_159 : memref<1x80x128xf32, #tpu.memory_space<hbm>> -> memref<80x128xf32, #tpu.memory_space<hbm>>
      %dma_start3A_161 = arith.constant 0 : i32
      %dma_start3A_162 = tpu.memref_slice %arg15[%add3A_137, %dma_start3A_161] : memref<10240x128xf32, #tpu.memory_space<vmem_shared>> -> memref<80x128xf32, #tpu.memory_space<vmem_shared>>
      tpu.enqueue_dma source(%dma_start3A_162 : memref<80x128xf32, #tpu.memory_space<vmem_shared>>) target(%dma_start3A_160 : memref<80x128xf32, #tpu.memory_space<hbm>>) target_semaphore(%run_scoped3A : memref<!tpu.dma_semaphore, #tpu.memory_space<semaphore_mem>>)
      %dma_wait3A_163 = arith.constant 0 : i32
      %dma_wait3A_164 = tpu.memref_slice %arg5[%arg0, %add3A_137, %dma_wait3A_163] : memref<2x10240x128xf32, #tpu.memory_space<hbm>> -> memref<1x80x128xf32, #tpu.memory_space<hbm>>
      %dma_wait3A_165 = tpu.memref_squeeze %dma_wait3A_164 : memref<1x80x128xf32, #tpu.memory_space<hbm>> -> memref<80x128xf32, #tpu.memory_space<hbm>>
      %dma_wait3A_166 = arith.constant 0 : i32
      %dma_wait3A_167 = tpu.memref_slice %arg15[%add3A_137, %dma_wait3A_166] : memref<10240x128xf32, #tpu.memory_space<vmem_shared>> -> memref<80x128xf32, #tpu.memory_space<vmem_shared>>
      tpu.wait_dma2 semaphore(%run_scoped3A : memref<!tpu.dma_semaphore, #tpu.memory_space<semaphore_mem>>) src(%dma_wait3A_167 : memref<80x128xf32, #tpu.memory_space<vmem_shared>>) dst(%dma_wait3A_165 : memref<80x128xf32, #tpu.memory_space<hbm>>)
      tpu.yield
    }) : () -> ()
    %mul3A_138 = arith.constant 640 : i32
    %mul3A_139 = arith.muli %arg1, %mul3A_138 : i32
    %add3A_140 = arith.constant 240 : i32
    %add3A_141 = arith.addi %mul3A_139, %add3A_140 : i32
    "tpu.region"() ({
      %run_scoped3A = tpu.sem_alloc : memref<!tpu.dma_semaphore, #tpu.memory_space<semaphore_mem>>
      %dma_start3A_158 = arith.constant 0 : i32
      %dma_start3A_159 = tpu.memref_slice %arg5[%arg0, %add3A_141, %dma_start3A_158] : memref<2x10240x128xf32, #tpu.memory_space<hbm>> -> memref<1x80x128xf32, #tpu.memory_space<hbm>>
      %dma_start3A_160 = tpu.memref_squeeze %dma_start3A_159 : memref<1x80x128xf32, #tpu.memory_space<hbm>> -> memref<80x128xf32, #tpu.memory_space<hbm>>
      %dma_start3A_161 = arith.constant 0 : i32
      %dma_start3A_162 = tpu.memref_slice %arg15[%add3A_141, %dma_start3A_161] : memref<10240x128xf32, #tpu.memory_space<vmem_shared>> -> memref<80x128xf32, #tpu.memory_space<vmem_shared>>
      tpu.enqueue_dma source(%dma_start3A_162 : memref<80x128xf32, #tpu.memory_space<vmem_shared>>) target(%dma_start3A_160 : memref<80x128xf32, #tpu.memory_space<hbm>>) target_semaphore(%run_scoped3A : memref<!tpu.dma_semaphore, #tpu.memory_space<semaphore_mem>>)
      %dma_wait3A_163 = arith.constant 0 : i32
      %dma_wait3A_164 = tpu.memref_slice %arg5[%arg0, %add3A_141, %dma_wait3A_163] : memref<2x10240x128xf32, #tpu.memory_space<hbm>> -> memref<1x80x128xf32, #tpu.memory_space<hbm>>
      %dma_wait3A_165 = tpu.memref_squeeze %dma_wait3A_164 : memref<1x80x128xf32, #tpu.memory_space<hbm>> -> memref<80x128xf32, #tpu.memory_space<hbm>>
      %dma_wait3A_166 = arith.constant 0 : i32
      %dma_wait3A_167 = tpu.memref_slice %arg15[%add3A_141, %dma_wait3A_166] : memref<10240x128xf32, #tpu.memory_space<vmem_shared>> -> memref<80x128xf32, #tpu.memory_space<vmem_shared>>
      tpu.wait_dma2 semaphore(%run_scoped3A : memref<!tpu.dma_semaphore, #tpu.memory_space<semaphore_mem>>) src(%dma_wait3A_167 : memref<80x128xf32, #tpu.memory_space<vmem_shared>>) dst(%dma_wait3A_165 : memref<80x128xf32, #tpu.memory_space<hbm>>)
      tpu.yield
    }) : () -> ()
    %mul3A_142 = arith.constant 640 : i32
    %mul3A_143 = arith.muli %arg1, %mul3A_142 : i32
    %add3A_144 = arith.constant 320 : i32
    %add3A_145 = arith.addi %mul3A_143, %add3A_144 : i32
    "tpu.region"() ({
      %run_scoped3A = tpu.sem_alloc : memref<!tpu.dma_semaphore, #tpu.memory_space<semaphore_mem>>
      %dma_start3A_158 = arith.constant 0 : i32
      %dma_start3A_159 = tpu.memref_slice %arg5[%arg0, %add3A_145, %dma_start3A_158] : memref<2x10240x128xf32, #tpu.memory_space<hbm>> -> memref<1x80x128xf32, #tpu.memory_space<hbm>>
      %dma_start3A_160 = tpu.memref_squeeze %dma_start3A_159 : memref<1x80x128xf32, #tpu.memory_space<hbm>> -> memref<80x128xf32, #tpu.memory_space<hbm>>
      %dma_start3A_161 = arith.constant 0 : i32
      %dma_start3A_162 = tpu.memref_slice %arg15[%add3A_145, %dma_start3A_161] : memref<10240x128xf32, #tpu.memory_space<vmem_shared>> -> memref<80x128xf32, #tpu.memory_space<vmem_shared>>
      tpu.enqueue_dma source(%dma_start3A_162 : memref<80x128xf32, #tpu.memory_space<vmem_shared>>) target(%dma_start3A_160 : memref<80x128xf32, #tpu.memory_space<hbm>>) target_semaphore(%run_scoped3A : memref<!tpu.dma_semaphore, #tpu.memory_space<semaphore_mem>>)
      %dma_wait3A_163 = arith.constant 0 : i32
      %dma_wait3A_164 = tpu.memref_slice %arg5[%arg0, %add3A_145, %dma_wait3A_163] : memref<2x10240x128xf32, #tpu.memory_space<hbm>> -> memref<1x80x128xf32, #tpu.memory_space<hbm>>
      %dma_wait3A_165 = tpu.memref_squeeze %dma_wait3A_164 : memref<1x80x128xf32, #tpu.memory_space<hbm>> -> memref<80x128xf32, #tpu.memory_space<hbm>>
      %dma_wait3A_166 = arith.constant 0 : i32
      %dma_wait3A_167 = tpu.memref_slice %arg15[%add3A_145, %dma_wait3A_166] : memref<10240x128xf32, #tpu.memory_space<vmem_shared>> -> memref<80x128xf32, #tpu.memory_space<vmem_shared>>
      tpu.wait_dma2 semaphore(%run_scoped3A : memref<!tpu.dma_semaphore, #tpu.memory_space<semaphore_mem>>) src(%dma_wait3A_167 : memref<80x128xf32, #tpu.memory_space<vmem_shared>>) dst(%dma_wait3A_165 : memref<80x128xf32, #tpu.memory_space<hbm>>)
      tpu.yield
    }) : () -> ()
    %mul3A_146 = arith.constant 640 : i32
    %mul3A_147 = arith.muli %arg1, %mul3A_146 : i32
    %add3A_148 = arith.constant 400 : i32
    %add3A_149 = arith.addi %mul3A_147, %add3A_148 : i32
    "tpu.region"() ({
      %run_scoped3A = tpu.sem_alloc : memref<!tpu.dma_semaphore, #tpu.memory_space<semaphore_mem>>
      %dma_start3A_158 = arith.constant 0 : i32
      %dma_start3A_159 = tpu.memref_slice %arg5[%arg0, %add3A_149, %dma_start3A_158] : memref<2x10240x128xf32, #tpu.memory_space<hbm>> -> memref<1x80x128xf32, #tpu.memory_space<hbm>>
      %dma_start3A_160 = tpu.memref_squeeze %dma_start3A_159 : memref<1x80x128xf32, #tpu.memory_space<hbm>> -> memref<80x128xf32, #tpu.memory_space<hbm>>
      %dma_start3A_161 = arith.constant 0 : i32
      %dma_start3A_162 = tpu.memref_slice %arg15[%add3A_149, %dma_start3A_161] : memref<10240x128xf32, #tpu.memory_space<vmem_shared>> -> memref<80x128xf32, #tpu.memory_space<vmem_shared>>
      tpu.enqueue_dma source(%dma_start3A_162 : memref<80x128xf32, #tpu.memory_space<vmem_shared>>) target(%dma_start3A_160 : memref<80x128xf32, #tpu.memory_space<hbm>>) target_semaphore(%run_scoped3A : memref<!tpu.dma_semaphore, #tpu.memory_space<semaphore_mem>>)
      %dma_wait3A_163 = arith.constant 0 : i32
      %dma_wait3A_164 = tpu.memref_slice %arg5[%arg0, %add3A_149, %dma_wait3A_163] : memref<2x10240x128xf32, #tpu.memory_space<hbm>> -> memref<1x80x128xf32, #tpu.memory_space<hbm>>
      %dma_wait3A_165 = tpu.memref_squeeze %dma_wait3A_164 : memref<1x80x128xf32, #tpu.memory_space<hbm>> -> memref<80x128xf32, #tpu.memory_space<hbm>>
      %dma_wait3A_166 = arith.constant 0 : i32
      %dma_wait3A_167 = tpu.memref_slice %arg15[%add3A_149, %dma_wait3A_166] : memref<10240x128xf32, #tpu.memory_space<vmem_shared>> -> memref<80x128xf32, #tpu.memory_space<vmem_shared>>
      tpu.wait_dma2 semaphore(%run_scoped3A : memref<!tpu.dma_semaphore, #tpu.memory_space<semaphore_mem>>) src(%dma_wait3A_167 : memref<80x128xf32, #tpu.memory_space<vmem_shared>>) dst(%dma_wait3A_165 : memref<80x128xf32, #tpu.memory_space<hbm>>)
      tpu.yield
    }) : () -> ()
    %mul3A_150 = arith.constant 640 : i32
    %mul3A_151 = arith.muli %arg1, %mul3A_150 : i32
    %add3A_152 = arith.constant 480 : i32
    %add3A_153 = arith.addi %mul3A_151, %add3A_152 : i32
    "tpu.region"() ({
      %run_scoped3A = tpu.sem_alloc : memref<!tpu.dma_semaphore, #tpu.memory_space<semaphore_mem>>
      %dma_start3A_158 = arith.constant 0 : i32
      %dma_start3A_159 = tpu.memref_slice %arg5[%arg0, %add3A_153, %dma_start3A_158] : memref<2x10240x128xf32, #tpu.memory_space<hbm>> -> memref<1x80x128xf32, #tpu.memory_space<hbm>>
      %dma_start3A_160 = tpu.memref_squeeze %dma_start3A_159 : memref<1x80x128xf32, #tpu.memory_space<hbm>> -> memref<80x128xf32, #tpu.memory_space<hbm>>
      %dma_start3A_161 = arith.constant 0 : i32
      %dma_start3A_162 = tpu.memref_slice %arg15[%add3A_153, %dma_start3A_161] : memref<10240x128xf32, #tpu.memory_space<vmem_shared>> -> memref<80x128xf32, #tpu.memory_space<vmem_shared>>
      tpu.enqueue_dma source(%dma_start3A_162 : memref<80x128xf32, #tpu.memory_space<vmem_shared>>) target(%dma_start3A_160 : memref<80x128xf32, #tpu.memory_space<hbm>>) target_semaphore(%run_scoped3A : memref<!tpu.dma_semaphore, #tpu.memory_space<semaphore_mem>>)
      %dma_wait3A_163 = arith.constant 0 : i32
      %dma_wait3A_164 = tpu.memref_slice %arg5[%arg0, %add3A_153, %dma_wait3A_163] : memref<2x10240x128xf32, #tpu.memory_space<hbm>> -> memref<1x80x128xf32, #tpu.memory_space<hbm>>
      %dma_wait3A_165 = tpu.memref_squeeze %dma_wait3A_164 : memref<1x80x128xf32, #tpu.memory_space<hbm>> -> memref<80x128xf32, #tpu.memory_space<hbm>>
      %dma_wait3A_166 = arith.constant 0 : i32
      %dma_wait3A_167 = tpu.memref_slice %arg15[%add3A_153, %dma_wait3A_166] : memref<10240x128xf32, #tpu.memory_space<vmem_shared>> -> memref<80x128xf32, #tpu.memory_space<vmem_shared>>
      tpu.wait_dma2 semaphore(%run_scoped3A : memref<!tpu.dma_semaphore, #tpu.memory_space<semaphore_mem>>) src(%dma_wait3A_167 : memref<80x128xf32, #tpu.memory_space<vmem_shared>>) dst(%dma_wait3A_165 : memref<80x128xf32, #tpu.memory_space<hbm>>)
      tpu.yield
    }) : () -> ()
    %mul3A_154 = arith.constant 640 : i32
    %mul3A_155 = arith.muli %arg1, %mul3A_154 : i32
    %add3A_156 = arith.constant 560 : i32
    %add3A_157 = arith.addi %mul3A_155, %add3A_156 : i32
    "tpu.region"() ({
      %run_scoped3A = tpu.sem_alloc : memref<!tpu.dma_semaphore, #tpu.memory_space<semaphore_mem>>
      %dma_start3A_158 = arith.constant 0 : i32
      %dma_start3A_159 = tpu.memref_slice %arg5[%arg0, %add3A_157, %dma_start3A_158] : memref<2x10240x128xf32, #tpu.memory_space<hbm>> -> memref<1x80x128xf32, #tpu.memory_space<hbm>>
      %dma_start3A_160 = tpu.memref_squeeze %dma_start3A_159 : memref<1x80x128xf32, #tpu.memory_space<hbm>> -> memref<80x128xf32, #tpu.memory_space<hbm>>
      %dma_start3A_161 = arith.constant 0 : i32
      %dma_start3A_162 = tpu.memref_slice %arg15[%add3A_157, %dma_start3A_161] : memref<10240x128xf32, #tpu.memory_space<vmem_shared>> -> memref<80x128xf32, #tpu.memory_space<vmem_shared>>
      tpu.enqueue_dma source(%dma_start3A_162 : memref<80x128xf32, #tpu.memory_space<vmem_shared>>) target(%dma_start3A_160 : memref<80x128xf32, #tpu.memory_space<hbm>>) target_semaphore(%run_scoped3A : memref<!tpu.dma_semaphore, #tpu.memory_space<semaphore_mem>>)
      %dma_wait3A_163 = arith.constant 0 : i32
      %dma_wait3A_164 = tpu.memref_slice %arg5[%arg0, %add3A_157, %dma_wait3A_163] : memref<2x10240x128xf32, #tpu.memory_space<hbm>> -> memref<1x80x128xf32, #tpu.memory_space<hbm>>
      %dma_wait3A_165 = tpu.memref_squeeze %dma_wait3A_164 : memref<1x80x128xf32, #tpu.memory_space<hbm>> -> memref<80x128xf32, #tpu.memory_space<hbm>>
      %dma_wait3A_166 = arith.constant 0 : i32
      %dma_wait3A_167 = tpu.memref_slice %arg15[%add3A_157, %dma_wait3A_166] : memref<10240x128xf32, #tpu.memory_space<vmem_shared>> -> memref<80x128xf32, #tpu.memory_space<vmem_shared>>
      tpu.wait_dma2 semaphore(%run_scoped3A : memref<!tpu.dma_semaphore, #tpu.memory_space<semaphore_mem>>) src(%dma_wait3A_167 : memref<80x128xf32, #tpu.memory_space<vmem_shared>>) dst(%dma_wait3A_165 : memref<80x128xf32, #tpu.memory_space<hbm>>)
      tpu.yield
    }) : () -> ()
    return
  }
}

module attributes {stable_mosaic.version = 14 : i64} {
  func.func @body(%arg0: i32, %arg1: memref<2x2048x128xf32, #tpu.memory_space<vmem>>, %arg2: memref<2048x128xf32, #tpu.memory_space<vmem>>, %arg3: memref<2048x128xf32, #tpu.memory_space<vmem>>, %arg4: memref<2048x128xf32, #tpu.memory_space<vmem>>, %arg5: memref<2048x128xf32, #tpu.memory_space<vmem>>) attributes {dimension_semantics = [#tpu.dimension_semantics<arbitrary>], iteration_bounds = array<i64: 5>, scalar_prefetch = 0 : i64, scratch_operands = 0 : i64, tpu.core_type = #tpu.core_type<tc>, window_params = [{transform_indices = @transform_0, window_bounds = array<i64: 2, 2048, 128>}, {transform_indices = @transform_1, window_bounds = array<i64: 2048, 128>}, {transform_indices = @transform_2, window_bounds = array<i64: 2048, 128>}, {transform_indices = @transform_3, window_bounds = array<i64: 2048, 128>}, {transform_indices = @transform_4, window_bounds = array<i64: 2048, 128>}]} {
    %get3A = arith.constant 0 : index
    %get3A_0 = arith.constant 0 : index
    %get3A_1 = arith.constant 0 : index
    %get3A_2 = vector.load %arg1[%get3A, %get3A_0, %get3A_1] : memref<2x2048x128xf32, #tpu.memory_space<vmem>>, vector<1x2048x128xf32>
    %get3A_3 = vector.shape_cast %get3A_2 : vector<1x2048x128xf32> to vector<2048x128xf32>
    %get3A_4 = arith.constant 1 : index
    %get3A_5 = arith.constant 0 : index
    %get3A_6 = arith.constant 0 : index
    %get3A_7 = vector.load %arg1[%get3A_4, %get3A_5, %get3A_6] : memref<2x2048x128xf32, #tpu.memory_space<vmem>>, vector<1x2048x128xf32>
    %get3A_8 = vector.shape_cast %get3A_7 : vector<1x2048x128xf32> to vector<2048x128xf32>
    %add3A = arith.addf %get3A_3, %get3A_8 : vector<2048x128xf32>
    %gt3A = arith.constant 0.000000e+00 : f32
    %gt3A_9 = vector.broadcast %gt3A : f32 to vector<2048x128xf32>
    %gt3A_10 = arith.cmpf ogt, %add3A, %gt3A_9 : vector<2048x128xf32>
    %max3A = arith.constant 1.000000e+00 : f32
    %max3A_11 = vector.broadcast %max3A : f32 to vector<2048x128xf32>
    %max3A_12 = arith.maximumf %add3A, %max3A_11 : vector<2048x128xf32>
    %rsqrt3A = math.rsqrt %max3A_12 : vector<2048x128xf32>
    %jit3A = arith.constant 0.000000e+00 : f32
    %broadcast_in_dim3A = vector.broadcast %jit3A : f32 to vector<2048x128xf32>
    %select_n3A = arith.select %gt3A_10, %rsqrt3A, %broadcast_in_dim3A : vector<2048x128xi1>, vector<2048x128xf32>
    %swap3A = arith.constant 0 : index
    %swap3A_13 = arith.constant 0 : index
    %swap3A_14 = vector.load %arg3[%swap3A, %swap3A_13] : memref<2048x128xf32, #tpu.memory_space<vmem>>, vector<2048x128xf32>
    tpu.vector_store %arg3[%swap3A, %swap3A_13], %select_n3A {strides = array<i32>} : memref<2048x128xf32, #tpu.memory_space<vmem>>, vector<2048x128xf32>,
    %mul3A = arith.mulf %select_n3A, %select_n3A : vector<2048x128xf32>
    %swap3A_15 = arith.constant 0 : index
    %swap3A_16 = arith.constant 0 : index
    %swap3A_17 = vector.load %arg4[%swap3A_15, %swap3A_16] : memref<2048x128xf32, #tpu.memory_space<vmem>>, vector<2048x128xf32>
    tpu.vector_store %arg4[%swap3A_15, %swap3A_16], %mul3A {strides = array<i32>} : memref<2048x128xf32, #tpu.memory_space<vmem>>, vector<2048x128xf32>,
    %get3A_18 = arith.constant 0 : index
    %get3A_19 = arith.constant 0 : index
    %get3A_20 = vector.load %arg2[%get3A_18, %get3A_19] : memref<2048x128xf32, #tpu.memory_space<vmem>>, vector<2048x128xf32>
    %mul3A_21 = arith.mulf %get3A_20, %select_n3A : vector<2048x128xf32>
    %swap3A_22 = arith.constant 0 : index
    %swap3A_23 = arith.constant 0 : index
    %swap3A_24 = vector.load %arg5[%swap3A_22, %swap3A_23] : memref<2048x128xf32, #tpu.memory_space<vmem>>, vector<2048x128xf32>
    tpu.vector_store %arg5[%swap3A_22, %swap3A_23], %mul3A_21 {strides = array<i32>} : memref<2048x128xf32, #tpu.memory_space<vmem>>, vector<2048x128xf32>,
    return
  }
  func.func @transform_0(%arg0: i32) -> (i32, i32, i32) {
    %c0_i32 = arith.constant 0 : i32
    %c0_i32_0 = arith.constant 0 : i32
    %c0_i32_1 = arith.constant 0 : i32
    return %c0_i32, %arg0, %c0_i32_0 : i32, i32, i32
  }
  func.func @transform_1(%arg0: i32) -> (i32, i32) {
    %c0_i32 = arith.constant 0 : i32
    %c0_i32_0 = arith.constant 0 : i32
    return %arg0, %c0_i32 : i32, i32
  }
  func.func @transform_2(%arg0: i32) -> (i32, i32) {
    %c0_i32 = arith.constant 0 : i32
    %c0_i32_0 = arith.constant 0 : i32
    return %arg0, %c0_i32 : i32, i32
  }
  func.func @transform_3(%arg0: i32) -> (i32, i32) {
    %c0_i32 = arith.constant 0 : i32
    %c0_i32_0 = arith.constant 0 : i32
    return %arg0, %c0_i32 : i32, i32
  }
  func.func @transform_4(%arg0: i32) -> (i32, i32) {
    %c0_i32 = arith.constant 0 : i32
    %c0_i32_0 = arith.constant 0 : i32
    return %arg0, %c0_i32 : i32, i32
  }
}

module attributes {stable_mosaic.version = 14 : i64} {
  func.func @body(%arg0: i32, %arg1: memref<2x2000x128xf32, #tpu.memory_space<vmem>>, %arg2: memref<2000x1xf32, #tpu.memory_space<vmem>>, %arg3: memref<2000x128xf32, #tpu.memory_space<vmem>>, %arg4: memref<2000x128xf32, #tpu.memory_space<vmem>>) attributes {dimension_semantics = [#tpu.dimension_semantics<arbitrary>], iteration_bounds = array<i64: 5>, scalar_prefetch = 0 : i64, scratch_operands = 0 : i64, tpu.core_type = #tpu.core_type<tc>, window_params = [{transform_indices = @transform_0, window_bounds = array<i64: 2, 2000, 128>}, {transform_indices = @transform_1, window_bounds = array<i64: 2000, 1>}, {transform_indices = @transform_2, window_bounds = array<i64: 2000, 128>}, {transform_indices = @transform_3, window_bounds = array<i64: 2000, 128>}]} {
    %get3A = arith.constant 0 : index
    %get3A_0 = arith.constant 0 : index
    %get3A_1 = arith.constant 0 : index
    %get3A_2 = vector.load %arg1[%get3A, %get3A_0, %get3A_1] : memref<2x2000x128xf32, #tpu.memory_space<vmem>>, vector<1x2000x128xf32>
    %get3A_3 = vector.shape_cast %get3A_2 : vector<1x2000x128xf32> to vector<2000x128xf32>
    %get3A_4 = arith.constant 1 : index
    %get3A_5 = arith.constant 0 : index
    %get3A_6 = arith.constant 0 : index
    %get3A_7 = vector.load %arg1[%get3A_4, %get3A_5, %get3A_6] : memref<2x2000x128xf32, #tpu.memory_space<vmem>>, vector<1x2000x128xf32>
    %get3A_8 = vector.shape_cast %get3A_7 : vector<1x2000x128xf32> to vector<2000x128xf32>
    %add3A = arith.addf %get3A_3, %get3A_8 : vector<2000x128xf32>
    %get3A_9 = arith.constant 0 : index
    %get3A_10 = arith.constant 0 : index
    %get3A_11 = vector.load %arg2[%get3A_9, %get3A_10] : memref<2000x1xf32, #tpu.memory_space<vmem>>, vector<2000x1xf32>
    %neg3A = arith.constant 0.000000e+00 : f32
    %neg3A_12 = vector.broadcast %neg3A : f32 to vector<2000x1xf32>
    %neg3A_13 = arith.subf %neg3A_12, %get3A_11 : vector<2000x1xf32>
    %mul3A = vector.broadcast %neg3A_13 : vector<2000x1xf32> to vector<2000x128xf32>
    %mul3A_14 = arith.mulf %mul3A, %add3A : vector<2000x128xf32>
    %swap3A = arith.constant 0 : index
    %swap3A_15 = arith.constant 0 : index
    %swap3A_16 = vector.load %arg4[%swap3A, %swap3A_15] : memref<2000x128xf32, #tpu.memory_space<vmem>>, vector<2000x128xf32>
    tpu.vector_store %arg4[%swap3A, %swap3A_15], %mul3A_14 {strides = array<i32>} : memref<2000x128xf32, #tpu.memory_space<vmem>>, vector<2000x128xf32>,
    return
  }
  func.func @transform_0(%arg0: i32) -> (i32, i32, i32) {
    %c0_i32 = arith.constant 0 : i32
    %c0_i32_0 = arith.constant 0 : i32
    %c0_i32_1 = arith.constant 0 : i32
    return %c0_i32, %arg0, %c0_i32_0 : i32, i32, i32
  }
  func.func @transform_1(%arg0: i32) -> (i32, i32) {
    %c0_i32 = arith.constant 0 : i32
    %c0_i32_0 = arith.constant 0 : i32
    return %arg0, %c0_i32 : i32, i32
  }
  func.func @transform_2(%arg0: i32) -> (i32, i32) {
    %c0_i32 = arith.constant 0 : i32
    %c0_i32_0 = arith.constant 0 : i32
    return %arg0, %c0_i32 : i32, i32
  }
  func.func @transform_3(%arg0: i32) -> (i32, i32) {
    %c0_i32 = arith.constant 0 : i32
    %c0_i32_0 = arith.constant 0 : i32
    return %arg0, %c0_i32 : i32, i32
  }
}

module attributes {stable_mosaic.version = 14 : i64} {
  func.func @body(%arg0: i32, %arg1: memref<2x2000x128xf32, #tpu.memory_space<vmem>>, %arg2: memref<2000x1xf32, #tpu.memory_space<vmem>>, %arg3: memref<2000x128xf32, #tpu.memory_space<vmem>>, %arg4: memref<2000x128xf32, #tpu.memory_space<vmem>>) attributes {dimension_semantics = [#tpu.dimension_semantics<arbitrary>], iteration_bounds = array<i64: 5>, scalar_prefetch = 0 : i64, scratch_operands = 0 : i64, tpu.core_type = #tpu.core_type<tc>, window_params = [{transform_indices = @transform_0, window_bounds = array<i64: 2, 2000, 128>}, {transform_indices = @transform_1, window_bounds = array<i64: 2000, 1>}, {transform_indices = @transform_2, window_bounds = array<i64: 2000, 128>}, {transform_indices = @transform_3, window_bounds = array<i64: 2000, 128>}]} {
    %get3A = arith.constant 0 : index
    %get3A_0 = arith.constant 0 : index
    %get3A_1 = arith.constant 0 : index
    %get3A_2 = vector.load %arg1[%get3A, %get3A_0, %get3A_1] : memref<2x2000x128xf32, #tpu.memory_space<vmem>>, vector<1x2000x128xf32>
    %get3A_3 = vector.shape_cast %get3A_2 : vector<1x2000x128xf32> to vector<2000x128xf32>
    %get3A_4 = arith.constant 1 : index
    %get3A_5 = arith.constant 0 : index
    %get3A_6 = arith.constant 0 : index
    %get3A_7 = vector.load %arg1[%get3A_4, %get3A_5, %get3A_6] : memref<2x2000x128xf32, #tpu.memory_space<vmem>>, vector<1x2000x128xf32>
    %get3A_8 = vector.shape_cast %get3A_7 : vector<1x2000x128xf32> to vector<2000x128xf32>
    %add3A = arith.addf %get3A_3, %get3A_8 : vector<2000x128xf32>
    %get3A_9 = arith.constant 0 : index
    %get3A_10 = arith.constant 0 : index
    %get3A_11 = vector.load %arg2[%get3A_9, %get3A_10] : memref<2000x1xf32, #tpu.memory_space<vmem>>, vector<2000x1xf32>
    %mul3A = arith.constant -2.000000e+00 : f32
    %mul3A_12 = vector.broadcast %mul3A : f32 to vector<2000x1xf32>
    %mul3A_13 = arith.mulf %mul3A_12, %get3A_11 : vector<2000x1xf32>
    %mul3A_14 = vector.broadcast %mul3A_13 : vector<2000x1xf32> to vector<2000x128xf32>
    %mul3A_15 = arith.mulf %mul3A_14, %add3A : vector<2000x128xf32>
    %get3A_16 = arith.constant 0 : index
    %get3A_17 = arith.constant 0 : index
    %get3A_18 = vector.load %arg3[%get3A_16, %get3A_17] : memref<2000x128xf32, #tpu.memory_space<vmem>>, vector<2000x128xf32>
    %sub3A = arith.subf %mul3A_15, %get3A_18 : vector<2000x128xf32>
    %swap3A = arith.constant 0 : index
    %swap3A_19 = arith.constant 0 : index
    %swap3A_20 = vector.load %arg4[%swap3A, %swap3A_19] : memref<2000x128xf32, #tpu.memory_space<vmem>>, vector<2000x128xf32>
    tpu.vector_store %arg4[%swap3A, %swap3A_19], %sub3A {strides = array<i32>} : memref<2000x128xf32, #tpu.memory_space<vmem>>, vector<2000x128xf32>,
    return
  }
  func.func @transform_0(%arg0: i32) -> (i32, i32, i32) {
    %c0_i32 = arith.constant 0 : i32
    %c0_i32_0 = arith.constant 0 : i32
    %c0_i32_1 = arith.constant 0 : i32
    return %c0_i32, %arg0, %c0_i32_0 : i32, i32, i32
  }
  func.func @transform_1(%arg0: i32) -> (i32, i32) {
    %c0_i32 = arith.constant 0 : i32
    %c0_i32_0 = arith.constant 0 : i32
    return %arg0, %c0_i32 : i32, i32
  }
  func.func @transform_2(%arg0: i32) -> (i32, i32) {
    %c0_i32 = arith.constant 0 : i32
    %c0_i32_0 = arith.constant 0 : i32
    return %arg0, %c0_i32 : i32, i32
  }
  func.func @transform_3(%arg0: i32) -> (i32, i32) {
    %c0_i32 = arith.constant 0 : i32
    %c0_i32_0 = arith.constant 0 : i32
    return %arg0, %c0_i32 : i32, i32
  }
}

module attributes {stable_mosaic.version = 14 : i64} {
  func.func @body(%arg0: i32, %arg1: memref<2x2000x128xf32, #tpu.memory_space<vmem>>, %arg2: memref<2000x1xf32, #tpu.memory_space<vmem>>, %arg3: memref<2000x128xf32, #tpu.memory_space<vmem>>, %arg4: memref<2000x128xf32, #tpu.memory_space<vmem>>) attributes {dimension_semantics = [#tpu.dimension_semantics<arbitrary>], iteration_bounds = array<i64: 5>, scalar_prefetch = 0 : i64, scratch_operands = 0 : i64, tpu.core_type = #tpu.core_type<tc>, window_params = [{transform_indices = @transform_0, window_bounds = array<i64: 2, 2000, 128>}, {transform_indices = @transform_1, window_bounds = array<i64: 2000, 1>}, {transform_indices = @transform_2, window_bounds = array<i64: 2000, 128>}, {transform_indices = @transform_3, window_bounds = array<i64: 2000, 128>}]} {
    %get3A = arith.constant 0 : index
    %get3A_0 = arith.constant 0 : index
    %get3A_1 = arith.constant 0 : index
    %get3A_2 = vector.load %arg1[%get3A, %get3A_0, %get3A_1] : memref<2x2000x128xf32, #tpu.memory_space<vmem>>, vector<1x2000x128xf32>
    %get3A_3 = vector.shape_cast %get3A_2 : vector<1x2000x128xf32> to vector<2000x128xf32>
    %get3A_4 = arith.constant 1 : index
    %get3A_5 = arith.constant 0 : index
    %get3A_6 = arith.constant 0 : index
    %get3A_7 = vector.load %arg1[%get3A_4, %get3A_5, %get3A_6] : memref<2x2000x128xf32, #tpu.memory_space<vmem>>, vector<1x2000x128xf32>
    %get3A_8 = vector.shape_cast %get3A_7 : vector<1x2000x128xf32> to vector<2000x128xf32>
    %add3A = arith.addf %get3A_3, %get3A_8 : vector<2000x128xf32>
    %get3A_9 = arith.constant 0 : index
    %get3A_10 = arith.constant 0 : index
    %get3A_11 = vector.load %arg2[%get3A_9, %get3A_10] : memref<2000x1xf32, #tpu.memory_space<vmem>>, vector<2000x1xf32>
    %neg3A = arith.constant 0.000000e+00 : f32
    %neg3A_12 = vector.broadcast %neg3A : f32 to vector<2000x1xf32>
    %neg3A_13 = arith.subf %neg3A_12, %get3A_11 : vector<2000x1xf32>
    %mul3A = vector.broadcast %neg3A_13 : vector<2000x1xf32> to vector<2000x128xf32>
    %mul3A_14 = arith.mulf %mul3A, %add3A : vector<2000x128xf32>
    %swap3A = arith.constant 0 : index
    %swap3A_15 = arith.constant 0 : index
    %swap3A_16 = vector.load %arg4[%swap3A, %swap3A_15] : memref<2000x128xf32, #tpu.memory_space<vmem>>, vector<2000x128xf32>
    tpu.vector_store %arg4[%swap3A, %swap3A_15], %mul3A_14 {strides = array<i32>} : memref<2000x128xf32, #tpu.memory_space<vmem>>, vector<2000x128xf32>,
    return
  }
  func.func @transform_0(%arg0: i32) -> (i32, i32, i32) {
    %c0_i32 = arith.constant 0 : i32
    %c0_i32_0 = arith.constant 0 : i32
    %c0_i32_1 = arith.constant 0 : i32
    return %c0_i32, %arg0, %c0_i32_0 : i32, i32, i32
  }
  func.func @transform_1(%arg0: i32) -> (i32, i32) {
    %c0_i32 = arith.constant 0 : i32
    %c0_i32_0 = arith.constant 0 : i32
    return %arg0, %c0_i32 : i32, i32
  }
  func.func @transform_2(%arg0: i32) -> (i32, i32) {
    %c0_i32 = arith.constant 0 : i32
    %c0_i32_0 = arith.constant 0 : i32
    return %arg0, %c0_i32 : i32, i32
  }
  func.func @transform_3(%arg0: i32) -> (i32, i32) {
    %c0_i32 = arith.constant 0 : i32
    %c0_i32_0 = arith.constant 0 : i32
    return %arg0, %c0_i32 : i32, i32
  }
}

module attributes {stable_mosaic.version = 14 : i64} {
  func.func @body(%arg0: i32, %arg1: memref<2x2000x128xf32, #tpu.memory_space<vmem>>, %arg2: memref<2000x1xf32, #tpu.memory_space<vmem>>, %arg3: memref<2000x128xf32, #tpu.memory_space<vmem>>, %arg4: memref<2000x128xf32, #tpu.memory_space<vmem>>) attributes {dimension_semantics = [#tpu.dimension_semantics<arbitrary>], iteration_bounds = array<i64: 5>, scalar_prefetch = 0 : i64, scratch_operands = 0 : i64, tpu.core_type = #tpu.core_type<tc>, window_params = [{transform_indices = @transform_0, window_bounds = array<i64: 2, 2000, 128>}, {transform_indices = @transform_1, window_bounds = array<i64: 2000, 1>}, {transform_indices = @transform_2, window_bounds = array<i64: 2000, 128>}, {transform_indices = @transform_3, window_bounds = array<i64: 2000, 128>}]} {
    %get3A = arith.constant 0 : index
    %get3A_0 = arith.constant 0 : index
    %get3A_1 = arith.constant 0 : index
    %get3A_2 = vector.load %arg1[%get3A, %get3A_0, %get3A_1] : memref<2x2000x128xf32, #tpu.memory_space<vmem>>, vector<1x2000x128xf32>
    %get3A_3 = vector.shape_cast %get3A_2 : vector<1x2000x128xf32> to vector<2000x128xf32>
    %get3A_4 = arith.constant 1 : index
    %get3A_5 = arith.constant 0 : index
    %get3A_6 = arith.constant 0 : index
    %get3A_7 = vector.load %arg1[%get3A_4, %get3A_5, %get3A_6] : memref<2x2000x128xf32, #tpu.memory_space<vmem>>, vector<1x2000x128xf32>
    %get3A_8 = vector.shape_cast %get3A_7 : vector<1x2000x128xf32> to vector<2000x128xf32>
    %add3A = arith.addf %get3A_3, %get3A_8 : vector<2000x128xf32>
    %get3A_9 = arith.constant 0 : index
    %get3A_10 = arith.constant 0 : index
    %get3A_11 = vector.load %arg2[%get3A_9, %get3A_10] : memref<2000x1xf32, #tpu.memory_space<vmem>>, vector<2000x1xf32>
    %mul3A = arith.constant -2.000000e+00 : f32
    %mul3A_12 = vector.broadcast %mul3A : f32 to vector<2000x1xf32>
    %mul3A_13 = arith.mulf %mul3A_12, %get3A_11 : vector<2000x1xf32>
    %mul3A_14 = vector.broadcast %mul3A_13 : vector<2000x1xf32> to vector<2000x128xf32>
    %mul3A_15 = arith.mulf %mul3A_14, %add3A : vector<2000x128xf32>
    %get3A_16 = arith.constant 0 : index
    %get3A_17 = arith.constant 0 : index
    %get3A_18 = vector.load %arg3[%get3A_16, %get3A_17] : memref<2000x128xf32, #tpu.memory_space<vmem>>, vector<2000x128xf32>
    %sub3A = arith.subf %mul3A_15, %get3A_18 : vector<2000x128xf32>
    %swap3A = arith.constant 0 : index
    %swap3A_19 = arith.constant 0 : index
    %swap3A_20 = vector.load %arg4[%swap3A, %swap3A_19] : memref<2000x128xf32, #tpu.memory_space<vmem>>, vector<2000x128xf32>
    tpu.vector_store %arg4[%swap3A, %swap3A_19], %sub3A {strides = array<i32>} : memref<2000x128xf32, #tpu.memory_space<vmem>>, vector<2000x128xf32>,
    return
  }
  func.func @transform_0(%arg0: i32) -> (i32, i32, i32) {
    %c0_i32 = arith.constant 0 : i32
    %c0_i32_0 = arith.constant 0 : i32
    %c0_i32_1 = arith.constant 0 : i32
    return %c0_i32, %arg0, %c0_i32_0 : i32, i32, i32
  }
  func.func @transform_1(%arg0: i32) -> (i32, i32) {
    %c0_i32 = arith.constant 0 : i32
    %c0_i32_0 = arith.constant 0 : i32
    return %arg0, %c0_i32 : i32, i32
  }
  func.func @transform_2(%arg0: i32) -> (i32, i32) {
    %c0_i32 = arith.constant 0 : i32
    %c0_i32_0 = arith.constant 0 : i32
    return %arg0, %c0_i32 : i32, i32
  }
  func.func @transform_3(%arg0: i32) -> (i32, i32) {
    %c0_i32 = arith.constant 0 : i32
    %c0_i32_0 = arith.constant 0 : i32
    return %arg0, %c0_i32 : i32, i32
  }
}

module attributes {stable_mosaic.version = 14 : i64} {
  func.func @body(%arg0: i32, %arg1: memref<1000x128xf32, #tpu.memory_space<vmem>>, %arg2: memref<1000x128xf32, #tpu.memory_space<vmem>>, %arg3: memref<1000x128xf32, #tpu.memory_space<vmem>>, %arg4: memref<1000x128xf32, #tpu.memory_space<vmem>>, %arg5: memref<2x1000x128xf32, #tpu.memory_space<vmem>>, %arg6: memref<1000x1xf32, #tpu.memory_space<vmem>>, %arg7: memref<5x128x128xf32, #tpu.memory_space<vmem>>, %arg8: memref<1x128xf32, #tpu.memory_space<vmem>>, %arg9: memref<1000x128xf32, #tpu.memory_space<vmem>>) attributes {dimension_semantics = [#tpu.dimension_semantics<arbitrary>], iteration_bounds = array<i64: 10>, scalar_prefetch = 0 : i64, scratch_operands = 0 : i64, tpu.core_type = #tpu.core_type<tc>, window_params = [{transform_indices = @transform_0, window_bounds = array<i64: 1000, 128>}, {transform_indices = @transform_1, window_bounds = array<i64: 1000, 128>}, {transform_indices = @transform_2, window_bounds = array<i64: 1000, 128>}, {transform_indices = @transform_3, window_bounds = array<i64: 1000, 128>}, {transform_indices = @transform_4, window_bounds = array<i64: 2, 1000, 128>}, {transform_indices = @transform_5, window_bounds = array<i64: 1000, 1>}, {pipeline_mode = #tpu.pipeline_mode<synchronous>, transform_indices = @transform_6, window_bounds = array<i64: 5, 128, 128>}, {pipeline_mode = #tpu.pipeline_mode<synchronous>, transform_indices = @transform_7, window_bounds = array<i64: 1, 128>}, {transform_indices = @transform_8, window_bounds = array<i64: 1000, 128>}]} {
    %get3A = arith.constant 0 : index
    %get3A_0 = arith.constant 0 : index
    %get3A_1 = vector.load %arg6[%get3A, %get3A_0] : memref<1000x1xf32, #tpu.memory_space<vmem>>, vector<1000x1xf32>
    %mul3A = arith.constant -2.000000e+00 : f32
    %mul3A_2 = vector.broadcast %mul3A : f32 to vector<1000x1xf32>
    %mul3A_3 = arith.mulf %mul3A_2, %get3A_1 : vector<1000x1xf32>
    %get3A_4 = arith.constant 0 : index
    %get3A_5 = arith.constant 0 : index
    %get3A_6 = arith.constant 0 : index
    %get3A_7 = vector.load %arg5[%get3A_4, %get3A_5, %get3A_6] : memref<2x1000x128xf32, #tpu.memory_space<vmem>>, vector<1x1000x128xf32>
    %get3A_8 = vector.shape_cast %get3A_7 : vector<1x1000x128xf32> to vector<1000x128xf32>
    %get3A_9 = arith.constant 1 : index
    %get3A_10 = arith.constant 0 : index
    %get3A_11 = arith.constant 0 : index
    %get3A_12 = vector.load %arg5[%get3A_9, %get3A_10, %get3A_11] : memref<2x1000x128xf32, #tpu.memory_space<vmem>>, vector<1x1000x128xf32>
    %get3A_13 = vector.shape_cast %get3A_12 : vector<1x1000x128xf32> to vector<1000x128xf32>
    %add3A = arith.addf %get3A_8, %get3A_13 : vector<1000x128xf32>
    %mul3A_14 = vector.broadcast %mul3A_3 : vector<1000x1xf32> to vector<1000x128xf32>
    %mul3A_15 = arith.mulf %mul3A_14, %add3A : vector<1000x128xf32>
    %get3A_16 = arith.constant 0 : index
    %get3A_17 = arith.constant 0 : index
    %get3A_18 = vector.load %arg3[%get3A_16, %get3A_17] : memref<1000x128xf32, #tpu.memory_space<vmem>>, vector<1000x128xf32>
    %sub3A = arith.subf %mul3A_15, %get3A_18 : vector<1000x128xf32>
    %get3A_19 = arith.constant 0 : index
    %get3A_20 = arith.constant 0 : index
    %get3A_21 = vector.load %arg1[%get3A_19, %get3A_20] : memref<1000x128xf32, #tpu.memory_space<vmem>>, vector<1000x128xf32>
    %get3A_22 = arith.constant 0 : index
    %get3A_23 = arith.constant 0 : index
    %get3A_24 = arith.constant 0 : index
    %get3A_25 = vector.load %arg7[%get3A_22, %get3A_23, %get3A_24] : memref<5x128x128xf32, #tpu.memory_space<vmem>>, vector<1x128x128xf32>
    %get3A_26 = vector.shape_cast %get3A_25 : vector<1x128x128xf32> to vector<128x128xf32>
    %dot_general3A = arith.constant dense<0.000000e+00> : vector<1000x128xf32>
    %dot_general3A_27 = tpu.matmul %get3A_21, %get3A_26, %dot_general3A {dimension_numbers = #tpu.dot_dimension_numbers<[1], [0], [0], [1], [0, 0, 1, 1], [], []>, transpose_lhs_hint = false} : vector<1000x128xf32>, vector<128x128xf32>, vector<1000x128xf32> -> vector<1000x128xf32>
    %get3A_28 = arith.constant 0 : index
    %get3A_29 = arith.constant 0 : index
    %get3A_30 = vector.load %arg2[%get3A_28, %get3A_29] : memref<1000x128xf32, #tpu.memory_space<vmem>>, vector<1000x128xf32>
    %get3A_31 = arith.constant 1 : index
    %get3A_32 = arith.constant 0 : index
    %get3A_33 = arith.constant 0 : index
    %get3A_34 = vector.load %arg7[%get3A_31, %get3A_32, %get3A_33] : memref<5x128x128xf32, #tpu.memory_space<vmem>>, vector<1x128x128xf32>
    %get3A_35 = vector.shape_cast %get3A_34 : vector<1x128x128xf32> to vector<128x128xf32>
    %dot_general3A_36 = arith.constant dense<0.000000e+00> : vector<1000x128xf32>
    %dot_general3A_37 = tpu.matmul %get3A_30, %get3A_35, %dot_general3A_36 {dimension_numbers = #tpu.dot_dimension_numbers<[1], [0], [0], [1], [0, 0, 1, 1], [], []>, transpose_lhs_hint = false} : vector<1000x128xf32>, vector<128x128xf32>, vector<1000x128xf32> -> vector<1000x128xf32>
    %add3A_38 = arith.addf %dot_general3A_27, %dot_general3A_37 : vector<1000x128xf32>
    %get3A_39 = arith.constant 0 : index
    %get3A_40 = arith.constant 0 : index
    %get3A_41 = vector.load %arg3[%get3A_39, %get3A_40] : memref<1000x128xf32, #tpu.memory_space<vmem>>, vector<1000x128xf32>
    %get3A_42 = arith.constant 2 : index
    %get3A_43 = arith.constant 0 : index
    %get3A_44 = arith.constant 0 : index
    %get3A_45 = vector.load %arg7[%get3A_42, %get3A_43, %get3A_44] : memref<5x128x128xf32, #tpu.memory_space<vmem>>, vector<1x128x128xf32>
    %get3A_46 = vector.shape_cast %get3A_45 : vector<1x128x128xf32> to vector<128x128xf32>
    %dot_general3A_47 = arith.constant dense<0.000000e+00> : vector<1000x128xf32>
    %dot_general3A_48 = tpu.matmul %get3A_41, %get3A_46, %dot_general3A_47 {dimension_numbers = #tpu.dot_dimension_numbers<[1], [0], [0], [1], [0, 0, 1, 1], [], []>, transpose_lhs_hint = false} : vector<1000x128xf32>, vector<128x128xf32>, vector<1000x128xf32> -> vector<1000x128xf32>
    %add3A_49 = arith.addf %add3A_38, %dot_general3A_48 : vector<1000x128xf32>
    %get3A_50 = arith.constant 0 : index
    %get3A_51 = arith.constant 0 : index
    %get3A_52 = vector.load %arg4[%get3A_50, %get3A_51] : memref<1000x128xf32, #tpu.memory_space<vmem>>, vector<1000x128xf32>
    %get3A_53 = arith.constant 3 : index
    %get3A_54 = arith.constant 0 : index
    %get3A_55 = arith.constant 0 : index
    %get3A_56 = vector.load %arg7[%get3A_53, %get3A_54, %get3A_55] : memref<5x128x128xf32, #tpu.memory_space<vmem>>, vector<1x128x128xf32>
    %get3A_57 = vector.shape_cast %get3A_56 : vector<1x128x128xf32> to vector<128x128xf32>
    %dot_general3A_58 = arith.constant dense<0.000000e+00> : vector<1000x128xf32>
    %dot_general3A_59 = tpu.matmul %get3A_52, %get3A_57, %dot_general3A_58 {dimension_numbers = #tpu.dot_dimension_numbers<[1], [0], [0], [1], [0, 0, 1, 1], [], []>, transpose_lhs_hint = false} : vector<1000x128xf32>, vector<128x128xf32>, vector<1000x128xf32> -> vector<1000x128xf32>
    %add3A_60 = arith.addf %add3A_49, %dot_general3A_59 : vector<1000x128xf32>
    %get3A_61 = arith.constant 4 : index
    %get3A_62 = arith.constant 0 : index
    %get3A_63 = arith.constant 0 : index
    %get3A_64 = vector.load %arg7[%get3A_61, %get3A_62, %get3A_63] : memref<5x128x128xf32, #tpu.memory_space<vmem>>, vector<1x128x128xf32>
    %get3A_65 = vector.shape_cast %get3A_64 : vector<1x128x128xf32> to vector<128x128xf32>
    %dot_general3A_66 = arith.constant dense<0.000000e+00> : vector<1000x128xf32>
    %dot_general3A_67 = tpu.matmul %sub3A, %get3A_65, %dot_general3A_66 {dimension_numbers = #tpu.dot_dimension_numbers<[1], [0], [0], [1], [0, 0, 1, 1], [], []>, transpose_lhs_hint = false} : vector<1000x128xf32>, vector<128x128xf32>, vector<1000x128xf32> -> vector<1000x128xf32>
    %add3A_68 = arith.addf %add3A_60, %dot_general3A_67 : vector<1000x128xf32>
    %get3A_69 = arith.constant 0 : index
    %get3A_70 = arith.constant 0 : index
    %get3A_71 = vector.load %arg8[%get3A_69, %get3A_70] : memref<1x128xf32, #tpu.memory_space<vmem>>, vector<1x128xf32>
    %add3A_72 = vector.broadcast %get3A_71 : vector<1x128xf32> to vector<1000x128xf32>
    %add3A_73 = arith.addf %add3A_68, %add3A_72 : vector<1000x128xf32>
    %swap3A = arith.constant 0 : index
    %swap3A_74 = arith.constant 0 : index
    %swap3A_75 = vector.load %arg9[%swap3A, %swap3A_74] : memref<1000x128xf32, #tpu.memory_space<vmem>>, vector<1000x128xf32>
    tpu.vector_store %arg9[%swap3A, %swap3A_74], %add3A_73 {strides = array<i32>} : memref<1000x128xf32, #tpu.memory_space<vmem>>, vector<1000x128xf32>,
    return
  }
  func.func @transform_0(%arg0: i32) -> (i32, i32) {
    %c0_i32 = arith.constant 0 : i32
    %c0_i32_0 = arith.constant 0 : i32
    return %arg0, %c0_i32 : i32, i32
  }
  func.func @transform_1(%arg0: i32) -> (i32, i32) {
    %c0_i32 = arith.constant 0 : i32
    %c0_i32_0 = arith.constant 0 : i32
    return %arg0, %c0_i32 : i32, i32
  }
  func.func @transform_2(%arg0: i32) -> (i32, i32) {
    %c0_i32 = arith.constant 0 : i32
    %c0_i32_0 = arith.constant 0 : i32
    return %arg0, %c0_i32 : i32, i32
  }
  func.func @transform_3(%arg0: i32) -> (i32, i32) {
    %c0_i32 = arith.constant 0 : i32
    %c0_i32_0 = arith.constant 0 : i32
    return %arg0, %c0_i32 : i32, i32
  }
  func.func @transform_4(%arg0: i32) -> (i32, i32, i32) {
    %c0_i32 = arith.constant 0 : i32
    %c0_i32_0 = arith.constant 0 : i32
    %c0_i32_1 = arith.constant 0 : i32
    return %c0_i32, %arg0, %c0_i32_0 : i32, i32, i32
  }
  func.func @transform_5(%arg0: i32) -> (i32, i32) {
    %c0_i32 = arith.constant 0 : i32
    %c0_i32_0 = arith.constant 0 : i32
    return %arg0, %c0_i32 : i32, i32
  }
  func.func @transform_6(%arg0: i32) -> (i32, i32, i32) {
    %c0_i32 = arith.constant 0 : i32
    %c0_i32_0 = arith.constant 0 : i32
    %c0_i32_1 = arith.constant 0 : i32
    %c0_i32_2 = arith.constant 0 : i32
    return %c0_i32, %c0_i32_0, %c0_i32_1 : i32, i32, i32
  }
  func.func @transform_7(%arg0: i32) -> (i32, i32) {
    %c0_i32 = arith.constant 0 : i32
    %c0_i32_0 = arith.constant 0 : i32
    %c0_i32_1 = arith.constant 0 : i32
    return %c0_i32, %c0_i32_0 : i32, i32
  }
  func.func @transform_8(%arg0: i32) -> (i32, i32) {
    %c0_i32 = arith.constant 0 : i32
    %c0_i32_0 = arith.constant 0 : i32
    return %arg0, %c0_i32 : i32, i32
  }
}

</mosaic_0001>

<sc_bundles>
// kernel: kernel.15.cloned.1.call-start
scs
__scs_entry_jumppad:
0x0: {  	(pc) =	sbr.rel $0x88, $3  }
0x1: {  	(tag) =	ssettag $0x0;
	lr =	simm.s32 $0x1  }
0x2: {  	[smem:$0x3F9D] =	sst lr;
	_ =	strace $0xD0000000  }
0x3: {  	_ = 	snop  }
0x4: {  	_ = 	snop  }
0x5: {  	_ = 	snop  }
0x6: {  	_ = 	snop  }
0x7: {  	_ = 	snop  }
__scs_overlays_trampoline_lowered:
0x8: {  	[smem:$0x3FAC] =	sst s0  }
0x9: {  	[smem:$0x3FAD] =	sst s1  }
0xa: {  	[smem:$0x3FAE] =	sst s2  }
0xb: {  	[smem:$0x3FAF] =	sst s3  }
0xc: {  	[smem:$0x3FB0] =	sst s4  }
0xd: {  	[smem:$0x3FB1] =	sst s5  }
0xe: {  	[smem:$0x3FB2] =	sst s6  }
0xf: {  	[smem:$0x3FB3] =	sst s7  }
0x10: {  	[smem:$0x3FB4] =	sst s8  }
0x11: {  	[smem:$0x3FB5] =	sst s9;
	s0 =	simm.s32 @!p0 $0x0  }
0x12: {  	s1 =	sld [smem:$0x3F9B];
	s0 =	simm.s32 @p0 $0x1  }
0x13: {  	[smem:$0x3FB6] =	sst s0;
	s0 =	simm.s32 @!p1 $0x0  }
0x14: {  	s2 =	sld [smem:$0x3F9A];
	s0 =	simm.s32 @p1 $0x1  }
0x15: {  	[smem:$0x3FB7] =	sst s0;
	s0 =	simm.s32 @!p2 $0x0  }
0x16: {  	s3 =	sld [smem:$0x3FDB];
	s0 =	simm.s32 @p2 $0x1  }
0x17: {  	s4 =	simm.s32 $0x1BF5;
	[smem:$0x3FB9] =	sst s0  }
0x18: {  	s0 =	sld [smem:$0x3F9C];
	_ =	swait.ge [sflag:s4], $0x0  }
0x19: {  	s7 =	sld [smem:$0x3F9D]  }
0x1a: {  	s8 =	sadd.s32 $0xFFFFE003, lr  }
0x1b: {  	s9 =	sadd.s32 $0xFFFFFEF7, lr;
	s5 =	simm.s32 $0xFFFFFFFF;
	p2 =	slt.u32 s8, $0xFFFFF086  }
0x1c: {  	p1 =	slt.u32 s9, $0xF7A;
	s5 =	simm.s32 @!p2 $0x0  }
0x1d: {  	s5 =	simm.s32 @p1 $0x1;
	p0 =	seq.s32 s7, s2  }
0x1e: {  	s7 =	smul.u32 @!p0 $0xF7A, s2;
	p2 =	seq.s32 @!p0 s5, $0x0  }
0x1f: {  	s9 =	smul.u32 $0xF7A, s1;
	s8 =	simm.s32 @!p0 $0x1BF5;
	p2 =	por !p2, p0  }
0x20: {  	[sflag:s8] =	ssyncset.s32 @!p0 $0xFFFFF086;
	s6 =	sadd.s32 @!p0 s3, s7;
	s7 =	simm.s32 @!p0 $0x108  }
0x21: {  	s3 =	sadd.s32 s3, s9;
	s6 =	sadd.s32 @!p0 $0x88, s6;
	s7 =	simm.s32 @p2 $0x1082  }
0x22: {  	[simem:s7], [sflag:s8] =	dma.local @!p0 [hbm:s6], $0xF7A  }
0x23: {  	s9 =	sor.u32 $0xD0000000, s2;
	s6 =	simm.s32 $0x108;
	_ =	swait.ge @!p0 [sflag:s8], $0x0  }
0x24: {  	s3 =	sadd.s32 $0x88, s3;
	s6 =	simm.s32 @!p1 $0x1082;
	[sflag:s4] =	ssyncset.s32 $0xFFFFF086  }
0x25: {  	[simem:s6], [sflag:s4] =	dma.local [hbm:s3], $0xF7A  }
0x26: {  	[smem:$0x3F9D] =	sst s1;
	(tag) =	ssettag s2;
	_ =	strace s9  }
0x27: {  	s1 =	sld [smem:$0x3FAD]  }
0x28: {  	s2 =	sld [smem:$0x3FAE]  }
0x29: {  	s4 =	sld [smem:$0x3FB0]  }
0x2a: {  	p0 =	seq.s32 s5, $0x0;
	s5 =	sld [smem:$0x3FB1]  }
0x2b: {  	s6 =	sld [smem:$0x3FB2]  }
0x2c: {  	s7 =	sld [smem:$0x3FB3]  }
0x2d: {  	s3 =	simm.s32 $0x108;
	s8 =	sld [smem:$0x3FB4]  }
0x2e: {  	s3 =	simm.s32 @!p0 $0x1082;
	s9 =	sld [smem:$0x3FB5]  }
0x2f: {  	lr =	sadd.s32 s0, s3;
	s0 =	sld [smem:$0x3FAC]  }
0x30: {  	s3 =	sld [smem:$0x3FAF]  }
0x31: {  	[smem:$0x3FB8] =	sst s10  }
0x32: {  	s10 =	sld [smem:$0x3FB6];
	_ =	sdelay $0x3  }
0x33: {  	p0 =	seq.s32 s10, $0x1;
	s10 =	sld [smem:$0x3FB8];
	_ =	sdelay $0x3  }
0x34: {  	[smem:$0x3FB8] =	sst s10  }
0x35: {  	s10 =	sld [smem:$0x3FB7];
	_ =	sdelay $0x3  }
0x36: {  	p1 =	seq.s32 s10, $0x1;
	s10 =	sld [smem:$0x3FB8];
	_ =	sdelay $0x3  }
0x37: {  	[smem:$0x3FB8] =	sst s10  }
0x38: {  	s10 =	sld [smem:$0x3FB9]  }
0x39: {  	_ = 	snop;
	(pc) =	sbr.ind lr, $3  }
0x3a: {  	_ = 	snop  }
0x3b: {  	_ = 	snop  }
0x3c: {  	p2 =	seq.s32 s10, $0x1;
	s10 =	sld [smem:$0x3FB8]  }
0x3d: {  	_ =	shalt  }
0x3e: {  	_ =	shalt  }
0x3f: {  	_ =	shalt  }
0x40: {  	_ =	shalt  }
0x41: {  	_ =	shalt  }
0x42: {  	_ =	shalt  }
0x43: {  	_ =	shalt  }
0x44: {  	_ =	shalt  }
0x45: {  	_ =	shalt  }
0x46: {  	_ =	shalt  }
0x47: {  	_ =	shalt  }
0x48: {  	_ =	shalt  }
0x49: {  	_ =	shalt  }
0x4a: {  	_ =	shalt  }
0x4b: {  	_ =	shalt  }
0x4c: {  	_ =	shalt  }
0x4d: {  	_ =	shalt  }
0x4e: {  	_ =	shalt  }
0x4f: {  	_ =	shalt  }
0x50: {  	_ =	shalt  }
0x51: {  	_ =	shalt  }
0x52: {  	_ =	shalt  }
0x53: {  	_ =	shalt  }
0x54: {  	_ =	shalt  }
0x55: {  	_ =	shalt  }
0x56: {  	_ =	shalt  }
0x57: {  	_ =	shalt  }
0x58: {  	_ =	shalt  }
0x59: {  	_ =	shalt  }
0x5a: {  	_ =	shalt  }
0x5b: {  	_ =	shalt  }
0x5c: {  	_ =	shalt  }
0x5d: {  	_ =	shalt  }
0x5e: {  	_ =	shalt  }
0x5f: {  	_ =	shalt  }
0x60: {  	_ =	shalt  }
0x61: {  	_ =	shalt  }
0x62: {  	_ =	shalt  }
0x63: {  	_ =	shalt  }
0x64: {  	_ =	shalt  }
0x65: {  	_ =	shalt  }
0x66: {  	_ =	shalt  }
0x67: {  	_ =	shalt  }
0x68: {  	_ =	shalt  }
0x69: {  	_ =	shalt  }
0x6a: {  	_ =	shalt  }
0x6b: {  	_ =	shalt  }
0x6c: {  	_ =	shalt  }
0x6d: {  	_ =	shalt  }
0x6e: {  	_ =	shalt  }
0x6f: {  	_ =	shalt  }
0x70: {  	_ =	shalt  }
0x71: {  	_ =	shalt  }
0x72: {  	_ =	shalt  }
0x73: {  	_ =	shalt  }
0x74: {  	_ =	shalt  }
0x75: {  	_ =	shalt  }
0x76: {  	_ =	shalt  }
0x77: {  	_ =	shalt  }
0x78: {  	_ =	shalt  }
0x79: {  	_ =	shalt  }
0x7a: {  	_ =	shalt  }
0x7b: {  	_ =	shalt  }
0x7c: {  	_ =	shalt  }
0x7d: {  	_ =	shalt  }
0x7e: {  	_ =	shalt  }
0x7f: {  	_ =	shalt  }
0x80: {  	_ =	shalt  }
0x81: {  	_ =	shalt  }
0x82: {  	_ =	shalt  }
0x83: {  	_ =	shalt  }
0x84: {  	_ =	shalt  }
0x85: {  	_ =	shalt  }
0x86: {  	_ =	shalt  }
0x87: {  	_ =	shalt  }
.Lfunc_end0:
.L_simem_size_0:
called_computation_lowered:
.L_overlay_start_0:
0x88: {  	s2 =	sld [smem:$0x3FD9]  }
0x89: {  	s3 =	sld [smem:$0x3FFE];
	_ =	sdelay $0x1  }
0x8a: {  	s1 =	srdreg.scid  }
0x8b: {  	s0 =	sand.u32 $0x1, s1  }
0x8c: {  	s16 =	sshll.u32 s0, $0xA;
	s2 =	sadd.s32 s3, s2  }
0x8d: {  	s2 =	sadd.s32 s2, s16  }
0x8e: {  	[smem:$0x3FC4] =	sst s2  }
0x8f: {  	_ = 	snop  }
0x90: {  	(tm) =	ssettm $0x1  }
0x91: {  	s17 =	sld [smem:$0x3FFB];
	_ =	sdelay $0x3  }
0x92: {  	_ =	strace s17  }
0x93: {  	s2 =	sld [smem:$0x3FFC];
	_ =	sdelay $0x3  }
0x94: {  	_ =	strace s2  }
0x95: {  	s2 =	sld [smem:$0x3FFD];
	_ =	sdelay $0x3  }
0x96: {  	_ =	strace s2  }
0x97: {  	_ =	strace $0x8FFFFFFF  }
0x98: {  	s18 =	sld [smem:$0x3FDB];
	_ =	sdelay $0x1  }
0x99: {  	s19 =	simm.s32 $_scs_section_size  }
0x9a: {  	s4 =	simm.s32 $_size__tile_overlayer_lowered;
	s5 =	simm.s32 $_tile_overlayer_lowered  }
0x9b: {  	s22 =	simm.s32 $0x1BFF;
	s21 =	sshll.u32 s5, $0x1;
	s2 =	sadd.s32 s19, s18  }
0x9c: {  	s6 =	simm.s32 $0x0;
	s20 =	sshll.u32 s4, $0x1;
	s4 =	sadd.s32 s21, s2  }
0x9d: {  	[timem:s6], [sflag:s22] =	dma.local [hbm:s4], s20  }
0x9e: {  	_ =	swait.ge [sflag:s22], s20  }
0x9f: {  	s3 =	ssub.s32 $0x0, s20;
	[sflag:s22] =	ssyncset.done $0x0  }
0xa0: {  	[sflag:s22] =	ssyncadd.s32 s3;
	_ =	sdelay $0x1  }
0xa1: {  	s23 =	simm.s32 $0x1B8B  }
0xa2: {  	_ =	swait.ge [sflag:s23], $0x1  }
0xa3: {  	[sflag:s23] =	ssyncset.done $0x0  }
0xa4: {  	s25 =	simm.s32 $0x1B8E;
	s24 =	sld [smem:$0x3FFE];
	[sflag:s23] =	ssyncadd.s32 $0xFFFFFFFF  }
0xa5: {  	s26 =	simm.s32 $execute0_lowered;
	[smem:$0x3FD2] =	sst s25  }
0xa6: {  	s4 =	sshll.u32 s26, $0x1;
	_ =	strace $0x80000046;
	[dreg:$0x1] =	wrdreg $0xFFFFFFFF  }
0xa7: {  	s28 =	simm.s32 $_size_execute0_lowered;
	s2 =	sadd.s32 s2, s4;
	[dreg:$0x0] =	wrdreg $0x0  }
0xa8: {  	s4 =	sshll.u32 s28, $0x1;
	[dreg:$0x2] =	wrdreg s2  }
0xa9: {  	[dreg:$0x3] =	wrdreg s4  }
0xaa: {  	[dreg:$0x4] =	wrdreg $0xC0  }
0xab: {  	_ =	task [dreg:s6], $0x5FFFF  }
0xac: {  	[dreg:$0x1] =	wrdreg $0xFFFFFFFF  }
0xad: {  	[dreg:$0x0] =	wrdreg $0x60  }
0xae: {  	[dreg:$0x2] =	wrdreg s24  }
0xaf: {  	[dreg:$0x3] =	wrdreg $0x29800  }
0xb0: {  	[dreg:$0x4] =	wrdreg $0x9  }
0xb1: {  	_ =	task.clear_ibuf [dreg:s6], $0x5FFFF;
	_ =	strace $0x90000046  }
0xb2: {  	s29 =	simm.s32 $0x9;
	_ =	strace $0x80000048  }
0xb3: {  	_ =	swait.ge [sflag:s29], $0x1  }
0xb4: {  	[sflag:s29] =	ssyncadd.s32 $0xFFFFFFFF  }
0xb5: {  	_ =	strace $0x90000048  }
0xb6: {  	_ =	sfence  }
0xb7: {  	s30 =	sld [smem:$0x0];
	_ =	sdelay $0x2  }
0xb8: {  	s31 =	sshll.u32 s1, $0xD;
	s1 =	sshrl.u32 s1, $0x2  }
0xb9: {  	s3 =	sand.u32 $0x4000, s31;
	s1 =	sadd.s32 s1, s30  }
0xba: {  	s0 =	sor.u32 s3, s0;
	s1 =	sshll.u32 s1, $0x11  }
0xbb: {  	s0 =	sor.u32 s1, s0  }
0xbc: {  	s0 =	sadd.s32 $0x8F2B, s0  }
0xbd: {  	[sflag:s0] =	ssyncadd.remote.s32 $0x1  }
0xbe: {  	_ =	sfence.sel $0xFFFF  }
0xbf: {  	[dreg:$0x0] =	wrdreg $0xFFFFFFFF;
	(pc) =	sbr.abs _section_cstart, $3  }
0xc0: {  	[dreg:$0x1] =	wrdreg $0xFFFFFFFF  }
0xc1: {  	_ =	task.clear_ibuf [dreg:s6], $0x2FFFF;
	_ =	strace $0x9FFFFFFF  }
0xc2: {  	(tm) =	ssettm $0x7FFFFFFF  }
0xc3: {  	_ =	shalt  }
tec
execute0_lowered:
.L_overlay_start_1:
0x0: {  	(tag) =	ssettag $0x1  }
0x1: {  	s0 =	rddreg [dreg:$0x0]  }
0x2: {  	s1 =	rddreg [dreg:$0x1]  }
0x3: {  	s3 =	simm.s32 $0x0;
	s2 =	srdreg.scid;
	s24 =	stileid.u32  }
0x4: {  	s31 =	simm.s32 $0x180;
	[smem:$0x7FF] =	sst s3;
	s6 =	smul.u32 $0x50000, s24  }
0x5: {  	s2 =	sand.u32 $0x1, s2;
	s4 =	sadd.s32 $0xDC00, s0;
	s13 =	smul.u32 $0x14000, s24  }
0x6: {  	s0 =	sadd.s32 $0x17A00, s0;
	_ =	strace $0x80000047;
	s22 =	smul.u32 $0x140000, s2  }
0x7: {  	s5 =	ssub.s32 $0x2, s2;
	s26 =	sshll.u32 s2, $0x4;
	s2 =	smul.u32 $0x27100, s2  }
0x8: {  	s7 =	sshrl.u32 s5, $0x1;
	s6 =	sshrl.u32 s6, $0x2;
	s15 =	sor.u32 $0x2800, s13  }
0x9: {  	s17 =	sadd.s32 $0x5000, s13;
	s18 =	sadd.s32 $0x7800, s13;
	s19 =	sadd.s32 $0xA000, s13  }
0xa: {  	s20 =	sadd.s32 $0xC800, s13;
	s21 =	sadd.s32 $0xF000, s13;
	s23 =	sadd.s32 $0x11800, s13  }
0xb: {  	s14 =	ssub.s32 s5, s7;
	s5 =	sor.u32 s24, s26;
	s7 =	sadd.s32 s17, s1  }
0xc: {  	s8 =	sadd.s32 s18, s1;
	s9 =	sadd.s32 s19, s1;
	s10 =	sadd.s32 s20, s1  }
0xd: {  	s11 =	sadd.s32 s21, s1;
	s12 =	sadd.s32 s23, s1;
	s13 =	sadd.s32 s13, s22  }
0xe: {  	s29 =	sadd.s32 s22, s17;
	s17 =	sadd.s32 s22, s18;
	s19 =	sadd.s32 s22, s19  }
0xf: {  	s20 =	sadd.s32 s22, s20;
	s21 =	sadd.s32 s22, s21;
	s25 =	sadd.s32 s22, s23  }
0x10: {  	s16 =	smul.u32 $0x2710, s5;
	s5 =	sadd.s32 s6, s1;
	s6 =	sadd.s32 s15, s1  }
0x11: {  	s13 =	sshrl.u32 s13, $0x3;
	s15 =	sadd.s32 s22, s15;
	s18 =	sshrl.u32 s17, $0x3  }
0x12: {  	s17 =	sshrl.u32 s25, $0x3;
	s14 =	smax.u32 s14, $0x1;
	s13 =	sadd.s32 s0, s13  }
0x13: {  	s28 =	sshrl.u32 s15, $0x3;
	s15 =	sshrl.u32 s19, $0x3;
	[dreg:$0xc] =	wrdreg s14  }
0x14: {  	s14 =	simm.s32 $0x100;
	s16 =	sshrl.u32 s16, $0x3;
	[dreg:$0x4] =	wrdreg s13  }
0x15: {  	s13 =	sadd.s32 s0, s28;
	s28 =	smul.u32 $0x2710, s24;
	s26 =	sadd.s32 s4, s16  }
0x16: {  	[dreg:$0x5] =	wrdreg s13;
	s16 =	sshrl.u32 s29, $0x3;
	s29 =	sadd.s32 s0, s15  }
0x17: {  	s15 =	sshrl.u32 s20, $0x3;
	s13 =	sadd.s32 s0, s16;
	[dreg:$0x8] =	wrdreg s29  }
0x18: {  	s16 =	sshrl.u32 s21, $0x3;
	s2 =	sadd.s32 s28, s2;
	[dreg:$0x3] =	wrdreg s26  }
0x19: {  	s22 =	sadd.s32 $0xA, s26;
	s28 =	sadd.s32 $0x14, s26;
	[dreg:$0x6] =	wrdreg s13  }
0x1a: {  	s29 =	sadd.s32 $0x4CE, s26;
	s30 =	sadd.s32 $0x4D8, s26;
	[dreg:$0xd] =	wrdreg s22  }
0x1b: {  	s13 =	sadd.s32 s0, s18;
	s18 =	sadd.s32 $0x190, s2;
	[dreg:$0xe] =	wrdreg s28  }
0x1c: {  	s20 =	sadd.s32 $0x140, s2;
	s25 =	sadd.s32 $0xF0, s2;
	[dreg:$0xf] =	wrdreg s29  }
0x1d: {  	s2 =	simm.s32 $0x80;
	s22 =	simm.s32 $0x0;
	[dreg:$0x7] =	wrdreg s13  }
0x1e: {  	s13 =	sadd.s32 s0, s15;
	s19 =	sshrl.u32 s18, $0x3;
	s21 =	sshrl.u32 s20, $0x3  }
0x1f: {  	s15 =	simm.s32 $0x1;
	s18 =	simm.s32 $0x3;
	s20 =	simm.s32 $0x5  }
0x20: {  	[dreg:$0x9] =	wrdreg s13;
	s13 =	sadd.s32 s0, s16;
	s0 =	sadd.s32 s0, s17  }
0x21: {  	s23 =	sadd.s32 s19, s4;
	s24 =	sadd.s32 s21, s4;
	s16 =	simm.s32 $0x50  }
0x22: {  	s17 =	simm.s32 $0x2;
	s19 =	simm.s32 $0x4;
	[dreg:$0xa] =	wrdreg s13  }
0x23: {  	v0 =	vimm.f32 $0.0e+00;
	v1 =	vimm.f32 $1.000000000e+00;
	s21 =	simm.s32 $0x6;
	[dreg:$0xb] =	wrdreg s0;
	s0 =	simm.s32 $0x7  }
.LBB2_1:
0x24: {  	s13 =	simm.s32 $0x10;
	s26 =	sand.u32 $0x3FF0, s3  }
.LBB2_2:
0x25: {  	p0 =	sne.s32 s13, $0x27F0;
	[tilespmem:s26+$0x180] =	vst v0;
	s26 =	smov.u32 s13;
	s13 =	sadd.s32 $0x10, s13  }
.Ltmp0:
0x26: {  	(pc) =	sbr.rel @p0 .LBB2_2-.Ltmp0, $2  }
0x27: {  	_ =	sdelay $0x2  }
0x28: {  	s26 =	sand.u32 $0x3FF0, s26  }
0x29: {  	[tilespmem:s26+$0x180] =	vst v0  }
0x2a: {  	[spmem:s5] =	stream.linear.scatter [tilespmem:s31], [sflag:$0x7], $0x2800, $0x38;
	[tilespmem:$0x16980] =	vst v63  }
0x2b: {  	_ =	swait.ge [sflag:s0], $0x2800  }
0x2c: {  	[sflag:s0] =	ssyncset.done $0x0  }
0x2d: {  	[sflag:s0] =	ssyncadd.s32 $0xFFFFD800  }
0x2e: {  	[spmem:s6] =	stream.linear.scatter [tilespmem:s31], [sflag:$0x7], $0x2800, $0x38;
	[tilespmem:$0x16980] =	vst v63  }
0x2f: {  	_ =	swait.ge [sflag:s0], $0x2800  }
0x30: {  	[sflag:s0] =	ssyncset.done $0x0  }
0x31: {  	[sflag:s0] =	ssyncadd.s32 $0xFFFFD800  }
0x32: {  	[spmem:s7] =	stream.linear.scatter [tilespmem:s31], [sflag:$0x7], $0x2800, $0x38;
	[tilespmem:$0x16980] =	vst v63  }
0x33: {  	_ =	swait.ge [sflag:s0], $0x2800  }
0x34: {  	[sflag:s0] =	ssyncset.done $0x0  }
0x35: {  	[sflag:s0] =	ssyncadd.s32 $0xFFFFD800  }
0x36: {  	[spmem:s8] =	stream.linear.scatter [tilespmem:s31], [sflag:$0x7], $0x2800, $0x38;
	[tilespmem:$0x16980] =	vst v63  }
0x37: {  	_ =	swait.ge [sflag:s0], $0x2800  }
0x38: {  	[sflag:s0] =	ssyncset.done $0x0  }
0x39: {  	[sflag:s0] =	ssyncadd.s32 $0xFFFFD800  }
0x3a: {  	[spmem:s9] =	stream.linear.scatter [tilespmem:s31], [sflag:$0x7], $0x2800, $0x38;
	[tilespmem:$0x16980] =	vst v63  }
0x3b: {  	_ =	swait.ge [sflag:s0], $0x2800  }
0x3c: {  	[sflag:s0] =	ssyncset.done $0x0  }
0x3d: {  	[sflag:s0] =	ssyncadd.s32 $0xFFFFD800  }
0x3e: {  	[spmem:s10] =	stream.linear.scatter [tilespmem:s31], [sflag:$0x7], $0x2800, $0x38;
	[tilespmem:$0x16980] =	vst v63  }
0x3f: {  	_ =	swait.ge [sflag:s0], $0x2800  }
0x40: {  	[sflag:s0] =	ssyncset.done $0x0  }
0x41: {  	[sflag:s0] =	ssyncadd.s32 $0xFFFFD800  }
0x42: {  	[spmem:s11] =	stream.linear.scatter [tilespmem:s31], [sflag:$0x7], $0x2800, $0x38;
	[tilespmem:$0x16980] =	vst v63  }
0x43: {  	_ =	swait.ge [sflag:s0], $0x2800  }
0x44: {  	[sflag:s0] =	ssyncset.done $0x0  }
0x45: {  	[sflag:s0] =	ssyncadd.s32 $0xFFFFD800  }
0x46: {  	[spmem:s12] =	stream.linear.scatter [tilespmem:s31], [sflag:$0x7], $0x2800, $0x38;
	[tilespmem:$0x16980] =	vst v63  }
0x47: {  	_ =	swait.ge [sflag:s0], $0x2800  }
0x48: {  	s29 =	simm.s32 $0x0;
	[sflag:s0] =	ssyncset.done $0x0  }
0x49: {  	s13 =	simm.s32 $0x10;
	s26 =	sand.u32 $0x3FF0, s29;
	[sflag:s0] =	ssyncadd.s32 $0xFFFFD800  }
.LBB2_4:
0x4a: {  	p0 =	sne.s32 s13, $0x27F0;
	[tilespmem:s26+$0x180] =	vst v1;
	s26 =	smov.u32 s13;
	s13 =	sadd.s32 $0x10, s13  }
.Ltmp1:
0x4b: {  	(pc) =	sbr.rel @p0 .LBB2_4-.Ltmp1, $2  }
0x4c: {  	_ =	sdelay $0x2  }
0x4d: {  	s26 =	sand.u32 $0x3FF0, s26  }
0x4e: {  	[tilespmem:s26+$0x180] =	vst v1  }
0x4f: {  	[bflag:$0x0] =	sbarrier.arrive $0xFFFF  }
0x50: {  	s13 =	simm.s32 $0x0;
	s29 =	rddreg [dreg:$0x3]  }
0x51: {  	[tilespmem:s13], [sflag:$0x1] =	stream.linear.gather [hbm4b:s29+s13], $0x50, $0x38;
	[tilespmem:$0x16980] =	vst v63  }
0x52: {  	s29 =	rddreg [dreg:$0xd]  }
0x53: {  	[tilespmem:s2], [sflag:$0x2] =	stream.linear.gather [hbm4b:s29+s13], $0x50, $0x38;
	[tilespmem:$0x16980] =	vst v63  }
0x54: {  	s29 =	rddreg [dreg:$0xe]  }
0x55: {  	[tilespmem:s14], [sflag:$0x3] =	stream.linear.gather [hbm4b:s29+s13], $0x50, $0x38;
	[tilespmem:$0x16980] =	vst v63  }
0x56: {  	_ =	swait.ge [sflag:s15], $0x50  }
0x57: {  	[sflag:s15] =	ssyncset.done $0x0  }
0x58: {  	[sflag:s15] =	ssyncadd.s32 $0xFFFFFFB0  }
0x59: {  	[spmem:s1] =	stream.indirect.scatter.add.f32 [tilespmem:s31], [sflag:$0x4], $0x80, s3, s16, $0xb8;
	[tilespmem:$0x16980] =	vst v63  }
0x5a: {  	_ =	swait.ge [sflag:s17], $0x50  }
0x5b: {  	[sflag:s17] =	ssyncset.done $0x0  }
0x5c: {  	[sflag:s17] =	ssyncadd.s32 $0xFFFFFFB0  }
0x5d: {  	[spmem:s1] =	stream.indirect.scatter.add.f32 [tilespmem:s31], [sflag:$0x5], $0x80, s2, s16, $0xb8;
	[tilespmem:$0x16980] =	vst v63  }
0x5e: {  	_ =	swait.ge [sflag:s18], $0x50  }
0x5f: {  	[sflag:s18] =	ssyncset.done $0x0  }
0x60: {  	[sflag:s18] =	ssyncadd.s32 $0xFFFFFFB0  }
0x61: {  	[spmem:s1] =	stream.indirect.scatter.add.f32 [tilespmem:s31], [sflag:$0x6], $0x80, s14, s16, $0xb8;
	[tilespmem:$0x16980] =	vst v63  }
0x62: {  	_ =	swait.ge [sflag:s19], $0x2800  }
0x63: {  	s26 =	sshrl.u32 s25, $0x3;
	[sflag:s19] =	ssyncset.done $0x0  }
0x64: {  	s13 =	sadd.s32 s4, s26;
	[sflag:s19] =	ssyncadd.s32 $0xFFFFD800  }
0x65: {  	[tilespmem:s3], [sflag:$0x1] =	stream.linear.gather [hbm4b:s13+s3], $0x50, $0x38;
	[tilespmem:$0x16980] =	vst v63  }
0x66: {  	_ =	swait.ge [sflag:s20], $0x2800  }
0x67: {  	[sflag:s20] =	ssyncset.done $0x0  }
0x68: {  	s29 =	sadd.s32 $0x0, s24;
	[sflag:s20] =	ssyncadd.s32 $0xFFFFD800  }
0x69: {  	[tilespmem:s2], [sflag:$0x2] =	stream.linear.gather [hbm4b:s29+s3], $0x50, $0x38;
	[tilespmem:$0x16980] =	vst v63  }
0x6a: {  	_ =	swait.ge [sflag:s21], $0x2800  }
0x6b: {  	s28 =	sadd.s32 $0x0, s23;
	[sflag:s21] =	ssyncset.done $0x0  }
0x6c: {  	s26 =	simm.s32 $0x1E;
	s13 =	sadd.s32 $0xF0, s25;
	[sflag:s21] =	ssyncadd.s32 $0xFFFFD800  }
.LBB2_6:
0x6d: {  	[tilespmem:s14], [sflag:$0x3] =	stream.linear.gather [hbm4b:s28+s3], $0x50, $0x38;
	[tilespmem:$0x16980] =	vst v63  }
0x6e: {  	s28 =	smov.u32 s26  }
0x6f: {  	p0 =	sne.s32 s26, $0x492;
	s26 =	sadd.s32 $0x1E, s26;
	_ =	swait.ge [sflag:s15], $0x50  }
0x70: {  	[sflag:s15] =	ssyncset.done $0x0  }
0x71: {  	[sflag:s15] =	ssyncadd.s32 $0xFFFFFFB0  }
0x72: {  	[spmem:s1] =	stream.indirect.scatter.add.f32 [tilespmem:s31], [sflag:$0x4], $0x80, s3, s16, $0xb8;
	[tilespmem:$0x16980] =	vst v63  }
0x73: {  	_ =	swait.ge [sflag:s17], $0x50  }
0x74: {  	[sflag:s17] =	ssyncset.done $0x0  }
0x75: {  	[sflag:s17] =	ssyncadd.s32 $0xFFFFFFB0  }
0x76: {  	[spmem:s1] =	stream.indirect.scatter.add.f32 [tilespmem:s31], [sflag:$0x5], $0x80, s2, s16, $0xb8;
	[tilespmem:$0x16980] =	vst v63  }
0x77: {  	_ =	swait.ge [sflag:s18], $0x50  }
0x78: {  	[sflag:s18] =	ssyncset.done $0x0  }
0x79: {  	[sflag:s18] =	ssyncadd.s32 $0xFFFFFFB0  }
0x7a: {  	[spmem:s1] =	stream.indirect.scatter.add.f32 [tilespmem:s31], [sflag:$0x6], $0x80, s14, s16, $0xb8;
	[tilespmem:$0x16980] =	vst v63  }
0x7b: {  	_ =	swait.ge [sflag:s19], $0x2800  }
0x7c: {  	s29 =	sshrl.u32 s13, $0x3;
	[sflag:s19] =	ssyncset.done $0x0  }
0x7d: {  	s29 =	sadd.s32 s4, s29;
	[sflag:s19] =	ssyncadd.s32 $0xFFFFD800  }
0x7e: {  	[tilespmem:s3], [sflag:$0x1] =	stream.linear.gather [hbm4b:s29+s3], $0x50, $0x38;
	[tilespmem:$0x16980] =	vst v63  }
0x7f: {  	_ =	swait.ge [sflag:s20], $0x2800  }
0x80: {  	[sflag:s20] =	ssyncset.done $0x0  }
.Ltmp2:
0x81: {  	s29 =	sadd.s32 s28, s24;
	[sflag:s20] =	ssyncadd.s32 $0xFFFFD800;
	(pc) =	sbr.rel @p0 .LBB2_6-.Ltmp2, $4  }
0x82: {  	[tilespmem:s2], [sflag:$0x2] =	stream.linear.gather [hbm4b:s29+s3], $0x50, $0x38;
	[tilespmem:$0x16980] =	vst v63  }
0x83: {  	_ =	swait.ge [sflag:s21], $0x2800  }
0x84: {  	[sflag:s21] =	ssyncset.done $0x0  }
0x85: {  	s13 =	sadd.s32 $0xF0, s13;
	s28 =	sadd.s32 s28, s23;
	[sflag:s21] =	ssyncadd.s32 $0xFFFFD800  }
0x86: {  	[tilespmem:s14], [sflag:$0x3] =	stream.linear.gather [hbm4b:s28+s3], $0x50, $0x38;
	[tilespmem:$0x16980] =	vst v63  }
0x87: {  	_ =	swait.ge [sflag:s15], $0x50  }
0x88: {  	[sflag:s15] =	ssyncset.done $0x0  }
0x89: {  	[sflag:s15] =	ssyncadd.s32 $0xFFFFFFB0  }
0x8a: {  	[spmem:s1] =	stream.indirect.scatter.add.f32 [tilespmem:s31], [sflag:$0x4], $0x80, s3, s16, $0xb8;
	[tilespmem:$0x16980] =	vst v63  }
0x8b: {  	_ =	swait.ge [sflag:s17], $0x50  }
0x8c: {  	[sflag:s17] =	ssyncset.done $0x0  }
0x8d: {  	[sflag:s17] =	ssyncadd.s32 $0xFFFFFFB0  }
0x8e: {  	[spmem:s1] =	stream.indirect.scatter.add.f32 [tilespmem:s31], [sflag:$0x5], $0x80, s2, s16, $0xb8;
	[tilespmem:$0x16980] =	vst v63  }
0x8f: {  	_ =	swait.ge [sflag:s18], $0x50  }
0x90: {  	[sflag:s18] =	ssyncset.done $0x0  }
0x91: {  	[sflag:s18] =	ssyncadd.s32 $0xFFFFFFB0  }
0x92: {  	[spmem:s1] =	stream.indirect.scatter.add.f32 [tilespmem:s31], [sflag:$0x6], $0x80, s14, s16, $0xb8;
	[tilespmem:$0x16980] =	vst v63  }
0x93: {  	_ =	swait.ge [sflag:s19], $0x2800  }
0x94: {  	[sflag:s19] =	ssyncset.done $0x0  }
0x95: {  	s13 =	rddreg [dreg:$0xf];
	[sflag:s19] =	ssyncadd.s32 $0xFFFFD800  }
0x96: {  	[tilespmem:s3], [sflag:$0x1] =	stream.linear.gather [hbm4b:s13+s3], $0x50, $0x38;
	[tilespmem:$0x16980] =	vst v63  }
0x97: {  	_ =	swait.ge [sflag:s20], $0x2800  }
0x98: {  	[sflag:s20] =	ssyncset.done $0x0  }
0x99: {  	[sflag:s20] =	ssyncadd.s32 $0xFFFFD800  }
0x9a: {  	[tilespmem:s2], [sflag:$0x2] =	stream.linear.gather [hbm4b:s30+s3], $0x50, $0x38;
	[tilespmem:$0x16980] =	vst v63  }
0x9b: {  	_ =	swait.ge [sflag:s21], $0x2800  }
0x9c: {  	[sflag:s21] =	ssyncset.done $0x0  }
0x9d: {  	[sflag:s21] =	ssyncadd.s32 $0xFFFFD800  }
0x9e: {  	[tilespmem:s14], [sflag:$0x3] =	stream.linear.gather [hbm4b:s30+s3], $0x50, $0x38;
	[tilespmem:$0x16980] =	vst v63  }
0x9f: {  	_ =	swait.ge [sflag:s15], $0x50  }
0xa0: {  	[sflag:s15] =	ssyncset.done $0x0  }
0xa1: {  	[sflag:s15] =	ssyncadd.s32 $0xFFFFFFB0  }
0xa2: {  	[spmem:s1] =	stream.indirect.scatter.add.f32 [tilespmem:s31], [sflag:$0x4], $0x80, s3, s16, $0xb8;
	[tilespmem:$0x16980] =	vst v63  }
0xa3: {  	_ =	swait.ge [sflag:s17], $0x50  }
0xa4: {  	[sflag:s17] =	ssyncset.done $0x0  }
0xa5: {  	[sflag:s17] =	ssyncadd.s32 $0xFFFFFFB0  }
0xa6: {  	[spmem:s1] =	stream.indirect.scatter.add.f32 [tilespmem:s31], [sflag:$0x5], $0x80, s2, s16, $0xb8;
	[tilespmem:$0x16980] =	vst v63  }
0xa7: {  	_ =	swait.ge [sflag:s18], $0x50  }
0xa8: {  	[sflag:s18] =	ssyncset.done $0x0  }
0xa9: {  	[sflag:s18] =	ssyncadd.s32 $0xFFFFFFB0  }
0xaa: {  	_ =	swait.ge [sflag:s19], $0x2800  }
0xab: {  	[sflag:s19] =	ssyncset.done $0x0  }
0xac: {  	[sflag:s19] =	ssyncadd.s32 $0xFFFFD800  }
0xad: {  	_ =	swait.ge [sflag:s20], $0x2800  }
0xae: {  	[sflag:s20] =	ssyncset.done $0x0  }
0xaf: {  	s28 =	stileid.u32;
	[sflag:s20] =	ssyncadd.s32 $0xFFFFD800  }
0xb0: {  	s13 =	sshll.u32 s28, $0x6;
	[bflag:$0x0] =	sbarrier.arrive $0xFFFF  }
0xb1: {  	s26 =	sshrl.u32 s5, $0x3;
	s13 =	sor.u32 $0x1C07, s13;
	s29 =	rddreg [dreg:$0x4]  }
0xb2: {  	[hbm:s29], [sflag:s13] =	dma.local [spmem:s26], $0x500  }
0xb3: {  	_ =	swait.ge [sflag:s0], $0x500  }
0xb4: {  	[sflag:s0] =	ssyncset.done $0x0  }
0xb5: {  	s26 =	sshrl.u32 s6, $0x3;
	s29 =	rddreg [dreg:$0x5];
	[sflag:s0] =	ssyncadd.s32 $0xFFFFFB00  }
0xb6: {  	[hbm:s29], [sflag:s13] =	dma.local [spmem:s26], $0x500  }
0xb7: {  	_ =	swait.ge [sflag:s0], $0x500  }
0xb8: {  	[sflag:s0] =	ssyncset.done $0x0  }
0xb9: {  	s26 =	sshrl.u32 s7, $0x3;
	s29 =	rddreg [dreg:$0x6];
	[sflag:s0] =	ssyncadd.s32 $0xFFFFFB00  }
0xba: {  	[hbm:s29], [sflag:s13] =	dma.local [spmem:s26], $0x500  }
0xbb: {  	_ =	swait.ge [sflag:s0], $0x500  }
0xbc: {  	[sflag:s0] =	ssyncset.done $0x0  }
0xbd: {  	s26 =	sshrl.u32 s8, $0x3;
	s29 =	rddreg [dreg:$0x7];
	[sflag:s0] =	ssyncadd.s32 $0xFFFFFB00  }
0xbe: {  	[hbm:s29], [sflag:s13] =	dma.local [spmem:s26], $0x500  }
0xbf: {  	_ =	swait.ge [sflag:s0], $0x500  }
0xc0: {  	[sflag:s0] =	ssyncset.done $0x0  }
0xc1: {  	s26 =	sshrl.u32 s9, $0x3;
	s29 =	rddreg [dreg:$0x8];
	[sflag:s0] =	ssyncadd.s32 $0xFFFFFB00  }
0xc2: {  	[hbm:s29], [sflag:s13] =	dma.local [spmem:s26], $0x500  }
0xc3: {  	_ =	swait.ge [sflag:s0], $0x500  }
0xc4: {  	[sflag:s0] =	ssyncset.done $0x0  }
0xc5: {  	s26 =	sshrl.u32 s10, $0x3;
	s29 =	rddreg [dreg:$0x9];
	[sflag:s0] =	ssyncadd.s32 $0xFFFFFB00  }
0xc6: {  	[hbm:s29], [sflag:s13] =	dma.local [spmem:s26], $0x500  }
0xc7: {  	_ =	swait.ge [sflag:s0], $0x500  }
0xc8: {  	[sflag:s0] =	ssyncset.done $0x0  }
0xc9: {  	s26 =	sshrl.u32 s11, $0x3;
	s29 =	rddreg [dreg:$0xa];
	[sflag:s0] =	ssyncadd.s32 $0xFFFFFB00  }
0xca: {  	[hbm:s29], [sflag:s13] =	dma.local [spmem:s26], $0x500  }
0xcb: {  	_ =	swait.ge [sflag:s0], $0x500  }
0xcc: {  	[sflag:s0] =	ssyncset.done $0x0  }
0xcd: {  	s26 =	sshrl.u32 s12, $0x3;
	s29 =	rddreg [dreg:$0xb];
	[sflag:s0] =	ssyncadd.s32 $0xFFFFFB00  }
0xce: {  	[hbm:s29], [sflag:s13] =	dma.local [spmem:s26], $0x500  }
0xcf: {  	_ =	swait.ge [sflag:s0], $0x500  }
0xd0: {  	s22 =	sadd.s32 $0x1, s22;
	s29 =	rddreg [dreg:$0xc]  }
0xd1: {  	p0 =	sne.s32 s22, s29  }
.Ltmp3:
0xd2: {  	_ = 	snop;
	(pc) =	sbr.rel @p0 .LBB2_1-.Ltmp3, $3  }
0xd3: {  	_ =	sdelay $0x1  }
0xd4: {  	[sflag:s0] =	ssyncset.done $0x0  }
0xd5: {  	[sflag:s0] =	ssyncadd.s32 $0xFFFFFB00  }
0xd6: {  	_ =	sfence.sel $0x180000  }
0xd7: {  	[bflag:$0x0] =	sbarrier.arrive $0xFFFF  }
0xd8: {  	_ =	strace $0x90000047  }
0xd9: {  	s0 =	stileid.u32;
	[bflag:$0x2] =	sbarrier.arrive $0xFFFF  }
0xda: {  	p0 =	sne.s32 s0, $0x0;
	s0 =	rddreg [dreg:$0x2]  }
0xdb: {  	s0 =	sadd.s32 @!p0 $0x100000, s0  }
0xdc: {  	[sflag:s0] =	ssyncadd.tile.s32 @!p0 $0x1;
	_ =	shalt  }
.Lfunc_end2:
_tile_overlayer_lowered:
.L_overlay_start_2:
0xdd: {  	(tag) =	ssettag $0x2  }
0xde: {  	s0 =	rddreg [dreg:$0x0];
	s2 =	stileid.u32  }
0xdf: {  	s1 =	rddreg [dreg:$0x1];
	p0 =	sne.s32 s2, $0x0  }
0xe0: {  	s3 =	rddreg [dreg:$0x2];
	[bflag:$0x3] =	sbarrier.arrive $0xFFFF;
	s2 =	simm.s32 @!p0 $0x1C07  }
0xe1: {  	[timem:s3], [sflag:s2] =	dma.local @!p0 [hbm:s0], s1  }
0xe2: {  	s0 =	simm.s32 @!p0 $0x7  }
0xe3: {  	_ =	swait.ge @!p0 [sflag:s0], s1  }
0xe4: {  	s1 =	ssub.s32 @!p0 $0x0, s1;
	[sflag:s0] =	ssyncset.done @!p0 $0x0  }
0xe5: {  	[sflag:s0] =	ssyncadd.s32 @!p0 s1  }
0xe6: {  	[bflag:$0x3] =	sbarrier.arrive $0xFFFF  }
0xe7: {  	_ =	shalt  }

// kernel: kernel.18.cloned.1.call-start
scs
__scs_entry_jumppad:
0x0: {  	(pc) =	sbr.rel $0x88, $3  }
0x1: {  	(tag) =	ssettag $0x0;
	lr =	simm.s32 $0x1  }
0x2: {  	[smem:$0x3F9D] =	sst lr;
	_ =	strace $0xD0000000  }
0x3: {  	_ = 	snop  }
0x4: {  	_ = 	snop  }
0x5: {  	_ = 	snop  }
0x6: {  	_ = 	snop  }
0x7: {  	_ = 	snop  }
__scs_overlays_trampoline_lowered:
0x8: {  	[smem:$0x3FAC] =	sst s0  }
0x9: {  	[smem:$0x3FAD] =	sst s1  }
0xa: {  	[smem:$0x3FAE] =	sst s2  }
0xb: {  	[smem:$0x3FAF] =	sst s3  }
0xc: {  	[smem:$0x3FB0] =	sst s4  }
0xd: {  	[smem:$0x3FB1] =	sst s5  }
0xe: {  	[smem:$0x3FB2] =	sst s6  }
0xf: {  	[smem:$0x3FB3] =	sst s7  }
0x10: {  	[smem:$0x3FB4] =	sst s8  }
0x11: {  	[smem:$0x3FB5] =	sst s9;
	s0 =	simm.s32 @!p0 $0x0  }
0x12: {  	s1 =	sld [smem:$0x3F9B];
	s0 =	simm.s32 @p0 $0x1  }
0x13: {  	[smem:$0x3FB6] =	sst s0;
	s0 =	simm.s32 @!p1 $0x0  }
0x14: {  	s2 =	sld [smem:$0x3F9A];
	s0 =	simm.s32 @p1 $0x1  }
0x15: {  	[smem:$0x3FB7] =	sst s0;
	s0 =	simm.s32 @!p2 $0x0  }
0x16: {  	s3 =	sld [smem:$0x3FDB];
	s0 =	simm.s32 @p2 $0x1  }
0x17: {  	s4 =	simm.s32 $0x1BF5;
	[smem:$0x3FB9] =	sst s0  }
0x18: {  	s0 =	sld [smem:$0x3F9C];
	_ =	swait.ge [sflag:s4], $0x0  }
0x19: {  	s7 =	sld [smem:$0x3F9D]  }
0x1a: {  	s8 =	sadd.s32 $0xFFFFE003, lr  }
0x1b: {  	s9 =	sadd.s32 $0xFFFFFEF7, lr;
	s5 =	simm.s32 $0xFFFFFFFF;
	p2 =	slt.u32 s8, $0xFFFFF086  }
0x1c: {  	p1 =	slt.u32 s9, $0xF7A;
	s5 =	simm.s32 @!p2 $0x0  }
0x1d: {  	s5 =	simm.s32 @p1 $0x1;
	p0 =	seq.s32 s7, s2  }
0x1e: {  	s7 =	smul.u32 @!p0 $0xF7A, s2;
	p2 =	seq.s32 @!p0 s5, $0x0  }
0x1f: {  	s9 =	smul.u32 $0xF7A, s1;
	s8 =	simm.s32 @!p0 $0x1BF5;
	p2 =	por !p2, p0  }
0x20: {  	[sflag:s8] =	ssyncset.s32 @!p0 $0xFFFFF086;
	s6 =	sadd.s32 @!p0 s3, s7;
	s7 =	simm.s32 @!p0 $0x108  }
0x21: {  	s3 =	sadd.s32 s3, s9;
	s6 =	sadd.s32 @!p0 $0x88, s6;
	s7 =	simm.s32 @p2 $0x1082  }
0x22: {  	[simem:s7], [sflag:s8] =	dma.local @!p0 [hbm:s6], $0xF7A  }
0x23: {  	s9 =	sor.u32 $0xD0000000, s2;
	s6 =	simm.s32 $0x108;
	_ =	swait.ge @!p0 [sflag:s8], $0x0  }
0x24: {  	s3 =	sadd.s32 $0x88, s3;
	s6 =	simm.s32 @!p1 $0x1082;
	[sflag:s4] =	ssyncset.s32 $0xFFFFF086  }
0x25: {  	[simem:s6], [sflag:s4] =	dma.local [hbm:s3], $0xF7A  }
0x26: {  	[smem:$0x3F9D] =	sst s1;
	(tag) =	ssettag s2;
	_ =	strace s9  }
0x27: {  	s1 =	sld [smem:$0x3FAD]  }
0x28: {  	s2 =	sld [smem:$0x3FAE]  }
0x29: {  	s4 =	sld [smem:$0x3FB0]  }
0x2a: {  	p0 =	seq.s32 s5, $0x0;
	s5 =	sld [smem:$0x3FB1]  }
0x2b: {  	s6 =	sld [smem:$0x3FB2]  }
0x2c: {  	s7 =	sld [smem:$0x3FB3]  }
0x2d: {  	s3 =	simm.s32 $0x108;
	s8 =	sld [smem:$0x3FB4]  }
0x2e: {  	s3 =	simm.s32 @!p0 $0x1082;
	s9 =	sld [smem:$0x3FB5]  }
0x2f: {  	lr =	sadd.s32 s0, s3;
	s0 =	sld [smem:$0x3FAC]  }
0x30: {  	s3 =	sld [smem:$0x3FAF]  }
0x31: {  	[smem:$0x3FB8] =	sst s10  }
0x32: {  	s10 =	sld [smem:$0x3FB6];
	_ =	sdelay $0x3  }
0x33: {  	p0 =	seq.s32 s10, $0x1;
	s10 =	sld [smem:$0x3FB8];
	_ =	sdelay $0x3  }
0x34: {  	[smem:$0x3FB8] =	sst s10  }
0x35: {  	s10 =	sld [smem:$0x3FB7];
	_ =	sdelay $0x3  }
0x36: {  	p1 =	seq.s32 s10, $0x1;
	s10 =	sld [smem:$0x3FB8];
	_ =	sdelay $0x3  }
0x37: {  	[smem:$0x3FB8] =	sst s10  }
0x38: {  	s10 =	sld [smem:$0x3FB9]  }
0x39: {  	_ = 	snop;
	(pc) =	sbr.ind lr, $3  }
0x3a: {  	_ = 	snop  }
0x3b: {  	_ = 	snop  }
0x3c: {  	p2 =	seq.s32 s10, $0x1;
	s10 =	sld [smem:$0x3FB8]  }
0x3d: {  	_ =	shalt  }
0x3e: {  	_ =	shalt  }
0x3f: {  	_ =	shalt  }
0x40: {  	_ =	shalt  }
0x41: {  	_ =	shalt  }
0x42: {  	_ =	shalt  }
0x43: {  	_ =	shalt  }
0x44: {  	_ =	shalt  }
0x45: {  	_ =	shalt  }
0x46: {  	_ =	shalt  }
0x47: {  	_ =	shalt  }
0x48: {  	_ =	shalt  }
0x49: {  	_ =	shalt  }
0x4a: {  	_ =	shalt  }
0x4b: {  	_ =	shalt  }
0x4c: {  	_ =	shalt  }
0x4d: {  	_ =	shalt  }
0x4e: {  	_ =	shalt  }
0x4f: {  	_ =	shalt  }
0x50: {  	_ =	shalt  }
0x51: {  	_ =	shalt  }
0x52: {  	_ =	shalt  }
0x53: {  	_ =	shalt  }
0x54: {  	_ =	shalt  }
0x55: {  	_ =	shalt  }
0x56: {  	_ =	shalt  }
0x57: {  	_ =	shalt  }
0x58: {  	_ =	shalt  }
0x59: {  	_ =	shalt  }
0x5a: {  	_ =	shalt  }
0x5b: {  	_ =	shalt  }
0x5c: {  	_ =	shalt  }
0x5d: {  	_ =	shalt  }
0x5e: {  	_ =	shalt  }
0x5f: {  	_ =	shalt  }
0x60: {  	_ =	shalt  }
0x61: {  	_ =	shalt  }
0x62: {  	_ =	shalt  }
0x63: {  	_ =	shalt  }
0x64: {  	_ =	shalt  }
0x65: {  	_ =	shalt  }
0x66: {  	_ =	shalt  }
0x67: {  	_ =	shalt  }
0x68: {  	_ =	shalt  }
0x69: {  	_ =	shalt  }
0x6a: {  	_ =	shalt  }
0x6b: {  	_ =	shalt  }
0x6c: {  	_ =	shalt  }
0x6d: {  	_ =	shalt  }
0x6e: {  	_ =	shalt  }
0x6f: {  	_ =	shalt  }
0x70: {  	_ =	shalt  }
0x71: {  	_ =	shalt  }
0x72: {  	_ =	shalt  }
0x73: {  	_ =	shalt  }
0x74: {  	_ =	shalt  }
0x75: {  	_ =	shalt  }
0x76: {  	_ =	shalt  }
0x77: {  	_ =	shalt  }
0x78: {  	_ =	shalt  }
0x79: {  	_ =	shalt  }
0x7a: {  	_ =	shalt  }
0x7b: {  	_ =	shalt  }
0x7c: {  	_ =	shalt  }
0x7d: {  	_ =	shalt  }
0x7e: {  	_ =	shalt  }
0x7f: {  	_ =	shalt  }
0x80: {  	_ =	shalt  }
0x81: {  	_ =	shalt  }
0x82: {  	_ =	shalt  }
0x83: {  	_ =	shalt  }
0x84: {  	_ =	shalt  }
0x85: {  	_ =	shalt  }
0x86: {  	_ =	shalt  }
0x87: {  	_ =	shalt  }
.Lfunc_end0:
.L_simem_size_0:
called_computation.1_lowered:
.L_overlay_start_0:
0x88: {  	s2 =	sld [smem:$0x3FD9]  }
0x89: {  	s3 =	sld [smem:$0x3FFE];
	_ =	sdelay $0x1  }
0x8a: {  	s1 =	srdreg.scid  }
0x8b: {  	s0 =	sand.u32 $0x1, s1  }
0x8c: {  	s16 =	sshll.u32 s0, $0xA;
	s2 =	sadd.s32 s3, s2  }
0x8d: {  	s2 =	sadd.s32 s2, s16  }
0x8e: {  	[smem:$0x3FC4] =	sst s2  }
0x8f: {  	_ = 	snop  }
0x90: {  	(tm) =	ssettm $0x1  }
0x91: {  	s17 =	sld [smem:$0x3FFB];
	_ =	sdelay $0x3  }
0x92: {  	_ =	strace s17  }
0x93: {  	s2 =	sld [smem:$0x3FFC];
	_ =	sdelay $0x3  }
0x94: {  	_ =	strace s2  }
0x95: {  	s2 =	sld [smem:$0x3FFD];
	_ =	sdelay $0x3  }
0x96: {  	_ =	strace s2  }
0x97: {  	_ =	strace $0x8FFFFFFF  }
0x98: {  	s18 =	sld [smem:$0x3FDB];
	_ =	sdelay $0x1  }
0x99: {  	s19 =	simm.s32 $_scs_section_size  }
0x9a: {  	s4 =	simm.s32 $_size__tile_overlayer_lowered;
	s5 =	simm.s32 $_tile_overlayer_lowered  }
0x9b: {  	s22 =	simm.s32 $0x1BFF;
	s21 =	sshll.u32 s5, $0x1;
	s2 =	sadd.s32 s19, s18  }
0x9c: {  	s6 =	simm.s32 $0x0;
	s20 =	sshll.u32 s4, $0x1;
	s4 =	sadd.s32 s21, s2  }
0x9d: {  	[timem:s6], [sflag:s22] =	dma.local [hbm:s4], s20  }
0x9e: {  	_ =	swait.ge [sflag:s22], s20  }
0x9f: {  	s3 =	ssub.s32 $0x0, s20;
	[sflag:s22] =	ssyncset.done $0x0  }
0xa0: {  	[sflag:s22] =	ssyncadd.s32 s3;
	_ =	sdelay $0x1  }
0xa1: {  	s23 =	simm.s32 $0x1B8B  }
0xa2: {  	_ =	swait.ge [sflag:s23], $0x1  }
0xa3: {  	[sflag:s23] =	ssyncset.done $0x0  }
0xa4: {  	s25 =	simm.s32 $0x1B8E;
	s24 =	sld [smem:$0x3FFE];
	[sflag:s23] =	ssyncadd.s32 $0xFFFFFFFF  }
0xa5: {  	s26 =	simm.s32 $execute0_lowered;
	[smem:$0x3FD2] =	sst s25  }
0xa6: {  	s4 =	sshll.u32 s26, $0x1;
	_ =	strace $0x80000049;
	[dreg:$0x1] =	wrdreg $0xFFFFFFFF  }
0xa7: {  	s28 =	simm.s32 $_size_execute0_lowered;
	s2 =	sadd.s32 s2, s4;
	[dreg:$0x0] =	wrdreg $0x0  }
0xa8: {  	s4 =	sshll.u32 s28, $0x1;
	[dreg:$0x2] =	wrdreg s2  }
0xa9: {  	[dreg:$0x3] =	wrdreg s4  }
0xaa: {  	[dreg:$0x4] =	wrdreg $0xC0  }
0xab: {  	_ =	task [dreg:s6], $0x5FFFF  }
0xac: {  	[dreg:$0x1] =	wrdreg $0xFFFFFFFF  }
0xad: {  	[dreg:$0x0] =	wrdreg $0x60  }
0xae: {  	[dreg:$0x2] =	wrdreg s24  }
0xaf: {  	[dreg:$0x3] =	wrdreg $0x7B000  }
0xb0: {  	[dreg:$0x4] =	wrdreg $0x9  }
0xb1: {  	_ =	task.clear_ibuf [dreg:s6], $0x5FFFF;
	_ =	strace $0x90000049  }
0xb2: {  	s29 =	simm.s32 $0x9;
	_ =	strace $0x8000004B  }
0xb3: {  	_ =	swait.ge [sflag:s29], $0x1  }
0xb4: {  	[sflag:s29] =	ssyncadd.s32 $0xFFFFFFFF  }
0xb5: {  	_ =	strace $0x9000004B  }
0xb6: {  	_ =	sfence  }
0xb7: {  	s30 =	sld [smem:$0x0];
	_ =	sdelay $0x2  }
0xb8: {  	s31 =	sshll.u32 s1, $0xD;
	s1 =	sshrl.u32 s1, $0x2  }
0xb9: {  	s3 =	sand.u32 $0x4000, s31;
	s1 =	sadd.s32 s1, s30  }
0xba: {  	s0 =	sor.u32 s3, s0;
	s1 =	sshll.u32 s1, $0x11  }
0xbb: {  	s0 =	sor.u32 s1, s0  }
0xbc: {  	s0 =	sadd.s32 $0x8F2B, s0  }
0xbd: {  	[sflag:s0] =	ssyncadd.remote.s32 $0x1  }
0xbe: {  	_ =	sfence.sel $0xFFFF  }
0xbf: {  	[dreg:$0x0] =	wrdreg $0xFFFFFFFF;
	(pc) =	sbr.abs _section_cstart, $3  }
0xc0: {  	[dreg:$0x1] =	wrdreg $0xFFFFFFFF  }
0xc1: {  	_ =	task.clear_ibuf [dreg:s6], $0x2FFFF;
	_ =	strace $0x9FFFFFFF  }
0xc2: {  	(tm) =	ssettm $0x7FFFFFFF  }
0xc3: {  	_ =	shalt  }
tec
execute0_lowered:
.L_overlay_start_1:
0x0: {  	(tag) =	ssettag $0x1  }
0x1: {  	s1 =	rddreg [dreg:$0x0]  }
0x2: {  	s0 =	srdreg.scid;
	s2 =	rddreg [dreg:$0x1]  }
0x3: {  	s19 =	stileid.u32;
	s3 =	simm.s32 $0x0;
	s28 =	simm.s32 $0x3  }
0x4: {  	s29 =	simm.s32 $0x7;
	s0 =	sand.u32 $0x1, s0;
	[smem:$0x7FF] =	sst s3  }
0x5: {  	s7 =	smul.u32 $0x14000, s19;
	s8 =	sadd.s32 $0x67A00, s1;
	s30 =	sadd.s32 $0x3E00, s1  }
0x6: {  	s4 =	sshll.u32 s0, $0x4;
	s5 =	ssub.s32 $0x2, s0;
	s12 =	smul.u32 $0x140000, s0  }
0x7: {  	_ =	strace $0x8000004A;
	s0 =	smul.u32 $0x27100, s0;
	s4 =	sor.u32 s19, s4  }
0x8: {  	s6 =	sshrl.u32 s5, $0x1;
	s9 =	sor.u32 $0x2800, s7;
	s10 =	sadd.s32 $0x5000, s7  }
0x9: {  	s11 =	sadd.s32 $0x7800, s7;
	s15 =	sadd.s32 $0xA000, s7;
	s16 =	sadd.s32 $0xC800, s7  }
0xa: {  	s17 =	sadd.s32 $0xF000, s7;
	s18 =	sadd.s32 $0x11800, s7;
	s4 =	smul.u32 $0x2710, s4  }
0xb: {  	s5 =	ssub.s32 s5, s6;
	s6 =	smul.u32 $0x50000, s19;
	s7 =	sadd.s32 s7, s12  }
0xc: {  	s25 =	sadd.s32 s12, s9;
	s14 =	sadd.s32 s12, s10;
	s20 =	sadd.s32 s12, s15  }
0xd: {  	s21 =	sadd.s32 s12, s16;
	s31 =	sadd.s32 s10, s2;
	s10 =	sadd.s32 s15, s2  }
0xe: {  	s24 =	sadd.s32 s12, s17;
	s15 =	sadd.s32 s17, s2;
	[dreg:$0x10] =	wrdreg s10  }
0xf: {  	s7 =	sshrl.u32 s7, $0x3;
	s23 =	sshrl.u32 s21, $0x3;
	[dreg:$0x12] =	wrdreg s15  }
0x10: {  	s10 =	simm.s32 $0x2B00;
	[dreg:$0xe] =	wrdreg s31;
	s13 =	sadd.s32 $0x190, s4  }
0x11: {  	s15 =	simm.s32 $0x4;
	s7 =	sadd.s32 s8, s7;
	[dreg:$0x3] =	wrdreg s13  }
0x12: {  	s6 =	sshrl.u32 s6, $0x2;
	s13 =	sshrl.u32 s25, $0x3;
	[dreg:$0x4] =	wrdreg s7  }
0x13: {  	s25 =	smul.u32 $0x2710, s19;
	s6 =	sadd.s32 s6, s2;
	s26 =	sadd.s32 s8, s13  }
0x14: {  	s13 =	sshrl.u32 s14, $0x3;
	s14 =	sadd.s32 s12, s11;
	[dreg:$0xc] =	wrdreg s6  }
0x15: {  	s12 =	sadd.s32 s12, s18;
	[dreg:$0x5] =	wrdreg s26;
	s7 =	sadd.s32 s8, s13  }
0x16: {  	s13 =	sshrl.u32 s20, $0x3;
	s12 =	sshrl.u32 s12, $0x3;
	s0 =	sadd.s32 s25, s0  }
0x17: {  	s25 =	smax.u32 s5, $0x1;
	s5 =	simm.s32 $0xD;
	[dreg:$0x6] =	wrdreg s7  }
0x18: {  	s7 =	sshrl.u32 s14, $0x3;
	s22 =	sadd.s32 s8, s13;
	[dreg:$0x1a] =	wrdreg s25  }
0x19: {  	s21 =	sadd.s32 $0x140, s0;
	s0 =	sadd.s32 $0xF0, s0;
	[dreg:$0x8] =	wrdreg s22  }
0x1a: {  	s13 =	sshrl.u32 s24, $0x3;
	s7 =	sadd.s32 s8, s7;
	[dreg:$0x1d] =	wrdreg s0  }
0x1b: {  	s14 =	sshrl.u32 s4, $0x3;
	s26 =	sadd.s32 s8, s13;
	[dreg:$0x7] =	wrdreg s7  }
0x1c: {  	s22 =	sadd.s32 s9, s2;
	s9 =	sadd.s32 s11, s2;
	[dreg:$0xa] =	wrdreg s26  }
0x1d: {  	s25 =	simm.s32 $0x280;
	s11 =	sadd.s32 s16, s2;
	[dreg:$0xf] =	wrdreg s9  }
0x1e: {  	s13 =	sadd.s32 $0xDC00, s1;
	s16 =	sadd.s32 s18, s2;
	[dreg:$0x11] =	wrdreg s11  }
0x1f: {  	s17 =	sadd.s32 $0xA, s14;
	s19 =	sadd.s32 s30, s14;
	[dreg:$0x13] =	wrdreg s16  }
0x20: {  	s24 =	sshrl.u32 s21, $0x3;
	s21 =	simm.s32 $0xB;
	[dreg:$0x16] =	wrdreg s19  }
0x21: {  	s7 =	sadd.s32 s8, s23;
	s8 =	sadd.s32 s8, s12;
	[dreg:$0xd] =	wrdreg s22  }
0x22: {  	s12 =	sadd.s32 $0x17A00, s1;
	s18 =	sadd.s32 s30, s17;
	[dreg:$0x9] =	wrdreg s7  }
0x23: {  	s4 =	sadd.s32 s13, s17;
	s20 =	sadd.s32 s13, s14;
	[dreg:$0xb] =	wrdreg s8  }
0x24: {  	s1 =	sadd.s32 $0x14, s14;
	s26 =	sadd.s32 s24, s13;
	[dreg:$0x14] =	wrdreg s18  }
0x25: {  	s9 =	simm.s32 $0x200;
	s19 =	simm.s32 $0x6;
	[dreg:$0x15] =	wrdreg s4  }
0x26: {  	s17 =	simm.s32 $0x80;
	[dreg:$0x17] =	wrdreg s20;
	s23 =	sadd.s32 s30, s1  }
0x27: {  	s1 =	sadd.s32 s13, s1;
	[dreg:$0x1b] =	wrdreg s26;
	s4 =	simm.s32 $0x300  }
0x28: {  	s7 =	simm.s32 $0x180;
	s8 =	simm.s32 $0x80;
	s26 =	simm.s32 $0x2  }
0x29: {  	s18 =	simm.s32 $0x9;
	s20 =	simm.s32 $0xA;
	[dreg:$0x18] =	wrdreg s23  }
0x2a: {  	[dreg:$0x19] =	wrdreg s1;
	s1 =	sadd.s32 s24, s30;
	s24 =	simm.s32 $0x1  }
0x2b: {  	v0 =	vimm.f32 $0.0e+00;
	s23 =	simm.s32 $0x50;
	[dreg:$0x1c] =	wrdreg s1;
	s1 =	simm.s32 $0x0  }
.LBB2_1:
0x2c: {  	[dreg:$0x1e] =	wrdreg s1  }
0x2d: {  	s11 =	smov.u32 s2;
	s0 =	simm.s32 $0x10;
	s1 =	sand.u32 $0x3FF0, s3  }
.LBB2_2:
0x2e: {  	p0 =	sne.s32 s0, $0x27F0;
	[tilespmem:s1+$0x300] =	vst v0;
	s1 =	smov.u32 s0;
	s0 =	sadd.s32 $0x10, s0  }
.Ltmp0:
0x2f: {  	(pc) =	sbr.rel @p0 .LBB2_2-.Ltmp0, $2  }
0x30: {  	_ =	sdelay $0x2  }
0x31: {  	s1 =	sand.u32 $0x3FF0, s1  }
0x32: {  	[tilespmem:s1+$0x300] =	vst v0  }
0x33: {  	[spmem:s6] =	stream.linear.scatter [tilespmem:s4], [sflag:$0xD], $0x2800, $0x38;
	[tilespmem:$0x1BB00] =	vst v63  }
0x34: {  	_ =	swait.ge [sflag:s5], $0x2800  }
0x35: {  	[sflag:s5] =	ssyncset.done $0x0  }
0x36: {  	[sflag:s5] =	ssyncadd.s32 $0xFFFFD800  }
0x37: {  	[spmem:s22] =	stream.linear.scatter [tilespmem:s4], [sflag:$0xD], $0x2800, $0x38;
	[tilespmem:$0x1BB00] =	vst v63  }
0x38: {  	_ =	swait.ge [sflag:s5], $0x2800  }
0x39: {  	[sflag:s5] =	ssyncset.done $0x0  }
0x3a: {  	[sflag:s5] =	ssyncadd.s32 $0xFFFFD800  }
0x3b: {  	[spmem:s31] =	stream.linear.scatter [tilespmem:s4], [sflag:$0xD], $0x2800, $0x38;
	[tilespmem:$0x1BB00] =	vst v63  }
0x3c: {  	_ =	swait.ge [sflag:s5], $0x2800  }
0x3d: {  	[sflag:s5] =	ssyncset.done $0x0  }
0x3e: {  	s0 =	rddreg [dreg:$0xf];
	[sflag:s5] =	ssyncadd.s32 $0xFFFFD800  }
0x3f: {  	[spmem:s0] =	stream.linear.scatter [tilespmem:s4], [sflag:$0xD], $0x2800, $0x38;
	[tilespmem:$0x1BB00] =	vst v63  }
0x40: {  	_ =	swait.ge [sflag:s5], $0x2800  }
0x41: {  	[sflag:s5] =	ssyncset.done $0x0  }
0x42: {  	s14 =	rddreg [dreg:$0x10];
	[sflag:s5] =	ssyncadd.s32 $0xFFFFD800  }
0x43: {  	[spmem:s14] =	stream.linear.scatter [tilespmem:s4], [sflag:$0xD], $0x2800, $0x38;
	[tilespmem:$0x1BB00] =	vst v63  }
0x44: {  	_ =	swait.ge [sflag:s5], $0x2800  }
0x45: {  	[sflag:s5] =	ssyncset.done $0x0  }
0x46: {  	s16 =	rddreg [dreg:$0x11];
	[sflag:s5] =	ssyncadd.s32 $0xFFFFD800  }
0x47: {  	[spmem:s16] =	stream.linear.scatter [tilespmem:s4], [sflag:$0xD], $0x2800, $0x38;
	[tilespmem:$0x1BB00] =	vst v63  }
0x48: {  	_ =	swait.ge [sflag:s5], $0x2800  }
0x49: {  	[sflag:s5] =	ssyncset.done $0x0  }
0x4a: {  	s22 =	rddreg [dreg:$0x12];
	[sflag:s5] =	ssyncadd.s32 $0xFFFFD800  }
0x4b: {  	[spmem:s22] =	stream.linear.scatter [tilespmem:s4], [sflag:$0xD], $0x2800, $0x38;
	[tilespmem:$0x1BB00] =	vst v63  }
0x4c: {  	_ =	swait.ge [sflag:s5], $0x2800  }
0x4d: {  	[sflag:s5] =	ssyncset.done $0x0  }
0x4e: {  	s1 =	rddreg [dreg:$0x13];
	[sflag:s5] =	ssyncadd.s32 $0xFFFFD800  }
0x4f: {  	[spmem:s1] =	stream.linear.scatter [tilespmem:s4], [sflag:$0xD], $0x2800, $0x38;
	[tilespmem:$0x1BB00] =	vst v63  }
0x50: {  	_ =	swait.ge [sflag:s5], $0x2800  }
0x51: {  	[sflag:s5] =	ssyncset.done $0x0  }
0x52: {  	[sflag:s5] =	ssyncadd.s32 $0xFFFFD800  }
0x53: {  	[bflag:$0x0] =	sbarrier.arrive $0xFFFF  }
0x54: {  	s0 =	simm.s32 $0x0;
	s2 =	rddreg [dreg:$0x16]  }
0x55: {  	[tilespmem:s0], [sflag:$0x1] =	stream.linear.gather [hbm4b:s2+s0], $0x50, $0x38;
	[tilespmem:$0x1BB00] =	vst v63  }
0x56: {  	s5 =	rddreg [dreg:$0x17]  }
0x57: {  	[tilespmem:s7], [sflag:$0x4] =	stream.linear.gather [hbm4b:s5+s0], $0x50, $0x38;
	[tilespmem:$0x1BB00] =	vst v63  }
0x58: {  	s6 =	rddreg [dreg:$0x14]  }
0x59: {  	[tilespmem:s8], [sflag:$0x2] =	stream.linear.gather [hbm4b:s6+s0], $0x50, $0x38;
	[tilespmem:$0x1BB00] =	vst v63  }
0x5a: {  	s7 =	rddreg [dreg:$0x15]  }
0x5b: {  	[tilespmem:s9], [sflag:$0x5] =	stream.linear.gather [hbm4b:s7+s0], $0x50, $0x38;
	[tilespmem:$0x1BB00] =	vst v63  }
0x5c: {  	s14 =	rddreg [dreg:$0x18];
	s6 =	simm.s32 $0x100  }
0x5d: {  	[tilespmem:s6], [sflag:$0x3] =	stream.linear.gather [hbm4b:s14+s0], $0x50, $0x38;
	[tilespmem:$0x1BB00] =	vst v63  }
0x5e: {  	s16 =	rddreg [dreg:$0x19]  }
0x5f: {  	[tilespmem:s25], [sflag:$0x6] =	stream.linear.gather [hbm4b:s16+s0], $0x50, $0x38;
	[tilespmem:$0x1BB00] =	vst v63  }
0x60: {  	_ =	swait.ge [sflag:s24], $0x50  }
0x61: {  	[sflag:s24] =	ssyncset.done $0x0  }
0x62: {  	[sflag:s24] =	ssyncadd.s32 $0xFFFFFFB0  }
0x63: {  	[tilespmem:s4], [sflag:$0x7] =	stream.indirect.gather [hbm4b:s12+s23], $0x80, s0, s23, $0xb8;
	[tilespmem:$0x1BB00] =	vst v63  }
0x64: {  	_ =	swait.ge [sflag:s26], $0x50  }
0x65: {  	[sflag:s26] =	ssyncset.done $0x0  }
0x66: {  	[sflag:s26] =	ssyncadd.s32 $0xFFFFFFB0  }
0x67: {  	[tilespmem:s10], [sflag:$0x8] =	stream.indirect.gather [hbm4b:s12+s23], $0x80, s8, s23, $0xb8;
	[tilespmem:$0x1BB00] =	vst v63  }
0x68: {  	_ =	swait.ge [sflag:s28], $0x50  }
0x69: {  	[sflag:s28] =	ssyncset.done $0x0  }
0x6a: {  	s8 =	simm.s32 $0x5300;
	[sflag:s28] =	ssyncadd.s32 $0xFFFFFFB0  }
0x6b: {  	[tilespmem:s8], [sflag:$0x9] =	stream.indirect.gather [hbm4b:s12+s23], $0x80, s6, s23, $0xb8;
	[tilespmem:$0x1BB00] =	vst v63  }
0x6c: {  	_ =	swait.ge [sflag:s29], $0x2800  }
0x6d: {  	s5 =	rddreg [dreg:$0x1d]  }
0x6e: {  	s22 =	simm.s32 $0x7;
	[sflag:s29] =	ssyncset.done $0x0;
	s1 =	sshrl.u32 s5, $0x3  }
0x6f: {  	[sflag:s22] =	ssyncadd.s32 $0xFFFFD800;
	s16 =	sadd.s32 s30, s1  }
0x70: {  	[tilespmem:s3], [sflag:$0x1] =	stream.linear.gather [hbm4b:s16+s3], $0x50, $0x38;
	[tilespmem:$0x1BB00] =	vst v63  }
0x71: {  	_ =	swait.ge [sflag:s15], $0x50  }
0x72: {  	s2 =	simm.s32 $0x180;
	[sflag:s15] =	ssyncset.done $0x0  }
0x73: {  	s9 =	simm.s32 $0x300;
	s22 =	simm.s32 $0x8;
	[sflag:s15] =	ssyncadd.s32 $0xFFFFFFB0  }
0x74: {  	[spmem:s11] =	stream.indirect.scatter.add.f32 [tilespmem:s9], [sflag:$0xA], $0x80, s2, s23, $0xb8;
	[tilespmem:$0x1BB00] =	vst v63  }
0x75: {  	_ =	swait.ge [sflag:s22], $0x2800  }
0x76: {  	s14 =	simm.s32 $0x80;
	[sflag:s22] =	ssyncset.done $0x0  }
0x77: {  	s16 =	simm.s32 $0x5;
	s4 =	rddreg [dreg:$0x1c];
	[sflag:s22] =	ssyncadd.s32 $0xFFFFD800  }
0x78: {  	[tilespmem:s14], [sflag:$0x2] =	stream.linear.gather [hbm4b:s4+s3], $0x50, $0x38;
	[tilespmem:$0x1BB00] =	vst v63  }
0x79: {  	_ =	swait.ge [sflag:s16], $0x50  }
0x7a: {  	s7 =	simm.s32 $0x200;
	[sflag:s16] =	ssyncset.done $0x0  }
0x7b: {  	s0 =	smin.u32 s0, $0x77;
	s10 =	simm.s32 $0x2B00;
	[sflag:s16] =	ssyncadd.s32 $0xFFFFFFB0  }
0x7c: {  	[spmem:s11] =	stream.indirect.scatter.add.f32 [tilespmem:s10], [sflag:$0xB], $0x80, s7, s23, $0xb8;
	[tilespmem:$0x1BB00] =	vst v63  }
0x7d: {  	s0 =	smul.u32 $0x50, s0;
	_ =	swait.ge [sflag:s18], $0x2800  }
0x7e: {  	s16 =	rddreg [dreg:$0x3]  }
0x7f: {  	s0 =	sadd.s32 s0, s16  }
0x80: {  	[sflag:s18] =	ssyncset.done $0x0;
	s0 =	sshrl.u32 s0, $0x3  }
0x81: {  	[sflag:s18] =	ssyncadd.s32 $0xFFFFD800;
	s16 =	sadd.s32 s30, s0  }
0x82: {  	[tilespmem:s6], [sflag:$0x3] =	stream.linear.gather [hbm4b:s16+s3], $0x50, $0x38;
	[tilespmem:$0x1BB00] =	vst v63  }
0x83: {  	_ =	swait.ge [sflag:s19], $0x50  }
0x84: {  	[sflag:s19] =	ssyncset.done $0x0  }
0x85: {  	[sflag:s19] =	ssyncadd.s32 $0xFFFFFFB0  }
0x86: {  	[spmem:s11] =	stream.indirect.scatter.add.f32 [tilespmem:s8], [sflag:$0xC], $0x80, s25, s23, $0xb8;
	[tilespmem:$0x1BB00] =	vst v63  }
0x87: {  	_ =	swait.ge [sflag:s20], $0x2800  }
0x88: {  	[sflag:s20] =	ssyncset.done $0x0  }
0x89: {  	s24 =	simm.s32 $0x1;
	s1 =	sadd.s32 s13, s1;
	[sflag:s20] =	ssyncadd.s32 $0xFFFFD800  }
0x8a: {  	[tilespmem:s2], [sflag:$0x4] =	stream.linear.gather [hbm4b:s1+s3], $0x50, $0x38;
	[tilespmem:$0x1BB00] =	vst v63  }
0x8b: {  	_ =	swait.ge [sflag:s24], $0x50  }
0x8c: {  	[sflag:s24] =	ssyncset.done $0x0  }
0x8d: {  	[sflag:s24] =	ssyncadd.s32 $0xFFFFFFB0  }
0x8e: {  	[tilespmem:s9], [sflag:$0x7] =	stream.indirect.gather [hbm4b:s12+s23], $0x80, s3, s23, $0xb8;
	[tilespmem:$0x1BB00] =	vst v63  }
0x8f: {  	_ =	swait.ge [sflag:s21], $0x2800  }
0x90: {  	[sflag:s21] =	ssyncset.done $0x0  }
0x91: {  	s26 =	simm.s32 $0x2;
	s22 =	rddreg [dreg:$0x1b];
	[sflag:s21] =	ssyncadd.s32 $0xFFFFD800  }
0x92: {  	[tilespmem:s7], [sflag:$0x5] =	stream.linear.gather [hbm4b:s22+s3], $0x50, $0x38;
	[tilespmem:$0x1BB00] =	vst v63  }
0x93: {  	_ =	swait.ge [sflag:s26], $0x50  }
0x94: {  	[sflag:s26] =	ssyncset.done $0x0  }
0x95: {  	s28 =	simm.s32 $0xC;
	[sflag:s26] =	ssyncadd.s32 $0xFFFFFFB0  }
0x96: {  	[tilespmem:s10], [sflag:$0x8] =	stream.indirect.gather [hbm4b:s12+s23], $0x80, s14, s23, $0xb8;
	[tilespmem:$0x1BB00] =	vst v63  }
0x97: {  	_ =	swait.ge [sflag:s28], $0x2800  }
0x98: {  	[sflag:s28] =	ssyncset.done $0x0  }
0x99: {  	s29 =	simm.s32 $0x3;
	s0 =	sadd.s32 s13, s0;
	[sflag:s28] =	ssyncadd.s32 $0xFFFFD800  }
0x9a: {  	[tilespmem:s25], [sflag:$0x6] =	stream.linear.gather [hbm4b:s0+s3], $0x50, $0x38;
	[tilespmem:$0x1BB00] =	vst v63  }
0x9b: {  	s31 =	simm.s32 $0x3;
	_ =	swait.ge [sflag:s29], $0x50  }
0x9c: {  	s16 =	smov.u32 s13;
	s1 =	sadd.s32 $0x1E, s22;
	[sflag:s29] =	ssyncset.done $0x0  }
0x9d: {  	s22 =	sadd.s32 $0x1E, s4;
	s0 =	sadd.s32 $0xF0, s5;
	[sflag:s29] =	ssyncadd.s32 $0xFFFFFFB0  }
.LBB2_4:
0x9e: {  	s2 =	simm.s32 $0x5300;
	s9 =	simm.s32 $0x7  }
0x9f: {  	[tilespmem:s2], [sflag:$0x9] =	stream.indirect.gather [hbm4b:s12+s23], $0x80, s6, s23, $0xb8;
	[tilespmem:$0x1BB00] =	vst v63  }
0xa0: {  	_ =	swait.ge [sflag:s9], $0x2800  }
0xa1: {  	s4 =	sshrl.u32 s0, $0x3;
	[sflag:s9] =	ssyncset.done $0x0  }
0xa2: {  	s10 =	sadd.s32 s30, s4;
	[sflag:s9] =	ssyncadd.s32 $0xFFFFD800  }
0xa3: {  	[tilespmem:s3], [sflag:$0x1] =	stream.linear.gather [hbm4b:s10+s3], $0x50, $0x38;
	[tilespmem:$0x1BB00] =	vst v63  }
0xa4: {  	_ =	swait.ge [sflag:s15], $0x50  }
0xa5: {  	s8 =	simm.s32 $0x180;
	[sflag:s15] =	ssyncset.done $0x0  }
0xa6: {  	s14 =	simm.s32 $0x300;
	s13 =	simm.s32 $0x8;
	[sflag:s15] =	ssyncadd.s32 $0xFFFFFFB0  }
0xa7: {  	[spmem:s11] =	stream.indirect.scatter.add.f32 [tilespmem:s14], [sflag:$0xA], $0x80, s8, s23, $0xb8;
	[tilespmem:$0x1BB00] =	vst v63  }
0xa8: {  	_ =	swait.ge [sflag:s13], $0x2800  }
0xa9: {  	[sflag:s13] =	ssyncset.done $0x0  }
0xaa: {  	s7 =	simm.s32 $0x5;
	[sflag:s13] =	ssyncadd.s32 $0xFFFFD800  }
0xab: {  	[tilespmem:s17], [sflag:$0x2] =	stream.linear.gather [hbm4b:s22+s3], $0x50, $0x38;
	[tilespmem:$0x1BB00] =	vst v63  }
0xac: {  	s5 =	smov.u32 s31;
	_ =	swait.ge [sflag:s7], $0x50  }
0xad: {  	s5 =	smin.u32 s5, $0x77;
	[sflag:s7] =	ssyncset.done $0x0  }
0xae: {  	s10 =	simm.s32 $0x200;
	[sflag:s7] =	ssyncadd.s32 $0xFFFFFFB0;
	s7 =	simm.s32 $0x2B00  }
0xaf: {  	[spmem:s11] =	stream.indirect.scatter.add.f32 [tilespmem:s7], [sflag:$0xB], $0x80, s10, s23, $0xb8;
	[tilespmem:$0x1BB00] =	vst v63  }
0xb0: {  	s5 =	smul.u32 $0x50, s5;
	_ =	swait.ge [sflag:s18], $0x2800  }
0xb1: {  	s9 =	rddreg [dreg:$0x3]  }
0xb2: {  	s5 =	sadd.s32 s5, s9  }
0xb3: {  	[sflag:s18] =	ssyncset.done $0x0;
	s5 =	sshrl.u32 s5, $0x3  }
0xb4: {  	s25 =	simm.s32 $0x100;
	[sflag:s18] =	ssyncadd.s32 $0xFFFFD800;
	s13 =	sadd.s32 s30, s5  }
0xb5: {  	[tilespmem:s25], [sflag:$0x3] =	stream.linear.gather [hbm4b:s13+s3], $0x50, $0x38;
	[tilespmem:$0x1BB00] =	vst v63  }
0xb6: {  	_ =	swait.ge [sflag:s19], $0x50  }
0xb7: {  	[sflag:s19] =	ssyncset.done $0x0  }
0xb8: {  	s25 =	simm.s32 $0x280;
	[sflag:s19] =	ssyncadd.s32 $0xFFFFFFB0  }
0xb9: {  	[spmem:s11] =	stream.indirect.scatter.add.f32 [tilespmem:s2], [sflag:$0xC], $0x80, s25, s23, $0xb8;
	[tilespmem:$0x1BB00] =	vst v63  }
0xba: {  	_ =	swait.ge [sflag:s20], $0x2800  }
0xbb: {  	[sflag:s20] =	ssyncset.done $0x0  }
0xbc: {  	s4 =	sadd.s32 s16, s4;
	[sflag:s20] =	ssyncadd.s32 $0xFFFFD800  }
0xbd: {  	[tilespmem:s8], [sflag:$0x4] =	stream.linear.gather [hbm4b:s4+s3], $0x50, $0x38;
	[tilespmem:$0x1BB00] =	vst v63  }
0xbe: {  	_ =	swait.ge [sflag:s24], $0x50  }
0xbf: {  	[sflag:s24] =	ssyncset.done $0x0  }
0xc0: {  	[sflag:s24] =	ssyncadd.s32 $0xFFFFFFB0  }
0xc1: {  	[tilespmem:s14], [sflag:$0x7] =	stream.indirect.gather [hbm4b:s12+s23], $0x80, s3, s23, $0xb8;
	[tilespmem:$0x1BB00] =	vst v63  }
0xc2: {  	_ =	swait.ge [sflag:s21], $0x2800  }
0xc3: {  	[sflag:s21] =	ssyncset.done $0x0  }
0xc4: {  	[sflag:s21] =	ssyncadd.s32 $0xFFFFD800  }
0xc5: {  	[tilespmem:s10], [sflag:$0x5] =	stream.linear.gather [hbm4b:s1+s3], $0x50, $0x38;
	[tilespmem:$0x1BB00] =	vst v63  }
0xc6: {  	_ =	swait.ge [sflag:s26], $0x50  }
0xc7: {  	[sflag:s26] =	ssyncset.done $0x0  }
0xc8: {  	p0 =	sne.s32 s31, $0x78;
	[sflag:s26] =	ssyncadd.s32 $0xFFFFFFB0  }
0xc9: {  	[tilespmem:s7], [sflag:$0x8] =	stream.indirect.gather [hbm4b:s12+s23], $0x80, s17, s23, $0xb8;
	[tilespmem:$0x1BB00] =	vst v63  }
0xca: {  	s31 =	sadd.s32 $0x3, s31;
	s0 =	sadd.s32 $0xF0, s0;
	_ =	swait.ge [sflag:s28], $0x2800  }
0xcb: {  	s6 =	simm.s32 $0x100;
	s22 =	sadd.s32 $0x1E, s22;
	[sflag:s28] =	ssyncset.done $0x0  }
.Ltmp1:
0xcc: {  	s14 =	sadd.s32 s16, s5;
	[sflag:s28] =	ssyncadd.s32 $0xFFFFD800;
	(pc) =	sbr.rel @p0 .LBB2_4-.Ltmp1, $4  }
0xcd: {  	[tilespmem:s25], [sflag:$0x6] =	stream.linear.gather [hbm4b:s14+s3], $0x50, $0x38;
	[tilespmem:$0x1BB00] =	vst v63  }
0xce: {  	s9 =	simm.s32 $0x5300;
	s13 =	simm.s32 $0x300;
	_ =	swait.ge [sflag:s29], $0x50  }
0xcf: {  	s2 =	simm.s32 $0x180;
	s8 =	simm.s32 $0x200;
	[sflag:s29] =	ssyncset.done $0x0  }
0xd0: {  	s10 =	simm.s32 $0x2B00;
	s1 =	sadd.s32 $0x1E, s1;
	[sflag:s29] =	ssyncadd.s32 $0xFFFFFFB0  }
0xd1: {  	[tilespmem:s9], [sflag:$0x9] =	stream.indirect.gather [hbm4b:s12+s23], $0x80, s6, s23, $0xb8;
	[tilespmem:$0x1BB00] =	vst v63  }
0xd2: {  	s0 =	simm.s32 $0x7  }
0xd3: {  	_ =	swait.ge [sflag:s0], $0x2800  }
0xd4: {  	[sflag:s0] =	ssyncset.done $0x0  }
0xd5: {  	[sflag:s0] =	ssyncadd.s32 $0xFFFFD800  }
0xd6: {  	_ =	swait.ge [sflag:s15], $0x50  }
0xd7: {  	[sflag:s15] =	ssyncset.done $0x0  }
0xd8: {  	s5 =	simm.s32 $0x8;
	[sflag:s15] =	ssyncadd.s32 $0xFFFFFFB0  }
0xd9: {  	[spmem:s11] =	stream.indirect.scatter.add.f32 [tilespmem:s13], [sflag:$0xA], $0x80, s2, s23, $0xb8;
	[tilespmem:$0x1BB00] =	vst v63  }
0xda: {  	_ =	swait.ge [sflag:s5], $0x2800  }
0xdb: {  	[sflag:s5] =	ssyncset.done $0x0  }
0xdc: {  	s6 =	simm.s32 $0x5;
	[sflag:s5] =	ssyncadd.s32 $0xFFFFD800  }
0xdd: {  	_ =	swait.ge [sflag:s6], $0x50  }
0xde: {  	[sflag:s6] =	ssyncset.done $0x0  }
0xdf: {  	[sflag:s6] =	ssyncadd.s32 $0xFFFFFFB0  }
0xe0: {  	[spmem:s11] =	stream.indirect.scatter.add.f32 [tilespmem:s10], [sflag:$0xB], $0x80, s8, s23, $0xb8;
	[tilespmem:$0x1BB00] =	vst v63  }
0xe1: {  	_ =	swait.ge [sflag:s18], $0x2800  }
0xe2: {  	[sflag:s18] =	ssyncset.done $0x0  }
0xe3: {  	[sflag:s18] =	ssyncadd.s32 $0xFFFFD800  }
0xe4: {  	_ =	swait.ge [sflag:s19], $0x50  }
0xe5: {  	[sflag:s19] =	ssyncset.done $0x0  }
0xe6: {  	[sflag:s19] =	ssyncadd.s32 $0xFFFFFFB0  }
0xe7: {  	_ =	swait.ge [sflag:s20], $0x2800  }
0xe8: {  	[sflag:s20] =	ssyncset.done $0x0  }
0xe9: {  	[sflag:s20] =	ssyncadd.s32 $0xFFFFD800  }
0xea: {  	_ =	swait.ge [sflag:s21], $0x2800  }
0xeb: {  	[sflag:s21] =	ssyncset.done $0x0  }
0xec: {  	s7 =	stileid.u32;
	[sflag:s21] =	ssyncadd.s32 $0xFFFFD800  }
0xed: {  	s0 =	sshll.u32 s7, $0x6;
	[bflag:$0x0] =	sbarrier.arrive $0xFFFF  }
0xee: {  	s0 =	sor.u32 $0x1C0D, s0;
	s6 =	rddreg [dreg:$0xc]  }
0xef: {  	s5 =	simm.s32 $0xD;
	s4 =	rddreg [dreg:$0x4];
	s1 =	sshrl.u32 s6, $0x3  }
0xf0: {  	[hbm:s4], [sflag:s0] =	dma.local [spmem:s1], $0x500  }
0xf1: {  	_ =	swait.ge [sflag:s5], $0x500  }
0xf2: {  	[sflag:s5] =	ssyncset.done $0x0;
	s22 =	rddreg [dreg:$0xd]  }
0xf3: {  	s9 =	rddreg [dreg:$0x5];
	[sflag:s5] =	ssyncadd.s32 $0xFFFFFB00;
	s8 =	sshrl.u32 s22, $0x3  }
0xf4: {  	[hbm:s9], [sflag:s0] =	dma.local [spmem:s8], $0x500  }
0xf5: {  	_ =	swait.ge [sflag:s5], $0x500  }
0xf6: {  	[sflag:s5] =	ssyncset.done $0x0;
	s31 =	rddreg [dreg:$0xe]  }
0xf7: {  	s13 =	rddreg [dreg:$0x6];
	[sflag:s5] =	ssyncadd.s32 $0xFFFFFB00;
	s10 =	sshrl.u32 s31, $0x3  }
0xf8: {  	[hbm:s13], [sflag:s0] =	dma.local [spmem:s10], $0x500  }
0xf9: {  	_ =	swait.ge [sflag:s5], $0x500  }
0xfa: {  	[sflag:s5] =	ssyncset.done $0x0;
	s14 =	rddreg [dreg:$0xf]  }
0xfb: {  	s24 =	rddreg [dreg:$0x7];
	[sflag:s5] =	ssyncadd.s32 $0xFFFFFB00;
	s1 =	sshrl.u32 s14, $0x3  }
0xfc: {  	[hbm:s24], [sflag:s0] =	dma.local [spmem:s1], $0x500  }
0xfd: {  	_ =	swait.ge [sflag:s5], $0x500  }
0xfe: {  	[sflag:s5] =	ssyncset.done $0x0;
	s26 =	rddreg [dreg:$0x10]  }
0xff: {  	s2 =	rddreg [dreg:$0x8];
	[sflag:s5] =	ssyncadd.s32 $0xFFFFFB00;
	s1 =	sshrl.u32 s26, $0x3  }
0x100: {  	[hbm:s2], [sflag:s0] =	dma.local [spmem:s1], $0x500  }
0x101: {  	_ =	swait.ge [sflag:s5], $0x500  }
0x102: {  	[sflag:s5] =	ssyncset.done $0x0;
	s7 =	rddreg [dreg:$0x11]  }
0x103: {  	s8 =	rddreg [dreg:$0x9];
	[sflag:s5] =	ssyncadd.s32 $0xFFFFFB00;
	s1 =	sshrl.u32 s7, $0x3  }
0x104: {  	[hbm:s8], [sflag:s0] =	dma.local [spmem:s1], $0x500  }
0x105: {  	_ =	swait.ge [sflag:s5], $0x500  }
0x106: {  	[sflag:s5] =	ssyncset.done $0x0;
	s9 =	rddreg [dreg:$0x12]  }
0x107: {  	s10 =	rddreg [dreg:$0xa];
	[sflag:s5] =	ssyncadd.s32 $0xFFFFFB00;
	s1 =	sshrl.u32 s9, $0x3  }
0x108: {  	[hbm:s10], [sflag:s0] =	dma.local [spmem:s1], $0x500  }
0x109: {  	_ =	swait.ge [sflag:s5], $0x500  }
0x10a: {  	[sflag:s5] =	ssyncset.done $0x0;
	s13 =	rddreg [dreg:$0x13]  }
0x10b: {  	s14 =	rddreg [dreg:$0xb];
	[sflag:s5] =	ssyncadd.s32 $0xFFFFFB00;
	s1 =	sshrl.u32 s13, $0x3  }
0x10c: {  	[hbm:s14], [sflag:s0] =	dma.local [spmem:s1], $0x500  }
0x10d: {  	_ =	swait.ge [sflag:s5], $0x500  }
0x10e: {  	s24 =	rddreg [dreg:$0x1e]  }
0x10f: {  	s26 =	rddreg [dreg:$0x1a];
	s1 =	sadd.s32 $0x1, s24  }
0x110: {  	p0 =	sne.s32 s1, s26  }
.Ltmp2:
0x111: {  	s28 =	simm.s32 $0x3;
	(pc) =	sbr.rel @p0 .LBB2_1-.Ltmp2, $4  }
0x112: {  	s29 =	simm.s32 $0x7;
	s4 =	simm.s32 $0x300;
	s2 =	smov.u32 s11  }
0x113: {  	s7 =	simm.s32 $0x180;
	s8 =	simm.s32 $0x80;
	s9 =	simm.s32 $0x200  }
0x114: {  	s10 =	simm.s32 $0x2B00;
	s13 =	smov.u32 s16;
	[sflag:s5] =	ssyncset.done $0x0  }
0x115: {  	[sflag:s5] =	ssyncadd.s32 $0xFFFFFB00;
	s24 =	simm.s32 $0x1;
	s26 =	simm.s32 $0x2  }
0x116: {  	_ =	sfence.sel $0x180000  }
0x117: {  	[bflag:$0x0] =	sbarrier.arrive $0xFFFF  }
0x118: {  	_ =	strace $0x9000004A  }
0x119: {  	s0 =	stileid.u32;
	[bflag:$0x2] =	sbarrier.arrive $0xFFFF  }
0x11a: {  	p0 =	sne.s32 s0, $0x0;
	s0 =	rddreg [dreg:$0x2]  }
0x11b: {  	s0 =	sadd.s32 @!p0 $0x100000, s0  }
0x11c: {  	[sflag:s0] =	ssyncadd.tile.s32 @!p0 $0x1;
	_ =	shalt  }
.Lfunc_end2:
_tile_overlayer_lowered:
.L_overlay_start_2:
0x11d: {  	(tag) =	ssettag $0x2  }
0x11e: {  	s0 =	rddreg [dreg:$0x0];
	s2 =	stileid.u32  }
0x11f: {  	s1 =	rddreg [dreg:$0x1];
	p0 =	sne.s32 s2, $0x0  }
0x120: {  	s3 =	rddreg [dreg:$0x2];
	[bflag:$0x3] =	sbarrier.arrive $0xFFFF;
	s2 =	simm.s32 @!p0 $0x1C0D  }
0x121: {  	[timem:s3], [sflag:s2] =	dma.local @!p0 [hbm:s0], s1  }
0x122: {  	s0 =	simm.s32 @!p0 $0xD  }
0x123: {  	_ =	swait.ge @!p0 [sflag:s0], s1  }
0x124: {  	s1 =	ssub.s32 @!p0 $0x0, s1;
	[sflag:s0] =	ssyncset.done @!p0 $0x0  }
0x125: {  	[sflag:s0] =	ssyncadd.s32 @!p0 s1  }
0x126: {  	[bflag:$0x3] =	sbarrier.arrive $0xFFFF  }
0x127: {  	_ =	shalt  }

// kernel: kernel.21.cloned.1.call-start
scs
__scs_entry_jumppad:
0x0: {  	(pc) =	sbr.rel $0x88, $3  }
0x1: {  	(tag) =	ssettag $0x0;
	lr =	simm.s32 $0x1  }
0x2: {  	[smem:$0x3F9D] =	sst lr;
	_ =	strace $0xD0000000  }
0x3: {  	_ = 	snop  }
0x4: {  	_ = 	snop  }
0x5: {  	_ = 	snop  }
0x6: {  	_ = 	snop  }
0x7: {  	_ = 	snop  }
__scs_overlays_trampoline_lowered:
0x8: {  	[smem:$0x3FAC] =	sst s0  }
0x9: {  	[smem:$0x3FAD] =	sst s1  }
0xa: {  	[smem:$0x3FAE] =	sst s2  }
0xb: {  	[smem:$0x3FAF] =	sst s3  }
0xc: {  	[smem:$0x3FB0] =	sst s4  }
0xd: {  	[smem:$0x3FB1] =	sst s5  }
0xe: {  	[smem:$0x3FB2] =	sst s6  }
0xf: {  	[smem:$0x3FB3] =	sst s7  }
0x10: {  	[smem:$0x3FB4] =	sst s8  }
0x11: {  	[smem:$0x3FB5] =	sst s9;
	s0 =	simm.s32 @!p0 $0x0  }
0x12: {  	s1 =	sld [smem:$0x3F9B];
	s0 =	simm.s32 @p0 $0x1  }
0x13: {  	[smem:$0x3FB6] =	sst s0;
	s0 =	simm.s32 @!p1 $0x0  }
0x14: {  	s2 =	sld [smem:$0x3F9A];
	s0 =	simm.s32 @p1 $0x1  }
0x15: {  	[smem:$0x3FB7] =	sst s0;
	s0 =	simm.s32 @!p2 $0x0  }
0x16: {  	s3 =	sld [smem:$0x3FDB];
	s0 =	simm.s32 @p2 $0x1  }
0x17: {  	s4 =	simm.s32 $0x1BF5;
	[smem:$0x3FB9] =	sst s0  }
0x18: {  	s0 =	sld [smem:$0x3F9C];
	_ =	swait.ge [sflag:s4], $0x0  }
0x19: {  	s7 =	sld [smem:$0x3F9D]  }
0x1a: {  	s8 =	sadd.s32 $0xFFFFE003, lr  }
0x1b: {  	s9 =	sadd.s32 $0xFFFFFEF7, lr;
	s5 =	simm.s32 $0xFFFFFFFF;
	p2 =	slt.u32 s8, $0xFFFFF086  }
0x1c: {  	p1 =	slt.u32 s9, $0xF7A;
	s5 =	simm.s32 @!p2 $0x0  }
0x1d: {  	s5 =	simm.s32 @p1 $0x1;
	p0 =	seq.s32 s7, s2  }
0x1e: {  	s7 =	smul.u32 @!p0 $0xF7A, s2;
	p2 =	seq.s32 @!p0 s5, $0x0  }
0x1f: {  	s9 =	smul.u32 $0xF7A, s1;
	s8 =	simm.s32 @!p0 $0x1BF5;
	p2 =	por !p2, p0  }
0x20: {  	[sflag:s8] =	ssyncset.s32 @!p0 $0xFFFFF086;
	s6 =	sadd.s32 @!p0 s3, s7;
	s7 =	simm.s32 @!p0 $0x108  }
0x21: {  	s3 =	sadd.s32 s3, s9;
	s6 =	sadd.s32 @!p0 $0x88, s6;
	s7 =	simm.s32 @p2 $0x1082  }
0x22: {  	[simem:s7], [sflag:s8] =	dma.local @!p0 [hbm:s6], $0xF7A  }
0x23: {  	s9 =	sor.u32 $0xD0000000, s2;
	s6 =	simm.s32 $0x108;
	_ =	swait.ge @!p0 [sflag:s8], $0x0  }
0x24: {  	s3 =	sadd.s32 $0x88, s3;
	s6 =	simm.s32 @!p1 $0x1082;
	[sflag:s4] =	ssyncset.s32 $0xFFFFF086  }
0x25: {  	[simem:s6], [sflag:s4] =	dma.local [hbm:s3], $0xF7A  }
0x26: {  	[smem:$0x3F9D] =	sst s1;
	(tag) =	ssettag s2;
	_ =	strace s9  }
0x27: {  	s1 =	sld [smem:$0x3FAD]  }
0x28: {  	s2 =	sld [smem:$0x3FAE]  }
0x29: {  	s4 =	sld [smem:$0x3FB0]  }
0x2a: {  	p0 =	seq.s32 s5, $0x0;
	s5 =	sld [smem:$0x3FB1]  }
0x2b: {  	s6 =	sld [smem:$0x3FB2]  }
0x2c: {  	s7 =	sld [smem:$0x3FB3]  }
0x2d: {  	s3 =	simm.s32 $0x108;
	s8 =	sld [smem:$0x3FB4]  }
0x2e: {  	s3 =	simm.s32 @!p0 $0x1082;
	s9 =	sld [smem:$0x3FB5]  }
0x2f: {  	lr =	sadd.s32 s0, s3;
	s0 =	sld [smem:$0x3FAC]  }
0x30: {  	s3 =	sld [smem:$0x3FAF]  }
0x31: {  	[smem:$0x3FB8] =	sst s10  }
0x32: {  	s10 =	sld [smem:$0x3FB6];
	_ =	sdelay $0x3  }
0x33: {  	p0 =	seq.s32 s10, $0x1;
	s10 =	sld [smem:$0x3FB8];
	_ =	sdelay $0x3  }
0x34: {  	[smem:$0x3FB8] =	sst s10  }
0x35: {  	s10 =	sld [smem:$0x3FB7];
	_ =	sdelay $0x3  }
0x36: {  	p1 =	seq.s32 s10, $0x1;
	s10 =	sld [smem:$0x3FB8];
	_ =	sdelay $0x3  }
0x37: {  	[smem:$0x3FB8] =	sst s10  }
0x38: {  	s10 =	sld [smem:$0x3FB9]  }
0x39: {  	_ = 	snop;
	(pc) =	sbr.ind lr, $3  }
0x3a: {  	_ = 	snop  }
0x3b: {  	_ = 	snop  }
0x3c: {  	p2 =	seq.s32 s10, $0x1;
	s10 =	sld [smem:$0x3FB8]  }
0x3d: {  	_ =	shalt  }
0x3e: {  	_ =	shalt  }
0x3f: {  	_ =	shalt  }
0x40: {  	_ =	shalt  }
0x41: {  	_ =	shalt  }
0x42: {  	_ =	shalt  }
0x43: {  	_ =	shalt  }
0x44: {  	_ =	shalt  }
0x45: {  	_ =	shalt  }
0x46: {  	_ =	shalt  }
0x47: {  	_ =	shalt  }
0x48: {  	_ =	shalt  }
0x49: {  	_ =	shalt  }
0x4a: {  	_ =	shalt  }
0x4b: {  	_ =	shalt  }
0x4c: {  	_ =	shalt  }
0x4d: {  	_ =	shalt  }
0x4e: {  	_ =	shalt  }
0x4f: {  	_ =	shalt  }
0x50: {  	_ =	shalt  }
0x51: {  	_ =	shalt  }
0x52: {  	_ =	shalt  }
0x53: {  	_ =	shalt  }
0x54: {  	_ =	shalt  }
0x55: {  	_ =	shalt  }
0x56: {  	_ =	shalt  }
0x57: {  	_ =	shalt  }
0x58: {  	_ =	shalt  }
0x59: {  	_ =	shalt  }
0x5a: {  	_ =	shalt  }
0x5b: {  	_ =	shalt  }
0x5c: {  	_ =	shalt  }
0x5d: {  	_ =	shalt  }
0x5e: {  	_ =	shalt  }
0x5f: {  	_ =	shalt  }
0x60: {  	_ =	shalt  }
0x61: {  	_ =	shalt  }
0x62: {  	_ =	shalt  }
0x63: {  	_ =	shalt  }
0x64: {  	_ =	shalt  }
0x65: {  	_ =	shalt  }
0x66: {  	_ =	shalt  }
0x67: {  	_ =	shalt  }
0x68: {  	_ =	shalt  }
0x69: {  	_ =	shalt  }
0x6a: {  	_ =	shalt  }
0x6b: {  	_ =	shalt  }
0x6c: {  	_ =	shalt  }
0x6d: {  	_ =	shalt  }
0x6e: {  	_ =	shalt  }
0x6f: {  	_ =	shalt  }
0x70: {  	_ =	shalt  }
0x71: {  	_ =	shalt  }
0x72: {  	_ =	shalt  }
0x73: {  	_ =	shalt  }
0x74: {  	_ =	shalt  }
0x75: {  	_ =	shalt  }
0x76: {  	_ =	shalt  }
0x77: {  	_ =	shalt  }
0x78: {  	_ =	shalt  }
0x79: {  	_ =	shalt  }
0x7a: {  	_ =	shalt  }
0x7b: {  	_ =	shalt  }
0x7c: {  	_ =	shalt  }
0x7d: {  	_ =	shalt  }
0x7e: {  	_ =	shalt  }
0x7f: {  	_ =	shalt  }
0x80: {  	_ =	shalt  }
0x81: {  	_ =	shalt  }
0x82: {  	_ =	shalt  }
0x83: {  	_ =	shalt  }
0x84: {  	_ =	shalt  }
0x85: {  	_ =	shalt  }
0x86: {  	_ =	shalt  }
0x87: {  	_ =	shalt  }
.Lfunc_end0:
.L_simem_size_0:
called_computation.2_lowered:
.L_overlay_start_0:
0x88: {  	s2 =	sld [smem:$0x3FD9]  }
0x89: {  	s3 =	sld [smem:$0x3FFE];
	_ =	sdelay $0x1  }
0x8a: {  	s1 =	srdreg.scid  }
0x8b: {  	s0 =	sand.u32 $0x1, s1  }
0x8c: {  	s17 =	sshll.u32 s0, $0xA;
	s2 =	sadd.s32 s3, s2  }
0x8d: {  	s2 =	sadd.s32 s2, s17  }
0x8e: {  	[smem:$0x3FC4] =	sst s2  }
0x8f: {  	_ = 	snop  }
0x90: {  	s2 =	sld [smem:$0x3FD0];
	(tm) =	ssettm $0x1  }
0x91: {  	s18 =	sld [smem:$0x3FFB];
	_ =	sdelay $0x3  }
0x92: {  	_ =	strace s18  }
0x93: {  	s3 =	sld [smem:$0x3FFC];
	_ =	sdelay $0x3  }
0x94: {  	_ =	strace s3  }
0x95: {  	s3 =	sld [smem:$0x3FFD];
	_ =	sdelay $0x3  }
0x96: {  	_ =	strace s3  }
0x97: {  	_ =	strace $0x8FFFFFFF  }
0x98: {  	s19 =	sld [smem:$0x3FDB];
	_ =	sdelay $0x1  }
0x99: {  	s4 =	simm.s32 $_scs_section_size  }
0x9a: {  	s5 =	simm.s32 $_size__tile_overlayer_lowered;
	s6 =	simm.s32 $_tile_overlayer_lowered  }
0x9b: {  	s22 =	simm.s32 $0x1BFF;
	s21 =	sshll.u32 s6, $0x1;
	s3 =	sadd.s32 s4, s19  }
0x9c: {  	s7 =	simm.s32 $0x0;
	s20 =	sshll.u32 s5, $0x1;
	s5 =	sadd.s32 s21, s3  }
0x9d: {  	[timem:s7], [sflag:s22] =	dma.local [hbm:s5], s20  }
0x9e: {  	_ =	swait.ge [sflag:s22], s20  }
0x9f: {  	s4 =	ssub.s32 $0x0, s20;
	[sflag:s22] =	ssyncset.done $0x0  }
0xa0: {  	[sflag:s22] =	ssyncadd.s32 s4;
	_ =	sdelay $0x1  }
0xa1: {  	s23 =	simm.s32 $0x1B8B  }
0xa2: {  	_ =	swait.ge [sflag:s23], $0x1  }
0xa3: {  	[sflag:s23] =	ssyncset.done $0x0  }
0xa4: {  	s25 =	simm.s32 $0x1B8E;
	s24 =	sld [smem:$0x3FFE];
	[sflag:s23] =	ssyncadd.s32 $0xFFFFFFFF  }
0xa5: {  	s26 =	simm.s32 $execute0_lowered;
	[smem:$0x3FD2] =	sst s25  }
0xa6: {  	s5 =	sshll.u32 s26, $0x1;
	_ =	strace $0x8000004C;
	[dreg:$0x1] =	wrdreg $0xFFFFFFFF  }
0xa7: {  	s28 =	simm.s32 $_size_execute0_lowered;
	s3 =	sadd.s32 s3, s5;
	[dreg:$0x0] =	wrdreg $0x0  }
0xa8: {  	s5 =	sshll.u32 s28, $0x1;
	[dreg:$0x2] =	wrdreg s3  }
0xa9: {  	[dreg:$0x3] =	wrdreg s5  }
0xaa: {  	[dreg:$0x4] =	wrdreg $0xC0  }
0xab: {  	_ =	task [dreg:s7], $0x5FFFF  }
0xac: {  	[dreg:$0x1] =	wrdreg $0xFFFFFFFF  }
0xad: {  	[dreg:$0x0] =	wrdreg $0x60  }
0xae: {  	[dreg:$0x2] =	wrdreg s2  }
0xaf: {  	[dreg:$0x3] =	wrdreg s24  }
0xb0: {  	[dreg:$0x4] =	wrdreg $0x7B000  }
0xb1: {  	[dreg:$0x5] =	wrdreg $0x9  }
0xb2: {  	_ =	task.clear_ibuf [dreg:s7], $0x6FFFF;
	_ =	strace $0x9000004C  }
0xb3: {  	s29 =	simm.s32 $0x9;
	_ =	strace $0x8000004E  }
0xb4: {  	_ =	swait.ge [sflag:s29], $0x1  }
0xb5: {  	[sflag:s29] =	ssyncadd.s32 $0xFFFFFFFF  }
0xb6: {  	_ =	strace $0x9000004E  }
0xb7: {  	_ =	sfence  }
0xb8: {  	s30 =	sld [smem:$0x0];
	_ =	sdelay $0x2  }
0xb9: {  	s31 =	sshll.u32 s1, $0xD;
	s1 =	sshrl.u32 s1, $0x2  }
0xba: {  	s3 =	sand.u32 $0x4000, s31;
	s1 =	sadd.s32 s1, s30  }
0xbb: {  	s0 =	sor.u32 s3, s0;
	s1 =	sshll.u32 s1, $0x11  }
0xbc: {  	s0 =	sor.u32 s1, s0  }
0xbd: {  	s0 =	sadd.s32 $0x8F2B, s0  }
0xbe: {  	[sflag:s0] =	ssyncadd.remote.s32 $0x1  }
0xbf: {  	_ =	sfence.sel $0xFFFF  }
0xc0: {  	[dreg:$0x0] =	wrdreg $0xFFFFFFFF;
	(pc) =	sbr.abs _section_cstart, $3  }
0xc1: {  	[dreg:$0x1] =	wrdreg $0xFFFFFFFF  }
0xc2: {  	_ =	task.clear_ibuf [dreg:s7], $0x2FFFF;
	_ =	strace $0x9FFFFFFF  }
0xc3: {  	(tm) =	ssettm $0x7FFFFFFF  }
tec
execute0_lowered:
.L_overlay_start_1:
0x0: {  	(tag) =	ssettag $0x1  }
0x1: {  	s2 =	rddreg [dreg:$0x0]  }
0x2: {  	s0 =	rddreg [dreg:$0x1]  }
0x3: {  	s1 =	rddreg [dreg:$0x2]  }
0x4: {  	s3 =	simm.s32 $0x0;
	s4 =	srdreg.scid;
	s20 =	stileid.u32  }
0x5: {  	s28 =	simm.s32 $0x3;
	s29 =	simm.s32 $0x7;
	[smem:$0x7FF] =	sst s3  }
0x6: {  	s4 =	sand.u32 $0x1, s4;
	s8 =	smul.u32 $0x14000, s20;
	s9 =	sadd.s32 $0xB7A00, s0  }
0x7: {  	s30 =	sadd.s32 $0x3E00, s0;
	_ =	strace $0x8000004D;
	s13 =	smul.u32 $0x140000, s4  }
0x8: {  	s5 =	ssub.s32 $0x2, s4;
	s6 =	sshll.u32 s4, $0x4;
	s4 =	smul.u32 $0x27100, s4  }
0x9: {  	s7 =	sshrl.u32 s5, $0x1;
	s6 =	sor.u32 s20, s6;
	s10 =	sor.u32 $0x2800, s8  }
0xa: {  	s11 =	sadd.s32 $0x5000, s8;
	s12 =	sadd.s32 $0x7800, s8;
	s15 =	sadd.s32 $0xA000, s8  }
0xb: {  	s16 =	sadd.s32 $0xC800, s8;
	s17 =	sadd.s32 $0xF000, s8;
	s6 =	smul.u32 $0x2710, s6  }
0xc: {  	s18 =	sadd.s32 $0x11800, s8;
	s5 =	ssub.s32 s5, s7;
	s7 =	smul.u32 $0x50000, s20  }
0xd: {  	s8 =	sadd.s32 s8, s13;
	s19 =	sadd.s32 s13, s10;
	s24 =	sadd.s32 s13, s11  }
0xe: {  	s25 =	sadd.s32 s13, s12;
	s26 =	sadd.s32 s13, s15;
	s31 =	sadd.s32 s11, s1  }
0xf: {  	s11 =	sadd.s32 s15, s1;
	s15 =	sadd.s32 s17, s1;
	s8 =	sshrl.u32 s8, $0x3  }
0x10: {  	s22 =	sshrl.u32 s19, $0x3;
	s19 =	sshrl.u32 s26, $0x3;
	[dreg:$0x11] =	wrdreg s11  }
0x11: {  	[dreg:$0x13] =	wrdreg s15;
	s5 =	smax.u32 s5, $0x1;
	s11 =	simm.s32 $0x2B00  }
0x12: {  	[dreg:$0xf] =	wrdreg s31;
	s15 =	simm.s32 $0x4;
	s14 =	sadd.s32 $0x190, s6  }
0x13: {  	s8 =	sadd.s32 s9, s8;
	s23 =	sadd.s32 s9, s22;
	[dreg:$0x1b] =	wrdreg s5  }
0x14: {  	s21 =	sadd.s32 s9, s19;
	s22 =	sadd.s32 s13, s16;
	[dreg:$0x4] =	wrdreg s14  }
0x15: {  	s7 =	sshrl.u32 s7, $0x2;
	s5 =	simm.s32 $0x300;
	[dreg:$0x5] =	wrdreg s8  }
0x16: {  	[dreg:$0x6] =	wrdreg s23;
	s8 =	sshrl.u32 s24, $0x3;
	s14 =	sshrl.u32 s25, $0x3  }
0x17: {  	[dreg:$0x9] =	wrdreg s21;
	s23 =	sadd.s32 s13, s17;
	s13 =	sadd.s32 s13, s18  }
0x18: {  	s24 =	smul.u32 $0x2710, s20;
	s7 =	sadd.s32 s7, s1;
	s8 =	sadd.s32 s9, s8  }
0x19: {  	s26 =	sshrl.u32 s13, $0x3;
	s13 =	sadd.s32 $0xDC00, s0;
	[dreg:$0xd] =	wrdreg s7  }
0x1a: {  	[dreg:$0x7] =	wrdreg s8;
	s8 =	sadd.s32 s9, s14;
	s14 =	sshrl.u32 s23, $0x3  }
0x1b: {  	[dreg:$0x8] =	wrdreg s8;
	s8 =	sshrl.u32 s22, $0x3;
	s25 =	sadd.s32 s9, s14  }
0x1c: {  	s22 =	sadd.s32 s10, s1;
	s10 =	sadd.s32 s12, s1;
	[dreg:$0xb] =	wrdreg s25  }
0x1d: {  	s4 =	sadd.s32 s24, s4;
	s12 =	sadd.s32 s16, s1;
	[dreg:$0x10] =	wrdreg s10  }
0x1e: {  	s14 =	sshrl.u32 s6, $0x3;
	s16 =	sadd.s32 s18, s1;
	[dreg:$0x12] =	wrdreg s12  }
0x1f: {  	s21 =	sadd.s32 $0x140, s4;
	s8 =	sadd.s32 s9, s8;
	[dreg:$0x14] =	wrdreg s16  }
0x20: {  	s17 =	sadd.s32 $0xA, s14;
	s19 =	sadd.s32 s30, s14;
	[dreg:$0xe] =	wrdreg s22  }
0x21: {  	s20 =	sadd.s32 s13, s14;
	s0 =	sadd.s32 $0x14, s14;
	[dreg:$0xa] =	wrdreg s8  }
0x22: {  	s24 =	sshrl.u32 s21, $0x3;
	s10 =	simm.s32 $0x200;
	[dreg:$0x17] =	wrdreg s19  }
0x23: {  	s21 =	simm.s32 $0xB;
	s8 =	sadd.s32 s9, s26;
	[dreg:$0x18] =	wrdreg s20  }
0x24: {  	s18 =	sadd.s32 s30, s17;
	s6 =	sadd.s32 s13, s17;
	[dreg:$0xc] =	wrdreg s8  }
0x25: {  	s23 =	sadd.s32 s30, s0;
	s0 =	sadd.s32 s13, s0;
	[dreg:$0x15] =	wrdreg s18  }
0x26: {  	s25 =	sadd.s32 s24, s13;
	s26 =	sadd.s32 $0xF0, s4;
	[dreg:$0x16] =	wrdreg s6  }
0x27: {  	s9 =	simm.s32 $0x80;
	s4 =	simm.s32 $0x0;
	[dreg:$0x19] =	wrdreg s23  }
0x28: {  	s19 =	simm.s32 $0x6;
	s20 =	simm.s32 $0xA;
	[dreg:$0x1a] =	wrdreg s0  }
0x29: {  	s17 =	simm.s32 $0x80;
	[dreg:$0x1c] =	wrdreg s25;
	s0 =	sadd.s32 s24, s30  }
0x2a: {  	[dreg:$0x1e] =	wrdreg s26;
	s6 =	simm.s32 $0xD;
	s8 =	simm.s32 $0x180  }
0x2b: {  	s25 =	simm.s32 $0x280;
	s24 =	simm.s32 $0x1;
	s23 =	simm.s32 $0x50  }
0x2c: {  	v0 =	vimm.f32 $0.0e+00;
	s26 =	simm.s32 $0x2;
	s18 =	simm.s32 $0x9;
	[dreg:$0x1d] =	wrdreg s0  }
.LBB2_1:
0x2d: {  	[dreg:$0x1f] =	wrdreg s4  }
0x2e: {  	s12 =	smov.u32 s1;
	s0 =	simm.s32 $0x10;
	s4 =	sand.u32 $0x3FF0, s3  }
.LBB2_2:
0x2f: {  	p0 =	sne.s32 s0, $0x27F0;
	[tilespmem:s4+$0x300] =	vst v0;
	s4 =	smov.u32 s0;
	s0 =	sadd.s32 $0x10, s0  }
.Ltmp0:
0x30: {  	(pc) =	sbr.rel @p0 .LBB2_2-.Ltmp0, $2  }
0x31: {  	_ =	sdelay $0x2  }
0x32: {  	s4 =	sand.u32 $0x3FF0, s4  }
0x33: {  	[tilespmem:s4+$0x300] =	vst v0  }
0x34: {  	[spmem:s7] =	stream.linear.scatter [tilespmem:s5], [sflag:$0xD], $0x2800, $0x38;
	[tilespmem:$0x1BB00] =	vst v63  }
0x35: {  	_ =	swait.ge [sflag:s6], $0x2800  }
0x36: {  	[sflag:s6] =	ssyncset.done $0x0  }
0x37: {  	[sflag:s6] =	ssyncadd.s32 $0xFFFFD800  }
0x38: {  	[spmem:s22] =	stream.linear.scatter [tilespmem:s5], [sflag:$0xD], $0x2800, $0x38;
	[tilespmem:$0x1BB00] =	vst v63  }
0x39: {  	_ =	swait.ge [sflag:s6], $0x2800  }
0x3a: {  	[sflag:s6] =	ssyncset.done $0x0  }
0x3b: {  	[sflag:s6] =	ssyncadd.s32 $0xFFFFD800  }
0x3c: {  	[spmem:s31] =	stream.linear.scatter [tilespmem:s5], [sflag:$0xD], $0x2800, $0x38;
	[tilespmem:$0x1BB00] =	vst v63  }
0x3d: {  	_ =	swait.ge [sflag:s6], $0x2800  }
0x3e: {  	[sflag:s6] =	ssyncset.done $0x0  }
0x3f: {  	s0 =	rddreg [dreg:$0x10];
	[sflag:s6] =	ssyncadd.s32 $0xFFFFD800  }
0x40: {  	[spmem:s0] =	stream.linear.scatter [tilespmem:s5], [sflag:$0xD], $0x2800, $0x38;
	[tilespmem:$0x1BB00] =	vst v63  }
0x41: {  	_ =	swait.ge [sflag:s6], $0x2800  }
0x42: {  	[sflag:s6] =	ssyncset.done $0x0  }
0x43: {  	s7 =	rddreg [dreg:$0x11];
	[sflag:s6] =	ssyncadd.s32 $0xFFFFD800  }
0x44: {  	[spmem:s7] =	stream.linear.scatter [tilespmem:s5], [sflag:$0xD], $0x2800, $0x38;
	[tilespmem:$0x1BB00] =	vst v63  }
0x45: {  	_ =	swait.ge [sflag:s6], $0x2800  }
0x46: {  	[sflag:s6] =	ssyncset.done $0x0  }
0x47: {  	s14 =	rddreg [dreg:$0x12];
	[sflag:s6] =	ssyncadd.s32 $0xFFFFD800  }
0x48: {  	[spmem:s14] =	stream.linear.scatter [tilespmem:s5], [sflag:$0xD], $0x2800, $0x38;
	[tilespmem:$0x1BB00] =	vst v63  }
0x49: {  	_ =	swait.ge [sflag:s6], $0x2800  }
0x4a: {  	[sflag:s6] =	ssyncset.done $0x0  }
0x4b: {  	s16 =	rddreg [dreg:$0x13];
	[sflag:s6] =	ssyncadd.s32 $0xFFFFD800  }
0x4c: {  	[spmem:s16] =	stream.linear.scatter [tilespmem:s5], [sflag:$0xD], $0x2800, $0x38;
	[tilespmem:$0x1BB00] =	vst v63  }
0x4d: {  	_ =	swait.ge [sflag:s6], $0x2800  }
0x4e: {  	[sflag:s6] =	ssyncset.done $0x0  }
0x4f: {  	s22 =	rddreg [dreg:$0x14];
	[sflag:s6] =	ssyncadd.s32 $0xFFFFD800  }
0x50: {  	[spmem:s22] =	stream.linear.scatter [tilespmem:s5], [sflag:$0xD], $0x2800, $0x38;
	[tilespmem:$0x1BB00] =	vst v63  }
0x51: {  	_ =	swait.ge [sflag:s6], $0x2800  }
0x52: {  	[sflag:s6] =	ssyncset.done $0x0  }
0x53: {  	[sflag:s6] =	ssyncadd.s32 $0xFFFFD800  }
0x54: {  	[bflag:$0x0] =	sbarrier.arrive $0xFFFF  }
0x55: {  	s0 =	simm.s32 $0x0;
	s1 =	rddreg [dreg:$0x17]  }
0x56: {  	[tilespmem:s0], [sflag:$0x1] =	stream.linear.gather [hbm4b:s1+s0], $0x50, $0x38;
	[tilespmem:$0x1BB00] =	vst v63  }
0x57: {  	s6 =	rddreg [dreg:$0x18]  }
0x58: {  	[tilespmem:s8], [sflag:$0x4] =	stream.linear.gather [hbm4b:s6+s0], $0x50, $0x38;
	[tilespmem:$0x1BB00] =	vst v63  }
0x59: {  	s7 =	rddreg [dreg:$0x15]  }
0x5a: {  	[tilespmem:s9], [sflag:$0x2] =	stream.linear.gather [hbm4b:s7+s0], $0x50, $0x38;
	[tilespmem:$0x1BB00] =	vst v63  }
0x5b: {  	s8 =	rddreg [dreg:$0x16]  }
0x5c: {  	[tilespmem:s10], [sflag:$0x5] =	stream.linear.gather [hbm4b:s8+s0], $0x50, $0x38;
	[tilespmem:$0x1BB00] =	vst v63  }
0x5d: {  	s14 =	rddreg [dreg:$0x19];
	s7 =	simm.s32 $0x100  }
0x5e: {  	[tilespmem:s7], [sflag:$0x3] =	stream.linear.gather [hbm4b:s14+s0], $0x50, $0x38;
	[tilespmem:$0x1BB00] =	vst v63  }
0x5f: {  	s16 =	rddreg [dreg:$0x1a]  }
0x60: {  	[tilespmem:s25], [sflag:$0x6] =	stream.linear.gather [hbm4b:s16+s0], $0x50, $0x38;
	[tilespmem:$0x1BB00] =	vst v63  }
0x61: {  	_ =	swait.ge [sflag:s24], $0x50  }
0x62: {  	[sflag:s24] =	ssyncset.done $0x0  }
0x63: {  	[sflag:s24] =	ssyncadd.s32 $0xFFFFFFB0  }
0x64: {  	[tilespmem:s5], [sflag:$0x7] =	stream.indirect.gather [hbm4b:s2+s23], $0x80, s0, s23, $0xb8;
	[tilespmem:$0x1BB00] =	vst v63  }
0x65: {  	_ =	swait.ge [sflag:s26], $0x50  }
0x66: {  	[sflag:s26] =	ssyncset.done $0x0  }
0x67: {  	[sflag:s26] =	ssyncadd.s32 $0xFFFFFFB0  }
0x68: {  	[tilespmem:s11], [sflag:$0x8] =	stream.indirect.gather [hbm4b:s2+s23], $0x80, s9, s23, $0xb8;
	[tilespmem:$0x1BB00] =	vst v63  }
0x69: {  	_ =	swait.ge [sflag:s28], $0x50  }
0x6a: {  	[sflag:s28] =	ssyncset.done $0x0  }
0x6b: {  	s9 =	simm.s32 $0x5300;
	[sflag:s28] =	ssyncadd.s32 $0xFFFFFFB0  }
0x6c: {  	[tilespmem:s9], [sflag:$0x9] =	stream.indirect.gather [hbm4b:s2+s23], $0x80, s7, s23, $0xb8;
	[tilespmem:$0x1BB00] =	vst v63  }
0x6d: {  	_ =	swait.ge [sflag:s29], $0x2800  }
0x6e: {  	s6 =	rddreg [dreg:$0x1e]  }
0x6f: {  	s22 =	simm.s32 $0x7;
	[sflag:s29] =	ssyncset.done $0x0;
	s4 =	sshrl.u32 s6, $0x3  }
0x70: {  	[sflag:s22] =	ssyncadd.s32 $0xFFFFD800;
	s16 =	sadd.s32 s30, s4  }
0x71: {  	[tilespmem:s3], [sflag:$0x1] =	stream.linear.gather [hbm4b:s16+s3], $0x50, $0x38;
	[tilespmem:$0x1BB00] =	vst v63  }
0x72: {  	_ =	swait.ge [sflag:s15], $0x50  }
0x73: {  	s1 =	simm.s32 $0x180;
	[sflag:s15] =	ssyncset.done $0x0  }
0x74: {  	s10 =	simm.s32 $0x300;
	s22 =	simm.s32 $0x8;
	[sflag:s15] =	ssyncadd.s32 $0xFFFFFFB0  }
0x75: {  	[spmem:s12] =	stream.indirect.scatter.add.f32 [tilespmem:s10], [sflag:$0xA], $0x80, s1, s23, $0xb8;
	[tilespmem:$0x1BB00] =	vst v63  }
0x76: {  	_ =	swait.ge [sflag:s22], $0x2800  }
0x77: {  	s14 =	simm.s32 $0x80;
	[sflag:s22] =	ssyncset.done $0x0  }
0x78: {  	s16 =	simm.s32 $0x5;
	s5 =	rddreg [dreg:$0x1d];
	[sflag:s22] =	ssyncadd.s32 $0xFFFFD800  }
0x79: {  	[tilespmem:s14], [sflag:$0x2] =	stream.linear.gather [hbm4b:s5+s3], $0x50, $0x38;
	[tilespmem:$0x1BB00] =	vst v63  }
0x7a: {  	_ =	swait.ge [sflag:s16], $0x50  }
0x7b: {  	s8 =	simm.s32 $0x200;
	[sflag:s16] =	ssyncset.done $0x0  }
0x7c: {  	s0 =	smin.u32 s0, $0x77;
	s11 =	simm.s32 $0x2B00;
	[sflag:s16] =	ssyncadd.s32 $0xFFFFFFB0  }
0x7d: {  	[spmem:s12] =	stream.indirect.scatter.add.f32 [tilespmem:s11], [sflag:$0xB], $0x80, s8, s23, $0xb8;
	[tilespmem:$0x1BB00] =	vst v63  }
0x7e: {  	s0 =	smul.u32 $0x50, s0;
	_ =	swait.ge [sflag:s18], $0x2800  }
0x7f: {  	s16 =	rddreg [dreg:$0x4]  }
0x80: {  	s0 =	sadd.s32 s0, s16  }
0x81: {  	[sflag:s18] =	ssyncset.done $0x0;
	s0 =	sshrl.u32 s0, $0x3  }
0x82: {  	[sflag:s18] =	ssyncadd.s32 $0xFFFFD800;
	s16 =	sadd.s32 s30, s0  }
0x83: {  	[tilespmem:s7], [sflag:$0x3] =	stream.linear.gather [hbm4b:s16+s3], $0x50, $0x38;
	[tilespmem:$0x1BB00] =	vst v63  }
0x84: {  	_ =	swait.ge [sflag:s19], $0x50  }
0x85: {  	[sflag:s19] =	ssyncset.done $0x0  }
0x86: {  	[sflag:s19] =	ssyncadd.s32 $0xFFFFFFB0  }
0x87: {  	[spmem:s12] =	stream.indirect.scatter.add.f32 [tilespmem:s9], [sflag:$0xC], $0x80, s25, s23, $0xb8;
	[tilespmem:$0x1BB00] =	vst v63  }
0x88: {  	_ =	swait.ge [sflag:s20], $0x2800  }
0x89: {  	[sflag:s20] =	ssyncset.done $0x0  }
0x8a: {  	s24 =	simm.s32 $0x1;
	s4 =	sadd.s32 s13, s4;
	[sflag:s20] =	ssyncadd.s32 $0xFFFFD800  }
0x8b: {  	[tilespmem:s1], [sflag:$0x4] =	stream.linear.gather [hbm4b:s4+s3], $0x50, $0x38;
	[tilespmem:$0x1BB00] =	vst v63  }
0x8c: {  	_ =	swait.ge [sflag:s24], $0x50  }
0x8d: {  	[sflag:s24] =	ssyncset.done $0x0  }
0x8e: {  	[sflag:s24] =	ssyncadd.s32 $0xFFFFFFB0  }
0x8f: {  	[tilespmem:s10], [sflag:$0x7] =	stream.indirect.gather [hbm4b:s2+s23], $0x80, s3, s23, $0xb8;
	[tilespmem:$0x1BB00] =	vst v63  }
0x90: {  	_ =	swait.ge [sflag:s21], $0x2800  }
0x91: {  	[sflag:s21] =	ssyncset.done $0x0  }
0x92: {  	s26 =	simm.s32 $0x2;
	s22 =	rddreg [dreg:$0x1c];
	[sflag:s21] =	ssyncadd.s32 $0xFFFFD800  }
0x93: {  	[tilespmem:s8], [sflag:$0x5] =	stream.linear.gather [hbm4b:s22+s3], $0x50, $0x38;
	[tilespmem:$0x1BB00] =	vst v63  }
0x94: {  	_ =	swait.ge [sflag:s26], $0x50  }
0x95: {  	[sflag:s26] =	ssyncset.done $0x0  }
0x96: {  	s28 =	simm.s32 $0xC;
	[sflag:s26] =	ssyncadd.s32 $0xFFFFFFB0  }
0x97: {  	[tilespmem:s11], [sflag:$0x8] =	stream.indirect.gather [hbm4b:s2+s23], $0x80, s14, s23, $0xb8;
	[tilespmem:$0x1BB00] =	vst v63  }
0x98: {  	_ =	swait.ge [sflag:s28], $0x2800  }
0x99: {  	[sflag:s28] =	ssyncset.done $0x0  }
0x9a: {  	s29 =	simm.s32 $0x3;
	s0 =	sadd.s32 s13, s0;
	[sflag:s28] =	ssyncadd.s32 $0xFFFFD800  }
0x9b: {  	[tilespmem:s25], [sflag:$0x6] =	stream.linear.gather [hbm4b:s0+s3], $0x50, $0x38;
	[tilespmem:$0x1BB00] =	vst v63  }
0x9c: {  	s31 =	simm.s32 $0x3;
	_ =	swait.ge [sflag:s29], $0x50  }
0x9d: {  	s16 =	smov.u32 s13;
	s4 =	sadd.s32 $0x1E, s22;
	[sflag:s29] =	ssyncset.done $0x0  }
0x9e: {  	s22 =	sadd.s32 $0x1E, s5;
	s0 =	sadd.s32 $0xF0, s6;
	[sflag:s29] =	ssyncadd.s32 $0xFFFFFFB0  }
.LBB2_4:
0x9f: {  	s1 =	simm.s32 $0x5300;
	s10 =	simm.s32 $0x7  }
0xa0: {  	[tilespmem:s1], [sflag:$0x9] =	stream.indirect.gather [hbm4b:s2+s23], $0x80, s7, s23, $0xb8;
	[tilespmem:$0x1BB00] =	vst v63  }
0xa1: {  	_ =	swait.ge [sflag:s10], $0x2800  }
0xa2: {  	s5 =	sshrl.u32 s0, $0x3;
	[sflag:s10] =	ssyncset.done $0x0  }
0xa3: {  	s11 =	sadd.s32 s30, s5;
	[sflag:s10] =	ssyncadd.s32 $0xFFFFD800  }
0xa4: {  	[tilespmem:s3], [sflag:$0x1] =	stream.linear.gather [hbm4b:s11+s3], $0x50, $0x38;
	[tilespmem:$0x1BB00] =	vst v63  }
0xa5: {  	_ =	swait.ge [sflag:s15], $0x50  }
0xa6: {  	s9 =	simm.s32 $0x180;
	[sflag:s15] =	ssyncset.done $0x0  }
0xa7: {  	s14 =	simm.s32 $0x300;
	s13 =	simm.s32 $0x8;
	[sflag:s15] =	ssyncadd.s32 $0xFFFFFFB0  }
0xa8: {  	[spmem:s12] =	stream.indirect.scatter.add.f32 [tilespmem:s14], [sflag:$0xA], $0x80, s9, s23, $0xb8;
	[tilespmem:$0x1BB00] =	vst v63  }
0xa9: {  	_ =	swait.ge [sflag:s13], $0x2800  }
0xaa: {  	[sflag:s13] =	ssyncset.done $0x0  }
0xab: {  	s8 =	simm.s32 $0x5;
	[sflag:s13] =	ssyncadd.s32 $0xFFFFD800  }
0xac: {  	[tilespmem:s17], [sflag:$0x2] =	stream.linear.gather [hbm4b:s22+s3], $0x50, $0x38;
	[tilespmem:$0x1BB00] =	vst v63  }
0xad: {  	s6 =	smov.u32 s31;
	_ =	swait.ge [sflag:s8], $0x50  }
0xae: {  	s6 =	smin.u32 s6, $0x77;
	[sflag:s8] =	ssyncset.done $0x0  }
0xaf: {  	s11 =	simm.s32 $0x200;
	[sflag:s8] =	ssyncadd.s32 $0xFFFFFFB0;
	s8 =	simm.s32 $0x2B00  }
0xb0: {  	[spmem:s12] =	stream.indirect.scatter.add.f32 [tilespmem:s8], [sflag:$0xB], $0x80, s11, s23, $0xb8;
	[tilespmem:$0x1BB00] =	vst v63  }
0xb1: {  	s6 =	smul.u32 $0x50, s6;
	_ =	swait.ge [sflag:s18], $0x2800  }
0xb2: {  	s10 =	rddreg [dreg:$0x4]  }
0xb3: {  	s6 =	sadd.s32 s6, s10  }
0xb4: {  	[sflag:s18] =	ssyncset.done $0x0;
	s6 =	sshrl.u32 s6, $0x3  }
0xb5: {  	s25 =	simm.s32 $0x100;
	[sflag:s18] =	ssyncadd.s32 $0xFFFFD800;
	s13 =	sadd.s32 s30, s6  }
0xb6: {  	[tilespmem:s25], [sflag:$0x3] =	stream.linear.gather [hbm4b:s13+s3], $0x50, $0x38;
	[tilespmem:$0x1BB00] =	vst v63  }
0xb7: {  	_ =	swait.ge [sflag:s19], $0x50  }
0xb8: {  	[sflag:s19] =	ssyncset.done $0x0  }
0xb9: {  	s25 =	simm.s32 $0x280;
	[sflag:s19] =	ssyncadd.s32 $0xFFFFFFB0  }
0xba: {  	[spmem:s12] =	stream.indirect.scatter.add.f32 [tilespmem:s1], [sflag:$0xC], $0x80, s25, s23, $0xb8;
	[tilespmem:$0x1BB00] =	vst v63  }
0xbb: {  	_ =	swait.ge [sflag:s20], $0x2800  }
0xbc: {  	[sflag:s20] =	ssyncset.done $0x0  }
0xbd: {  	s5 =	sadd.s32 s16, s5;
	[sflag:s20] =	ssyncadd.s32 $0xFFFFD800  }
0xbe: {  	[tilespmem:s9], [sflag:$0x4] =	stream.linear.gather [hbm4b:s5+s3], $0x50, $0x38;
	[tilespmem:$0x1BB00] =	vst v63  }
0xbf: {  	_ =	swait.ge [sflag:s24], $0x50  }
0xc0: {  	[sflag:s24] =	ssyncset.done $0x0  }
0xc1: {  	[sflag:s24] =	ssyncadd.s32 $0xFFFFFFB0  }
0xc2: {  	[tilespmem:s14], [sflag:$0x7] =	stream.indirect.gather [hbm4b:s2+s23], $0x80, s3, s23, $0xb8;
	[tilespmem:$0x1BB00] =	vst v63  }
0xc3: {  	_ =	swait.ge [sflag:s21], $0x2800  }
0xc4: {  	[sflag:s21] =	ssyncset.done $0x0  }
0xc5: {  	[sflag:s21] =	ssyncadd.s32 $0xFFFFD800  }
0xc6: {  	[tilespmem:s11], [sflag:$0x5] =	stream.linear.gather [hbm4b:s4+s3], $0x50, $0x38;
	[tilespmem:$0x1BB00] =	vst v63  }
0xc7: {  	_ =	swait.ge [sflag:s26], $0x50  }
0xc8: {  	[sflag:s26] =	ssyncset.done $0x0  }
0xc9: {  	p0 =	sne.s32 s31, $0x78;
	[sflag:s26] =	ssyncadd.s32 $0xFFFFFFB0  }
0xca: {  	[tilespmem:s8], [sflag:$0x8] =	stream.indirect.gather [hbm4b:s2+s23], $0x80, s17, s23, $0xb8;
	[tilespmem:$0x1BB00] =	vst v63  }
0xcb: {  	s31 =	sadd.s32 $0x3, s31;
	s0 =	sadd.s32 $0xF0, s0;
	_ =	swait.ge [sflag:s28], $0x2800  }
0xcc: {  	s7 =	simm.s32 $0x100;
	s22 =	sadd.s32 $0x1E, s22;
	[sflag:s28] =	ssyncset.done $0x0  }
.Ltmp1:
0xcd: {  	s14 =	sadd.s32 s16, s6;
	[sflag:s28] =	ssyncadd.s32 $0xFFFFD800;
	(pc) =	sbr.rel @p0 .LBB2_4-.Ltmp1, $4  }
0xce: {  	[tilespmem:s25], [sflag:$0x6] =	stream.linear.gather [hbm4b:s14+s3], $0x50, $0x38;
	[tilespmem:$0x1BB00] =	vst v63  }
0xcf: {  	s10 =	simm.s32 $0x5300;
	s13 =	simm.s32 $0x300;
	_ =	swait.ge [sflag:s29], $0x50  }
0xd0: {  	s1 =	simm.s32 $0x180;
	s9 =	simm.s32 $0x200;
	[sflag:s29] =	ssyncset.done $0x0  }
0xd1: {  	s11 =	simm.s32 $0x2B00;
	s4 =	sadd.s32 $0x1E, s4;
	[sflag:s29] =	ssyncadd.s32 $0xFFFFFFB0  }
0xd2: {  	[tilespmem:s10], [sflag:$0x9] =	stream.indirect.gather [hbm4b:s2+s23], $0x80, s7, s23, $0xb8;
	[tilespmem:$0x1BB00] =	vst v63  }
0xd3: {  	s0 =	simm.s32 $0x7  }
0xd4: {  	_ =	swait.ge [sflag:s0], $0x2800  }
0xd5: {  	[sflag:s0] =	ssyncset.done $0x0  }
0xd6: {  	[sflag:s0] =	ssyncadd.s32 $0xFFFFD800  }
0xd7: {  	_ =	swait.ge [sflag:s15], $0x50  }
0xd8: {  	[sflag:s15] =	ssyncset.done $0x0  }
0xd9: {  	s6 =	simm.s32 $0x8;
	[sflag:s15] =	ssyncadd.s32 $0xFFFFFFB0  }
0xda: {  	[spmem:s12] =	stream.indirect.scatter.add.f32 [tilespmem:s13], [sflag:$0xA], $0x80, s1, s23, $0xb8;
	[tilespmem:$0x1BB00] =	vst v63  }
0xdb: {  	_ =	swait.ge [sflag:s6], $0x2800  }
0xdc: {  	[sflag:s6] =	ssyncset.done $0x0  }
0xdd: {  	s7 =	simm.s32 $0x5;
	[sflag:s6] =	ssyncadd.s32 $0xFFFFD800  }
0xde: {  	_ =	swait.ge [sflag:s7], $0x50  }
0xdf: {  	[sflag:s7] =	ssyncset.done $0x0  }
0xe0: {  	[sflag:s7] =	ssyncadd.s32 $0xFFFFFFB0  }
0xe1: {  	[spmem:s12] =	stream.indirect.scatter.add.f32 [tilespmem:s11], [sflag:$0xB], $0x80, s9, s23, $0xb8;
	[tilespmem:$0x1BB00] =	vst v63  }
0xe2: {  	_ =	swait.ge [sflag:s18], $0x2800  }
0xe3: {  	[sflag:s18] =	ssyncset.done $0x0  }
0xe4: {  	[sflag:s18] =	ssyncadd.s32 $0xFFFFD800  }
0xe5: {  	_ =	swait.ge [sflag:s19], $0x50  }
0xe6: {  	[sflag:s19] =	ssyncset.done $0x0  }
0xe7: {  	[sflag:s19] =	ssyncadd.s32 $0xFFFFFFB0  }
0xe8: {  	_ =	swait.ge [sflag:s20], $0x2800  }
0xe9: {  	[sflag:s20] =	ssyncset.done $0x0  }
0xea: {  	[sflag:s20] =	ssyncadd.s32 $0xFFFFD800  }
0xeb: {  	_ =	swait.ge [sflag:s21], $0x2800  }
0xec: {  	[sflag:s21] =	ssyncset.done $0x0  }
0xed: {  	s8 =	stileid.u32;
	[sflag:s21] =	ssyncadd.s32 $0xFFFFD800  }
0xee: {  	s0 =	sshll.u32 s8, $0x6;
	[bflag:$0x0] =	sbarrier.arrive $0xFFFF  }
0xef: {  	s0 =	sor.u32 $0x1C0D, s0;
	s7 =	rddreg [dreg:$0xd]  }
0xf0: {  	s6 =	simm.s32 $0xD;
	s5 =	rddreg [dreg:$0x5];
	s4 =	sshrl.u32 s7, $0x3  }
0xf1: {  	[hbm:s5], [sflag:s0] =	dma.local [spmem:s4], $0x500  }
0xf2: {  	_ =	swait.ge [sflag:s6], $0x500  }
0xf3: {  	[sflag:s6] =	ssyncset.done $0x0;
	s22 =	rddreg [dreg:$0xe]  }
0xf4: {  	s10 =	rddreg [dreg:$0x6];
	[sflag:s6] =	ssyncadd.s32 $0xFFFFFB00;
	s9 =	sshrl.u32 s22, $0x3  }
0xf5: {  	[hbm:s10], [sflag:s0] =	dma.local [spmem:s9], $0x500  }
0xf6: {  	_ =	swait.ge [sflag:s6], $0x500  }
0xf7: {  	[sflag:s6] =	ssyncset.done $0x0;
	s31 =	rddreg [dreg:$0xf]  }
0xf8: {  	s13 =	rddreg [dreg:$0x7];
	[sflag:s6] =	ssyncadd.s32 $0xFFFFFB00;
	s11 =	sshrl.u32 s31, $0x3  }
0xf9: {  	[hbm:s13], [sflag:s0] =	dma.local [spmem:s11], $0x500  }
0xfa: {  	_ =	swait.ge [sflag:s6], $0x500  }
0xfb: {  	[sflag:s6] =	ssyncset.done $0x0;
	s14 =	rddreg [dreg:$0x10]  }
0xfc: {  	s24 =	rddreg [dreg:$0x8];
	[sflag:s6] =	ssyncadd.s32 $0xFFFFFB00;
	s4 =	sshrl.u32 s14, $0x3  }
0xfd: {  	[hbm:s24], [sflag:s0] =	dma.local [spmem:s4], $0x500  }
0xfe: {  	_ =	swait.ge [sflag:s6], $0x500  }
0xff: {  	[sflag:s6] =	ssyncset.done $0x0;
	s26 =	rddreg [dreg:$0x11]  }
0x100: {  	s1 =	rddreg [dreg:$0x9];
	[sflag:s6] =	ssyncadd.s32 $0xFFFFFB00;
	s4 =	sshrl.u32 s26, $0x3  }
0x101: {  	[hbm:s1], [sflag:s0] =	dma.local [spmem:s4], $0x500  }
0x102: {  	_ =	swait.ge [sflag:s6], $0x500  }
0x103: {  	[sflag:s6] =	ssyncset.done $0x0;
	s8 =	rddreg [dreg:$0x12]  }
0x104: {  	s9 =	rddreg [dreg:$0xa];
	[sflag:s6] =	ssyncadd.s32 $0xFFFFFB00;
	s4 =	sshrl.u32 s8, $0x3  }
0x105: {  	[hbm:s9], [sflag:s0] =	dma.local [spmem:s4], $0x500  }
0x106: {  	_ =	swait.ge [sflag:s6], $0x500  }
0x107: {  	[sflag:s6] =	ssyncset.done $0x0;
	s10 =	rddreg [dreg:$0x13]  }
0x108: {  	s11 =	rddreg [dreg:$0xb];
	[sflag:s6] =	ssyncadd.s32 $0xFFFFFB00;
	s4 =	sshrl.u32 s10, $0x3  }
0x109: {  	[hbm:s11], [sflag:s0] =	dma.local [spmem:s4], $0x500  }
0x10a: {  	_ =	swait.ge [sflag:s6], $0x500  }
0x10b: {  	[sflag:s6] =	ssyncset.done $0x0;
	s13 =	rddreg [dreg:$0x14]  }
0x10c: {  	s14 =	rddreg [dreg:$0xc];
	[sflag:s6] =	ssyncadd.s32 $0xFFFFFB00;
	s4 =	sshrl.u32 s13, $0x3  }
0x10d: {  	[hbm:s14], [sflag:s0] =	dma.local [spmem:s4], $0x500  }
0x10e: {  	_ =	swait.ge [sflag:s6], $0x500  }
0x10f: {  	s24 =	rddreg [dreg:$0x1f]  }
0x110: {  	s26 =	rddreg [dreg:$0x1b];
	s4 =	sadd.s32 $0x1, s24  }
0x111: {  	p0 =	sne.s32 s4, s26  }
.Ltmp2:
0x112: {  	s28 =	simm.s32 $0x3;
	(pc) =	sbr.rel @p0 .LBB2_1-.Ltmp2, $4  }
0x113: {  	s29 =	simm.s32 $0x7;
	s5 =	simm.s32 $0x300;
	s1 =	smov.u32 s12  }
0x114: {  	s8 =	simm.s32 $0x180;
	s9 =	simm.s32 $0x80;
	s10 =	simm.s32 $0x200  }
0x115: {  	s11 =	simm.s32 $0x2B00;
	s13 =	smov.u32 s16;
	[sflag:s6] =	ssyncset.done $0x0  }
0x116: {  	[sflag:s6] =	ssyncadd.s32 $0xFFFFFB00;
	s24 =	simm.s32 $0x1;
	s26 =	simm.s32 $0x2  }
0x117: {  	_ =	sfence.sel $0x180000  }
0x118: {  	[bflag:$0x0] =	sbarrier.arrive $0xFFFF  }
0x119: {  	_ =	strace $0x9000004D  }
0x11a: {  	s0 =	stileid.u32;
	[bflag:$0x2] =	sbarrier.arrive $0xFFFF  }
0x11b: {  	p0 =	sne.s32 s0, $0x0;
	s0 =	rddreg [dreg:$0x3]  }
0x11c: {  	s0 =	sadd.s32 @!p0 $0x100000, s0  }
0x11d: {  	[sflag:s0] =	ssyncadd.tile.s32 @!p0 $0x1;
	_ =	shalt  }
.Lfunc_end2:
_tile_overlayer_lowered:
.L_overlay_start_2:
0x11e: {  	(tag) =	ssettag $0x2  }
0x11f: {  	s0 =	rddreg [dreg:$0x0];
	s2 =	stileid.u32  }
0x120: {  	s1 =	rddreg [dreg:$0x1];
	p0 =	sne.s32 s2, $0x0  }
0x121: {  	s3 =	rddreg [dreg:$0x2];
	[bflag:$0x3] =	sbarrier.arrive $0xFFFF;
	s2 =	simm.s32 @!p0 $0x1C0D  }
0x122: {  	[timem:s3], [sflag:s2] =	dma.local @!p0 [hbm:s0], s1  }
0x123: {  	s0 =	simm.s32 @!p0 $0xD  }
0x124: {  	_ =	swait.ge @!p0 [sflag:s0], s1  }
0x125: {  	s1 =	ssub.s32 @!p0 $0x0, s1;
	[sflag:s0] =	ssyncset.done @!p0 $0x0  }
0x126: {  	[sflag:s0] =	ssyncadd.s32 @!p0 s1  }
0x127: {  	[bflag:$0x3] =	sbarrier.arrive $0xFFFF  }
0x128: {  	_ =	shalt  }

// kernel: kernel.24.cloned.1.call-start
scs
__scs_entry_jumppad:
0x0: {  	(pc) =	sbr.rel $0x88, $3  }
0x1: {  	(tag) =	ssettag $0x0;
	lr =	simm.s32 $0x1  }
0x2: {  	[smem:$0x3F9D] =	sst lr;
	_ =	strace $0xD0000000  }
0x3: {  	_ = 	snop  }
0x4: {  	_ = 	snop  }
0x5: {  	_ = 	snop  }
0x6: {  	_ = 	snop  }
0x7: {  	_ = 	snop  }
__scs_overlays_trampoline_lowered:
0x8: {  	[smem:$0x3FAC] =	sst s0  }
0x9: {  	[smem:$0x3FAD] =	sst s1  }
0xa: {  	[smem:$0x3FAE] =	sst s2  }
0xb: {  	[smem:$0x3FAF] =	sst s3  }
0xc: {  	[smem:$0x3FB0] =	sst s4  }
0xd: {  	[smem:$0x3FB1] =	sst s5  }
0xe: {  	[smem:$0x3FB2] =	sst s6  }
0xf: {  	[smem:$0x3FB3] =	sst s7  }
0x10: {  	[smem:$0x3FB4] =	sst s8  }
0x11: {  	[smem:$0x3FB5] =	sst s9;
	s0 =	simm.s32 @!p0 $0x0  }
0x12: {  	s1 =	sld [smem:$0x3F9B];
	s0 =	simm.s32 @p0 $0x1  }
0x13: {  	[smem:$0x3FB6] =	sst s0;
	s0 =	simm.s32 @!p1 $0x0  }
0x14: {  	s2 =	sld [smem:$0x3F9A];
	s0 =	simm.s32 @p1 $0x1  }
0x15: {  	[smem:$0x3FB7] =	sst s0;
	s0 =	simm.s32 @!p2 $0x0  }
0x16: {  	s3 =	sld [smem:$0x3FDB];
	s0 =	simm.s32 @p2 $0x1  }
0x17: {  	s4 =	simm.s32 $0x1BF5;
	[smem:$0x3FB9] =	sst s0  }
0x18: {  	s0 =	sld [smem:$0x3F9C];
	_ =	swait.ge [sflag:s4], $0x0  }
0x19: {  	s7 =	sld [smem:$0x3F9D]  }
0x1a: {  	s8 =	sadd.s32 $0xFFFFE003, lr  }
0x1b: {  	s9 =	sadd.s32 $0xFFFFFEF7, lr;
	s5 =	simm.s32 $0xFFFFFFFF;
	p2 =	slt.u32 s8, $0xFFFFF086  }
0x1c: {  	p1 =	slt.u32 s9, $0xF7A;
	s5 =	simm.s32 @!p2 $0x0  }
0x1d: {  	s5 =	simm.s32 @p1 $0x1;
	p0 =	seq.s32 s7, s2  }
0x1e: {  	s7 =	smul.u32 @!p0 $0xF7A, s2;
	p2 =	seq.s32 @!p0 s5, $0x0  }
0x1f: {  	s9 =	smul.u32 $0xF7A, s1;
	s8 =	simm.s32 @!p0 $0x1BF5;
	p2 =	por !p2, p0  }
0x20: {  	[sflag:s8] =	ssyncset.s32 @!p0 $0xFFFFF086;
	s6 =	sadd.s32 @!p0 s3, s7;
	s7 =	simm.s32 @!p0 $0x108  }
0x21: {  	s3 =	sadd.s32 s3, s9;
	s6 =	sadd.s32 @!p0 $0x88, s6;
	s7 =	simm.s32 @p2 $0x1082  }
0x22: {  	[simem:s7], [sflag:s8] =	dma.local @!p0 [hbm:s6], $0xF7A  }
0x23: {  	s9 =	sor.u32 $0xD0000000, s2;
	s6 =	simm.s32 $0x108;
	_ =	swait.ge @!p0 [sflag:s8], $0x0  }
0x24: {  	s3 =	sadd.s32 $0x88, s3;
	s6 =	simm.s32 @!p1 $0x1082;
	[sflag:s4] =	ssyncset.s32 $0xFFFFF086  }
0x25: {  	[simem:s6], [sflag:s4] =	dma.local [hbm:s3], $0xF7A  }
0x26: {  	[smem:$0x3F9D] =	sst s1;
	(tag) =	ssettag s2;
	_ =	strace s9  }
0x27: {  	s1 =	sld [smem:$0x3FAD]  }
0x28: {  	s2 =	sld [smem:$0x3FAE]  }
0x29: {  	s4 =	sld [smem:$0x3FB0]  }
0x2a: {  	p0 =	seq.s32 s5, $0x0;
	s5 =	sld [smem:$0x3FB1]  }
0x2b: {  	s6 =	sld [smem:$0x3FB2]  }
0x2c: {  	s7 =	sld [smem:$0x3FB3]  }
0x2d: {  	s3 =	simm.s32 $0x108;
	s8 =	sld [smem:$0x3FB4]  }
0x2e: {  	s3 =	simm.s32 @!p0 $0x1082;
	s9 =	sld [smem:$0x3FB5]  }
0x2f: {  	lr =	sadd.s32 s0, s3;
	s0 =	sld [smem:$0x3FAC]  }
0x30: {  	s3 =	sld [smem:$0x3FAF]  }
0x31: {  	[smem:$0x3FB8] =	sst s10  }
0x32: {  	s10 =	sld [smem:$0x3FB6];
	_ =	sdelay $0x3  }
0x33: {  	p0 =	seq.s32 s10, $0x1;
	s10 =	sld [smem:$0x3FB8];
	_ =	sdelay $0x3  }
0x34: {  	[smem:$0x3FB8] =	sst s10  }
0x35: {  	s10 =	sld [smem:$0x3FB7];
	_ =	sdelay $0x3  }
0x36: {  	p1 =	seq.s32 s10, $0x1;
	s10 =	sld [smem:$0x3FB8];
	_ =	sdelay $0x3  }
0x37: {  	[smem:$0x3FB8] =	sst s10  }
0x38: {  	s10 =	sld [smem:$0x3FB9]  }
0x39: {  	_ = 	snop;
	(pc) =	sbr.ind lr, $3  }
0x3a: {  	_ = 	snop  }
0x3b: {  	_ = 	snop  }
0x3c: {  	p2 =	seq.s32 s10, $0x1;
	s10 =	sld [smem:$0x3FB8]  }
0x3d: {  	_ =	shalt  }
0x3e: {  	_ =	shalt  }
0x3f: {  	_ =	shalt  }
0x40: {  	_ =	shalt  }
0x41: {  	_ =	shalt  }
0x42: {  	_ =	shalt  }
0x43: {  	_ =	shalt  }
0x44: {  	_ =	shalt  }
0x45: {  	_ =	shalt  }
0x46: {  	_ =	shalt  }
0x47: {  	_ =	shalt  }
0x48: {  	_ =	shalt  }
0x49: {  	_ =	shalt  }
0x4a: {  	_ =	shalt  }
0x4b: {  	_ =	shalt  }
0x4c: {  	_ =	shalt  }
0x4d: {  	_ =	shalt  }
0x4e: {  	_ =	shalt  }
0x4f: {  	_ =	shalt  }
0x50: {  	_ =	shalt  }
0x51: {  	_ =	shalt  }
0x52: {  	_ =	shalt  }
0x53: {  	_ =	shalt  }
0x54: {  	_ =	shalt  }
0x55: {  	_ =	shalt  }
0x56: {  	_ =	shalt  }
0x57: {  	_ =	shalt  }
0x58: {  	_ =	shalt  }
0x59: {  	_ =	shalt  }
0x5a: {  	_ =	shalt  }
0x5b: {  	_ =	shalt  }
0x5c: {  	_ =	shalt  }
0x5d: {  	_ =	shalt  }
0x5e: {  	_ =	shalt  }
0x5f: {  	_ =	shalt  }
0x60: {  	_ =	shalt  }
0x61: {  	_ =	shalt  }
0x62: {  	_ =	shalt  }
0x63: {  	_ =	shalt  }
0x64: {  	_ =	shalt  }
0x65: {  	_ =	shalt  }
0x66: {  	_ =	shalt  }
0x67: {  	_ =	shalt  }
0x68: {  	_ =	shalt  }
0x69: {  	_ =	shalt  }
0x6a: {  	_ =	shalt  }
0x6b: {  	_ =	shalt  }
0x6c: {  	_ =	shalt  }
0x6d: {  	_ =	shalt  }
0x6e: {  	_ =	shalt  }
0x6f: {  	_ =	shalt  }
0x70: {  	_ =	shalt  }
0x71: {  	_ =	shalt  }
0x72: {  	_ =	shalt  }
0x73: {  	_ =	shalt  }
0x74: {  	_ =	shalt  }
0x75: {  	_ =	shalt  }
0x76: {  	_ =	shalt  }
0x77: {  	_ =	shalt  }
0x78: {  	_ =	shalt  }
0x79: {  	_ =	shalt  }
0x7a: {  	_ =	shalt  }
0x7b: {  	_ =	shalt  }
0x7c: {  	_ =	shalt  }
0x7d: {  	_ =	shalt  }
0x7e: {  	_ =	shalt  }
0x7f: {  	_ =	shalt  }
0x80: {  	_ =	shalt  }
0x81: {  	_ =	shalt  }
0x82: {  	_ =	shalt  }
0x83: {  	_ =	shalt  }
0x84: {  	_ =	shalt  }
0x85: {  	_ =	shalt  }
0x86: {  	_ =	shalt  }
0x87: {  	_ =	shalt  }
.Lfunc_end0:
.L_simem_size_0:
called_computation.3_lowered:
.L_overlay_start_0:
0x88: {  	s2 =	sld [smem:$0x3FD9]  }
0x89: {  	s3 =	sld [smem:$0x3FFE];
	_ =	sdelay $0x1  }
0x8a: {  	s1 =	srdreg.scid  }
0x8b: {  	s0 =	sand.u32 $0x1, s1  }
0x8c: {  	s16 =	sshll.u32 s0, $0xA;
	s2 =	sadd.s32 s3, s2  }
0x8d: {  	s2 =	sadd.s32 s2, s16  }
0x8e: {  	[smem:$0x3FC4] =	sst s2  }
0x8f: {  	_ = 	snop  }
0x90: {  	(tm) =	ssettm $0x1  }
0x91: {  	s17 =	sld [smem:$0x3FFB];
	_ =	sdelay $0x3  }
0x92: {  	_ =	strace s17  }
0x93: {  	s2 =	sld [smem:$0x3FFC];
	_ =	sdelay $0x3  }
0x94: {  	_ =	strace s2  }
0x95: {  	s2 =	sld [smem:$0x3FFD];
	_ =	sdelay $0x3  }
0x96: {  	_ =	strace s2  }
0x97: {  	_ =	strace $0x8FFFFFFF  }
0x98: {  	s18 =	sld [smem:$0x3FDB];
	_ =	sdelay $0x1  }
0x99: {  	s19 =	simm.s32 $_scs_section_size  }
0x9a: {  	s4 =	simm.s32 $_size__tile_overlayer_lowered;
	s5 =	simm.s32 $_tile_overlayer_lowered  }
0x9b: {  	s22 =	simm.s32 $0x1BFF;
	s21 =	sshll.u32 s5, $0x1;
	s2 =	sadd.s32 s19, s18  }
0x9c: {  	s6 =	simm.s32 $0x0;
	s20 =	sshll.u32 s4, $0x1;
	s4 =	sadd.s32 s21, s2  }
0x9d: {  	[timem:s6], [sflag:s22] =	dma.local [hbm:s4], s20  }
0x9e: {  	_ =	swait.ge [sflag:s22], s20  }
0x9f: {  	s3 =	ssub.s32 $0x0, s20;
	[sflag:s22] =	ssyncset.done $0x0  }
0xa0: {  	[sflag:s22] =	ssyncadd.s32 s3;
	_ =	sdelay $0x1  }
0xa1: {  	s23 =	simm.s32 $0x1B8B  }
0xa2: {  	_ =	swait.ge [sflag:s23], $0x1  }
0xa3: {  	[sflag:s23] =	ssyncset.done $0x0  }
0xa4: {  	s25 =	simm.s32 $0x1B8E;
	s24 =	sld [smem:$0x3FFE];
	[sflag:s23] =	ssyncadd.s32 $0xFFFFFFFF  }
0xa5: {  	s26 =	simm.s32 $execute0_lowered;
	[smem:$0x3FD2] =	sst s25  }
0xa6: {  	s4 =	sshll.u32 s26, $0x1;
	_ =	strace $0x8000004F;
	[dreg:$0x1] =	wrdreg $0xFFFFFFFF  }
0xa7: {  	s28 =	simm.s32 $_size_execute0_lowered;
	s2 =	sadd.s32 s2, s4;
	[dreg:$0x0] =	wrdreg $0x0  }
0xa8: {  	s4 =	sshll.u32 s28, $0x1;
	[dreg:$0x2] =	wrdreg s2  }
0xa9: {  	[dreg:$0x3] =	wrdreg s4  }
0xaa: {  	[dreg:$0x4] =	wrdreg $0xC0  }
0xab: {  	_ =	task [dreg:s6], $0x5FFFF  }
0xac: {  	[dreg:$0x1] =	wrdreg $0xFFFFFFFF  }
0xad: {  	[dreg:$0x0] =	wrdreg $0x60  }
0xae: {  	[dreg:$0x2] =	wrdreg s24  }
0xaf: {  	[dreg:$0x3] =	wrdreg $0x7B000  }
0xb0: {  	[dreg:$0x4] =	wrdreg $0x9  }
0xb1: {  	_ =	task.clear_ibuf [dreg:s6], $0x5FFFF;
	_ =	strace $0x9000004F  }
0xb2: {  	s29 =	simm.s32 $0x9;
	_ =	strace $0x80000051  }
0xb3: {  	_ =	swait.ge [sflag:s29], $0x1  }
0xb4: {  	[sflag:s29] =	ssyncadd.s32 $0xFFFFFFFF  }
0xb5: {  	_ =	strace $0x90000051  }
0xb6: {  	_ =	sfence  }
0xb7: {  	s30 =	sld [smem:$0x0];
	_ =	sdelay $0x2  }
0xb8: {  	s31 =	sshll.u32 s1, $0xD;
	s1 =	sshrl.u32 s1, $0x2  }
0xb9: {  	s3 =	sand.u32 $0x4000, s31;
	s1 =	sadd.s32 s1, s30  }
0xba: {  	s0 =	sor.u32 s3, s0;
	s1 =	sshll.u32 s1, $0x11  }
0xbb: {  	s0 =	sor.u32 s1, s0  }
0xbc: {  	s0 =	sadd.s32 $0x8F2B, s0  }
0xbd: {  	[sflag:s0] =	ssyncadd.remote.s32 $0x1  }
0xbe: {  	_ =	sfence.sel $0xFFFF  }
0xbf: {  	[dreg:$0x0] =	wrdreg $0xFFFFFFFF;
	(pc) =	sbr.abs _section_cstart, $3  }
0xc0: {  	[dreg:$0x1] =	wrdreg $0xFFFFFFFF  }
0xc1: {  	_ =	task.clear_ibuf [dreg:s6], $0x2FFFF;
	_ =	strace $0x9FFFFFFF  }
0xc2: {  	(tm) =	ssettm $0x7FFFFFFF  }
0xc3: {  	_ =	shalt  }
tec
execute0_lowered:
.L_overlay_start_1:
0x0: {  	(tag) =	ssettag $0x1  }
0x1: {  	s1 =	rddreg [dreg:$0x0]  }
0x2: {  	s0 =	srdreg.scid;
	s2 =	rddreg [dreg:$0x1]  }
0x3: {  	s19 =	stileid.u32;
	s3 =	simm.s32 $0x0;
	s28 =	simm.s32 $0x3  }
0x4: {  	s29 =	simm.s32 $0x7;
	s0 =	sand.u32 $0x1, s0;
	[smem:$0x7FF] =	sst s3  }
0x5: {  	s7 =	smul.u32 $0x14000, s19;
	s8 =	sadd.s32 $0x107A00, s1;
	s30 =	sadd.s32 $0x3E00, s1  }
0x6: {  	s4 =	sshll.u32 s0, $0x4;
	s5 =	ssub.s32 $0x2, s0;
	s12 =	smul.u32 $0x140000, s0  }
0x7: {  	_ =	strace $0x80000050;
	s0 =	smul.u32 $0x27100, s0;
	s4 =	sor.u32 s19, s4  }
0x8: {  	s6 =	sshrl.u32 s5, $0x1;
	s9 =	sor.u32 $0x2800, s7;
	s10 =	sadd.s32 $0x5000, s7  }
0x9: {  	s11 =	sadd.s32 $0x7800, s7;
	s15 =	sadd.s32 $0xA000, s7;
	s16 =	sadd.s32 $0xC800, s7  }
0xa: {  	s17 =	sadd.s32 $0xF000, s7;
	s18 =	sadd.s32 $0x11800, s7;
	s4 =	smul.u32 $0x2710, s4  }
0xb: {  	s5 =	ssub.s32 s5, s6;
	s6 =	smul.u32 $0x50000, s19;
	s7 =	sadd.s32 s7, s12  }
0xc: {  	s25 =	sadd.s32 s12, s9;
	s14 =	sadd.s32 s12, s10;
	s20 =	sadd.s32 s12, s15  }
0xd: {  	s21 =	sadd.s32 s12, s16;
	s31 =	sadd.s32 s10, s2;
	s10 =	sadd.s32 s15, s2  }
0xe: {  	s24 =	sadd.s32 s12, s17;
	s15 =	sadd.s32 s17, s2;
	[dreg:$0x10] =	wrdreg s10  }
0xf: {  	s7 =	sshrl.u32 s7, $0x3;
	s23 =	sshrl.u32 s21, $0x3;
	[dreg:$0x12] =	wrdreg s15  }
0x10: {  	s10 =	simm.s32 $0x2B00;
	[dreg:$0xe] =	wrdreg s31;
	s13 =	sadd.s32 $0x190, s4  }
0x11: {  	s15 =	simm.s32 $0x4;
	s7 =	sadd.s32 s8, s7;
	[dreg:$0x3] =	wrdreg s13  }
0x12: {  	s6 =	sshrl.u32 s6, $0x2;
	s13 =	sshrl.u32 s25, $0x3;
	[dreg:$0x4] =	wrdreg s7  }
0x13: {  	s25 =	smul.u32 $0x2710, s19;
	s6 =	sadd.s32 s6, s2;
	s26 =	sadd.s32 s8, s13  }
0x14: {  	s13 =	sshrl.u32 s14, $0x3;
	s14 =	sadd.s32 s12, s11;
	[dreg:$0xc] =	wrdreg s6  }
0x15: {  	s12 =	sadd.s32 s12, s18;
	[dreg:$0x5] =	wrdreg s26;
	s7 =	sadd.s32 s8, s13  }
0x16: {  	s13 =	sshrl.u32 s20, $0x3;
	s12 =	sshrl.u32 s12, $0x3;
	s0 =	sadd.s32 s25, s0  }
0x17: {  	s25 =	smax.u32 s5, $0x1;
	s5 =	simm.s32 $0xD;
	[dreg:$0x6] =	wrdreg s7  }
0x18: {  	s7 =	sshrl.u32 s14, $0x3;
	s22 =	sadd.s32 s8, s13;
	[dreg:$0x1a] =	wrdreg s25  }
0x19: {  	s21 =	sadd.s32 $0x140, s0;
	s0 =	sadd.s32 $0xF0, s0;
	[dreg:$0x8] =	wrdreg s22  }
0x1a: {  	s13 =	sshrl.u32 s24, $0x3;
	s7 =	sadd.s32 s8, s7;
	[dreg:$0x1d] =	wrdreg s0  }
0x1b: {  	s14 =	sshrl.u32 s4, $0x3;
	s26 =	sadd.s32 s8, s13;
	[dreg:$0x7] =	wrdreg s7  }
0x1c: {  	s22 =	sadd.s32 s9, s2;
	s9 =	sadd.s32 s11, s2;
	[dreg:$0xa] =	wrdreg s26  }
0x1d: {  	s25 =	simm.s32 $0x280;
	s11 =	sadd.s32 s16, s2;
	[dreg:$0xf] =	wrdreg s9  }
0x1e: {  	s13 =	sadd.s32 $0xDC00, s1;
	s16 =	sadd.s32 s18, s2;
	[dreg:$0x11] =	wrdreg s11  }
0x1f: {  	s17 =	sadd.s32 $0xA, s14;
	s19 =	sadd.s32 s30, s14;
	[dreg:$0x13] =	wrdreg s16  }
0x20: {  	s24 =	sshrl.u32 s21, $0x3;
	s21 =	simm.s32 $0xB;
	[dreg:$0x16] =	wrdreg s19  }
0x21: {  	s7 =	sadd.s32 s8, s23;
	s8 =	sadd.s32 s8, s12;
	[dreg:$0xd] =	wrdreg s22  }
0x22: {  	s12 =	sadd.s32 $0x17A00, s1;
	s18 =	sadd.s32 s30, s17;
	[dreg:$0x9] =	wrdreg s7  }
0x23: {  	s4 =	sadd.s32 s13, s17;
	s20 =	sadd.s32 s13, s14;
	[dreg:$0xb] =	wrdreg s8  }
0x24: {  	s1 =	sadd.s32 $0x14, s14;
	s26 =	sadd.s32 s24, s13;
	[dreg:$0x14] =	wrdreg s18  }
0x25: {  	s9 =	simm.s32 $0x200;
	s19 =	simm.s32 $0x6;
	[dreg:$0x15] =	wrdreg s4  }
0x26: {  	s17 =	simm.s32 $0x80;
	[dreg:$0x17] =	wrdreg s20;
	s23 =	sadd.s32 s30, s1  }
0x27: {  	s1 =	sadd.s32 s13, s1;
	[dreg:$0x1b] =	wrdreg s26;
	s4 =	simm.s32 $0x300  }
0x28: {  	s7 =	simm.s32 $0x180;
	s8 =	simm.s32 $0x80;
	s26 =	simm.s32 $0x2  }
0x29: {  	s18 =	simm.s32 $0x9;
	s20 =	simm.s32 $0xA;
	[dreg:$0x18] =	wrdreg s23  }
0x2a: {  	[dreg:$0x19] =	wrdreg s1;
	s1 =	sadd.s32 s24, s30;
	s24 =	simm.s32 $0x1  }
0x2b: {  	v0 =	vimm.f32 $0.0e+00;
	s23 =	simm.s32 $0x50;
	[dreg:$0x1c] =	wrdreg s1;
	s1 =	simm.s32 $0x0  }
.LBB2_1:
0x2c: {  	[dreg:$0x1e] =	wrdreg s1  }
0x2d: {  	s11 =	smov.u32 s2;
	s0 =	simm.s32 $0x10;
	s1 =	sand.u32 $0x3FF0, s3  }
.LBB2_2:
0x2e: {  	p0 =	sne.s32 s0, $0x27F0;
	[tilespmem:s1+$0x300] =	vst v0;
	s1 =	smov.u32 s0;
	s0 =	sadd.s32 $0x10, s0  }
.Ltmp0:
0x2f: {  	(pc) =	sbr.rel @p0 .LBB2_2-.Ltmp0, $2  }
0x30: {  	_ =	sdelay $0x2  }
0x31: {  	s1 =	sand.u32 $0x3FF0, s1  }
0x32: {  	[tilespmem:s1+$0x300] =	vst v0  }
0x33: {  	[spmem:s6] =	stream.linear.scatter [tilespmem:s4], [sflag:$0xD], $0x2800, $0x38;
	[tilespmem:$0x1BB00] =	vst v63  }
0x34: {  	_ =	swait.ge [sflag:s5], $0x2800  }
0x35: {  	[sflag:s5] =	ssyncset.done $0x0  }
0x36: {  	[sflag:s5] =	ssyncadd.s32 $0xFFFFD800  }
0x37: {  	[spmem:s22] =	stream.linear.scatter [tilespmem:s4], [sflag:$0xD], $0x2800, $0x38;
	[tilespmem:$0x1BB00] =	vst v63  }
0x38: {  	_ =	swait.ge [sflag:s5], $0x2800  }
0x39: {  	[sflag:s5] =	ssyncset.done $0x0  }
0x3a: {  	[sflag:s5] =	ssyncadd.s32 $0xFFFFD800  }
0x3b: {  	[spmem:s31] =	stream.linear.scatter [tilespmem:s4], [sflag:$0xD], $0x2800, $0x38;
	[tilespmem:$0x1BB00] =	vst v63  }
0x3c: {  	_ =	swait.ge [sflag:s5], $0x2800  }
0x3d: {  	[sflag:s5] =	ssyncset.done $0x0  }
0x3e: {  	s0 =	rddreg [dreg:$0xf];
	[sflag:s5] =	ssyncadd.s32 $0xFFFFD800  }
0x3f: {  	[spmem:s0] =	stream.linear.scatter [tilespmem:s4], [sflag:$0xD], $0x2800, $0x38;
	[tilespmem:$0x1BB00] =	vst v63  }
0x40: {  	_ =	swait.ge [sflag:s5], $0x2800  }
0x41: {  	[sflag:s5] =	ssyncset.done $0x0  }
0x42: {  	s14 =	rddreg [dreg:$0x10];
	[sflag:s5] =	ssyncadd.s32 $0xFFFFD800  }
0x43: {  	[spmem:s14] =	stream.linear.scatter [tilespmem:s4], [sflag:$0xD], $0x2800, $0x38;
	[tilespmem:$0x1BB00] =	vst v63  }
0x44: {  	_ =	swait.ge [sflag:s5], $0x2800  }
0x45: {  	[sflag:s5] =	ssyncset.done $0x0  }
0x46: {  	s16 =	rddreg [dreg:$0x11];
	[sflag:s5] =	ssyncadd.s32 $0xFFFFD800  }
0x47: {  	[spmem:s16] =	stream.linear.scatter [tilespmem:s4], [sflag:$0xD], $0x2800, $0x38;
	[tilespmem:$0x1BB00] =	vst v63  }
0x48: {  	_ =	swait.ge [sflag:s5], $0x2800  }
0x49: {  	[sflag:s5] =	ssyncset.done $0x0  }
0x4a: {  	s22 =	rddreg [dreg:$0x12];
	[sflag:s5] =	ssyncadd.s32 $0xFFFFD800  }
0x4b: {  	[spmem:s22] =	stream.linear.scatter [tilespmem:s4], [sflag:$0xD], $0x2800, $0x38;
	[tilespmem:$0x1BB00] =	vst v63  }
0x4c: {  	_ =	swait.ge [sflag:s5], $0x2800  }
0x4d: {  	[sflag:s5] =	ssyncset.done $0x0  }
0x4e: {  	s1 =	rddreg [dreg:$0x13];
	[sflag:s5] =	ssyncadd.s32 $0xFFFFD800  }
0x4f: {  	[spmem:s1] =	stream.linear.scatter [tilespmem:s4], [sflag:$0xD], $0x2800, $0x38;
	[tilespmem:$0x1BB00] =	vst v63  }
0x50: {  	_ =	swait.ge [sflag:s5], $0x2800  }
0x51: {  	[sflag:s5] =	ssyncset.done $0x0  }
0x52: {  	[sflag:s5] =	ssyncadd.s32 $0xFFFFD800  }
0x53: {  	[bflag:$0x0] =	sbarrier.arrive $0xFFFF  }
0x54: {  	s0 =	simm.s32 $0x0;
	s2 =	rddreg [dreg:$0x16]  }
0x55: {  	[tilespmem:s0], [sflag:$0x1] =	stream.linear.gather [hbm4b:s2+s0], $0x50, $0x38;
	[tilespmem:$0x1BB00] =	vst v63  }
0x56: {  	s5 =	rddreg [dreg:$0x17]  }
0x57: {  	[tilespmem:s7], [sflag:$0x4] =	stream.linear.gather [hbm4b:s5+s0], $0x50, $0x38;
	[tilespmem:$0x1BB00] =	vst v63  }
0x58: {  	s6 =	rddreg [dreg:$0x14]  }
0x59: {  	[tilespmem:s8], [sflag:$0x2] =	stream.linear.gather [hbm4b:s6+s0], $0x50, $0x38;
	[tilespmem:$0x1BB00] =	vst v63  }
0x5a: {  	s7 =	rddreg [dreg:$0x15]  }
0x5b: {  	[tilespmem:s9], [sflag:$0x5] =	stream.linear.gather [hbm4b:s7+s0], $0x50, $0x38;
	[tilespmem:$0x1BB00] =	vst v63  }
0x5c: {  	s14 =	rddreg [dreg:$0x18];
	s6 =	simm.s32 $0x100  }
0x5d: {  	[tilespmem:s6], [sflag:$0x3] =	stream.linear.gather [hbm4b:s14+s0], $0x50, $0x38;
	[tilespmem:$0x1BB00] =	vst v63  }
0x5e: {  	s16 =	rddreg [dreg:$0x19]  }
0x5f: {  	[tilespmem:s25], [sflag:$0x6] =	stream.linear.gather [hbm4b:s16+s0], $0x50, $0x38;
	[tilespmem:$0x1BB00] =	vst v63  }
0x60: {  	_ =	swait.ge [sflag:s24], $0x50  }
0x61: {  	[sflag:s24] =	ssyncset.done $0x0  }
0x62: {  	[sflag:s24] =	ssyncadd.s32 $0xFFFFFFB0  }
0x63: {  	[tilespmem:s4], [sflag:$0x7] =	stream.indirect.gather [hbm4b:s12+s23], $0x80, s0, s23, $0xb8;
	[tilespmem:$0x1BB00] =	vst v63  }
0x64: {  	_ =	swait.ge [sflag:s26], $0x50  }
0x65: {  	[sflag:s26] =	ssyncset.done $0x0  }
0x66: {  	[sflag:s26] =	ssyncadd.s32 $0xFFFFFFB0  }
0x67: {  	[tilespmem:s10], [sflag:$0x8] =	stream.indirect.gather [hbm4b:s12+s23], $0x80, s8, s23, $0xb8;
	[tilespmem:$0x1BB00] =	vst v63  }
0x68: {  	_ =	swait.ge [sflag:s28], $0x50  }
0x69: {  	[sflag:s28] =	ssyncset.done $0x0  }
0x6a: {  	s8 =	simm.s32 $0x5300;
	[sflag:s28] =	ssyncadd.s32 $0xFFFFFFB0  }
0x6b: {  	[tilespmem:s8], [sflag:$0x9] =	stream.indirect.gather [hbm4b:s12+s23], $0x80, s6, s23, $0xb8;
	[tilespmem:$0x1BB00] =	vst v63  }
0x6c: {  	_ =	swait.ge [sflag:s29], $0x2800  }
0x6d: {  	s5 =	rddreg [dreg:$0x1d]  }
0x6e: {  	s22 =	simm.s32 $0x7;
	[sflag:s29] =	ssyncset.done $0x0;
	s1 =	sshrl.u32 s5, $0x3  }
0x6f: {  	[sflag:s22] =	ssyncadd.s32 $0xFFFFD800;
	s16 =	sadd.s32 s30, s1  }
0x70: {  	[tilespmem:s3], [sflag:$0x1] =	stream.linear.gather [hbm4b:s16+s3], $0x50, $0x38;
	[tilespmem:$0x1BB00] =	vst v63  }
0x71: {  	_ =	swait.ge [sflag:s15], $0x50  }
0x72: {  	s2 =	simm.s32 $0x180;
	[sflag:s15] =	ssyncset.done $0x0  }
0x73: {  	s9 =	simm.s32 $0x300;
	s22 =	simm.s32 $0x8;
	[sflag:s15] =	ssyncadd.s32 $0xFFFFFFB0  }
0x74: {  	[spmem:s11] =	stream.indirect.scatter.add.f32 [tilespmem:s9], [sflag:$0xA], $0x80, s2, s23, $0xb8;
	[tilespmem:$0x1BB00] =	vst v63  }
0x75: {  	_ =	swait.ge [sflag:s22], $0x2800  }
0x76: {  	s14 =	simm.s32 $0x80;
	[sflag:s22] =	ssyncset.done $0x0  }
0x77: {  	s16 =	simm.s32 $0x5;
	s4 =	rddreg [dreg:$0x1c];
	[sflag:s22] =	ssyncadd.s32 $0xFFFFD800  }
0x78: {  	[tilespmem:s14], [sflag:$0x2] =	stream.linear.gather [hbm4b:s4+s3], $0x50, $0x38;
	[tilespmem:$0x1BB00] =	vst v63  }
0x79: {  	_ =	swait.ge [sflag:s16], $0x50  }
0x7a: {  	s7 =	simm.s32 $0x200;
	[sflag:s16] =	ssyncset.done $0x0  }
0x7b: {  	s0 =	smin.u32 s0, $0x77;
	s10 =	simm.s32 $0x2B00;
	[sflag:s16] =	ssyncadd.s32 $0xFFFFFFB0  }
0x7c: {  	[spmem:s11] =	stream.indirect.scatter.add.f32 [tilespmem:s10], [sflag:$0xB], $0x80, s7, s23, $0xb8;
	[tilespmem:$0x1BB00] =	vst v63  }
0x7d: {  	s0 =	smul.u32 $0x50, s0;
	_ =	swait.ge [sflag:s18], $0x2800  }
0x7e: {  	s16 =	rddreg [dreg:$0x3]  }
0x7f: {  	s0 =	sadd.s32 s0, s16  }
0x80: {  	[sflag:s18] =	ssyncset.done $0x0;
	s0 =	sshrl.u32 s0, $0x3  }
0x81: {  	[sflag:s18] =	ssyncadd.s32 $0xFFFFD800;
	s16 =	sadd.s32 s30, s0  }
0x82: {  	[tilespmem:s6], [sflag:$0x3] =	stream.linear.gather [hbm4b:s16+s3], $0x50, $0x38;
	[tilespmem:$0x1BB00] =	vst v63  }
0x83: {  	_ =	swait.ge [sflag:s19], $0x50  }
0x84: {  	[sflag:s19] =	ssyncset.done $0x0  }
0x85: {  	[sflag:s19] =	ssyncadd.s32 $0xFFFFFFB0  }
0x86: {  	[spmem:s11] =	stream.indirect.scatter.add.f32 [tilespmem:s8], [sflag:$0xC], $0x80, s25, s23, $0xb8;
	[tilespmem:$0x1BB00] =	vst v63  }
0x87: {  	_ =	swait.ge [sflag:s20], $0x2800  }
0x88: {  	[sflag:s20] =	ssyncset.done $0x0  }
0x89: {  	s24 =	simm.s32 $0x1;
	s1 =	sadd.s32 s13, s1;
	[sflag:s20] =	ssyncadd.s32 $0xFFFFD800  }
0x8a: {  	[tilespmem:s2], [sflag:$0x4] =	stream.linear.gather [hbm4b:s1+s3], $0x50, $0x38;
	[tilespmem:$0x1BB00] =	vst v63  }
0x8b: {  	_ =	swait.ge [sflag:s24], $0x50  }
0x8c: {  	[sflag:s24] =	ssyncset.done $0x0  }
0x8d: {  	[sflag:s24] =	ssyncadd.s32 $0xFFFFFFB0  }
0x8e: {  	[tilespmem:s9], [sflag:$0x7] =	stream.indirect.gather [hbm4b:s12+s23], $0x80, s3, s23, $0xb8;
	[tilespmem:$0x1BB00] =	vst v63  }
0x8f: {  	_ =	swait.ge [sflag:s21], $0x2800  }
0x90: {  	[sflag:s21] =	ssyncset.done $0x0  }
0x91: {  	s26 =	simm.s32 $0x2;
	s22 =	rddreg [dreg:$0x1b];
	[sflag:s21] =	ssyncadd.s32 $0xFFFFD800  }
0x92: {  	[tilespmem:s7], [sflag:$0x5] =	stream.linear.gather [hbm4b:s22+s3], $0x50, $0x38;
	[tilespmem:$0x1BB00] =	vst v63  }
0x93: {  	_ =	swait.ge [sflag:s26], $0x50  }
0x94: {  	[sflag:s26] =	ssyncset.done $0x0  }
0x95: {  	s28 =	simm.s32 $0xC;
	[sflag:s26] =	ssyncadd.s32 $0xFFFFFFB0  }
0x96: {  	[tilespmem:s10], [sflag:$0x8] =	stream.indirect.gather [hbm4b:s12+s23], $0x80, s14, s23, $0xb8;
	[tilespmem:$0x1BB00] =	vst v63  }
0x97: {  	_ =	swait.ge [sflag:s28], $0x2800  }
0x98: {  	[sflag:s28] =	ssyncset.done $0x0  }
0x99: {  	s29 =	simm.s32 $0x3;
	s0 =	sadd.s32 s13, s0;
	[sflag:s28] =	ssyncadd.s32 $0xFFFFD800  }
0x9a: {  	[tilespmem:s25], [sflag:$0x6] =	stream.linear.gather [hbm4b:s0+s3], $0x50, $0x38;
	[tilespmem:$0x1BB00] =	vst v63  }
0x9b: {  	s31 =	simm.s32 $0x3;
	_ =	swait.ge [sflag:s29], $0x50  }
0x9c: {  	s16 =	smov.u32 s13;
	s1 =	sadd.s32 $0x1E, s22;
	[sflag:s29] =	ssyncset.done $0x0  }
0x9d: {  	s22 =	sadd.s32 $0x1E, s4;
	s0 =	sadd.s32 $0xF0, s5;
	[sflag:s29] =	ssyncadd.s32 $0xFFFFFFB0  }
.LBB2_4:
0x9e: {  	s2 =	simm.s32 $0x5300;
	s9 =	simm.s32 $0x7  }
0x9f: {  	[tilespmem:s2], [sflag:$0x9] =	stream.indirect.gather [hbm4b:s12+s23], $0x80, s6, s23, $0xb8;
	[tilespmem:$0x1BB00] =	vst v63  }
0xa0: {  	_ =	swait.ge [sflag:s9], $0x2800  }
0xa1: {  	s4 =	sshrl.u32 s0, $0x3;
	[sflag:s9] =	ssyncset.done $0x0  }
0xa2: {  	s10 =	sadd.s32 s30, s4;
	[sflag:s9] =	ssyncadd.s32 $0xFFFFD800  }
0xa3: {  	[tilespmem:s3], [sflag:$0x1] =	stream.linear.gather [hbm4b:s10+s3], $0x50, $0x38;
	[tilespmem:$0x1BB00] =	vst v63  }
0xa4: {  	_ =	swait.ge [sflag:s15], $0x50  }
0xa5: {  	s8 =	simm.s32 $0x180;
	[sflag:s15] =	ssyncset.done $0x0  }
0xa6: {  	s14 =	simm.s32 $0x300;
	s13 =	simm.s32 $0x8;
	[sflag:s15] =	ssyncadd.s32 $0xFFFFFFB0  }
0xa7: {  	[spmem:s11] =	stream.indirect.scatter.add.f32 [tilespmem:s14], [sflag:$0xA], $0x80, s8, s23, $0xb8;
	[tilespmem:$0x1BB00] =	vst v63  }
0xa8: {  	_ =	swait.ge [sflag:s13], $0x2800  }
0xa9: {  	[sflag:s13] =	ssyncset.done $0x0  }
0xaa: {  	s7 =	simm.s32 $0x5;
	[sflag:s13] =	ssyncadd.s32 $0xFFFFD800  }
0xab: {  	[tilespmem:s17], [sflag:$0x2] =	stream.linear.gather [hbm4b:s22+s3], $0x50, $0x38;
	[tilespmem:$0x1BB00] =	vst v63  }
0xac: {  	s5 =	smov.u32 s31;
	_ =	swait.ge [sflag:s7], $0x50  }
0xad: {  	s5 =	smin.u32 s5, $0x77;
	[sflag:s7] =	ssyncset.done $0x0  }
0xae: {  	s10 =	simm.s32 $0x200;
	[sflag:s7] =	ssyncadd.s32 $0xFFFFFFB0;
	s7 =	simm.s32 $0x2B00  }
0xaf: {  	[spmem:s11] =	stream.indirect.scatter.add.f32 [tilespmem:s7], [sflag:$0xB], $0x80, s10, s23, $0xb8;
	[tilespmem:$0x1BB00] =	vst v63  }
0xb0: {  	s5 =	smul.u32 $0x50, s5;
	_ =	swait.ge [sflag:s18], $0x2800  }
0xb1: {  	s9 =	rddreg [dreg:$0x3]  }
0xb2: {  	s5 =	sadd.s32 s5, s9  }
0xb3: {  	[sflag:s18] =	ssyncset.done $0x0;
	s5 =	sshrl.u32 s5, $0x3  }
0xb4: {  	s25 =	simm.s32 $0x100;
	[sflag:s18] =	ssyncadd.s32 $0xFFFFD800;
	s13 =	sadd.s32 s30, s5  }
0xb5: {  	[tilespmem:s25], [sflag:$0x3] =	stream.linear.gather [hbm4b:s13+s3], $0x50, $0x38;
	[tilespmem:$0x1BB00] =	vst v63  }
0xb6: {  	_ =	swait.ge [sflag:s19], $0x50  }
0xb7: {  	[sflag:s19] =	ssyncset.done $0x0  }
0xb8: {  	s25 =	simm.s32 $0x280;
	[sflag:s19] =	ssyncadd.s32 $0xFFFFFFB0  }
0xb9: {  	[spmem:s11] =	stream.indirect.scatter.add.f32 [tilespmem:s2], [sflag:$0xC], $0x80, s25, s23, $0xb8;
	[tilespmem:$0x1BB00] =	vst v63  }
0xba: {  	_ =	swait.ge [sflag:s20], $0x2800  }
0xbb: {  	[sflag:s20] =	ssyncset.done $0x0  }
0xbc: {  	s4 =	sadd.s32 s16, s4;
	[sflag:s20] =	ssyncadd.s32 $0xFFFFD800  }
0xbd: {  	[tilespmem:s8], [sflag:$0x4] =	stream.linear.gather [hbm4b:s4+s3], $0x50, $0x38;
	[tilespmem:$0x1BB00] =	vst v63  }
0xbe: {  	_ =	swait.ge [sflag:s24], $0x50  }
0xbf: {  	[sflag:s24] =	ssyncset.done $0x0  }
0xc0: {  	[sflag:s24] =	ssyncadd.s32 $0xFFFFFFB0  }
0xc1: {  	[tilespmem:s14], [sflag:$0x7] =	stream.indirect.gather [hbm4b:s12+s23], $0x80, s3, s23, $0xb8;
	[tilespmem:$0x1BB00] =	vst v63  }
0xc2: {  	_ =	swait.ge [sflag:s21], $0x2800  }
0xc3: {  	[sflag:s21] =	ssyncset.done $0x0  }
0xc4: {  	[sflag:s21] =	ssyncadd.s32 $0xFFFFD800  }
0xc5: {  	[tilespmem:s10], [sflag:$0x5] =	stream.linear.gather [hbm4b:s1+s3], $0x50, $0x38;
	[tilespmem:$0x1BB00] =	vst v63  }
0xc6: {  	_ =	swait.ge [sflag:s26], $0x50  }
0xc7: {  	[sflag:s26] =	ssyncset.done $0x0  }
0xc8: {  	p0 =	sne.s32 s31, $0x78;
	[sflag:s26] =	ssyncadd.s32 $0xFFFFFFB0  }
0xc9: {  	[tilespmem:s7], [sflag:$0x8] =	stream.indirect.gather [hbm4b:s12+s23], $0x80, s17, s23, $0xb8;
	[tilespmem:$0x1BB00] =	vst v63  }
0xca: {  	s31 =	sadd.s32 $0x3, s31;
	s0 =	sadd.s32 $0xF0, s0;
	_ =	swait.ge [sflag:s28], $0x2800  }
0xcb: {  	s6 =	simm.s32 $0x100;
	s22 =	sadd.s32 $0x1E, s22;
	[sflag:s28] =	ssyncset.done $0x0  }
.Ltmp1:
0xcc: {  	s14 =	sadd.s32 s16, s5;
	[sflag:s28] =	ssyncadd.s32 $0xFFFFD800;
	(pc) =	sbr.rel @p0 .LBB2_4-.Ltmp1, $4  }
0xcd: {  	[tilespmem:s25], [sflag:$0x6] =	stream.linear.gather [hbm4b:s14+s3], $0x50, $0x38;
	[tilespmem:$0x1BB00] =	vst v63  }
0xce: {  	s9 =	simm.s32 $0x5300;
	s13 =	simm.s32 $0x300;
	_ =	swait.ge [sflag:s29], $0x50  }
0xcf: {  	s2 =	simm.s32 $0x180;
	s8 =	simm.s32 $0x200;
	[sflag:s29] =	ssyncset.done $0x0  }
0xd0: {  	s10 =	simm.s32 $0x2B00;
	s1 =	sadd.s32 $0x1E, s1;
	[sflag:s29] =	ssyncadd.s32 $0xFFFFFFB0  }
0xd1: {  	[tilespmem:s9], [sflag:$0x9] =	stream.indirect.gather [hbm4b:s12+s23], $0x80, s6, s23, $0xb8;
	[tilespmem:$0x1BB00] =	vst v63  }
0xd2: {  	s0 =	simm.s32 $0x7  }
0xd3: {  	_ =	swait.ge [sflag:s0], $0x2800  }
0xd4: {  	[sflag:s0] =	ssyncset.done $0x0  }
0xd5: {  	[sflag:s0] =	ssyncadd.s32 $0xFFFFD800  }
0xd6: {  	_ =	swait.ge [sflag:s15], $0x50  }
0xd7: {  	[sflag:s15] =	ssyncset.done $0x0  }
0xd8: {  	s5 =	simm.s32 $0x8;
	[sflag:s15] =	ssyncadd.s32 $0xFFFFFFB0  }
0xd9: {  	[spmem:s11] =	stream.indirect.scatter.add.f32 [tilespmem:s13], [sflag:$0xA], $0x80, s2, s23, $0xb8;
	[tilespmem:$0x1BB00] =	vst v63  }
0xda: {  	_ =	swait.ge [sflag:s5], $0x2800  }
0xdb: {  	[sflag:s5] =	ssyncset.done $0x0  }
0xdc: {  	s6 =	simm.s32 $0x5;
	[sflag:s5] =	ssyncadd.s32 $0xFFFFD800  }
0xdd: {  	_ =	swait.ge [sflag:s6], $0x50  }
0xde: {  	[sflag:s6] =	ssyncset.done $0x0  }
0xdf: {  	[sflag:s6] =	ssyncadd.s32 $0xFFFFFFB0  }
0xe0: {  	[spmem:s11] =	stream.indirect.scatter.add.f32 [tilespmem:s10], [sflag:$0xB], $0x80, s8, s23, $0xb8;
	[tilespmem:$0x1BB00] =	vst v63  }
0xe1: {  	_ =	swait.ge [sflag:s18], $0x2800  }
0xe2: {  	[sflag:s18] =	ssyncset.done $0x0  }
0xe3: {  	[sflag:s18] =	ssyncadd.s32 $0xFFFFD800  }
0xe4: {  	_ =	swait.ge [sflag:s19], $0x50  }
0xe5: {  	[sflag:s19] =	ssyncset.done $0x0  }
0xe6: {  	[sflag:s19] =	ssyncadd.s32 $0xFFFFFFB0  }
0xe7: {  	_ =	swait.ge [sflag:s20], $0x2800  }
0xe8: {  	[sflag:s20] =	ssyncset.done $0x0  }
0xe9: {  	[sflag:s20] =	ssyncadd.s32 $0xFFFFD800  }
0xea: {  	_ =	swait.ge [sflag:s21], $0x2800  }
0xeb: {  	[sflag:s21] =	ssyncset.done $0x0  }
0xec: {  	s7 =	stileid.u32;
	[sflag:s21] =	ssyncadd.s32 $0xFFFFD800  }
0xed: {  	s0 =	sshll.u32 s7, $0x6;
	[bflag:$0x0] =	sbarrier.arrive $0xFFFF  }
0xee: {  	s0 =	sor.u32 $0x1C0D, s0;
	s6 =	rddreg [dreg:$0xc]  }
0xef: {  	s5 =	simm.s32 $0xD;
	s4 =	rddreg [dreg:$0x4];
	s1 =	sshrl.u32 s6, $0x3  }
0xf0: {  	[hbm:s4], [sflag:s0] =	dma.local [spmem:s1], $0x500  }
0xf1: {  	_ =	swait.ge [sflag:s5], $0x500  }
0xf2: {  	[sflag:s5] =	ssyncset.done $0x0;
	s22 =	rddreg [dreg:$0xd]  }
0xf3: {  	s9 =	rddreg [dreg:$0x5];
	[sflag:s5] =	ssyncadd.s32 $0xFFFFFB00;
	s8 =	sshrl.u32 s22, $0x3  }
0xf4: {  	[hbm:s9], [sflag:s0] =	dma.local [spmem:s8], $0x500  }
0xf5: {  	_ =	swait.ge [sflag:s5], $0x500  }
0xf6: {  	[sflag:s5] =	ssyncset.done $0x0;
	s31 =	rddreg [dreg:$0xe]  }
0xf7: {  	s13 =	rddreg [dreg:$0x6];
	[sflag:s5] =	ssyncadd.s32 $0xFFFFFB00;
	s10 =	sshrl.u32 s31, $0x3  }
0xf8: {  	[hbm:s13], [sflag:s0] =	dma.local [spmem:s10], $0x500  }
0xf9: {  	_ =	swait.ge [sflag:s5], $0x500  }
0xfa: {  	[sflag:s5] =	ssyncset.done $0x0;
	s14 =	rddreg [dreg:$0xf]  }
0xfb: {  	s24 =	rddreg [dreg:$0x7];
	[sflag:s5] =	ssyncadd.s32 $0xFFFFFB00;
	s1 =	sshrl.u32 s14, $0x3  }
0xfc: {  	[hbm:s24], [sflag:s0] =	dma.local [spmem:s1], $0x500  }
0xfd: {  	_ =	swait.ge [sflag:s5], $0x500  }
0xfe: {  	[sflag:s5] =	ssyncset.done $0x0;
	s26 =	rddreg [dreg:$0x10]  }
0xff: {  	s2 =	rddreg [dreg:$0x8];
	[sflag:s5] =	ssyncadd.s32 $0xFFFFFB00;
	s1 =	sshrl.u32 s26, $0x3  }
0x100: {  	[hbm:s2], [sflag:s0] =	dma.local [spmem:s1], $0x500  }
0x101: {  	_ =	swait.ge [sflag:s5], $0x500  }
0x102: {  	[sflag:s5] =	ssyncset.done $0x0;
	s7 =	rddreg [dreg:$0x11]  }
0x103: {  	s8 =	rddreg [dreg:$0x9];
	[sflag:s5] =	ssyncadd.s32 $0xFFFFFB00;
	s1 =	sshrl.u32 s7, $0x3  }
0x104: {  	[hbm:s8], [sflag:s0] =	dma.local [spmem:s1], $0x500  }
0x105: {  	_ =	swait.ge [sflag:s5], $0x500  }
0x106: {  	[sflag:s5] =	ssyncset.done $0x0;
	s9 =	rddreg [dreg:$0x12]  }
0x107: {  	s10 =	rddreg [dreg:$0xa];
	[sflag:s5] =	ssyncadd.s32 $0xFFFFFB00;
	s1 =	sshrl.u32 s9, $0x3  }
0x108: {  	[hbm:s10], [sflag:s0] =	dma.local [spmem:s1], $0x500  }
0x109: {  	_ =	swait.ge [sflag:s5], $0x500  }
0x10a: {  	[sflag:s5] =	ssyncset.done $0x0;
	s13 =	rddreg [dreg:$0x13]  }
0x10b: {  	s14 =	rddreg [dreg:$0xb];
	[sflag:s5] =	ssyncadd.s32 $0xFFFFFB00;
	s1 =	sshrl.u32 s13, $0x3  }
0x10c: {  	[hbm:s14], [sflag:s0] =	dma.local [spmem:s1], $0x500  }
0x10d: {  	_ =	swait.ge [sflag:s5], $0x500  }
0x10e: {  	s24 =	rddreg [dreg:$0x1e]  }
0x10f: {  	s26 =	rddreg [dreg:$0x1a];
	s1 =	sadd.s32 $0x1, s24  }
0x110: {  	p0 =	sne.s32 s1, s26  }
.Ltmp2:
0x111: {  	s28 =	simm.s32 $0x3;
	(pc) =	sbr.rel @p0 .LBB2_1-.Ltmp2, $4  }
0x112: {  	s29 =	simm.s32 $0x7;
	s4 =	simm.s32 $0x300;
	s2 =	smov.u32 s11  }
0x113: {  	s7 =	simm.s32 $0x180;
	s8 =	simm.s32 $0x80;
	s9 =	simm.s32 $0x200  }
0x114: {  	s10 =	simm.s32 $0x2B00;
	s13 =	smov.u32 s16;
	[sflag:s5] =	ssyncset.done $0x0  }
0x115: {  	[sflag:s5] =	ssyncadd.s32 $0xFFFFFB00;
	s24 =	simm.s32 $0x1;
	s26 =	simm.s32 $0x2  }
0x116: {  	_ =	sfence.sel $0x180000  }
0x117: {  	[bflag:$0x0] =	sbarrier.arrive $0xFFFF  }
0x118: {  	_ =	strace $0x90000050  }
0x119: {  	s0 =	stileid.u32;
	[bflag:$0x2] =	sbarrier.arrive $0xFFFF  }
0x11a: {  	p0 =	sne.s32 s0, $0x0;
	s0 =	rddreg [dreg:$0x2]  }
0x11b: {  	s0 =	sadd.s32 @!p0 $0x100000, s0  }
0x11c: {  	[sflag:s0] =	ssyncadd.tile.s32 @!p0 $0x1;
	_ =	shalt  }
.Lfunc_end2:
_tile_overlayer_lowered:
.L_overlay_start_2:
0x11d: {  	(tag) =	ssettag $0x2  }
0x11e: {  	s0 =	rddreg [dreg:$0x0];
	s2 =	stileid.u32  }
0x11f: {  	s1 =	rddreg [dreg:$0x1];
	p0 =	sne.s32 s2, $0x0  }
0x120: {  	s3 =	rddreg [dreg:$0x2];
	[bflag:$0x3] =	sbarrier.arrive $0xFFFF;
	s2 =	simm.s32 @!p0 $0x1C0D  }
0x121: {  	[timem:s3], [sflag:s2] =	dma.local @!p0 [hbm:s0], s1  }
0x122: {  	s0 =	simm.s32 @!p0 $0xD  }
0x123: {  	_ =	swait.ge @!p0 [sflag:s0], s1  }
0x124: {  	s1 =	ssub.s32 @!p0 $0x0, s1;
	[sflag:s0] =	ssyncset.done @!p0 $0x0  }
0x125: {  	[sflag:s0] =	ssyncadd.s32 @!p0 s1  }
0x126: {  	[bflag:$0x3] =	sbarrier.arrive $0xFFFF  }
0x127: {  	_ =	shalt  }

// kernel: kernel.27.cloned.1.call-start
scs
__scs_entry_jumppad:
0x0: {  	(pc) =	sbr.rel $0x88, $3  }
0x1: {  	(tag) =	ssettag $0x0;
	lr =	simm.s32 $0x1  }
0x2: {  	[smem:$0x3F9D] =	sst lr;
	_ =	strace $0xD0000000  }
0x3: {  	_ = 	snop  }
0x4: {  	_ = 	snop  }
0x5: {  	_ = 	snop  }
0x6: {  	_ = 	snop  }
0x7: {  	_ = 	snop  }
__scs_overlays_trampoline_lowered:
0x8: {  	[smem:$0x3FAC] =	sst s0  }
0x9: {  	[smem:$0x3FAD] =	sst s1  }
0xa: {  	[smem:$0x3FAE] =	sst s2  }
0xb: {  	[smem:$0x3FAF] =	sst s3  }
0xc: {  	[smem:$0x3FB0] =	sst s4  }
0xd: {  	[smem:$0x3FB1] =	sst s5  }
0xe: {  	[smem:$0x3FB2] =	sst s6  }
0xf: {  	[smem:$0x3FB3] =	sst s7  }
0x10: {  	[smem:$0x3FB4] =	sst s8  }
0x11: {  	[smem:$0x3FB5] =	sst s9;
	s0 =	simm.s32 @!p0 $0x0  }
0x12: {  	s1 =	sld [smem:$0x3F9B];
	s0 =	simm.s32 @p0 $0x1  }
0x13: {  	[smem:$0x3FB6] =	sst s0;
	s0 =	simm.s32 @!p1 $0x0  }
0x14: {  	s2 =	sld [smem:$0x3F9A];
	s0 =	simm.s32 @p1 $0x1  }
0x15: {  	[smem:$0x3FB7] =	sst s0;
	s0 =	simm.s32 @!p2 $0x0  }
0x16: {  	s3 =	sld [smem:$0x3FDB];
	s0 =	simm.s32 @p2 $0x1  }
0x17: {  	s4 =	simm.s32 $0x1BF5;
	[smem:$0x3FB9] =	sst s0  }
0x18: {  	s0 =	sld [smem:$0x3F9C];
	_ =	swait.ge [sflag:s4], $0x0  }
0x19: {  	s7 =	sld [smem:$0x3F9D]  }
0x1a: {  	s8 =	sadd.s32 $0xFFFFE003, lr  }
0x1b: {  	s9 =	sadd.s32 $0xFFFFFEF7, lr;
	s5 =	simm.s32 $0xFFFFFFFF;
	p2 =	slt.u32 s8, $0xFFFFF086  }
0x1c: {  	p1 =	slt.u32 s9, $0xF7A;
	s5 =	simm.s32 @!p2 $0x0  }
0x1d: {  	s5 =	simm.s32 @p1 $0x1;
	p0 =	seq.s32 s7, s2  }
0x1e: {  	s7 =	smul.u32 @!p0 $0xF7A, s2;
	p2 =	seq.s32 @!p0 s5, $0x0  }
0x1f: {  	s9 =	smul.u32 $0xF7A, s1;
	s8 =	simm.s32 @!p0 $0x1BF5;
	p2 =	por !p2, p0  }
0x20: {  	[sflag:s8] =	ssyncset.s32 @!p0 $0xFFFFF086;
	s6 =	sadd.s32 @!p0 s3, s7;
	s7 =	simm.s32 @!p0 $0x108  }
0x21: {  	s3 =	sadd.s32 s3, s9;
	s6 =	sadd.s32 @!p0 $0x88, s6;
	s7 =	simm.s32 @p2 $0x1082  }
0x22: {  	[simem:s7], [sflag:s8] =	dma.local @!p0 [hbm:s6], $0xF7A  }
0x23: {  	s9 =	sor.u32 $0xD0000000, s2;
	s6 =	simm.s32 $0x108;
	_ =	swait.ge @!p0 [sflag:s8], $0x0  }
0x24: {  	s3 =	sadd.s32 $0x88, s3;
	s6 =	simm.s32 @!p1 $0x1082;
	[sflag:s4] =	ssyncset.s32 $0xFFFFF086  }
0x25: {  	[simem:s6], [sflag:s4] =	dma.local [hbm:s3], $0xF7A  }
0x26: {  	[smem:$0x3F9D] =	sst s1;
	(tag) =	ssettag s2;
	_ =	strace s9  }
0x27: {  	s1 =	sld [smem:$0x3FAD]  }
0x28: {  	s2 =	sld [smem:$0x3FAE]  }
0x29: {  	s4 =	sld [smem:$0x3FB0]  }
0x2a: {  	p0 =	seq.s32 s5, $0x0;
	s5 =	sld [smem:$0x3FB1]  }
0x2b: {  	s6 =	sld [smem:$0x3FB2]  }
0x2c: {  	s7 =	sld [smem:$0x3FB3]  }
0x2d: {  	s3 =	simm.s32 $0x108;
	s8 =	sld [smem:$0x3FB4]  }
0x2e: {  	s3 =	simm.s32 @!p0 $0x1082;
	s9 =	sld [smem:$0x3FB5]  }
0x2f: {  	lr =	sadd.s32 s0, s3;
	s0 =	sld [smem:$0x3FAC]  }
0x30: {  	s3 =	sld [smem:$0x3FAF]  }
0x31: {  	[smem:$0x3FB8] =	sst s10  }
0x32: {  	s10 =	sld [smem:$0x3FB6];
	_ =	sdelay $0x3  }
0x33: {  	p0 =	seq.s32 s10, $0x1;
	s10 =	sld [smem:$0x3FB8];
	_ =	sdelay $0x3  }
0x34: {  	[smem:$0x3FB8] =	sst s10  }
0x35: {  	s10 =	sld [smem:$0x3FB7];
	_ =	sdelay $0x3  }
0x36: {  	p1 =	seq.s32 s10, $0x1;
	s10 =	sld [smem:$0x3FB8];
	_ =	sdelay $0x3  }
0x37: {  	[smem:$0x3FB8] =	sst s10  }
0x38: {  	s10 =	sld [smem:$0x3FB9]  }
0x39: {  	_ = 	snop;
	(pc) =	sbr.ind lr, $3  }
0x3a: {  	_ = 	snop  }
0x3b: {  	_ = 	snop  }
0x3c: {  	p2 =	seq.s32 s10, $0x1;
	s10 =	sld [smem:$0x3FB8]  }
0x3d: {  	_ =	shalt  }
0x3e: {  	_ =	shalt  }
0x3f: {  	_ =	shalt  }
0x40: {  	_ =	shalt  }
0x41: {  	_ =	shalt  }
0x42: {  	_ =	shalt  }
0x43: {  	_ =	shalt  }
0x44: {  	_ =	shalt  }
0x45: {  	_ =	shalt  }
0x46: {  	_ =	shalt  }
0x47: {  	_ =	shalt  }
0x48: {  	_ =	shalt  }
0x49: {  	_ =	shalt  }
0x4a: {  	_ =	shalt  }
0x4b: {  	_ =	shalt  }
0x4c: {  	_ =	shalt  }
0x4d: {  	_ =	shalt  }
0x4e: {  	_ =	shalt  }
0x4f: {  	_ =	shalt  }
0x50: {  	_ =	shalt  }
0x51: {  	_ =	shalt  }
0x52: {  	_ =	shalt  }
0x53: {  	_ =	shalt  }
0x54: {  	_ =	shalt  }
0x55: {  	_ =	shalt  }
0x56: {  	_ =	shalt  }
0x57: {  	_ =	shalt  }
0x58: {  	_ =	shalt  }
0x59: {  	_ =	shalt  }
0x5a: {  	_ =	shalt  }
0x5b: {  	_ =	shalt  }
0x5c: {  	_ =	shalt  }
0x5d: {  	_ =	shalt  }
0x5e: {  	_ =	shalt  }
0x5f: {  	_ =	shalt  }
0x60: {  	_ =	shalt  }
0x61: {  	_ =	shalt  }
0x62: {  	_ =	shalt  }
0x63: {  	_ =	shalt  }
0x64: {  	_ =	shalt  }
0x65: {  	_ =	shalt  }
0x66: {  	_ =	shalt  }
0x67: {  	_ =	shalt  }
0x68: {  	_ =	shalt  }
0x69: {  	_ =	shalt  }
0x6a: {  	_ =	shalt  }
0x6b: {  	_ =	shalt  }
0x6c: {  	_ =	shalt  }
0x6d: {  	_ =	shalt  }
0x6e: {  	_ =	shalt  }
0x6f: {  	_ =	shalt  }
0x70: {  	_ =	shalt  }
0x71: {  	_ =	shalt  }
0x72: {  	_ =	shalt  }
0x73: {  	_ =	shalt  }
0x74: {  	_ =	shalt  }
0x75: {  	_ =	shalt  }
0x76: {  	_ =	shalt  }
0x77: {  	_ =	shalt  }
0x78: {  	_ =	shalt  }
0x79: {  	_ =	shalt  }
0x7a: {  	_ =	shalt  }
0x7b: {  	_ =	shalt  }
0x7c: {  	_ =	shalt  }
0x7d: {  	_ =	shalt  }
0x7e: {  	_ =	shalt  }
0x7f: {  	_ =	shalt  }
0x80: {  	_ =	shalt  }
0x81: {  	_ =	shalt  }
0x82: {  	_ =	shalt  }
0x83: {  	_ =	shalt  }
0x84: {  	_ =	shalt  }
0x85: {  	_ =	shalt  }
0x86: {  	_ =	shalt  }
0x87: {  	_ =	shalt  }
.Lfunc_end0:
.L_simem_size_0:
called_computation.4_lowered:
.L_overlay_start_0:
0x88: {  	s2 =	sld [smem:$0x3FD9]  }
0x89: {  	s3 =	sld [smem:$0x3FFE];
	_ =	sdelay $0x1  }
0x8a: {  	s1 =	srdreg.scid  }
0x8b: {  	s0 =	sand.u32 $0x1, s1  }
0x8c: {  	s17 =	sshll.u32 s0, $0xA;
	s2 =	sadd.s32 s3, s2  }
0x8d: {  	s2 =	sadd.s32 s2, s17  }
0x8e: {  	[smem:$0x3FC4] =	sst s2  }
0x8f: {  	_ = 	snop  }
0x90: {  	s2 =	sld [smem:$0x3FD0];
	(tm) =	ssettm $0x1  }
0x91: {  	s18 =	sld [smem:$0x3FFB];
	_ =	sdelay $0x3  }
0x92: {  	_ =	strace s18  }
0x93: {  	s3 =	sld [smem:$0x3FFC];
	_ =	sdelay $0x3  }
0x94: {  	_ =	strace s3  }
0x95: {  	s3 =	sld [smem:$0x3FFD];
	_ =	sdelay $0x3  }
0x96: {  	_ =	strace s3  }
0x97: {  	_ =	strace $0x8FFFFFFF  }
0x98: {  	s19 =	sld [smem:$0x3FDB];
	_ =	sdelay $0x1  }
0x99: {  	s4 =	simm.s32 $_scs_section_size  }
0x9a: {  	s5 =	simm.s32 $_size__tile_overlayer_lowered;
	s6 =	simm.s32 $_tile_overlayer_lowered  }
0x9b: {  	s22 =	simm.s32 $0x1BFF;
	s21 =	sshll.u32 s6, $0x1;
	s3 =	sadd.s32 s4, s19  }
0x9c: {  	s7 =	simm.s32 $0x0;
	s20 =	sshll.u32 s5, $0x1;
	s5 =	sadd.s32 s21, s3  }
0x9d: {  	[timem:s7], [sflag:s22] =	dma.local [hbm:s5], s20  }
0x9e: {  	_ =	swait.ge [sflag:s22], s20  }
0x9f: {  	s4 =	ssub.s32 $0x0, s20;
	[sflag:s22] =	ssyncset.done $0x0  }
0xa0: {  	[sflag:s22] =	ssyncadd.s32 s4;
	_ =	sdelay $0x1  }
0xa1: {  	s23 =	simm.s32 $0x1B8B  }
0xa2: {  	_ =	swait.ge [sflag:s23], $0x1  }
0xa3: {  	[sflag:s23] =	ssyncset.done $0x0  }
0xa4: {  	s25 =	simm.s32 $0x1B8E;
	s24 =	sld [smem:$0x3FFE];
	[sflag:s23] =	ssyncadd.s32 $0xFFFFFFFF  }
0xa5: {  	s26 =	simm.s32 $execute0_lowered;
	[smem:$0x3FD2] =	sst s25  }
0xa6: {  	s5 =	sshll.u32 s26, $0x1;
	_ =	strace $0x80000052;
	[dreg:$0x1] =	wrdreg $0xFFFFFFFF  }
0xa7: {  	s28 =	simm.s32 $_size_execute0_lowered;
	s3 =	sadd.s32 s3, s5;
	[dreg:$0x0] =	wrdreg $0x0  }
0xa8: {  	s5 =	sshll.u32 s28, $0x1;
	[dreg:$0x2] =	wrdreg s3  }
0xa9: {  	[dreg:$0x3] =	wrdreg s5  }
0xaa: {  	[dreg:$0x4] =	wrdreg $0xC0  }
0xab: {  	_ =	task [dreg:s7], $0x5FFFF  }
0xac: {  	[dreg:$0x1] =	wrdreg $0xFFFFFFFF  }
0xad: {  	[dreg:$0x0] =	wrdreg $0x60  }
0xae: {  	[dreg:$0x2] =	wrdreg s2  }
0xaf: {  	[dreg:$0x3] =	wrdreg s24  }
0xb0: {  	[dreg:$0x4] =	wrdreg $0x7B000  }
0xb1: {  	[dreg:$0x5] =	wrdreg $0x9  }
0xb2: {  	_ =	task.clear_ibuf [dreg:s7], $0x6FFFF;
	_ =	strace $0x90000052  }
0xb3: {  	s29 =	simm.s32 $0x9;
	_ =	strace $0x80000054  }
0xb4: {  	_ =	swait.ge [sflag:s29], $0x1  }
0xb5: {  	[sflag:s29] =	ssyncadd.s32 $0xFFFFFFFF  }
0xb6: {  	_ =	strace $0x90000054  }
0xb7: {  	_ =	sfence  }
0xb8: {  	s30 =	sld [smem:$0x0];
	_ =	sdelay $0x2  }
0xb9: {  	s31 =	sshll.u32 s1, $0xD;
	s1 =	sshrl.u32 s1, $0x2  }
0xba: {  	s3 =	sand.u32 $0x4000, s31;
	s1 =	sadd.s32 s1, s30  }
0xbb: {  	s0 =	sor.u32 s3, s0;
	s1 =	sshll.u32 s1, $0x11  }
0xbc: {  	s0 =	sor.u32 s1, s0  }
0xbd: {  	s0 =	sadd.s32 $0x8F2B, s0  }
0xbe: {  	[sflag:s0] =	ssyncadd.remote.s32 $0x1  }
0xbf: {  	_ =	sfence.sel $0xFFFF  }
0xc0: {  	[dreg:$0x0] =	wrdreg $0xFFFFFFFF;
	(pc) =	sbr.abs _section_cstart, $3  }
0xc1: {  	[dreg:$0x1] =	wrdreg $0xFFFFFFFF  }
0xc2: {  	_ =	task.clear_ibuf [dreg:s7], $0x2FFFF;
	_ =	strace $0x9FFFFFFF  }
0xc3: {  	(tm) =	ssettm $0x7FFFFFFF  }
tec
execute0_lowered:
.L_overlay_start_1:
0x0: {  	(tag) =	ssettag $0x1  }
0x1: {  	s2 =	rddreg [dreg:$0x0]  }
0x2: {  	s0 =	rddreg [dreg:$0x1]  }
0x3: {  	s1 =	rddreg [dreg:$0x2]  }
0x4: {  	s3 =	simm.s32 $0x0;
	s4 =	srdreg.scid;
	s20 =	stileid.u32  }
0x5: {  	s28 =	simm.s32 $0x3;
	s29 =	simm.s32 $0x7;
	[smem:$0x7FF] =	sst s3  }
0x6: {  	s4 =	sand.u32 $0x1, s4;
	s8 =	smul.u32 $0x14000, s20;
	s9 =	sadd.s32 $0x157A00, s0  }
0x7: {  	s30 =	sadd.s32 $0x3E00, s0;
	_ =	strace $0x80000053;
	s13 =	smul.u32 $0x140000, s4  }
0x8: {  	s5 =	ssub.s32 $0x2, s4;
	s6 =	sshll.u32 s4, $0x4;
	s4 =	smul.u32 $0x27100, s4  }
0x9: {  	s7 =	sshrl.u32 s5, $0x1;
	s6 =	sor.u32 s20, s6;
	s10 =	sor.u32 $0x2800, s8  }
0xa: {  	s11 =	sadd.s32 $0x5000, s8;
	s12 =	sadd.s32 $0x7800, s8;
	s15 =	sadd.s32 $0xA000, s8  }
0xb: {  	s16 =	sadd.s32 $0xC800, s8;
	s17 =	sadd.s32 $0xF000, s8;
	s6 =	smul.u32 $0x2710, s6  }
0xc: {  	s18 =	sadd.s32 $0x11800, s8;
	s5 =	ssub.s32 s5, s7;
	s7 =	smul.u32 $0x50000, s20  }
0xd: {  	s8 =	sadd.s32 s8, s13;
	s19 =	sadd.s32 s13, s10;
	s24 =	sadd.s32 s13, s11  }
0xe: {  	s25 =	sadd.s32 s13, s12;
	s26 =	sadd.s32 s13, s15;
	s31 =	sadd.s32 s11, s1  }
0xf: {  	s11 =	sadd.s32 s15, s1;
	s15 =	sadd.s32 s17, s1;
	s8 =	sshrl.u32 s8, $0x3  }
0x10: {  	s22 =	sshrl.u32 s19, $0x3;
	s19 =	sshrl.u32 s26, $0x3;
	[dreg:$0x11] =	wrdreg s11  }
0x11: {  	[dreg:$0x13] =	wrdreg s15;
	s5 =	smax.u32 s5, $0x1;
	s11 =	simm.s32 $0x2B00  }
0x12: {  	[dreg:$0xf] =	wrdreg s31;
	s15 =	simm.s32 $0x4;
	s14 =	sadd.s32 $0x190, s6  }
0x13: {  	s8 =	sadd.s32 s9, s8;
	s23 =	sadd.s32 s9, s22;
	[dreg:$0x1b] =	wrdreg s5  }
0x14: {  	s21 =	sadd.s32 s9, s19;
	s22 =	sadd.s32 s13, s16;
	[dreg:$0x4] =	wrdreg s14  }
0x15: {  	s7 =	sshrl.u32 s7, $0x2;
	s5 =	simm.s32 $0x300;
	[dreg:$0x5] =	wrdreg s8  }
0x16: {  	[dreg:$0x6] =	wrdreg s23;
	s8 =	sshrl.u32 s24, $0x3;
	s14 =	sshrl.u32 s25, $0x3  }
0x17: {  	[dreg:$0x9] =	wrdreg s21;
	s23 =	sadd.s32 s13, s17;
	s13 =	sadd.s32 s13, s18  }
0x18: {  	s24 =	smul.u32 $0x2710, s20;
	s7 =	sadd.s32 s7, s1;
	s8 =	sadd.s32 s9, s8  }
0x19: {  	s26 =	sshrl.u32 s13, $0x3;
	s13 =	sadd.s32 $0xDC00, s0;
	[dreg:$0xd] =	wrdreg s7  }
0x1a: {  	[dreg:$0x7] =	wrdreg s8;
	s8 =	sadd.s32 s9, s14;
	s14 =	sshrl.u32 s23, $0x3  }
0x1b: {  	[dreg:$0x8] =	wrdreg s8;
	s8 =	sshrl.u32 s22, $0x3;
	s25 =	sadd.s32 s9, s14  }
0x1c: {  	s22 =	sadd.s32 s10, s1;
	s10 =	sadd.s32 s12, s1;
	[dreg:$0xb] =	wrdreg s25  }
0x1d: {  	s4 =	sadd.s32 s24, s4;
	s12 =	sadd.s32 s16, s1;
	[dreg:$0x10] =	wrdreg s10  }
0x1e: {  	s14 =	sshrl.u32 s6, $0x3;
	s16 =	sadd.s32 s18, s1;
	[dreg:$0x12] =	wrdreg s12  }
0x1f: {  	s21 =	sadd.s32 $0x140, s4;
	s8 =	sadd.s32 s9, s8;
	[dreg:$0x14] =	wrdreg s16  }
0x20: {  	s17 =	sadd.s32 $0xA, s14;
	s19 =	sadd.s32 s30, s14;
	[dreg:$0xe] =	wrdreg s22  }
0x21: {  	s20 =	sadd.s32 s13, s14;
	s0 =	sadd.s32 $0x14, s14;
	[dreg:$0xa] =	wrdreg s8  }
0x22: {  	s24 =	sshrl.u32 s21, $0x3;
	s10 =	simm.s32 $0x200;
	[dreg:$0x17] =	wrdreg s19  }
0x23: {  	s21 =	simm.s32 $0xB;
	s8 =	sadd.s32 s9, s26;
	[dreg:$0x18] =	wrdreg s20  }
0x24: {  	s18 =	sadd.s32 s30, s17;
	s6 =	sadd.s32 s13, s17;
	[dreg:$0xc] =	wrdreg s8  }
0x25: {  	s23 =	sadd.s32 s30, s0;
	s0 =	sadd.s32 s13, s0;
	[dreg:$0x15] =	wrdreg s18  }
0x26: {  	s25 =	sadd.s32 s24, s13;
	s26 =	sadd.s32 $0xF0, s4;
	[dreg:$0x16] =	wrdreg s6  }
0x27: {  	s9 =	simm.s32 $0x80;
	s4 =	simm.s32 $0x0;
	[dreg:$0x19] =	wrdreg s23  }
0x28: {  	s19 =	simm.s32 $0x6;
	s20 =	simm.s32 $0xA;
	[dreg:$0x1a] =	wrdreg s0  }
0x29: {  	s17 =	simm.s32 $0x80;
	[dreg:$0x1c] =	wrdreg s25;
	s0 =	sadd.s32 s24, s30  }
0x2a: {  	[dreg:$0x1e] =	wrdreg s26;
	s6 =	simm.s32 $0xD;
	s8 =	simm.s32 $0x180  }
0x2b: {  	s25 =	simm.s32 $0x280;
	s24 =	simm.s32 $0x1;
	s23 =	simm.s32 $0x50  }
0x2c: {  	v0 =	vimm.f32 $0.0e+00;
	s26 =	simm.s32 $0x2;
	s18 =	simm.s32 $0x9;
	[dreg:$0x1d] =	wrdreg s0  }
.LBB2_1:
0x2d: {  	[dreg:$0x1f] =	wrdreg s4  }
0x2e: {  	s12 =	smov.u32 s1;
	s0 =	simm.s32 $0x10;
	s4 =	sand.u32 $0x3FF0, s3  }
.LBB2_2:
0x2f: {  	p0 =	sne.s32 s0, $0x27F0;
	[tilespmem:s4+$0x300] =	vst v0;
	s4 =	smov.u32 s0;
	s0 =	sadd.s32 $0x10, s0  }
.Ltmp0:
0x30: {  	(pc) =	sbr.rel @p0 .LBB2_2-.Ltmp0, $2  }
0x31: {  	_ =	sdelay $0x2  }
0x32: {  	s4 =	sand.u32 $0x3FF0, s4  }
0x33: {  	[tilespmem:s4+$0x300] =	vst v0  }
0x34: {  	[spmem:s7] =	stream.linear.scatter [tilespmem:s5], [sflag:$0xD], $0x2800, $0x38;
	[tilespmem:$0x1BB00] =	vst v63  }
0x35: {  	_ =	swait.ge [sflag:s6], $0x2800  }
0x36: {  	[sflag:s6] =	ssyncset.done $0x0  }
0x37: {  	[sflag:s6] =	ssyncadd.s32 $0xFFFFD800  }
0x38: {  	[spmem:s22] =	stream.linear.scatter [tilespmem:s5], [sflag:$0xD], $0x2800, $0x38;
	[tilespmem:$0x1BB00] =	vst v63  }
0x39: {  	_ =	swait.ge [sflag:s6], $0x2800  }
0x3a: {  	[sflag:s6] =	ssyncset.done $0x0  }
0x3b: {  	[sflag:s6] =	ssyncadd.s32 $0xFFFFD800  }
0x3c: {  	[spmem:s31] =	stream.linear.scatter [tilespmem:s5], [sflag:$0xD], $0x2800, $0x38;
	[tilespmem:$0x1BB00] =	vst v63  }
0x3d: {  	_ =	swait.ge [sflag:s6], $0x2800  }
0x3e: {  	[sflag:s6] =	ssyncset.done $0x0  }
0x3f: {  	s0 =	rddreg [dreg:$0x10];
	[sflag:s6] =	ssyncadd.s32 $0xFFFFD800  }
0x40: {  	[spmem:s0] =	stream.linear.scatter [tilespmem:s5], [sflag:$0xD], $0x2800, $0x38;
	[tilespmem:$0x1BB00] =	vst v63  }
0x41: {  	_ =	swait.ge [sflag:s6], $0x2800  }
0x42: {  	[sflag:s6] =	ssyncset.done $0x0  }
0x43: {  	s7 =	rddreg [dreg:$0x11];
	[sflag:s6] =	ssyncadd.s32 $0xFFFFD800  }
0x44: {  	[spmem:s7] =	stream.linear.scatter [tilespmem:s5], [sflag:$0xD], $0x2800, $0x38;
	[tilespmem:$0x1BB00] =	vst v63  }
0x45: {  	_ =	swait.ge [sflag:s6], $0x2800  }
0x46: {  	[sflag:s6] =	ssyncset.done $0x0  }
0x47: {  	s14 =	rddreg [dreg:$0x12];
	[sflag:s6] =	ssyncadd.s32 $0xFFFFD800  }
0x48: {  	[spmem:s14] =	stream.linear.scatter [tilespmem:s5], [sflag:$0xD], $0x2800, $0x38;
	[tilespmem:$0x1BB00] =	vst v63  }
0x49: {  	_ =	swait.ge [sflag:s6], $0x2800  }
0x4a: {  	[sflag:s6] =	ssyncset.done $0x0  }
0x4b: {  	s16 =	rddreg [dreg:$0x13];
	[sflag:s6] =	ssyncadd.s32 $0xFFFFD800  }
0x4c: {  	[spmem:s16] =	stream.linear.scatter [tilespmem:s5], [sflag:$0xD], $0x2800, $0x38;
	[tilespmem:$0x1BB00] =	vst v63  }
0x4d: {  	_ =	swait.ge [sflag:s6], $0x2800  }
0x4e: {  	[sflag:s6] =	ssyncset.done $0x0  }
0x4f: {  	s22 =	rddreg [dreg:$0x14];
	[sflag:s6] =	ssyncadd.s32 $0xFFFFD800  }
0x50: {  	[spmem:s22] =	stream.linear.scatter [tilespmem:s5], [sflag:$0xD], $0x2800, $0x38;
	[tilespmem:$0x1BB00] =	vst v63  }
0x51: {  	_ =	swait.ge [sflag:s6], $0x2800  }
0x52: {  	[sflag:s6] =	ssyncset.done $0x0  }
0x53: {  	[sflag:s6] =	ssyncadd.s32 $0xFFFFD800  }
0x54: {  	[bflag:$0x0] =	sbarrier.arrive $0xFFFF  }
0x55: {  	s0 =	simm.s32 $0x0;
	s1 =	rddreg [dreg:$0x17]  }
0x56: {  	[tilespmem:s0], [sflag:$0x1] =	stream.linear.gather [hbm4b:s1+s0], $0x50, $0x38;
	[tilespmem:$0x1BB00] =	vst v63  }
0x57: {  	s6 =	rddreg [dreg:$0x18]  }
0x58: {  	[tilespmem:s8], [sflag:$0x4] =	stream.linear.gather [hbm4b:s6+s0], $0x50, $0x38;
	[tilespmem:$0x1BB00] =	vst v63  }
0x59: {  	s7 =	rddreg [dreg:$0x15]  }
0x5a: {  	[tilespmem:s9], [sflag:$0x2] =	stream.linear.gather [hbm4b:s7+s0], $0x50, $0x38;
	[tilespmem:$0x1BB00] =	vst v63  }
0x5b: {  	s8 =	rddreg [dreg:$0x16]  }
0x5c: {  	[tilespmem:s10], [sflag:$0x5] =	stream.linear.gather [hbm4b:s8+s0], $0x50, $0x38;
	[tilespmem:$0x1BB00] =	vst v63  }
0x5d: {  	s14 =	rddreg [dreg:$0x19];
	s7 =	simm.s32 $0x100  }
0x5e: {  	[tilespmem:s7], [sflag:$0x3] =	stream.linear.gather [hbm4b:s14+s0], $0x50, $0x38;
	[tilespmem:$0x1BB00] =	vst v63  }
0x5f: {  	s16 =	rddreg [dreg:$0x1a]  }
0x60: {  	[tilespmem:s25], [sflag:$0x6] =	stream.linear.gather [hbm4b:s16+s0], $0x50, $0x38;
	[tilespmem:$0x1BB00] =	vst v63  }
0x61: {  	_ =	swait.ge [sflag:s24], $0x50  }
0x62: {  	[sflag:s24] =	ssyncset.done $0x0  }
0x63: {  	[sflag:s24] =	ssyncadd.s32 $0xFFFFFFB0  }
0x64: {  	[tilespmem:s5], [sflag:$0x7] =	stream.indirect.gather [hbm4b:s2+s23], $0x80, s0, s23, $0xb8;
	[tilespmem:$0x1BB00] =	vst v63  }
0x65: {  	_ =	swait.ge [sflag:s26], $0x50  }
0x66: {  	[sflag:s26] =	ssyncset.done $0x0  }
0x67: {  	[sflag:s26] =	ssyncadd.s32 $0xFFFFFFB0  }
0x68: {  	[tilespmem:s11], [sflag:$0x8] =	stream.indirect.gather [hbm4b:s2+s23], $0x80, s9, s23, $0xb8;
	[tilespmem:$0x1BB00] =	vst v63  }
0x69: {  	_ =	swait.ge [sflag:s28], $0x50  }
0x6a: {  	[sflag:s28] =	ssyncset.done $0x0  }
0x6b: {  	s9 =	simm.s32 $0x5300;
	[sflag:s28] =	ssyncadd.s32 $0xFFFFFFB0  }
0x6c: {  	[tilespmem:s9], [sflag:$0x9] =	stream.indirect.gather [hbm4b:s2+s23], $0x80, s7, s23, $0xb8;
	[tilespmem:$0x1BB00] =	vst v63  }
0x6d: {  	_ =	swait.ge [sflag:s29], $0x2800  }
0x6e: {  	s6 =	rddreg [dreg:$0x1e]  }
0x6f: {  	s22 =	simm.s32 $0x7;
	[sflag:s29] =	ssyncset.done $0x0;
	s4 =	sshrl.u32 s6, $0x3  }
0x70: {  	[sflag:s22] =	ssyncadd.s32 $0xFFFFD800;
	s16 =	sadd.s32 s30, s4  }
0x71: {  	[tilespmem:s3], [sflag:$0x1] =	stream.linear.gather [hbm4b:s16+s3], $0x50, $0x38;
	[tilespmem:$0x1BB00] =	vst v63  }
0x72: {  	_ =	swait.ge [sflag:s15], $0x50  }
0x73: {  	s1 =	simm.s32 $0x180;
	[sflag:s15] =	ssyncset.done $0x0  }
0x74: {  	s10 =	simm.s32 $0x300;
	s22 =	simm.s32 $0x8;
	[sflag:s15] =	ssyncadd.s32 $0xFFFFFFB0  }
0x75: {  	[spmem:s12] =	stream.indirect.scatter.add.f32 [tilespmem:s10], [sflag:$0xA], $0x80, s1, s23, $0xb8;
	[tilespmem:$0x1BB00] =	vst v63  }
0x76: {  	_ =	swait.ge [sflag:s22], $0x2800  }
0x77: {  	s14 =	simm.s32 $0x80;
	[sflag:s22] =	ssyncset.done $0x0  }
0x78: {  	s16 =	simm.s32 $0x5;
	s5 =	rddreg [dreg:$0x1d];
	[sflag:s22] =	ssyncadd.s32 $0xFFFFD800  }
0x79: {  	[tilespmem:s14], [sflag:$0x2] =	stream.linear.gather [hbm4b:s5+s3], $0x50, $0x38;
	[tilespmem:$0x1BB00] =	vst v63  }
0x7a: {  	_ =	swait.ge [sflag:s16], $0x50  }
0x7b: {  	s8 =	simm.s32 $0x200;
	[sflag:s16] =	ssyncset.done $0x0  }
0x7c: {  	s0 =	smin.u32 s0, $0x77;
	s11 =	simm.s32 $0x2B00;
	[sflag:s16] =	ssyncadd.s32 $0xFFFFFFB0  }
0x7d: {  	[spmem:s12] =	stream.indirect.scatter.add.f32 [tilespmem:s11], [sflag:$0xB], $0x80, s8, s23, $0xb8;
	[tilespmem:$0x1BB00] =	vst v63  }
0x7e: {  	s0 =	smul.u32 $0x50, s0;
	_ =	swait.ge [sflag:s18], $0x2800  }
0x7f: {  	s16 =	rddreg [dreg:$0x4]  }
0x80: {  	s0 =	sadd.s32 s0, s16  }
0x81: {  	[sflag:s18] =	ssyncset.done $0x0;
	s0 =	sshrl.u32 s0, $0x3  }
0x82: {  	[sflag:s18] =	ssyncadd.s32 $0xFFFFD800;
	s16 =	sadd.s32 s30, s0  }
0x83: {  	[tilespmem:s7], [sflag:$0x3] =	stream.linear.gather [hbm4b:s16+s3], $0x50, $0x38;
	[tilespmem:$0x1BB00] =	vst v63  }
0x84: {  	_ =	swait.ge [sflag:s19], $0x50  }
0x85: {  	[sflag:s19] =	ssyncset.done $0x0  }
0x86: {  	[sflag:s19] =	ssyncadd.s32 $0xFFFFFFB0  }
0x87: {  	[spmem:s12] =	stream.indirect.scatter.add.f32 [tilespmem:s9], [sflag:$0xC], $0x80, s25, s23, $0xb8;
	[tilespmem:$0x1BB00] =	vst v63  }
0x88: {  	_ =	swait.ge [sflag:s20], $0x2800  }
0x89: {  	[sflag:s20] =	ssyncset.done $0x0  }
0x8a: {  	s24 =	simm.s32 $0x1;
	s4 =	sadd.s32 s13, s4;
	[sflag:s20] =	ssyncadd.s32 $0xFFFFD800  }
0x8b: {  	[tilespmem:s1], [sflag:$0x4] =	stream.linear.gather [hbm4b:s4+s3], $0x50, $0x38;
	[tilespmem:$0x1BB00] =	vst v63  }
0x8c: {  	_ =	swait.ge [sflag:s24], $0x50  }
0x8d: {  	[sflag:s24] =	ssyncset.done $0x0  }
0x8e: {  	[sflag:s24] =	ssyncadd.s32 $0xFFFFFFB0  }
0x8f: {  	[tilespmem:s10], [sflag:$0x7] =	stream.indirect.gather [hbm4b:s2+s23], $0x80, s3, s23, $0xb8;
	[tilespmem:$0x1BB00] =	vst v63  }
0x90: {  	_ =	swait.ge [sflag:s21], $0x2800  }
0x91: {  	[sflag:s21] =	ssyncset.done $0x0  }
0x92: {  	s26 =	simm.s32 $0x2;
	s22 =	rddreg [dreg:$0x1c];
	[sflag:s21] =	ssyncadd.s32 $0xFFFFD800  }
0x93: {  	[tilespmem:s8], [sflag:$0x5] =	stream.linear.gather [hbm4b:s22+s3], $0x50, $0x38;
	[tilespmem:$0x1BB00] =	vst v63  }
0x94: {  	_ =	swait.ge [sflag:s26], $0x50  }
0x95: {  	[sflag:s26] =	ssyncset.done $0x0  }
0x96: {  	s28 =	simm.s32 $0xC;
	[sflag:s26] =	ssyncadd.s32 $0xFFFFFFB0  }
0x97: {  	[tilespmem:s11], [sflag:$0x8] =	stream.indirect.gather [hbm4b:s2+s23], $0x80, s14, s23, $0xb8;
	[tilespmem:$0x1BB00] =	vst v63  }
0x98: {  	_ =	swait.ge [sflag:s28], $0x2800  }
0x99: {  	[sflag:s28] =	ssyncset.done $0x0  }
0x9a: {  	s29 =	simm.s32 $0x3;
	s0 =	sadd.s32 s13, s0;
	[sflag:s28] =	ssyncadd.s32 $0xFFFFD800  }
0x9b: {  	[tilespmem:s25], [sflag:$0x6] =	stream.linear.gather [hbm4b:s0+s3], $0x50, $0x38;
	[tilespmem:$0x1BB00] =	vst v63  }
0x9c: {  	s31 =	simm.s32 $0x3;
	_ =	swait.ge [sflag:s29], $0x50  }
0x9d: {  	s16 =	smov.u32 s13;
	s4 =	sadd.s32 $0x1E, s22;
	[sflag:s29] =	ssyncset.done $0x0  }
0x9e: {  	s22 =	sadd.s32 $0x1E, s5;
	s0 =	sadd.s32 $0xF0, s6;
	[sflag:s29] =	ssyncadd.s32 $0xFFFFFFB0  }
.LBB2_4:
0x9f: {  	s1 =	simm.s32 $0x5300;
	s10 =	simm.s32 $0x7  }
0xa0: {  	[tilespmem:s1], [sflag:$0x9] =	stream.indirect.gather [hbm4b:s2+s23], $0x80, s7, s23, $0xb8;
	[tilespmem:$0x1BB00] =	vst v63  }
0xa1: {  	_ =	swait.ge [sflag:s10], $0x2800  }
0xa2: {  	s5 =	sshrl.u32 s0, $0x3;
	[sflag:s10] =	ssyncset.done $0x0  }
0xa3: {  	s11 =	sadd.s32 s30, s5;
	[sflag:s10] =	ssyncadd.s32 $0xFFFFD800  }
0xa4: {  	[tilespmem:s3], [sflag:$0x1] =	stream.linear.gather [hbm4b:s11+s3], $0x50, $0x38;
	[tilespmem:$0x1BB00] =	vst v63  }
0xa5: {  	_ =	swait.ge [sflag:s15], $0x50  }
0xa6: {  	s9 =	simm.s32 $0x180;
	[sflag:s15] =	ssyncset.done $0x0  }
0xa7: {  	s14 =	simm.s32 $0x300;
	s13 =	simm.s32 $0x8;
	[sflag:s15] =	ssyncadd.s32 $0xFFFFFFB0  }
0xa8: {  	[spmem:s12] =	stream.indirect.scatter.add.f32 [tilespmem:s14], [sflag:$0xA], $0x80, s9, s23, $0xb8;
	[tilespmem:$0x1BB00] =	vst v63  }
0xa9: {  	_ =	swait.ge [sflag:s13], $0x2800  }
0xaa: {  	[sflag:s13] =	ssyncset.done $0x0  }
0xab: {  	s8 =	simm.s32 $0x5;
	[sflag:s13] =	ssyncadd.s32 $0xFFFFD800  }
0xac: {  	[tilespmem:s17], [sflag:$0x2] =	stream.linear.gather [hbm4b:s22+s3], $0x50, $0x38;
	[tilespmem:$0x1BB00] =	vst v63  }
0xad: {  	s6 =	smov.u32 s31;
	_ =	swait.ge [sflag:s8], $0x50  }
0xae: {  	s6 =	smin.u32 s6, $0x77;
	[sflag:s8] =	ssyncset.done $0x0  }
0xaf: {  	s11 =	simm.s32 $0x200;
	[sflag:s8] =	ssyncadd.s32 $0xFFFFFFB0;
	s8 =	simm.s32 $0x2B00  }
0xb0: {  	[spmem:s12] =	stream.indirect.scatter.add.f32 [tilespmem:s8], [sflag:$0xB], $0x80, s11, s23, $0xb8;
	[tilespmem:$0x1BB00] =	vst v63  }
0xb1: {  	s6 =	smul.u32 $0x50, s6;
	_ =	swait.ge [sflag:s18], $0x2800  }
0xb2: {  	s10 =	rddreg [dreg:$0x4]  }
0xb3: {  	s6 =	sadd.s32 s6, s10  }
0xb4: {  	[sflag:s18] =	ssyncset.done $0x0;
	s6 =	sshrl.u32 s6, $0x3  }
0xb5: {  	s25 =	simm.s32 $0x100;
	[sflag:s18] =	ssyncadd.s32 $0xFFFFD800;
	s13 =	sadd.s32 s30, s6  }
0xb6: {  	[tilespmem:s25], [sflag:$0x3] =	stream.linear.gather [hbm4b:s13+s3], $0x50, $0x38;
	[tilespmem:$0x1BB00] =	vst v63  }
0xb7: {  	_ =	swait.ge [sflag:s19], $0x50  }
0xb8: {  	[sflag:s19] =	ssyncset.done $0x0  }
0xb9: {  	s25 =	simm.s32 $0x280;
	[sflag:s19] =	ssyncadd.s32 $0xFFFFFFB0  }
0xba: {  	[spmem:s12] =	stream.indirect.scatter.add.f32 [tilespmem:s1], [sflag:$0xC], $0x80, s25, s23, $0xb8;
	[tilespmem:$0x1BB00] =	vst v63  }
0xbb: {  	_ =	swait.ge [sflag:s20], $0x2800  }
0xbc: {  	[sflag:s20] =	ssyncset.done $0x0  }
0xbd: {  	s5 =	sadd.s32 s16, s5;
	[sflag:s20] =	ssyncadd.s32 $0xFFFFD800  }
0xbe: {  	[tilespmem:s9], [sflag:$0x4] =	stream.linear.gather [hbm4b:s5+s3], $0x50, $0x38;
	[tilespmem:$0x1BB00] =	vst v63  }
0xbf: {  	_ =	swait.ge [sflag:s24], $0x50  }
0xc0: {  	[sflag:s24] =	ssyncset.done $0x0  }
0xc1: {  	[sflag:s24] =	ssyncadd.s32 $0xFFFFFFB0  }
0xc2: {  	[tilespmem:s14], [sflag:$0x7] =	stream.indirect.gather [hbm4b:s2+s23], $0x80, s3, s23, $0xb8;
	[tilespmem:$0x1BB00] =	vst v63  }
0xc3: {  	_ =	swait.ge [sflag:s21], $0x2800  }
0xc4: {  	[sflag:s21] =	ssyncset.done $0x0  }
0xc5: {  	[sflag:s21] =	ssyncadd.s32 $0xFFFFD800  }
0xc6: {  	[tilespmem:s11], [sflag:$0x5] =	stream.linear.gather [hbm4b:s4+s3], $0x50, $0x38;
	[tilespmem:$0x1BB00] =	vst v63  }
0xc7: {  	_ =	swait.ge [sflag:s26], $0x50  }
0xc8: {  	[sflag:s26] =	ssyncset.done $0x0  }
0xc9: {  	p0 =	sne.s32 s31, $0x78;
	[sflag:s26] =	ssyncadd.s32 $0xFFFFFFB0  }
0xca: {  	[tilespmem:s8], [sflag:$0x8] =	stream.indirect.gather [hbm4b:s2+s23], $0x80, s17, s23, $0xb8;
	[tilespmem:$0x1BB00] =	vst v63  }
0xcb: {  	s31 =	sadd.s32 $0x3, s31;
	s0 =	sadd.s32 $0xF0, s0;
	_ =	swait.ge [sflag:s28], $0x2800  }
0xcc: {  	s7 =	simm.s32 $0x100;
	s22 =	sadd.s32 $0x1E, s22;
	[sflag:s28] =	ssyncset.done $0x0  }
.Ltmp1:
0xcd: {  	s14 =	sadd.s32 s16, s6;
	[sflag:s28] =	ssyncadd.s32 $0xFFFFD800;
	(pc) =	sbr.rel @p0 .LBB2_4-.Ltmp1, $4  }
0xce: {  	[tilespmem:s25], [sflag:$0x6] =	stream.linear.gather [hbm4b:s14+s3], $0x50, $0x38;
	[tilespmem:$0x1BB00] =	vst v63  }
0xcf: {  	s10 =	simm.s32 $0x5300;
	s13 =	simm.s32 $0x300;
	_ =	swait.ge [sflag:s29], $0x50  }
0xd0: {  	s1 =	simm.s32 $0x180;
	s9 =	simm.s32 $0x200;
	[sflag:s29] =	ssyncset.done $0x0  }
0xd1: {  	s11 =	simm.s32 $0x2B00;
	s4 =	sadd.s32 $0x1E, s4;
	[sflag:s29] =	ssyncadd.s32 $0xFFFFFFB0  }
0xd2: {  	[tilespmem:s10], [sflag:$0x9] =	stream.indirect.gather [hbm4b:s2+s23], $0x80, s7, s23, $0xb8;
	[tilespmem:$0x1BB00] =	vst v63  }
0xd3: {  	s0 =	simm.s32 $0x7  }
0xd4: {  	_ =	swait.ge [sflag:s0], $0x2800  }
0xd5: {  	[sflag:s0] =	ssyncset.done $0x0  }
0xd6: {  	[sflag:s0] =	ssyncadd.s32 $0xFFFFD800  }
0xd7: {  	_ =	swait.ge [sflag:s15], $0x50  }
0xd8: {  	[sflag:s15] =	ssyncset.done $0x0  }
0xd9: {  	s6 =	simm.s32 $0x8;
	[sflag:s15] =	ssyncadd.s32 $0xFFFFFFB0  }
0xda: {  	[spmem:s12] =	stream.indirect.scatter.add.f32 [tilespmem:s13], [sflag:$0xA], $0x80, s1, s23, $0xb8;
	[tilespmem:$0x1BB00] =	vst v63  }
0xdb: {  	_ =	swait.ge [sflag:s6], $0x2800  }
0xdc: {  	[sflag:s6] =	ssyncset.done $0x0  }
0xdd: {  	s7 =	simm.s32 $0x5;
	[sflag:s6] =	ssyncadd.s32 $0xFFFFD800  }
0xde: {  	_ =	swait.ge [sflag:s7], $0x50  }
0xdf: {  	[sflag:s7] =	ssyncset.done $0x0  }
0xe0: {  	[sflag:s7] =	ssyncadd.s32 $0xFFFFFFB0  }
0xe1: {  	[spmem:s12] =	stream.indirect.scatter.add.f32 [tilespmem:s11], [sflag:$0xB], $0x80, s9, s23, $0xb8;
	[tilespmem:$0x1BB00] =	vst v63  }
0xe2: {  	_ =	swait.ge [sflag:s18], $0x2800  }
0xe3: {  	[sflag:s18] =	ssyncset.done $0x0  }
0xe4: {  	[sflag:s18] =	ssyncadd.s32 $0xFFFFD800  }
0xe5: {  	_ =	swait.ge [sflag:s19], $0x50  }
0xe6: {  	[sflag:s19] =	ssyncset.done $0x0  }
0xe7: {  	[sflag:s19] =	ssyncadd.s32 $0xFFFFFFB0  }
0xe8: {  	_ =	swait.ge [sflag:s20], $0x2800  }
0xe9: {  	[sflag:s20] =	ssyncset.done $0x0  }
0xea: {  	[sflag:s20] =	ssyncadd.s32 $0xFFFFD800  }
0xeb: {  	_ =	swait.ge [sflag:s21], $0x2800  }
0xec: {  	[sflag:s21] =	ssyncset.done $0x0  }
0xed: {  	s8 =	stileid.u32;
	[sflag:s21] =	ssyncadd.s32 $0xFFFFD800  }
0xee: {  	s0 =	sshll.u32 s8, $0x6;
	[bflag:$0x0] =	sbarrier.arrive $0xFFFF  }
0xef: {  	s0 =	sor.u32 $0x1C0D, s0;
	s7 =	rddreg [dreg:$0xd]  }
0xf0: {  	s6 =	simm.s32 $0xD;
	s5 =	rddreg [dreg:$0x5];
	s4 =	sshrl.u32 s7, $0x3  }
0xf1: {  	[hbm:s5], [sflag:s0] =	dma.local [spmem:s4], $0x500  }
0xf2: {  	_ =	swait.ge [sflag:s6], $0x500  }
0xf3: {  	[sflag:s6] =	ssyncset.done $0x0;
	s22 =	rddreg [dreg:$0xe]  }
0xf4: {  	s10 =	rddreg [dreg:$0x6];
	[sflag:s6] =	ssyncadd.s32 $0xFFFFFB00;
	s9 =	sshrl.u32 s22, $0x3  }
0xf5: {  	[hbm:s10], [sflag:s0] =	dma.local [spmem:s9], $0x500  }
0xf6: {  	_ =	swait.ge [sflag:s6], $0x500  }
0xf7: {  	[sflag:s6] =	ssyncset.done $0x0;
	s31 =	rddreg [dreg:$0xf]  }
0xf8: {  	s13 =	rddreg [dreg:$0x7];
	[sflag:s6] =	ssyncadd.s32 $0xFFFFFB00;
	s11 =	sshrl.u32 s31, $0x3  }
0xf9: {  	[hbm:s13], [sflag:s0] =	dma.local [spmem:s11], $0x500  }
0xfa: {  	_ =	swait.ge [sflag:s6], $0x500  }
0xfb: {  	[sflag:s6] =	ssyncset.done $0x0;
	s14 =	rddreg [dreg:$0x10]  }
0xfc: {  	s24 =	rddreg [dreg:$0x8];
	[sflag:s6] =	ssyncadd.s32 $0xFFFFFB00;
	s4 =	sshrl.u32 s14, $0x3  }
0xfd: {  	[hbm:s24], [sflag:s0] =	dma.local [spmem:s4], $0x500  }
0xfe: {  	_ =	swait.ge [sflag:s6], $0x500  }
0xff: {  	[sflag:s6] =	ssyncset.done $0x0;
	s26 =	rddreg [dreg:$0x11]  }
0x100: {  	s1 =	rddreg [dreg:$0x9];
	[sflag:s6] =	ssyncadd.s32 $0xFFFFFB00;
	s4 =	sshrl.u32 s26, $0x3  }
0x101: {  	[hbm:s1], [sflag:s0] =	dma.local [spmem:s4], $0x500  }
0x102: {  	_ =	swait.ge [sflag:s6], $0x500  }
0x103: {  	[sflag:s6] =	ssyncset.done $0x0;
	s8 =	rddreg [dreg:$0x12]  }
0x104: {  	s9 =	rddreg [dreg:$0xa];
	[sflag:s6] =	ssyncadd.s32 $0xFFFFFB00;
	s4 =	sshrl.u32 s8, $0x3  }
0x105: {  	[hbm:s9], [sflag:s0] =	dma.local [spmem:s4], $0x500  }
0x106: {  	_ =	swait.ge [sflag:s6], $0x500  }
0x107: {  	[sflag:s6] =	ssyncset.done $0x0;
	s10 =	rddreg [dreg:$0x13]  }
0x108: {  	s11 =	rddreg [dreg:$0xb];
	[sflag:s6] =	ssyncadd.s32 $0xFFFFFB00;
	s4 =	sshrl.u32 s10, $0x3  }
0x109: {  	[hbm:s11], [sflag:s0] =	dma.local [spmem:s4], $0x500  }
0x10a: {  	_ =	swait.ge [sflag:s6], $0x500  }
0x10b: {  	[sflag:s6] =	ssyncset.done $0x0;
	s13 =	rddreg [dreg:$0x14]  }
0x10c: {  	s14 =	rddreg [dreg:$0xc];
	[sflag:s6] =	ssyncadd.s32 $0xFFFFFB00;
	s4 =	sshrl.u32 s13, $0x3  }
0x10d: {  	[hbm:s14], [sflag:s0] =	dma.local [spmem:s4], $0x500  }
0x10e: {  	_ =	swait.ge [sflag:s6], $0x500  }
0x10f: {  	s24 =	rddreg [dreg:$0x1f]  }
0x110: {  	s26 =	rddreg [dreg:$0x1b];
	s4 =	sadd.s32 $0x1, s24  }
0x111: {  	p0 =	sne.s32 s4, s26  }
.Ltmp2:
0x112: {  	s28 =	simm.s32 $0x3;
	(pc) =	sbr.rel @p0 .LBB2_1-.Ltmp2, $4  }
0x113: {  	s29 =	simm.s32 $0x7;
	s5 =	simm.s32 $0x300;
	s1 =	smov.u32 s12  }
0x114: {  	s8 =	simm.s32 $0x180;
	s9 =	simm.s32 $0x80;
	s10 =	simm.s32 $0x200  }
0x115: {  	s11 =	simm.s32 $0x2B00;
	s13 =	smov.u32 s16;
	[sflag:s6] =	ssyncset.done $0x0  }
0x116: {  	[sflag:s6] =	ssyncadd.s32 $0xFFFFFB00;
	s24 =	simm.s32 $0x1;
	s26 =	simm.s32 $0x2  }
0x117: {  	_ =	sfence.sel $0x180000  }
0x118: {  	[bflag:$0x0] =	sbarrier.arrive $0xFFFF  }
0x119: {  	_ =	strace $0x90000053  }
0x11a: {  	s0 =	stileid.u32;
	[bflag:$0x2] =	sbarrier.arrive $0xFFFF  }
0x11b: {  	p0 =	sne.s32 s0, $0x0;
	s0 =	rddreg [dreg:$0x3]  }
0x11c: {  	s0 =	sadd.s32 @!p0 $0x100000, s0  }
0x11d: {  	[sflag:s0] =	ssyncadd.tile.s32 @!p0 $0x1;
	_ =	shalt  }
.Lfunc_end2:
_tile_overlayer_lowered:
.L_overlay_start_2:
0x11e: {  	(tag) =	ssettag $0x2  }
0x11f: {  	s0 =	rddreg [dreg:$0x0];
	s2 =	stileid.u32  }
0x120: {  	s1 =	rddreg [dreg:$0x1];
	p0 =	sne.s32 s2, $0x0  }
0x121: {  	s3 =	rddreg [dreg:$0x2];
	[bflag:$0x3] =	sbarrier.arrive $0xFFFF;
	s2 =	simm.s32 @!p0 $0x1C0D  }
0x122: {  	[timem:s3], [sflag:s2] =	dma.local @!p0 [hbm:s0], s1  }
0x123: {  	s0 =	simm.s32 @!p0 $0xD  }
0x124: {  	_ =	swait.ge @!p0 [sflag:s0], s1  }
0x125: {  	s1 =	ssub.s32 @!p0 $0x0, s1;
	[sflag:s0] =	ssyncset.done @!p0 $0x0  }
0x126: {  	[sflag:s0] =	ssyncadd.s32 @!p0 s1  }
0x127: {  	[bflag:$0x3] =	sbarrier.arrive $0xFFFF  }
0x128: {  	_ =	shalt  }

</sc_bundles>
